<compile_context>
chip_gen: v7x
topology: tpu7x:2x2x1
jax: 0.10.2.dev20260603
libtpu: 0.0.44.dev20260713+nightly
codegen_flags: <defaults>
</compile_context>

<pallas_src>
import functools

import jax
import jax.numpy as jnp
from jax import lax
from jax.experimental import pallas as pl
from jax.experimental.pallas import tpu as pltpu
from jax.experimental.pallas import tpu_sc as plsc

N = 10000
E = 320000
D = 128
NC = 2
NS = 16
NW = NC * NS
EPW = E // NW
K = 80
ITERS = EPW // K
NSTAGE = 5
IPS = ITERS // NSTAGE
NP = 10240
RPT = NP // NS


def _sc_gather_scatter(feat, ei):
    mesh = plsc.VectorSubcoreMesh(core_axis_name="c", subcore_axis_name="s")

    @functools.partial(
        pl.kernel,
        out_type=jax.ShapeDtypeStruct((NC, NP, D), jnp.float32),
        mesh=mesh,
        scratch_types=[
            pltpu.VMEM((IPS, K), jnp.int32),
            pltpu.VMEM((IPS, K), jnp.int32),
            pltpu.VMEM((IPS, K), jnp.int32),
            pltpu.VMEM((IPS, K), jnp.int32),
            pltpu.VMEM((K, D), jnp.float32),
            pltpu.VMEM((K, D), jnp.float32),
            pltpu.VMEM((K, D), jnp.float32),
            pltpu.VMEM_SHARED((NP, D), jnp.float32),
            pltpu.SemaphoreType.DMA,
            pltpu.SemaphoreType.DMA,
            pltpu.SemaphoreType.DMA,
            pltpu.SemaphoreType.DMA,
            pltpu.SemaphoreType.DMA,
            pltpu.SemaphoreType.DMA,
            pltpu.SemaphoreType.DMA,
            pltpu.SemaphoreType.DMA,
            pltpu.SemaphoreType.DMA,
        ],
    )
    def k(feat_hbm, ei_hbm, out_hbm, sixa, sixb, dixa, dixb, rows0, rows1,
          rows2, accum, g0, g1, g2, s0, s1, s2, ia, ib, zsem):
        c = lax.axis_index("c")
        s = lax.axis_index("s")
        wid = c * NS + s
        six = (sixa, sixb)
        dix = (dixa, dixb)
        isem = (ia, ib)
        rows = (rows0, rows1, rows2)
        gsem = (g0, g1, g2)
        ssem = (s0, s1, s2)

        pltpu.async_copy(ei_hbm.at[0, wid, 0], six[0], isem[0])
        pltpu.async_copy(ei_hbm.at[1, wid, 0], dix[0], isem[0])

        z = jnp.zeros((16,), jnp.float32)

        def zrow(i, _):
            for j in range(D // 16):
                rows0[i, pl.ds(j * 16, 16)] = z
            return 0

        lax.fori_loop(0, K, zrow, 0)
        r0 = s * RPT
        for j in range(RPT // K):
            pltpu.async_copy(rows0, accum.at[pl.ds(r0 + j * K, K)], zsem)
        for j in range(RPT // K):
            pltpu.make_async_copy(rows0, accum.at[pl.ds(r0, K)], zsem).wait()
        plsc.subcore_barrier()

        def gat(sx, ch, b):
            return pltpu.async_copy(feat_hbm.at[sx.at[ch]], rows[b], gsem[b])

        def gat_w(sx, ch, b):
            pltpu.make_async_copy(feat_hbm.at[sx.at[ch]], rows[b], gsem[b]).wait()

        def sca(dx, ch, b):
            return pltpu.async_copy(rows[b], accum.at[dx.at[ch]], ssem[b],
                                    add=True)

        def sca_w(dx, ch, b):
            pltpu.make_async_copy(rows[b], accum.at[dx.at[ch]], ssem[b]).wait()

        for sg in range(NSTAGE):
            p = sg % 2
            sx, dx = six[p], dix[p]
            pltpu.make_async_copy(ei_hbm.at[0, wid, sg], sx, isem[p]).wait()
            pltpu.make_async_copy(ei_hbm.at[1, wid, sg], dx, isem[p]).wait()
            if sg + 1 < NSTAGE:
                q = (sg + 1) % 2
                pltpu.async_copy(ei_hbm.at[0, wid, sg + 1], six[q], isem[q])
                pltpu.async_copy(ei_hbm.at[1, wid, sg + 1], dix[q], isem[q])

            gat(sx, 0, 0)
            gat(sx, 1, 1)
            gat_w(sx, 0, 0)
            sca(dx, 0, 0)
            gat(sx, 2, 2)
            gat_w(sx, 1, 1)
            sca(dx, 1, 1)
            sca_w(dx, 0, 0)
            gat(sx, 3, 0)
            gat_w(sx, 2, 2)
            sca(dx, 2, 2)
            sca_w(dx, 1, 1)
            gat(sx, 4, 1)

            def body(i, _):
                c0 = 3 + 3 * i
                gat_w(sx, c0, 0)
                sca(dx, c0, 0)
                sca_w(dx, c0 - 1, 2)
                gat(sx, c0 + 2, 2)
                gat_w(sx, c0 + 1, 1)
                sca(dx, c0 + 1, 1)
                sca_w(dx, c0, 0)
                gat(sx, c0 + 3, 0)
                gat_w(sx, c0 + 2, 2)
                sca(dx, c0 + 2, 2)
                sca_w(dx, c0 + 1, 1)

                @pl.when(c0 + 4 < IPS)
                def _():
                    gat(sx, c0 + 4, 1)

                return 0

            lax.fori_loop(0, (IPS - 4) // 3, body, 0)
            gat_w(sx, IPS - 1, 0)
            sca(dx, IPS - 1, 0)
            sca_w(dx, IPS - 2, 2)
            sca_w(dx, IPS - 1, 0)

        plsc.subcore_barrier()

        pltpu.sync_copy(accum.at[pl.ds(r0, RPT)], out_hbm.at[c, pl.ds(r0, RPT)])

    return k(feat, ei)


def _tc_base(feat, w_self, b_neigh):
    bn = 2000

    def body(f_ref, ws_ref, b_ref, o_ref):
        o_ref[...] = (
            jnp.dot(f_ref[...], ws_ref[...], preferred_element_type=jnp.float32)
            + b_ref[...]
        )

    return pl.pallas_call(
        body,
        grid=(N // bn,),
        in_specs=[
            pl.BlockSpec((bn, D), lambda i: (i, 0)),
            pl.BlockSpec((D, D), lambda i: (0, 0)),
            pl.BlockSpec((1, D), lambda i: (0, 0)),
        ],
        out_specs=pl.BlockSpec((bn, D), lambda i: (i, 0)),
        out_shape=jax.ShapeDtypeStruct((N, D), jnp.float32),
    )(feat, w_self, b_neigh.reshape(1, D))


def _tc_final(partials, base, w_neigh):
    bn = 2000

    def body(p_ref, b_ref, wn_ref, o_ref):
        agg = p_ref[0] + p_ref[1]
        o_ref[...] = (
            jnp.dot(agg, wn_ref[...], preferred_element_type=jnp.float32)
            + b_ref[...]
        )

    return pl.pallas_call(
        body,
        grid=(N // bn,),
        in_specs=[
            pl.BlockSpec((NC, bn, D), lambda i: (0, i, 0)),
            pl.BlockSpec((bn, D), lambda i: (i, 0)),
            pl.BlockSpec((D, D), lambda i: (0, 0)),
        ],
        out_specs=pl.BlockSpec((bn, D), lambda i: (i, 0)),
        out_shape=jax.ShapeDtypeStruct((N, D), jnp.float32),
    )(partials, base, w_neigh)


def kernel(feat, edge_index, W_neigh, b_neigh, W_self):
    ei = edge_index.reshape(2, NW, NSTAGE, IPS, K)
    partials = _sc_gather_scatter(feat, ei)
    base = _tc_base(feat, W_self, b_neigh)
    return _tc_final(partials, base, W_neigh)

# --- scband reference (transcript-rebuilt; emitter-appended) ---
"""Pipeline reference for scband-graph-conv-wl-29300266893372 (READ-ONLY COPY).

The authoritative reference and input builder live on the scoring server;
editing this copy changes nothing except your own understanding.
"""

import jax, jax.numpy as jnp
import numpy as np

N = 10000
E = 320000
D_IN = 128
D_OUT = 128


def setup_inputs(seed: int = 0) -> dict:
    key = jax.random.key(seed)
    k1, k2, k3, k4, k5 = jax.random.split(key, 5)
    feat = jax.random.normal(k1, (N, D_IN), dtype=jnp.float32)
    edge_index = jax.random.randint(k2, (2, E), 0, N, dtype=jnp.int32)
    # GraphConv (norm='none', weight=True, bias=True) parameters
    W_neigh = jax.random.normal(k3, (D_IN, D_OUT), dtype=jnp.float32) * (1.0 / np.sqrt(D_IN))
    b_neigh = jnp.zeros((D_OUT,), dtype=jnp.float32)
    # nn.Linear(in_feats, out_feats, bias=False) parameter (stored as [D_IN, D_OUT])
    W_self = jax.random.normal(k4, (D_IN, D_OUT), dtype=jnp.float32) * (1.0 / np.sqrt(D_IN))
    return {"feat": feat, "edge_index": edge_index, "W_neigh": W_neigh, "b_neigh": b_neigh, "W_self": W_self}


def reference(feat, edge_index, W_neigh, b_neigh, W_self):
    src = edge_index[0]
    dst = edge_index[1]
    # DGL GraphConv with norm='none': in_feats == out_feats, so aggregate first then matmul.
    # message: copy_u(src feat); reduce: sum over incoming edges per dst node.
    msgs = jnp.take(feat, src, axis=0)
    agg = jax.ops.segment_sum(msgs, dst, num_segments=N)
    neigh_feat = agg @ W_neigh + b_neigh
    # self connection: Linear without bias
    self_feat = feat @ W_self
    return neigh_feat + self_feat

if __name__ == "__main__":
    import jax
    _d = setup_inputs()
    print(jax.jit(kernel)(*tuple(_d.values())))

</pallas_src>

<mosaic_0001>
#map = affine_map<(d0, d1) -> (0, 0)>
#map1 = affine_map<(d0, d1) -> (0, 0, 0, 0, 0)>
#map2 = affine_map<(d0, d1) -> (0, 0, 0)>
module attributes {stable_mosaic.version = 14 : i64} {
  func.func @k(%arg0: i32, %arg1: i32, %arg2: memref<10000x128xf32, #tpu.memory_space<hbm>>, %arg3: memref<2x32x5x25x80xi32, #tpu.memory_space<hbm>>, %arg4: memref<2x10240x128xf32, #tpu.memory_space<hbm>>, %arg5: memref<25x80xi32, #tpu.memory_space<vmem>>, %arg6: memref<25x80xi32, #tpu.memory_space<vmem>>, %arg7: memref<25x80xi32, #tpu.memory_space<vmem>>, %arg8: memref<25x80xi32, #tpu.memory_space<vmem>>, %arg9: memref<80x128xf32, #tpu.memory_space<vmem>>, %arg10: memref<80x128xf32, #tpu.memory_space<vmem>>, %arg11: memref<80x128xf32, #tpu.memory_space<vmem>>, %arg12: memref<10240x128xf32, #tpu.memory_space<vmem_shared>>, %arg13: memref<!tpu.dma_semaphore, #tpu.memory_space<semaphore_mem>>, %arg14: memref<!tpu.dma_semaphore, #tpu.memory_space<semaphore_mem>>, %arg15: memref<!tpu.dma_semaphore, #tpu.memory_space<semaphore_mem>>, %arg16: memref<!tpu.dma_semaphore, #tpu.memory_space<semaphore_mem>>, %arg17: memref<!tpu.dma_semaphore, #tpu.memory_space<semaphore_mem>>, %arg18: memref<!tpu.dma_semaphore, #tpu.memory_space<semaphore_mem>>, %arg19: memref<!tpu.dma_semaphore, #tpu.memory_space<semaphore_mem>>, %arg20: memref<!tpu.dma_semaphore, #tpu.memory_space<semaphore_mem>>, %arg21: memref<!tpu.dma_semaphore, #tpu.memory_space<semaphore_mem>>) attributes {dimension_semantics = [#tpu.dimension_semantics<core_parallel>, #tpu.dimension_semantics<subcore_parallel>], iteration_bounds = array<i64: 2, 16>, scalar_prefetch = 0 : i64, scratch_operands = 17 : i64, tpu.core_type = #tpu.core_type<sc_vector_subcore>, window_params = [{transform_indices = #map}, {transform_indices = #map1}, {transform_indices = #map2}]} {
    %mul3A = arith.constant 16 : i32
    %mul3A_0 = arith.muli %arg0, %mul3A : i32
    %add3A = arith.addi %mul3A_0, %arg1 : i32
    %dma_start3A = arith.constant 0 : i32
    %dma_start3A_1 = arith.constant 0 : i32
    %dma_start3A_2 = arith.constant 0 : i32
    %dma_start3A_3 = arith.constant 0 : i32
    %dma_start3A_4 = tpu.memref_slice %arg3[%dma_start3A, %add3A, %dma_start3A_1, %dma_start3A_2, %dma_start3A_3] : memref<2x32x5x25x80xi32, #tpu.memory_space<hbm>> -> memref<1x1x1x25x80xi32, #tpu.memory_space<hbm>>
    %dma_start3A_5 = tpu.memref_squeeze %dma_start3A_4 : memref<1x1x1x25x80xi32, #tpu.memory_space<hbm>> -> memref<25x80xi32, #tpu.memory_space<hbm>>
    %dma_start3A_6 = arith.constant 0 : i32
    %dma_start3A_7 = arith.constant 0 : i32
    %dma_start3A_8 = tpu.memref_slice %arg3[%dma_start3A, %add3A, %dma_start3A_1, %dma_start3A_6, %dma_start3A_7] : memref<2x32x5x25x80xi32, #tpu.memory_space<hbm>> -> memref<1x1x1x25x80xi32, #tpu.memory_space<hbm>>
    %dma_start3A_9 = tpu.memref_squeeze %dma_start3A_8 : memref<1x1x1x25x80xi32, #tpu.memory_space<hbm>> -> memref<25x80xi32, #tpu.memory_space<hbm>>
    tpu.enqueue_dma source(%dma_start3A_9 : memref<25x80xi32, #tpu.memory_space<hbm>>) target(%arg5 : memref<25x80xi32, #tpu.memory_space<vmem>>) target_semaphore(%arg19 : memref<!tpu.dma_semaphore, #tpu.memory_space<semaphore_mem>>)
    %dma_start3A_10 = arith.constant 1 : i32
    %dma_start3A_11 = arith.constant 0 : i32
    %dma_start3A_12 = arith.constant 0 : i32
    %dma_start3A_13 = arith.constant 0 : i32
    %dma_start3A_14 = tpu.memref_slice %arg3[%dma_start3A_10, %add3A, %dma_start3A_11, %dma_start3A_12, %dma_start3A_13] : memref<2x32x5x25x80xi32, #tpu.memory_space<hbm>> -> memref<1x1x1x25x80xi32, #tpu.memory_space<hbm>>
    %dma_start3A_15 = tpu.memref_squeeze %dma_start3A_14 : memref<1x1x1x25x80xi32, #tpu.memory_space<hbm>> -> memref<25x80xi32, #tpu.memory_space<hbm>>
    %dma_start3A_16 = arith.constant 0 : i32
    %dma_start3A_17 = arith.constant 0 : i32
    %dma_start3A_18 = tpu.memref_slice %arg3[%dma_start3A_10, %add3A, %dma_start3A_11, %dma_start3A_16, %dma_start3A_17] : memref<2x32x5x25x80xi32, #tpu.memory_space<hbm>> -> memref<1x1x1x25x80xi32, #tpu.memory_space<hbm>>
    %dma_start3A_19 = tpu.memref_squeeze %dma_start3A_18 : memref<1x1x1x25x80xi32, #tpu.memory_space<hbm>> -> memref<25x80xi32, #tpu.memory_space<hbm>>
    tpu.enqueue_dma source(%dma_start3A_19 : memref<25x80xi32, #tpu.memory_space<hbm>>) target(%arg7 : memref<25x80xi32, #tpu.memory_space<vmem>>) target_semaphore(%arg19 : memref<!tpu.dma_semaphore, #tpu.memory_space<semaphore_mem>>)
    %broadcast_in_dim3A = arith.constant 0.000000e+00 : f32
    %broadcast_in_dim3A_20 = vector.broadcast %broadcast_in_dim3A : f32 to vector<16xf32>
    %scan3A = arith.constant 0 : i32
    %scan3A_21 = arith.constant 0 : i32
    %scan3A_22 = arith.constant 80 : i32
    %scan3A_23 = arith.addi %scan3A_21, %scan3A_22 : i32
    %scan3A_24 = arith.constant 1 : i32
    %scan3A_25 = scf.for %scan3A_919 = %scan3A_21 to %scan3A_23 step %scan3A_24 iter_args(%scan3A_920 = %scan3A) -> (i32)  : i32 {
      %swap3A = arith.index_cast %scan3A_919 : i32 to index
      %swap3A_921 = arith.constant 0 : index
      %swap3A_922 = tpu.vector_load %arg9[%swap3A, %swap3A_921] {strides = array<i32>} : memref<80x128xf32, #tpu.memory_space<vmem>>, vector<1x16xf32>,
      %swap3A_923 = vector.shape_cast %swap3A_922 : vector<1x16xf32> to vector<16xf32>
      %swap3A_924 = vector.shape_cast %broadcast_in_dim3A_20 : vector<16xf32> to vector<1x16xf32>
      tpu.vector_store %arg9[%swap3A, %swap3A_921], %swap3A_924 {strides = array<i32>} : memref<80x128xf32, #tpu.memory_space<vmem>>, vector<1x16xf32>,
      %swap3A_925 = arith.index_cast %scan3A_919 : i32 to index
      %swap3A_926 = arith.constant 16 : index
      %swap3A_927 = tpu.vector_load %arg9[%swap3A_925, %swap3A_926] {strides = array<i32>} : memref<80x128xf32, #tpu.memory_space<vmem>>, vector<1x16xf32>,
      %swap3A_928 = vector.shape_cast %swap3A_927 : vector<1x16xf32> to vector<16xf32>
      %swap3A_929 = vector.shape_cast %broadcast_in_dim3A_20 : vector<16xf32> to vector<1x16xf32>
      tpu.vector_store %arg9[%swap3A_925, %swap3A_926], %swap3A_929 {strides = array<i32>} : memref<80x128xf32, #tpu.memory_space<vmem>>, vector<1x16xf32>,
      %swap3A_930 = arith.index_cast %scan3A_919 : i32 to index
      %swap3A_931 = arith.constant 32 : index
      %swap3A_932 = tpu.vector_load %arg9[%swap3A_930, %swap3A_931] {strides = array<i32>} : memref<80x128xf32, #tpu.memory_space<vmem>>, vector<1x16xf32>,
      %swap3A_933 = vector.shape_cast %swap3A_932 : vector<1x16xf32> to vector<16xf32>
      %swap3A_934 = vector.shape_cast %broadcast_in_dim3A_20 : vector<16xf32> to vector<1x16xf32>
      tpu.vector_store %arg9[%swap3A_930, %swap3A_931], %swap3A_934 {strides = array<i32>} : memref<80x128xf32, #tpu.memory_space<vmem>>, vector<1x16xf32>,
      %swap3A_935 = arith.index_cast %scan3A_919 : i32 to index
      %swap3A_936 = arith.constant 48 : index
      %swap3A_937 = tpu.vector_load %arg9[%swap3A_935, %swap3A_936] {strides = array<i32>} : memref<80x128xf32, #tpu.memory_space<vmem>>, vector<1x16xf32>,
      %swap3A_938 = vector.shape_cast %swap3A_937 : vector<1x16xf32> to vector<16xf32>
      %swap3A_939 = vector.shape_cast %broadcast_in_dim3A_20 : vector<16xf32> to vector<1x16xf32>
      tpu.vector_store %arg9[%swap3A_935, %swap3A_936], %swap3A_939 {strides = array<i32>} : memref<80x128xf32, #tpu.memory_space<vmem>>, vector<1x16xf32>,
      %swap3A_940 = arith.index_cast %scan3A_919 : i32 to index
      %swap3A_941 = arith.constant 64 : index
      %swap3A_942 = tpu.vector_load %arg9[%swap3A_940, %swap3A_941] {strides = array<i32>} : memref<80x128xf32, #tpu.memory_space<vmem>>, vector<1x16xf32>,
      %swap3A_943 = vector.shape_cast %swap3A_942 : vector<1x16xf32> to vector<16xf32>
      %swap3A_944 = vector.shape_cast %broadcast_in_dim3A_20 : vector<16xf32> to vector<1x16xf32>
      tpu.vector_store %arg9[%swap3A_940, %swap3A_941], %swap3A_944 {strides = array<i32>} : memref<80x128xf32, #tpu.memory_space<vmem>>, vector<1x16xf32>,
      %swap3A_945 = arith.index_cast %scan3A_919 : i32 to index
      %swap3A_946 = arith.constant 80 : index
      %swap3A_947 = tpu.vector_load %arg9[%swap3A_945, %swap3A_946] {strides = array<i32>} : memref<80x128xf32, #tpu.memory_space<vmem>>, vector<1x16xf32>,
      %swap3A_948 = vector.shape_cast %swap3A_947 : vector<1x16xf32> to vector<16xf32>
      %swap3A_949 = vector.shape_cast %broadcast_in_dim3A_20 : vector<16xf32> to vector<1x16xf32>
      tpu.vector_store %arg9[%swap3A_945, %swap3A_946], %swap3A_949 {strides = array<i32>} : memref<80x128xf32, #tpu.memory_space<vmem>>, vector<1x16xf32>,
      %swap3A_950 = arith.index_cast %scan3A_919 : i32 to index
      %swap3A_951 = arith.constant 96 : index
      %swap3A_952 = tpu.vector_load %arg9[%swap3A_950, %swap3A_951] {strides = array<i32>} : memref<80x128xf32, #tpu.memory_space<vmem>>, vector<1x16xf32>,
      %swap3A_953 = vector.shape_cast %swap3A_952 : vector<1x16xf32> to vector<16xf32>
      %swap3A_954 = vector.shape_cast %broadcast_in_dim3A_20 : vector<16xf32> to vector<1x16xf32>
      tpu.vector_store %arg9[%swap3A_950, %swap3A_951], %swap3A_954 {strides = array<i32>} : memref<80x128xf32, #tpu.memory_space<vmem>>, vector<1x16xf32>,
      %swap3A_955 = arith.index_cast %scan3A_919 : i32 to index
      %swap3A_956 = arith.constant 112 : index
      %swap3A_957 = tpu.vector_load %arg9[%swap3A_955, %swap3A_956] {strides = array<i32>} : memref<80x128xf32, #tpu.memory_space<vmem>>, vector<1x16xf32>,
      %swap3A_958 = vector.shape_cast %swap3A_957 : vector<1x16xf32> to vector<16xf32>
      %swap3A_959 = vector.shape_cast %broadcast_in_dim3A_20 : vector<16xf32> to vector<1x16xf32>
      tpu.vector_store %arg9[%swap3A_955, %swap3A_956], %swap3A_959 {strides = array<i32>} : memref<80x128xf32, #tpu.memory_space<vmem>>, vector<1x16xf32>,
      %scan3A_960 = arith.constant 0 : i32
      scf.yield %scan3A_960 : i32
    }
    %scan3A_26 = arith.constant 80 : i32
    %mul3A_27 = arith.constant 640 : i32
    %mul3A_28 = arith.muli %arg1, %mul3A_27 : i32
    %add3A_29 = arith.constant 0 : i32
    %add3A_30 = arith.addi %mul3A_28, %add3A_29 : i32
    %dma_start3A_31 = arith.constant 0 : i32
    %dma_start3A_32 = tpu.memref_slice %arg12[%add3A_30, %dma_start3A_31] : memref<10240x128xf32, #tpu.memory_space<vmem_shared>> -> memref<80x128xf32, #tpu.memory_space<vmem_shared>>
    %dma_start3A_33 = arith.constant 0 : i32
    %dma_start3A_34 = tpu.memref_slice %arg12[%add3A_30, %dma_start3A_33] : memref<10240x128xf32, #tpu.memory_space<vmem_shared>> -> memref<80x128xf32, #tpu.memory_space<vmem_shared>>
    tpu.enqueue_dma source(%arg9 : memref<80x128xf32, #tpu.memory_space<vmem>>) target(%dma_start3A_34 : memref<80x128xf32, #tpu.memory_space<vmem_shared>>) target_semaphore(%arg21 : memref<!tpu.dma_semaphore, #tpu.memory_space<semaphore_mem>>)
    %add3A_35 = arith.constant 80 : i32
    %add3A_36 = arith.addi %mul3A_28, %add3A_35 : i32
    %dma_start3A_37 = arith.constant 0 : i32
    %dma_start3A_38 = tpu.memref_slice %arg12[%add3A_36, %dma_start3A_37] : memref<10240x128xf32, #tpu.memory_space<vmem_shared>> -> memref<80x128xf32, #tpu.memory_space<vmem_shared>>
    %dma_start3A_39 = arith.constant 0 : i32
    %dma_start3A_40 = tpu.memref_slice %arg12[%add3A_36, %dma_start3A_39] : memref<10240x128xf32, #tpu.memory_space<vmem_shared>> -> memref<80x128xf32, #tpu.memory_space<vmem_shared>>
    tpu.enqueue_dma source(%arg9 : memref<80x128xf32, #tpu.memory_space<vmem>>) target(%dma_start3A_40 : memref<80x128xf32, #tpu.memory_space<vmem_shared>>) target_semaphore(%arg21 : memref<!tpu.dma_semaphore, #tpu.memory_space<semaphore_mem>>)
    %add3A_41 = arith.constant 160 : i32
    %add3A_42 = arith.addi %mul3A_28, %add3A_41 : i32
    %dma_start3A_43 = arith.constant 0 : i32
    %dma_start3A_44 = tpu.memref_slice %arg12[%add3A_42, %dma_start3A_43] : memref<10240x128xf32, #tpu.memory_space<vmem_shared>> -> memref<80x128xf32, #tpu.memory_space<vmem_shared>>
    %dma_start3A_45 = arith.constant 0 : i32
    %dma_start3A_46 = tpu.memref_slice %arg12[%add3A_42, %dma_start3A_45] : memref<10240x128xf32, #tpu.memory_space<vmem_shared>> -> memref<80x128xf32, #tpu.memory_space<vmem_shared>>
    tpu.enqueue_dma source(%arg9 : memref<80x128xf32, #tpu.memory_space<vmem>>) target(%dma_start3A_46 : memref<80x128xf32, #tpu.memory_space<vmem_shared>>) target_semaphore(%arg21 : memref<!tpu.dma_semaphore, #tpu.memory_space<semaphore_mem>>)
    %add3A_47 = arith.constant 240 : i32
    %add3A_48 = arith.addi %mul3A_28, %add3A_47 : i32
    %dma_start3A_49 = arith.constant 0 : i32
    %dma_start3A_50 = tpu.memref_slice %arg12[%add3A_48, %dma_start3A_49] : memref<10240x128xf32, #tpu.memory_space<vmem_shared>> -> memref<80x128xf32, #tpu.memory_space<vmem_shared>>
    %dma_start3A_51 = arith.constant 0 : i32
    %dma_start3A_52 = tpu.memref_slice %arg12[%add3A_48, %dma_start3A_51] : memref<10240x128xf32, #tpu.memory_space<vmem_shared>> -> memref<80x128xf32, #tpu.memory_space<vmem_shared>>
    tpu.enqueue_dma source(%arg9 : memref<80x128xf32, #tpu.memory_space<vmem>>) target(%dma_start3A_52 : memref<80x128xf32, #tpu.memory_space<vmem_shared>>) target_semaphore(%arg21 : memref<!tpu.dma_semaphore, #tpu.memory_space<semaphore_mem>>)
    %add3A_53 = arith.constant 320 : i32
    %add3A_54 = arith.addi %mul3A_28, %add3A_53 : i32
    %dma_start3A_55 = arith.constant 0 : i32
    %dma_start3A_56 = tpu.memref_slice %arg12[%add3A_54, %dma_start3A_55] : memref<10240x128xf32, #tpu.memory_space<vmem_shared>> -> memref<80x128xf32, #tpu.memory_space<vmem_shared>>
    %dma_start3A_57 = arith.constant 0 : i32
    %dma_start3A_58 = tpu.memref_slice %arg12[%add3A_54, %dma_start3A_57] : memref<10240x128xf32, #tpu.memory_space<vmem_shared>> -> memref<80x128xf32, #tpu.memory_space<vmem_shared>>
    tpu.enqueue_dma source(%arg9 : memref<80x128xf32, #tpu.memory_space<vmem>>) target(%dma_start3A_58 : memref<80x128xf32, #tpu.memory_space<vmem_shared>>) target_semaphore(%arg21 : memref<!tpu.dma_semaphore, #tpu.memory_space<semaphore_mem>>)
    %add3A_59 = arith.constant 400 : i32
    %add3A_60 = arith.addi %mul3A_28, %add3A_59 : i32
    %dma_start3A_61 = arith.constant 0 : i32
    %dma_start3A_62 = tpu.memref_slice %arg12[%add3A_60, %dma_start3A_61] : memref<10240x128xf32, #tpu.memory_space<vmem_shared>> -> memref<80x128xf32, #tpu.memory_space<vmem_shared>>
    %dma_start3A_63 = arith.constant 0 : i32
    %dma_start3A_64 = tpu.memref_slice %arg12[%add3A_60, %dma_start3A_63] : memref<10240x128xf32, #tpu.memory_space<vmem_shared>> -> memref<80x128xf32, #tpu.memory_space<vmem_shared>>
    tpu.enqueue_dma source(%arg9 : memref<80x128xf32, #tpu.memory_space<vmem>>) target(%dma_start3A_64 : memref<80x128xf32, #tpu.memory_space<vmem_shared>>) target_semaphore(%arg21 : memref<!tpu.dma_semaphore, #tpu.memory_space<semaphore_mem>>)
    %add3A_65 = arith.constant 480 : i32
    %add3A_66 = arith.addi %mul3A_28, %add3A_65 : i32
    %dma_start3A_67 = arith.constant 0 : i32
    %dma_start3A_68 = tpu.memref_slice %arg12[%add3A_66, %dma_start3A_67] : memref<10240x128xf32, #tpu.memory_space<vmem_shared>> -> memref<80x128xf32, #tpu.memory_space<vmem_shared>>
    %dma_start3A_69 = arith.constant 0 : i32
    %dma_start3A_70 = tpu.memref_slice %arg12[%add3A_66, %dma_start3A_69] : memref<10240x128xf32, #tpu.memory_space<vmem_shared>> -> memref<80x128xf32, #tpu.memory_space<vmem_shared>>
    tpu.enqueue_dma source(%arg9 : memref<80x128xf32, #tpu.memory_space<vmem>>) target(%dma_start3A_70 : memref<80x128xf32, #tpu.memory_space<vmem_shared>>) target_semaphore(%arg21 : memref<!tpu.dma_semaphore, #tpu.memory_space<semaphore_mem>>)
    %add3A_71 = arith.constant 560 : i32
    %add3A_72 = arith.addi %mul3A_28, %add3A_71 : i32
    %dma_start3A_73 = arith.constant 0 : i32
    %dma_start3A_74 = tpu.memref_slice %arg12[%add3A_72, %dma_start3A_73] : memref<10240x128xf32, #tpu.memory_space<vmem_shared>> -> memref<80x128xf32, #tpu.memory_space<vmem_shared>>
    %dma_start3A_75 = arith.constant 0 : i32
    %dma_start3A_76 = tpu.memref_slice %arg12[%add3A_72, %dma_start3A_75] : memref<10240x128xf32, #tpu.memory_space<vmem_shared>> -> memref<80x128xf32, #tpu.memory_space<vmem_shared>>
    tpu.enqueue_dma source(%arg9 : memref<80x128xf32, #tpu.memory_space<vmem>>) target(%dma_start3A_76 : memref<80x128xf32, #tpu.memory_space<vmem_shared>>) target_semaphore(%arg21 : memref<!tpu.dma_semaphore, #tpu.memory_space<semaphore_mem>>)
    %dma_wait3A = arith.constant 0 : i32
    %dma_wait3A_77 = tpu.memref_slice %arg12[%mul3A_28, %dma_wait3A] : memref<10240x128xf32, #tpu.memory_space<vmem_shared>> -> memref<80x128xf32, #tpu.memory_space<vmem_shared>>
    %dma_wait3A_78 = arith.constant 0 : i32
    %dma_wait3A_79 = tpu.memref_slice %arg12[%mul3A_28, %dma_wait3A_78] : memref<10240x128xf32, #tpu.memory_space<vmem_shared>> -> memref<80x128xf32, #tpu.memory_space<vmem_shared>>
    tpu.wait_dma2 semaphore(%arg21 : memref<!tpu.dma_semaphore, #tpu.memory_space<semaphore_mem>>) src(%arg9 : memref<80x128xf32, #tpu.memory_space<vmem>>) dst(%dma_wait3A_79 : memref<80x128xf32, #tpu.memory_space<vmem_shared>>)
    %dma_wait3A_80 = arith.constant 0 : i32
    %dma_wait3A_81 = tpu.memref_slice %arg12[%mul3A_28, %dma_wait3A_80] : memref<10240x128xf32, #tpu.memory_space<vmem_shared>> -> memref<80x128xf32, #tpu.memory_space<vmem_shared>>
    %dma_wait3A_82 = arith.constant 0 : i32
    %dma_wait3A_83 = tpu.memref_slice %arg12[%mul3A_28, %dma_wait3A_82] : memref<10240x128xf32, #tpu.memory_space<vmem_shared>> -> memref<80x128xf32, #tpu.memory_space<vmem_shared>>
    tpu.wait_dma2 semaphore(%arg21 : memref<!tpu.dma_semaphore, #tpu.memory_space<semaphore_mem>>) src(%arg9 : memref<80x128xf32, #tpu.memory_space<vmem>>) dst(%dma_wait3A_83 : memref<80x128xf32, #tpu.memory_space<vmem_shared>>)
    %dma_wait3A_84 = arith.constant 0 : i32
    %dma_wait3A_85 = tpu.memref_slice %arg12[%mul3A_28, %dma_wait3A_84] : memref<10240x128xf32, #tpu.memory_space<vmem_shared>> -> memref<80x128xf32, #tpu.memory_space<vmem_shared>>
    %dma_wait3A_86 = arith.constant 0 : i32
    %dma_wait3A_87 = tpu.memref_slice %arg12[%mul3A_28, %dma_wait3A_86] : memref<10240x128xf32, #tpu.memory_space<vmem_shared>> -> memref<80x128xf32, #tpu.memory_space<vmem_shared>>
    tpu.wait_dma2 semaphore(%arg21 : memref<!tpu.dma_semaphore, #tpu.memory_space<semaphore_mem>>) src(%arg9 : memref<80x128xf32, #tpu.memory_space<vmem>>) dst(%dma_wait3A_87 : memref<80x128xf32, #tpu.memory_space<vmem_shared>>)
    %dma_wait3A_88 = arith.constant 0 : i32
    %dma_wait3A_89 = tpu.memref_slice %arg12[%mul3A_28, %dma_wait3A_88] : memref<10240x128xf32, #tpu.memory_space<vmem_shared>> -> memref<80x128xf32, #tpu.memory_space<vmem_shared>>
    %dma_wait3A_90 = arith.constant 0 : i32
    %dma_wait3A_91 = tpu.memref_slice %arg12[%mul3A_28, %dma_wait3A_90] : memref<10240x128xf32, #tpu.memory_space<vmem_shared>> -> memref<80x128xf32, #tpu.memory_space<vmem_shared>>
    tpu.wait_dma2 semaphore(%arg21 : memref<!tpu.dma_semaphore, #tpu.memory_space<semaphore_mem>>) src(%arg9 : memref<80x128xf32, #tpu.memory_space<vmem>>) dst(%dma_wait3A_91 : memref<80x128xf32, #tpu.memory_space<vmem_shared>>)
    %dma_wait3A_92 = arith.constant 0 : i32
    %dma_wait3A_93 = tpu.memref_slice %arg12[%mul3A_28, %dma_wait3A_92] : memref<10240x128xf32, #tpu.memory_space<vmem_shared>> -> memref<80x128xf32, #tpu.memory_space<vmem_shared>>
    %dma_wait3A_94 = arith.constant 0 : i32
    %dma_wait3A_95 = tpu.memref_slice %arg12[%mul3A_28, %dma_wait3A_94] : memref<10240x128xf32, #tpu.memory_space<vmem_shared>> -> memref<80x128xf32, #tpu.memory_space<vmem_shared>>
    tpu.wait_dma2 semaphore(%arg21 : memref<!tpu.dma_semaphore, #tpu.memory_space<semaphore_mem>>) src(%arg9 : memref<80x128xf32, #tpu.memory_space<vmem>>) dst(%dma_wait3A_95 : memref<80x128xf32, #tpu.memory_space<vmem_shared>>)
    %dma_wait3A_96 = arith.constant 0 : i32
    %dma_wait3A_97 = tpu.memref_slice %arg12[%mul3A_28, %dma_wait3A_96] : memref<10240x128xf32, #tpu.memory_space<vmem_shared>> -> memref<80x128xf32, #tpu.memory_space<vmem_shared>>
    %dma_wait3A_98 = arith.constant 0 : i32
    %dma_wait3A_99 = tpu.memref_slice %arg12[%mul3A_28, %dma_wait3A_98] : memref<10240x128xf32, #tpu.memory_space<vmem_shared>> -> memref<80x128xf32, #tpu.memory_space<vmem_shared>>
    tpu.wait_dma2 semaphore(%arg21 : memref<!tpu.dma_semaphore, #tpu.memory_space<semaphore_mem>>) src(%arg9 : memref<80x128xf32, #tpu.memory_space<vmem>>) dst(%dma_wait3A_99 : memref<80x128xf32, #tpu.memory_space<vmem_shared>>)
    %dma_wait3A_100 = arith.constant 0 : i32
    %dma_wait3A_101 = tpu.memref_slice %arg12[%mul3A_28, %dma_wait3A_100] : memref<10240x128xf32, #tpu.memory_space<vmem_shared>> -> memref<80x128xf32, #tpu.memory_space<vmem_shared>>
    %dma_wait3A_102 = arith.constant 0 : i32
    %dma_wait3A_103 = tpu.memref_slice %arg12[%mul3A_28, %dma_wait3A_102] : memref<10240x128xf32, #tpu.memory_space<vmem_shared>> -> memref<80x128xf32, #tpu.memory_space<vmem_shared>>
    tpu.wait_dma2 semaphore(%arg21 : memref<!tpu.dma_semaphore, #tpu.memory_space<semaphore_mem>>) src(%arg9 : memref<80x128xf32, #tpu.memory_space<vmem>>) dst(%dma_wait3A_103 : memref<80x128xf32, #tpu.memory_space<vmem_shared>>)
    %dma_wait3A_104 = arith.constant 0 : i32
    %dma_wait3A_105 = tpu.memref_slice %arg12[%mul3A_28, %dma_wait3A_104] : memref<10240x128xf32, #tpu.memory_space<vmem_shared>> -> memref<80x128xf32, #tpu.memory_space<vmem_shared>>
    %dma_wait3A_106 = arith.constant 0 : i32
    %dma_wait3A_107 = tpu.memref_slice %arg12[%mul3A_28, %dma_wait3A_106] : memref<10240x128xf32, #tpu.memory_space<vmem_shared>> -> memref<80x128xf32, #tpu.memory_space<vmem_shared>>
    tpu.wait_dma2 semaphore(%arg21 : memref<!tpu.dma_semaphore, #tpu.memory_space<semaphore_mem>>) src(%arg9 : memref<80x128xf32, #tpu.memory_space<vmem>>) dst(%dma_wait3A_107 : memref<80x128xf32, #tpu.memory_space<vmem_shared>>)
    %barrier3A = arith.constant 0 : index
    tpu.barrier barrier_id(%barrier3A)
    %dma_wait3A_108 = arith.constant 0 : i32
    %dma_wait3A_109 = arith.constant 0 : i32
    %dma_wait3A_110 = arith.constant 0 : i32
    %dma_wait3A_111 = arith.constant 0 : i32
    %dma_wait3A_112 = tpu.memref_slice %arg3[%dma_wait3A_108, %add3A, %dma_wait3A_109, %dma_wait3A_110, %dma_wait3A_111] : memref<2x32x5x25x80xi32, #tpu.memory_space<hbm>> -> memref<1x1x1x25x80xi32, #tpu.memory_space<hbm>>
    %dma_wait3A_113 = tpu.memref_squeeze %dma_wait3A_112 : memref<1x1x1x25x80xi32, #tpu.memory_space<hbm>> -> memref<25x80xi32, #tpu.memory_space<hbm>>
    %dma_wait3A_114 = arith.constant 0 : i32
    %dma_wait3A_115 = arith.constant 0 : i32
    %dma_wait3A_116 = tpu.memref_slice %arg3[%dma_wait3A_108, %add3A, %dma_wait3A_109, %dma_wait3A_114, %dma_wait3A_115] : memref<2x32x5x25x80xi32, #tpu.memory_space<hbm>> -> memref<1x1x1x25x80xi32, #tpu.memory_space<hbm>>
    %dma_wait3A_117 = tpu.memref_squeeze %dma_wait3A_116 : memref<1x1x1x25x80xi32, #tpu.memory_space<hbm>> -> memref<25x80xi32, #tpu.memory_space<hbm>>
    tpu.wait_dma2 semaphore(%arg19 : memref<!tpu.dma_semaphore, #tpu.memory_space<semaphore_mem>>) src(%dma_wait3A_117 : memref<25x80xi32, #tpu.memory_space<hbm>>) dst(%arg5 : memref<25x80xi32, #tpu.memory_space<vmem>>)
    %dma_wait3A_118 = arith.constant 1 : i32
    %dma_wait3A_119 = arith.constant 0 : i32
    %dma_wait3A_120 = arith.constant 0 : i32
    %dma_wait3A_121 = arith.constant 0 : i32
    %dma_wait3A_122 = tpu.memref_slice %arg3[%dma_wait3A_118, %add3A, %dma_wait3A_119, %dma_wait3A_120, %dma_wait3A_121] : memref<2x32x5x25x80xi32, #tpu.memory_space<hbm>> -> memref<1x1x1x25x80xi32, #tpu.memory_space<hbm>>
    %dma_wait3A_123 = tpu.memref_squeeze %dma_wait3A_122 : memref<1x1x1x25x80xi32, #tpu.memory_space<hbm>> -> memref<25x80xi32, #tpu.memory_space<hbm>>
    %dma_wait3A_124 = arith.constant 0 : i32
    %dma_wait3A_125 = arith.constant 0 : i32
    %dma_wait3A_126 = tpu.memref_slice %arg3[%dma_wait3A_118, %add3A, %dma_wait3A_119, %dma_wait3A_124, %dma_wait3A_125] : memref<2x32x5x25x80xi32, #tpu.memory_space<hbm>> -> memref<1x1x1x25x80xi32, #tpu.memory_space<hbm>>
    %dma_wait3A_127 = tpu.memref_squeeze %dma_wait3A_126 : memref<1x1x1x25x80xi32, #tpu.memory_space<hbm>> -> memref<25x80xi32, #tpu.memory_space<hbm>>
    tpu.wait_dma2 semaphore(%arg19 : memref<!tpu.dma_semaphore, #tpu.memory_space<semaphore_mem>>) src(%dma_wait3A_127 : memref<25x80xi32, #tpu.memory_space<hbm>>) dst(%arg7 : memref<25x80xi32, #tpu.memory_space<vmem>>)
    %dma_start3A_128 = arith.constant 0 : i32
    %dma_start3A_129 = arith.constant 1 : i32
    %dma_start3A_130 = arith.constant 0 : i32
    %dma_start3A_131 = arith.constant 0 : i32
    %dma_start3A_132 = tpu.memref_slice %arg3[%dma_start3A_128, %add3A, %dma_start3A_129, %dma_start3A_130, %dma_start3A_131] : memref<2x32x5x25x80xi32, #tpu.memory_space<hbm>> -> memref<1x1x1x25x80xi32, #tpu.memory_space<hbm>>
    %dma_start3A_133 = tpu.memref_squeeze %dma_start3A_132 : memref<1x1x1x25x80xi32, #tpu.memory_space<hbm>> -> memref<25x80xi32, #tpu.memory_space<hbm>>
    %dma_start3A_134 = arith.constant 0 : i32
    %dma_start3A_135 = arith.constant 0 : i32
    %dma_start3A_136 = tpu.memref_slice %arg3[%dma_start3A_128, %add3A, %dma_start3A_129, %dma_start3A_134, %dma_start3A_135] : memref<2x32x5x25x80xi32, #tpu.memory_space<hbm>> -> memref<1x1x1x25x80xi32, #tpu.memory_space<hbm>>
    %dma_start3A_137 = tpu.memref_squeeze %dma_start3A_136 : memref<1x1x1x25x80xi32, #tpu.memory_space<hbm>> -> memref<25x80xi32, #tpu.memory_space<hbm>>
    tpu.enqueue_dma source(%dma_start3A_137 : memref<25x80xi32, #tpu.memory_space<hbm>>) target(%arg6 : memref<25x80xi32, #tpu.memory_space<vmem>>) target_semaphore(%arg20 : memref<!tpu.dma_semaphore, #tpu.memory_space<semaphore_mem>>)
    %dma_start3A_138 = arith.constant 1 : i32
    %dma_start3A_139 = arith.constant 1 : i32
    %dma_start3A_140 = arith.constant 0 : i32
    %dma_start3A_141 = arith.constant 0 : i32
    %dma_start3A_142 = tpu.memref_slice %arg3[%dma_start3A_138, %add3A, %dma_start3A_139, %dma_start3A_140, %dma_start3A_141] : memref<2x32x5x25x80xi32, #tpu.memory_space<hbm>> -> memref<1x1x1x25x80xi32, #tpu.memory_space<hbm>>
    %dma_start3A_143 = tpu.memref_squeeze %dma_start3A_142 : memref<1x1x1x25x80xi32, #tpu.memory_space<hbm>> -> memref<25x80xi32, #tpu.memory_space<hbm>>
    %dma_start3A_144 = arith.constant 0 : i32
    %dma_start3A_145 = arith.constant 0 : i32
    %dma_start3A_146 = tpu.memref_slice %arg3[%dma_start3A_138, %add3A, %dma_start3A_139, %dma_start3A_144, %dma_start3A_145] : memref<2x32x5x25x80xi32, #tpu.memory_space<hbm>> -> memref<1x1x1x25x80xi32, #tpu.memory_space<hbm>>
    %dma_start3A_147 = tpu.memref_squeeze %dma_start3A_146 : memref<1x1x1x25x80xi32, #tpu.memory_space<hbm>> -> memref<25x80xi32, #tpu.memory_space<hbm>>
    tpu.enqueue_dma source(%dma_start3A_147 : memref<25x80xi32, #tpu.memory_space<hbm>>) target(%arg8 : memref<25x80xi32, #tpu.memory_space<vmem>>) target_semaphore(%arg20 : memref<!tpu.dma_semaphore, #tpu.memory_space<semaphore_mem>>)
    %dma_start3A_148 = arith.constant 0 : i32
    %dma_start3A_149 = arith.constant 0 : i32
    %dma_start3A_150 = tpu.memref_slice %arg5[%dma_start3A_148, %dma_start3A_149] : memref<25x80xi32, #tpu.memory_space<vmem>> -> memref<1x80xi32, #tpu.memory_space<vmem>>
    %dma_start3A_151 = tpu.memref_squeeze %dma_start3A_150 : memref<1x80xi32, #tpu.memory_space<vmem>> -> memref<80xi32, #tpu.memory_space<vmem>>
    %dma_start3A_152 = arith.constant 0 : i32
    %dma_start3A_153 = arith.constant 0 : i32
    %dma_start3A_154 = tpu.memref_slice %arg2[%dma_start3A_152, %dma_start3A_153] : memref<10000x128xf32, #tpu.memory_space<hbm>> -> memref<10000x128xf32, #tpu.memory_space<hbm>>
    tpu.enqueue_indirect_dma source(%dma_start3A_154 : memref<10000x128xf32, #tpu.memory_space<hbm>>) target(%arg9 : memref<80x128xf32, #tpu.memory_space<vmem>>) offsets(%dma_start3A_151 : memref<80xi32, #tpu.memory_space<vmem>>) semaphore(%arg13 : memref<!tpu.dma_semaphore, #tpu.memory_space<semaphore_mem>>)
    %dma_start3A_155 = arith.constant 1 : i32
    %dma_start3A_156 = arith.constant 0 : i32
    %dma_start3A_157 = tpu.memref_slice %arg5[%dma_start3A_155, %dma_start3A_156] : memref<25x80xi32, #tpu.memory_space<vmem>> -> memref<1x80xi32, #tpu.memory_space<vmem>>
    %dma_start3A_158 = tpu.memref_squeeze %dma_start3A_157 : memref<1x80xi32, #tpu.memory_space<vmem>> -> memref<80xi32, #tpu.memory_space<vmem>>
    %dma_start3A_159 = arith.constant 0 : i32
    %dma_start3A_160 = arith.constant 0 : i32
    %dma_start3A_161 = tpu.memref_slice %arg2[%dma_start3A_159, %dma_start3A_160] : memref<10000x128xf32, #tpu.memory_space<hbm>> -> memref<10000x128xf32, #tpu.memory_space<hbm>>
    tpu.enqueue_indirect_dma source(%dma_start3A_161 : memref<10000x128xf32, #tpu.memory_space<hbm>>) target(%arg10 : memref<80x128xf32, #tpu.memory_space<vmem>>) offsets(%dma_start3A_158 : memref<80xi32, #tpu.memory_space<vmem>>) semaphore(%arg14 : memref<!tpu.dma_semaphore, #tpu.memory_space<semaphore_mem>>)
    %dma_wait3A_162 = arith.constant 0 : i32
    %dma_wait3A_163 = arith.constant 0 : i32
    %dma_wait3A_164 = tpu.memref_slice %arg5[%dma_wait3A_162, %dma_wait3A_163] : memref<25x80xi32, #tpu.memory_space<vmem>> -> memref<1x80xi32, #tpu.memory_space<vmem>>
    %dma_wait3A_165 = tpu.memref_squeeze %dma_wait3A_164 : memref<1x80xi32, #tpu.memory_space<vmem>> -> memref<80xi32, #tpu.memory_space<vmem>>
    %dma_wait3A_166 = arith.constant 0 : i32
    %dma_wait3A_167 = arith.constant 0 : i32
    %dma_wait3A_168 = tpu.memref_slice %arg2[%dma_wait3A_166, %dma_wait3A_167] : memref<10000x128xf32, #tpu.memory_space<hbm>> -> memref<10000x128xf32, #tpu.memory_space<hbm>>
    tpu.wait_indirect_dma semaphore(%arg13 : memref<!tpu.dma_semaphore, #tpu.memory_space<semaphore_mem>>) src(%dma_wait3A_168 : memref<10000x128xf32, #tpu.memory_space<hbm>>) dst(%arg9 : memref<80x128xf32, #tpu.memory_space<vmem>>)
    %dma_start3A_169 = arith.constant 0 : i32
    %dma_start3A_170 = arith.constant 0 : i32
    %dma_start3A_171 = tpu.memref_slice %arg7[%dma_start3A_169, %dma_start3A_170] : memref<25x80xi32, #tpu.memory_space<vmem>> -> memref<1x80xi32, #tpu.memory_space<vmem>>
    %dma_start3A_172 = tpu.memref_squeeze %dma_start3A_171 : memref<1x80xi32, #tpu.memory_space<vmem>> -> memref<80xi32, #tpu.memory_space<vmem>>
    %dma_start3A_173 = arith.constant 0 : i32
    %dma_start3A_174 = arith.constant 0 : i32
    %dma_start3A_175 = tpu.memref_slice %arg12[%dma_start3A_173, %dma_start3A_174] : memref<10240x128xf32, #tpu.memory_space<vmem_shared>> -> memref<10240x128xf32, #tpu.memory_space<vmem_shared>>
    tpu.enqueue_indirect_dma source(%arg9 : memref<80x128xf32, #tpu.memory_space<vmem>>) target(%dma_start3A_175 : memref<10240x128xf32, #tpu.memory_space<vmem_shared>>) offsets(%dma_start3A_172 : memref<80xi32, #tpu.memory_space<vmem>>) semaphore(%arg16 : memref<!tpu.dma_semaphore, #tpu.memory_space<semaphore_mem>>) {add = true}
    %dma_start3A_176 = arith.constant 2 : i32
    %dma_start3A_177 = arith.constant 0 : i32
    %dma_start3A_178 = tpu.memref_slice %arg5[%dma_start3A_176, %dma_start3A_177] : memref<25x80xi32, #tpu.memory_space<vmem>> -> memref<1x80xi32, #tpu.memory_space<vmem>>
    %dma_start3A_179 = tpu.memref_squeeze %dma_start3A_178 : memref<1x80xi32, #tpu.memory_space<vmem>> -> memref<80xi32, #tpu.memory_space<vmem>>
    %dma_start3A_180 = arith.constant 0 : i32
    %dma_start3A_181 = arith.constant 0 : i32
    %dma_start3A_182 = tpu.memref_slice %arg2[%dma_start3A_180, %dma_start3A_181] : memref<10000x128xf32, #tpu.memory_space<hbm>> -> memref<10000x128xf32, #tpu.memory_space<hbm>>
    tpu.enqueue_indirect_dma source(%dma_start3A_182 : memref<10000x128xf32, #tpu.memory_space<hbm>>) target(%arg11 : memref<80x128xf32, #tpu.memory_space<vmem>>) offsets(%dma_start3A_179 : memref<80xi32, #tpu.memory_space<vmem>>) semaphore(%arg15 : memref<!tpu.dma_semaphore, #tpu.memory_space<semaphore_mem>>)
    %dma_wait3A_183 = arith.constant 1 : i32
    %dma_wait3A_184 = arith.constant 0 : i32
    %dma_wait3A_185 = tpu.memref_slice %arg5[%dma_wait3A_183, %dma_wait3A_184] : memref<25x80xi32, #tpu.memory_space<vmem>> -> memref<1x80xi32, #tpu.memory_space<vmem>>
    %dma_wait3A_186 = tpu.memref_squeeze %dma_wait3A_185 : memref<1x80xi32, #tpu.memory_space<vmem>> -> memref<80xi32, #tpu.memory_space<vmem>>
    %dma_wait3A_187 = arith.constant 0 : i32
    %dma_wait3A_188 = arith.constant 0 : i32
    %dma_wait3A_189 = tpu.memref_slice %arg2[%dma_wait3A_187, %dma_wait3A_188] : memref<10000x128xf32, #tpu.memory_space<hbm>> -> memref<10000x128xf32, #tpu.memory_space<hbm>>
    tpu.wait_indirect_dma semaphore(%arg14 : memref<!tpu.dma_semaphore, #tpu.memory_space<semaphore_mem>>) src(%dma_wait3A_189 : memref<10000x128xf32, #tpu.memory_space<hbm>>) dst(%arg10 : memref<80x128xf32, #tpu.memory_space<vmem>>)
    %dma_start3A_190 = arith.constant 1 : i32
    %dma_start3A_191 = arith.constant 0 : i32
    %dma_start3A_192 = tpu.memref_slice %arg7[%dma_start3A_190, %dma_start3A_191] : memref<25x80xi32, #tpu.memory_space<vmem>> -> memref<1x80xi32, #tpu.memory_space<vmem>>
    %dma_start3A_193 = tpu.memref_squeeze %dma_start3A_192 : memref<1x80xi32, #tpu.memory_space<vmem>> -> memref<80xi32, #tpu.memory_space<vmem>>
    %dma_start3A_194 = arith.constant 0 : i32
    %dma_start3A_195 = arith.constant 0 : i32
    %dma_start3A_196 = tpu.memref_slice %arg12[%dma_start3A_194, %dma_start3A_195] : memref<10240x128xf32, #tpu.memory_space<vmem_shared>> -> memref<10240x128xf32, #tpu.memory_space<vmem_shared>>
    tpu.enqueue_indirect_dma source(%arg10 : memref<80x128xf32, #tpu.memory_space<vmem>>) target(%dma_start3A_196 : memref<10240x128xf32, #tpu.memory_space<vmem_shared>>) offsets(%dma_start3A_193 : memref<80xi32, #tpu.memory_space<vmem>>) semaphore(%arg17 : memref<!tpu.dma_semaphore, #tpu.memory_space<semaphore_mem>>) {add = true}
    %dma_wait3A_197 = arith.constant 0 : i32
    %dma_wait3A_198 = arith.constant 0 : i32
    %dma_wait3A_199 = tpu.memref_slice %arg7[%dma_wait3A_197, %dma_wait3A_198] : memref<25x80xi32, #tpu.memory_space<vmem>> -> memref<1x80xi32, #tpu.memory_space<vmem>>
    %dma_wait3A_200 = tpu.memref_squeeze %dma_wait3A_199 : memref<1x80xi32, #tpu.memory_space<vmem>> -> memref<80xi32, #tpu.memory_space<vmem>>
    %dma_wait3A_201 = arith.constant 0 : i32
    %dma_wait3A_202 = arith.constant 0 : i32
    %dma_wait3A_203 = tpu.memref_slice %arg12[%dma_wait3A_201, %dma_wait3A_202] : memref<10240x128xf32, #tpu.memory_space<vmem_shared>> -> memref<10240x128xf32, #tpu.memory_space<vmem_shared>>
    tpu.wait_indirect_dma semaphore(%arg16 : memref<!tpu.dma_semaphore, #tpu.memory_space<semaphore_mem>>) src(%arg9 : memref<80x128xf32, #tpu.memory_space<vmem>>) dst(%dma_wait3A_203 : memref<10240x128xf32, #tpu.memory_space<vmem_shared>>)
    %dma_start3A_204 = arith.constant 3 : i32
    %dma_start3A_205 = arith.constant 0 : i32
    %dma_start3A_206 = tpu.memref_slice %arg5[%dma_start3A_204, %dma_start3A_205] : memref<25x80xi32, #tpu.memory_space<vmem>> -> memref<1x80xi32, #tpu.memory_space<vmem>>
    %dma_start3A_207 = tpu.memref_squeeze %dma_start3A_206 : memref<1x80xi32, #tpu.memory_space<vmem>> -> memref<80xi32, #tpu.memory_space<vmem>>
    %dma_start3A_208 = arith.constant 0 : i32
    %dma_start3A_209 = arith.constant 0 : i32
    %dma_start3A_210 = tpu.memref_slice %arg2[%dma_start3A_208, %dma_start3A_209] : memref<10000x128xf32, #tpu.memory_space<hbm>> -> memref<10000x128xf32, #tpu.memory_space<hbm>>
    tpu.enqueue_indirect_dma source(%dma_start3A_210 : memref<10000x128xf32, #tpu.memory_space<hbm>>) target(%arg9 : memref<80x128xf32, #tpu.memory_space<vmem>>) offsets(%dma_start3A_207 : memref<80xi32, #tpu.memory_space<vmem>>) semaphore(%arg13 : memref<!tpu.dma_semaphore, #tpu.memory_space<semaphore_mem>>)
    %dma_wait3A_211 = arith.constant 2 : i32
    %dma_wait3A_212 = arith.constant 0 : i32
    %dma_wait3A_213 = tpu.memref_slice %arg5[%dma_wait3A_211, %dma_wait3A_212] : memref<25x80xi32, #tpu.memory_space<vmem>> -> memref<1x80xi32, #tpu.memory_space<vmem>>
    %dma_wait3A_214 = tpu.memref_squeeze %dma_wait3A_213 : memref<1x80xi32, #tpu.memory_space<vmem>> -> memref<80xi32, #tpu.memory_space<vmem>>
    %dma_wait3A_215 = arith.constant 0 : i32
    %dma_wait3A_216 = arith.constant 0 : i32
    %dma_wait3A_217 = tpu.memref_slice %arg2[%dma_wait3A_215, %dma_wait3A_216] : memref<10000x128xf32, #tpu.memory_space<hbm>> -> memref<10000x128xf32, #tpu.memory_space<hbm>>
    tpu.wait_indirect_dma semaphore(%arg15 : memref<!tpu.dma_semaphore, #tpu.memory_space<semaphore_mem>>) src(%dma_wait3A_217 : memref<10000x128xf32, #tpu.memory_space<hbm>>) dst(%arg11 : memref<80x128xf32, #tpu.memory_space<vmem>>)
    %dma_start3A_218 = arith.constant 2 : i32
    %dma_start3A_219 = arith.constant 0 : i32
    %dma_start3A_220 = tpu.memref_slice %arg7[%dma_start3A_218, %dma_start3A_219] : memref<25x80xi32, #tpu.memory_space<vmem>> -> memref<1x80xi32, #tpu.memory_space<vmem>>
    %dma_start3A_221 = tpu.memref_squeeze %dma_start3A_220 : memref<1x80xi32, #tpu.memory_space<vmem>> -> memref<80xi32, #tpu.memory_space<vmem>>
    %dma_start3A_222 = arith.constant 0 : i32
    %dma_start3A_223 = arith.constant 0 : i32
    %dma_start3A_224 = tpu.memref_slice %arg12[%dma_start3A_222, %dma_start3A_223] : memref<10240x128xf32, #tpu.memory_space<vmem_shared>> -> memref<10240x128xf32, #tpu.memory_space<vmem_shared>>
    tpu.enqueue_indirect_dma source(%arg11 : memref<80x128xf32, #tpu.memory_space<vmem>>) target(%dma_start3A_224 : memref<10240x128xf32, #tpu.memory_space<vmem_shared>>) offsets(%dma_start3A_221 : memref<80xi32, #tpu.memory_space<vmem>>) semaphore(%arg18 : memref<!tpu.dma_semaphore, #tpu.memory_space<semaphore_mem>>) {add = true}
    %dma_wait3A_225 = arith.constant 1 : i32
    %dma_wait3A_226 = arith.constant 0 : i32
    %dma_wait3A_227 = tpu.memref_slice %arg7[%dma_wait3A_225, %dma_wait3A_226] : memref<25x80xi32, #tpu.memory_space<vmem>> -> memref<1x80xi32, #tpu.memory_space<vmem>>
    %dma_wait3A_228 = tpu.memref_squeeze %dma_wait3A_227 : memref<1x80xi32, #tpu.memory_space<vmem>> -> memref<80xi32, #tpu.memory_space<vmem>>
    %dma_wait3A_229 = arith.constant 0 : i32
    %dma_wait3A_230 = arith.constant 0 : i32
    %dma_wait3A_231 = tpu.memref_slice %arg12[%dma_wait3A_229, %dma_wait3A_230] : memref<10240x128xf32, #tpu.memory_space<vmem_shared>> -> memref<10240x128xf32, #tpu.memory_space<vmem_shared>>
    tpu.wait_indirect_dma semaphore(%arg17 : memref<!tpu.dma_semaphore, #tpu.memory_space<semaphore_mem>>) src(%arg10 : memref<80x128xf32, #tpu.memory_space<vmem>>) dst(%dma_wait3A_231 : memref<10240x128xf32, #tpu.memory_space<vmem_shared>>)
    %dma_start3A_232 = arith.constant 4 : i32
    %dma_start3A_233 = arith.constant 0 : i32
    %dma_start3A_234 = tpu.memref_slice %arg5[%dma_start3A_232, %dma_start3A_233] : memref<25x80xi32, #tpu.memory_space<vmem>> -> memref<1x80xi32, #tpu.memory_space<vmem>>
    %dma_start3A_235 = tpu.memref_squeeze %dma_start3A_234 : memref<1x80xi32, #tpu.memory_space<vmem>> -> memref<80xi32, #tpu.memory_space<vmem>>
    %dma_start3A_236 = arith.constant 0 : i32
    %dma_start3A_237 = arith.constant 0 : i32
    %dma_start3A_238 = tpu.memref_slice %arg2[%dma_start3A_236, %dma_start3A_237] : memref<10000x128xf32, #tpu.memory_space<hbm>> -> memref<10000x128xf32, #tpu.memory_space<hbm>>
    tpu.enqueue_indirect_dma source(%dma_start3A_238 : memref<10000x128xf32, #tpu.memory_space<hbm>>) target(%arg10 : memref<80x128xf32, #tpu.memory_space<vmem>>) offsets(%dma_start3A_235 : memref<80xi32, #tpu.memory_space<vmem>>) semaphore(%arg14 : memref<!tpu.dma_semaphore, #tpu.memory_space<semaphore_mem>>)
    %scan3A_239 = arith.constant 0 : i32
    %scan3A_240 = arith.constant 0 : i32
    %scan3A_241 = arith.constant 7 : i32
    %scan3A_242 = arith.addi %scan3A_240, %scan3A_241 : i32
    %scan3A_243 = arith.constant 1 : i32
    %scan3A_244 = scf.for %scan3A_919 = %scan3A_240 to %scan3A_242 step %scan3A_243 iter_args(%scan3A_920 = %scan3A_239) -> (i32)  : i32 {
      %mul3A_921 = arith.constant 3 : i32
      %mul3A_922 = arith.muli %mul3A_921, %scan3A_919 : i32
      %add3A_923 = arith.constant 3 : i32
      %add3A_924 = arith.addi %add3A_923, %mul3A_922 : i32
      %dma_wait3A_925 = arith.constant 0 : i32
      %dma_wait3A_926 = tpu.memref_slice %arg5[%add3A_924, %dma_wait3A_925] : memref<25x80xi32, #tpu.memory_space<vmem>> -> memref<1x80xi32, #tpu.memory_space<vmem>>
      %dma_wait3A_927 = tpu.memref_squeeze %dma_wait3A_926 : memref<1x80xi32, #tpu.memory_space<vmem>> -> memref<80xi32, #tpu.memory_space<vmem>>
      %dma_wait3A_928 = arith.constant 0 : i32
      %dma_wait3A_929 = arith.constant 0 : i32
      %dma_wait3A_930 = tpu.memref_slice %arg2[%dma_wait3A_928, %dma_wait3A_929] : memref<10000x128xf32, #tpu.memory_space<hbm>> -> memref<10000x128xf32, #tpu.memory_space<hbm>>
      tpu.wait_indirect_dma semaphore(%arg13 : memref<!tpu.dma_semaphore, #tpu.memory_space<semaphore_mem>>) src(%dma_wait3A_930 : memref<10000x128xf32, #tpu.memory_space<hbm>>) dst(%arg9 : memref<80x128xf32, #tpu.memory_space<vmem>>)
      %dma_start3A_931 = arith.constant 0 : i32
      %dma_start3A_932 = tpu.memref_slice %arg7[%add3A_924, %dma_start3A_931] : memref<25x80xi32, #tpu.memory_space<vmem>> -> memref<1x80xi32, #tpu.memory_space<vmem>>
      %dma_start3A_933 = tpu.memref_squeeze %dma_start3A_932 : memref<1x80xi32, #tpu.memory_space<vmem>> -> memref<80xi32, #tpu.memory_space<vmem>>
      %dma_start3A_934 = arith.constant 0 : i32
      %dma_start3A_935 = arith.constant 0 : i32
      %dma_start3A_936 = tpu.memref_slice %arg12[%dma_start3A_934, %dma_start3A_935] : memref<10240x128xf32, #tpu.memory_space<vmem_shared>> -> memref<10240x128xf32, #tpu.memory_space<vmem_shared>>
      tpu.enqueue_indirect_dma source(%arg9 : memref<80x128xf32, #tpu.memory_space<vmem>>) target(%dma_start3A_936 : memref<10240x128xf32, #tpu.memory_space<vmem_shared>>) offsets(%dma_start3A_933 : memref<80xi32, #tpu.memory_space<vmem>>) semaphore(%arg16 : memref<!tpu.dma_semaphore, #tpu.memory_space<semaphore_mem>>) {add = true}
      %sub3A = arith.constant 1 : i32
      %sub3A_937 = arith.subi %add3A_924, %sub3A : i32
      %dma_wait3A_938 = arith.constant 0 : i32
      %dma_wait3A_939 = tpu.memref_slice %arg7[%sub3A_937, %dma_wait3A_938] : memref<25x80xi32, #tpu.memory_space<vmem>> -> memref<1x80xi32, #tpu.memory_space<vmem>>
      %dma_wait3A_940 = tpu.memref_squeeze %dma_wait3A_939 : memref<1x80xi32, #tpu.memory_space<vmem>> -> memref<80xi32, #tpu.memory_space<vmem>>
      %dma_wait3A_941 = arith.constant 0 : i32
      %dma_wait3A_942 = arith.constant 0 : i32
      %dma_wait3A_943 = tpu.memref_slice %arg12[%dma_wait3A_941, %dma_wait3A_942] : memref<10240x128xf32, #tpu.memory_space<vmem_shared>> -> memref<10240x128xf32, #tpu.memory_space<vmem_shared>>
      tpu.wait_indirect_dma semaphore(%arg18 : memref<!tpu.dma_semaphore, #tpu.memory_space<semaphore_mem>>) src(%arg11 : memref<80x128xf32, #tpu.memory_space<vmem>>) dst(%dma_wait3A_943 : memref<10240x128xf32, #tpu.memory_space<vmem_shared>>)
      %add3A_944 = arith.constant 2 : i32
      %add3A_945 = arith.addi %add3A_924, %add3A_944 : i32
      %dma_start3A_946 = arith.constant 0 : i32
      %dma_start3A_947 = tpu.memref_slice %arg5[%add3A_945, %dma_start3A_946] : memref<25x80xi32, #tpu.memory_space<vmem>> -> memref<1x80xi32, #tpu.memory_space<vmem>>
      %dma_start3A_948 = tpu.memref_squeeze %dma_start3A_947 : memref<1x80xi32, #tpu.memory_space<vmem>> -> memref<80xi32, #tpu.memory_space<vmem>>
      %dma_start3A_949 = arith.constant 0 : i32
      %dma_start3A_950 = arith.constant 0 : i32
      %dma_start3A_951 = tpu.memref_slice %arg2[%dma_start3A_949, %dma_start3A_950] : memref<10000x128xf32, #tpu.memory_space<hbm>> -> memref<10000x128xf32, #tpu.memory_space<hbm>>
      tpu.enqueue_indirect_dma source(%dma_start3A_951 : memref<10000x128xf32, #tpu.memory_space<hbm>>) target(%arg11 : memref<80x128xf32, #tpu.memory_space<vmem>>) offsets(%dma_start3A_948 : memref<80xi32, #tpu.memory_space<vmem>>) semaphore(%arg15 : memref<!tpu.dma_semaphore, #tpu.memory_space<semaphore_mem>>)
      %add3A_952 = arith.constant 1 : i32
      %add3A_953 = arith.addi %add3A_924, %add3A_952 : i32
      %dma_wait3A_954 = arith.constant 0 : i32
      %dma_wait3A_955 = tpu.memref_slice %arg5[%add3A_953, %dma_wait3A_954] : memref<25x80xi32, #tpu.memory_space<vmem>> -> memref<1x80xi32, #tpu.memory_space<vmem>>
      %dma_wait3A_956 = tpu.memref_squeeze %dma_wait3A_955 : memref<1x80xi32, #tpu.memory_space<vmem>> -> memref<80xi32, #tpu.memory_space<vmem>>
      %dma_wait3A_957 = arith.constant 0 : i32
      %dma_wait3A_958 = arith.constant 0 : i32
      %dma_wait3A_959 = tpu.memref_slice %arg2[%dma_wait3A_957, %dma_wait3A_958] : memref<10000x128xf32, #tpu.memory_space<hbm>> -> memref<10000x128xf32, #tpu.memory_space<hbm>>
      tpu.wait_indirect_dma semaphore(%arg14 : memref<!tpu.dma_semaphore, #tpu.memory_space<semaphore_mem>>) src(%dma_wait3A_959 : memref<10000x128xf32, #tpu.memory_space<hbm>>) dst(%arg10 : memref<80x128xf32, #tpu.memory_space<vmem>>)
      %add3A_960 = arith.constant 1 : i32
      %add3A_961 = arith.addi %add3A_924, %add3A_960 : i32
      %dma_start3A_962 = arith.constant 0 : i32
      %dma_start3A_963 = tpu.memref_slice %arg7[%add3A_961, %dma_start3A_962] : memref<25x80xi32, #tpu.memory_space<vmem>> -> memref<1x80xi32, #tpu.memory_space<vmem>>
      %dma_start3A_964 = tpu.memref_squeeze %dma_start3A_963 : memref<1x80xi32, #tpu.memory_space<vmem>> -> memref<80xi32, #tpu.memory_space<vmem>>
      %dma_start3A_965 = arith.constant 0 : i32
      %dma_start3A_966 = arith.constant 0 : i32
      %dma_start3A_967 = tpu.memref_slice %arg12[%dma_start3A_965, %dma_start3A_966] : memref<10240x128xf32, #tpu.memory_space<vmem_shared>> -> memref<10240x128xf32, #tpu.memory_space<vmem_shared>>
      tpu.enqueue_indirect_dma source(%arg10 : memref<80x128xf32, #tpu.memory_space<vmem>>) target(%dma_start3A_967 : memref<10240x128xf32, #tpu.memory_space<vmem_shared>>) offsets(%dma_start3A_964 : memref<80xi32, #tpu.memory_space<vmem>>) semaphore(%arg17 : memref<!tpu.dma_semaphore, #tpu.memory_space<semaphore_mem>>) {add = true}
      %dma_wait3A_968 = arith.constant 0 : i32
      %dma_wait3A_969 = tpu.memref_slice %arg7[%add3A_924, %dma_wait3A_968] : memref<25x80xi32, #tpu.memory_space<vmem>> -> memref<1x80xi32, #tpu.memory_space<vmem>>
      %dma_wait3A_970 = tpu.memref_squeeze %dma_wait3A_969 : memref<1x80xi32, #tpu.memory_space<vmem>> -> memref<80xi32, #tpu.memory_space<vmem>>
      %dma_wait3A_971 = arith.constant 0 : i32
      %dma_wait3A_972 = arith.constant 0 : i32
      %dma_wait3A_973 = tpu.memref_slice %arg12[%dma_wait3A_971, %dma_wait3A_972] : memref<10240x128xf32, #tpu.memory_space<vmem_shared>> -> memref<10240x128xf32, #tpu.memory_space<vmem_shared>>
      tpu.wait_indirect_dma semaphore(%arg16 : memref<!tpu.dma_semaphore, #tpu.memory_space<semaphore_mem>>) src(%arg9 : memref<80x128xf32, #tpu.memory_space<vmem>>) dst(%dma_wait3A_973 : memref<10240x128xf32, #tpu.memory_space<vmem_shared>>)
      %add3A_974 = arith.constant 3 : i32
      %add3A_975 = arith.addi %add3A_924, %add3A_974 : i32
      %dma_start3A_976 = arith.constant 0 : i32
      %dma_start3A_977 = tpu.memref_slice %arg5[%add3A_975, %dma_start3A_976] : memref<25x80xi32, #tpu.memory_space<vmem>> -> memref<1x80xi32, #tpu.memory_space<vmem>>
      %dma_start3A_978 = tpu.memref_squeeze %dma_start3A_977 : memref<1x80xi32, #tpu.memory_space<vmem>> -> memref<80xi32, #tpu.memory_space<vmem>>
      %dma_start3A_979 = arith.constant 0 : i32
      %dma_start3A_980 = arith.constant 0 : i32
      %dma_start3A_981 = tpu.memref_slice %arg2[%dma_start3A_979, %dma_start3A_980] : memref<10000x128xf32, #tpu.memory_space<hbm>> -> memref<10000x128xf32, #tpu.memory_space<hbm>>
      tpu.enqueue_indirect_dma source(%dma_start3A_981 : memref<10000x128xf32, #tpu.memory_space<hbm>>) target(%arg9 : memref<80x128xf32, #tpu.memory_space<vmem>>) offsets(%dma_start3A_978 : memref<80xi32, #tpu.memory_space<vmem>>) semaphore(%arg13 : memref<!tpu.dma_semaphore, #tpu.memory_space<semaphore_mem>>)
      %add3A_982 = arith.constant 2 : i32
      %add3A_983 = arith.addi %add3A_924, %add3A_982 : i32
      %dma_wait3A_984 = arith.constant 0 : i32
      %dma_wait3A_985 = tpu.memref_slice %arg5[%add3A_983, %dma_wait3A_984] : memref<25x80xi32, #tpu.memory_space<vmem>> -> memref<1x80xi32, #tpu.memory_space<vmem>>
      %dma_wait3A_986 = tpu.memref_squeeze %dma_wait3A_985 : memref<1x80xi32, #tpu.memory_space<vmem>> -> memref<80xi32, #tpu.memory_space<vmem>>
      %dma_wait3A_987 = arith.constant 0 : i32
      %dma_wait3A_988 = arith.constant 0 : i32
      %dma_wait3A_989 = tpu.memref_slice %arg2[%dma_wait3A_987, %dma_wait3A_988] : memref<10000x128xf32, #tpu.memory_space<hbm>> -> memref<10000x128xf32, #tpu.memory_space<hbm>>
      tpu.wait_indirect_dma semaphore(%arg15 : memref<!tpu.dma_semaphore, #tpu.memory_space<semaphore_mem>>) src(%dma_wait3A_989 : memref<10000x128xf32, #tpu.memory_space<hbm>>) dst(%arg11 : memref<80x128xf32, #tpu.memory_space<vmem>>)
      %add3A_990 = arith.constant 2 : i32
      %add3A_991 = arith.addi %add3A_924, %add3A_990 : i32
      %dma_start3A_992 = arith.constant 0 : i32
      %dma_start3A_993 = tpu.memref_slice %arg7[%add3A_991, %dma_start3A_992] : memref<25x80xi32, #tpu.memory_space<vmem>> -> memref<1x80xi32, #tpu.memory_space<vmem>>
      %dma_start3A_994 = tpu.memref_squeeze %dma_start3A_993 : memref<1x80xi32, #tpu.memory_space<vmem>> -> memref<80xi32, #tpu.memory_space<vmem>>
      %dma_start3A_995 = arith.constant 0 : i32
      %dma_start3A_996 = arith.constant 0 : i32
      %dma_start3A_997 = tpu.memref_slice %arg12[%dma_start3A_995, %dma_start3A_996] : memref<10240x128xf32, #tpu.memory_space<vmem_shared>> -> memref<10240x128xf32, #tpu.memory_space<vmem_shared>>
      tpu.enqueue_indirect_dma source(%arg11 : memref<80x128xf32, #tpu.memory_space<vmem>>) target(%dma_start3A_997 : memref<10240x128xf32, #tpu.memory_space<vmem_shared>>) offsets(%dma_start3A_994 : memref<80xi32, #tpu.memory_space<vmem>>) semaphore(%arg18 : memref<!tpu.dma_semaphore, #tpu.memory_space<semaphore_mem>>) {add = true}
      %add3A_998 = arith.constant 1 : i32
      %add3A_999 = arith.addi %add3A_924, %add3A_998 : i32
      %dma_wait3A_1000 = arith.constant 0 : i32
      %dma_wait3A_1001 = tpu.memref_slice %arg7[%add3A_999, %dma_wait3A_1000] : memref<25x80xi32, #tpu.memory_space<vmem>> -> memref<1x80xi32, #tpu.memory_space<vmem>>
      %dma_wait3A_1002 = tpu.memref_squeeze %dma_wait3A_1001 : memref<1x80xi32, #tpu.memory_space<vmem>> -> memref<80xi32, #tpu.memory_space<vmem>>
      %dma_wait3A_1003 = arith.constant 0 : i32
      %dma_wait3A_1004 = arith.constant 0 : i32
      %dma_wait3A_1005 = tpu.memref_slice %arg12[%dma_wait3A_1003, %dma_wait3A_1004] : memref<10240x128xf32, #tpu.memory_space<vmem_shared>> -> memref<10240x128xf32, #tpu.memory_space<vmem_shared>>
      tpu.wait_indirect_dma semaphore(%arg17 : memref<!tpu.dma_semaphore, #tpu.memory_space<semaphore_mem>>) src(%arg10 : memref<80x128xf32, #tpu.memory_space<vmem>>) dst(%dma_wait3A_1005 : memref<10240x128xf32, #tpu.memory_space<vmem_shared>>)
      %add3A_1006 = arith.constant 4 : i32
      %add3A_1007 = arith.addi %add3A_924, %add3A_1006 : i32
      %lt3A = arith.constant 25 : i32
      %lt3A_1008 = arith.cmpi slt, %add3A_1007, %lt3A : i32
      %convert_element_type3A = arith.extui %lt3A_1008 : i1 to i32
      %cond3A = arith.constant 0 : i32
      %cond3A_1009 = arith.cmpi ne, %convert_element_type3A, %cond3A : i32
      scf.if %cond3A_1009 {
        %add3A_1011 = arith.constant 4 : i32
        %add3A_1012 = arith.addi %add3A_924, %add3A_1011 : i32
        %dma_start3A_1013 = arith.constant 0 : i32
        %dma_start3A_1014 = tpu.memref_slice %arg5[%add3A_1012, %dma_start3A_1013] : memref<25x80xi32, #tpu.memory_space<vmem>> -> memref<1x80xi32, #tpu.memory_space<vmem>>
        %dma_start3A_1015 = tpu.memref_squeeze %dma_start3A_1014 : memref<1x80xi32, #tpu.memory_space<vmem>> -> memref<80xi32, #tpu.memory_space<vmem>>
        %dma_start3A_1016 = arith.constant 0 : i32
        %dma_start3A_1017 = arith.constant 0 : i32
        %dma_start3A_1018 = tpu.memref_slice %arg2[%dma_start3A_1016, %dma_start3A_1017] : memref<10000x128xf32, #tpu.memory_space<hbm>> -> memref<10000x128xf32, #tpu.memory_space<hbm>>
        tpu.enqueue_indirect_dma source(%dma_start3A_1018 : memref<10000x128xf32, #tpu.memory_space<hbm>>) target(%arg10 : memref<80x128xf32, #tpu.memory_space<vmem>>) offsets(%dma_start3A_1015 : memref<80xi32, #tpu.memory_space<vmem>>) semaphore(%arg14 : memref<!tpu.dma_semaphore, #tpu.memory_space<semaphore_mem>>)
      } else {
      }
      %scan3A_1010 = arith.constant 0 : i32
      scf.yield %scan3A_1010 : i32
    }
    %scan3A_245 = arith.constant 7 : i32
    %dma_wait3A_246 = arith.constant 24 : i32
    %dma_wait3A_247 = arith.constant 0 : i32
    %dma_wait3A_248 = tpu.memref_slice %arg5[%dma_wait3A_246, %dma_wait3A_247] : memref<25x80xi32, #tpu.memory_space<vmem>> -> memref<1x80xi32, #tpu.memory_space<vmem>>
    %dma_wait3A_249 = tpu.memref_squeeze %dma_wait3A_248 : memref<1x80xi32, #tpu.memory_space<vmem>> -> memref<80xi32, #tpu.memory_space<vmem>>
    %dma_wait3A_250 = arith.constant 0 : i32
    %dma_wait3A_251 = arith.constant 0 : i32
    %dma_wait3A_252 = tpu.memref_slice %arg2[%dma_wait3A_250, %dma_wait3A_251] : memref<10000x128xf32, #tpu.memory_space<hbm>> -> memref<10000x128xf32, #tpu.memory_space<hbm>>
    tpu.wait_indirect_dma semaphore(%arg13 : memref<!tpu.dma_semaphore, #tpu.memory_space<semaphore_mem>>) src(%dma_wait3A_252 : memref<10000x128xf32, #tpu.memory_space<hbm>>) dst(%arg9 : memref<80x128xf32, #tpu.memory_space<vmem>>)
    %dma_start3A_253 = arith.constant 24 : i32
    %dma_start3A_254 = arith.constant 0 : i32
    %dma_start3A_255 = tpu.memref_slice %arg7[%dma_start3A_253, %dma_start3A_254] : memref<25x80xi32, #tpu.memory_space<vmem>> -> memref<1x80xi32, #tpu.memory_space<vmem>>
    %dma_start3A_256 = tpu.memref_squeeze %dma_start3A_255 : memref<1x80xi32, #tpu.memory_space<vmem>> -> memref<80xi32, #tpu.memory_space<vmem>>
    %dma_start3A_257 = arith.constant 0 : i32
    %dma_start3A_258 = arith.constant 0 : i32
    %dma_start3A_259 = tpu.memref_slice %arg12[%dma_start3A_257, %dma_start3A_258] : memref<10240x128xf32, #tpu.memory_space<vmem_shared>> -> memref<10240x128xf32, #tpu.memory_space<vmem_shared>>
    tpu.enqueue_indirect_dma source(%arg9 : memref<80x128xf32, #tpu.memory_space<vmem>>) target(%dma_start3A_259 : memref<10240x128xf32, #tpu.memory_space<vmem_shared>>) offsets(%dma_start3A_256 : memref<80xi32, #tpu.memory_space<vmem>>) semaphore(%arg16 : memref<!tpu.dma_semaphore, #tpu.memory_space<semaphore_mem>>) {add = true}
    %dma_wait3A_260 = arith.constant 23 : i32
    %dma_wait3A_261 = arith.constant 0 : i32
    %dma_wait3A_262 = tpu.memref_slice %arg7[%dma_wait3A_260, %dma_wait3A_261] : memref<25x80xi32, #tpu.memory_space<vmem>> -> memref<1x80xi32, #tpu.memory_space<vmem>>
    %dma_wait3A_263 = tpu.memref_squeeze %dma_wait3A_262 : memref<1x80xi32, #tpu.memory_space<vmem>> -> memref<80xi32, #tpu.memory_space<vmem>>
    %dma_wait3A_264 = arith.constant 0 : i32
    %dma_wait3A_265 = arith.constant 0 : i32
    %dma_wait3A_266 = tpu.memref_slice %arg12[%dma_wait3A_264, %dma_wait3A_265] : memref<10240x128xf32, #tpu.memory_space<vmem_shared>> -> memref<10240x128xf32, #tpu.memory_space<vmem_shared>>
    tpu.wait_indirect_dma semaphore(%arg18 : memref<!tpu.dma_semaphore, #tpu.memory_space<semaphore_mem>>) src(%arg11 : memref<80x128xf32, #tpu.memory_space<vmem>>) dst(%dma_wait3A_266 : memref<10240x128xf32, #tpu.memory_space<vmem_shared>>)
    %dma_wait3A_267 = arith.constant 24 : i32
    %dma_wait3A_268 = arith.constant 0 : i32
    %dma_wait3A_269 = tpu.memref_slice %arg7[%dma_wait3A_267, %dma_wait3A_268] : memref<25x80xi32, #tpu.memory_space<vmem>> -> memref<1x80xi32, #tpu.memory_space<vmem>>
    %dma_wait3A_270 = tpu.memref_squeeze %dma_wait3A_269 : memref<1x80xi32, #tpu.memory_space<vmem>> -> memref<80xi32, #tpu.memory_space<vmem>>
    %dma_wait3A_271 = arith.constant 0 : i32
    %dma_wait3A_272 = arith.constant 0 : i32
    %dma_wait3A_273 = tpu.memref_slice %arg12[%dma_wait3A_271, %dma_wait3A_272] : memref<10240x128xf32, #tpu.memory_space<vmem_shared>> -> memref<10240x128xf32, #tpu.memory_space<vmem_shared>>
    tpu.wait_indirect_dma semaphore(%arg16 : memref<!tpu.dma_semaphore, #tpu.memory_space<semaphore_mem>>) src(%arg9 : memref<80x128xf32, #tpu.memory_space<vmem>>) dst(%dma_wait3A_273 : memref<10240x128xf32, #tpu.memory_space<vmem_shared>>)
    %dma_wait3A_274 = arith.constant 0 : i32
    %dma_wait3A_275 = arith.constant 1 : i32
    %dma_wait3A_276 = arith.constant 0 : i32
    %dma_wait3A_277 = arith.constant 0 : i32
    %dma_wait3A_278 = tpu.memref_slice %arg3[%dma_wait3A_274, %add3A, %dma_wait3A_275, %dma_wait3A_276, %dma_wait3A_277] : memref<2x32x5x25x80xi32, #tpu.memory_space<hbm>> -> memref<1x1x1x25x80xi32, #tpu.memory_space<hbm>>
    %dma_wait3A_279 = tpu.memref_squeeze %dma_wait3A_278 : memref<1x1x1x25x80xi32, #tpu.memory_space<hbm>> -> memref<25x80xi32, #tpu.memory_space<hbm>>
    %dma_wait3A_280 = arith.constant 0 : i32
    %dma_wait3A_281 = arith.constant 0 : i32
    %dma_wait3A_282 = tpu.memref_slice %arg3[%dma_wait3A_274, %add3A, %dma_wait3A_275, %dma_wait3A_280, %dma_wait3A_281] : memref<2x32x5x25x80xi32, #tpu.memory_space<hbm>> -> memref<1x1x1x25x80xi32, #tpu.memory_space<hbm>>
    %dma_wait3A_283 = tpu.memref_squeeze %dma_wait3A_282 : memref<1x1x1x25x80xi32, #tpu.memory_space<hbm>> -> memref<25x80xi32, #tpu.memory_space<hbm>>
    tpu.wait_dma2 semaphore(%arg20 : memref<!tpu.dma_semaphore, #tpu.memory_space<semaphore_mem>>) src(%dma_wait3A_283 : memref<25x80xi32, #tpu.memory_space<hbm>>) dst(%arg6 : memref<25x80xi32, #tpu.memory_space<vmem>>)
    %dma_wait3A_284 = arith.constant 1 : i32
    %dma_wait3A_285 = arith.constant 1 : i32
    %dma_wait3A_286 = arith.constant 0 : i32
    %dma_wait3A_287 = arith.constant 0 : i32
    %dma_wait3A_288 = tpu.memref_slice %arg3[%dma_wait3A_284, %add3A, %dma_wait3A_285, %dma_wait3A_286, %dma_wait3A_287] : memref<2x32x5x25x80xi32, #tpu.memory_space<hbm>> -> memref<1x1x1x25x80xi32, #tpu.memory_space<hbm>>
    %dma_wait3A_289 = tpu.memref_squeeze %dma_wait3A_288 : memref<1x1x1x25x80xi32, #tpu.memory_space<hbm>> -> memref<25x80xi32, #tpu.memory_space<hbm>>
    %dma_wait3A_290 = arith.constant 0 : i32
    %dma_wait3A_291 = arith.constant 0 : i32
    %dma_wait3A_292 = tpu.memref_slice %arg3[%dma_wait3A_284, %add3A, %dma_wait3A_285, %dma_wait3A_290, %dma_wait3A_291] : memref<2x32x5x25x80xi32, #tpu.memory_space<hbm>> -> memref<1x1x1x25x80xi32, #tpu.memory_space<hbm>>
    %dma_wait3A_293 = tpu.memref_squeeze %dma_wait3A_292 : memref<1x1x1x25x80xi32, #tpu.memory_space<hbm>> -> memref<25x80xi32, #tpu.memory_space<hbm>>
    tpu.wait_dma2 semaphore(%arg20 : memref<!tpu.dma_semaphore, #tpu.memory_space<semaphore_mem>>) src(%dma_wait3A_293 : memref<25x80xi32, #tpu.memory_space<hbm>>) dst(%arg8 : memref<25x80xi32, #tpu.memory_space<vmem>>)
    %dma_start3A_294 = arith.constant 0 : i32
    %dma_start3A_295 = arith.constant 2 : i32
    %dma_start3A_296 = arith.constant 0 : i32
    %dma_start3A_297 = arith.constant 0 : i32
    %dma_start3A_298 = tpu.memref_slice %arg3[%dma_start3A_294, %add3A, %dma_start3A_295, %dma_start3A_296, %dma_start3A_297] : memref<2x32x5x25x80xi32, #tpu.memory_space<hbm>> -> memref<1x1x1x25x80xi32, #tpu.memory_space<hbm>>
    %dma_start3A_299 = tpu.memref_squeeze %dma_start3A_298 : memref<1x1x1x25x80xi32, #tpu.memory_space<hbm>> -> memref<25x80xi32, #tpu.memory_space<hbm>>
    %dma_start3A_300 = arith.constant 0 : i32
    %dma_start3A_301 = arith.constant 0 : i32
    %dma_start3A_302 = tpu.memref_slice %arg3[%dma_start3A_294, %add3A, %dma_start3A_295, %dma_start3A_300, %dma_start3A_301] : memref<2x32x5x25x80xi32, #tpu.memory_space<hbm>> -> memref<1x1x1x25x80xi32, #tpu.memory_space<hbm>>
    %dma_start3A_303 = tpu.memref_squeeze %dma_start3A_302 : memref<1x1x1x25x80xi32, #tpu.memory_space<hbm>> -> memref<25x80xi32, #tpu.memory_space<hbm>>
    tpu.enqueue_dma source(%dma_start3A_303 : memref<25x80xi32, #tpu.memory_space<hbm>>) target(%arg5 : memref<25x80xi32, #tpu.memory_space<vmem>>) target_semaphore(%arg19 : memref<!tpu.dma_semaphore, #tpu.memory_space<semaphore_mem>>)
    %dma_start3A_304 = arith.constant 1 : i32
    %dma_start3A_305 = arith.constant 2 : i32
    %dma_start3A_306 = arith.constant 0 : i32
    %dma_start3A_307 = arith.constant 0 : i32
    %dma_start3A_308 = tpu.memref_slice %arg3[%dma_start3A_304, %add3A, %dma_start3A_305, %dma_start3A_306, %dma_start3A_307] : memref<2x32x5x25x80xi32, #tpu.memory_space<hbm>> -> memref<1x1x1x25x80xi32, #tpu.memory_space<hbm>>
    %dma_start3A_309 = tpu.memref_squeeze %dma_start3A_308 : memref<1x1x1x25x80xi32, #tpu.memory_space<hbm>> -> memref<25x80xi32, #tpu.memory_space<hbm>>
    %dma_start3A_310 = arith.constant 0 : i32
    %dma_start3A_311 = arith.constant 0 : i32
    %dma_start3A_312 = tpu.memref_slice %arg3[%dma_start3A_304, %add3A, %dma_start3A_305, %dma_start3A_310, %dma_start3A_311] : memref<2x32x5x25x80xi32, #tpu.memory_space<hbm>> -> memref<1x1x1x25x80xi32, #tpu.memory_space<hbm>>
    %dma_start3A_313 = tpu.memref_squeeze %dma_start3A_312 : memref<1x1x1x25x80xi32, #tpu.memory_space<hbm>> -> memref<25x80xi32, #tpu.memory_space<hbm>>
    tpu.enqueue_dma source(%dma_start3A_313 : memref<25x80xi32, #tpu.memory_space<hbm>>) target(%arg7 : memref<25x80xi32, #tpu.memory_space<vmem>>) target_semaphore(%arg19 : memref<!tpu.dma_semaphore, #tpu.memory_space<semaphore_mem>>)
    %dma_start3A_314 = arith.constant 0 : i32
    %dma_start3A_315 = arith.constant 0 : i32
    %dma_start3A_316 = tpu.memref_slice %arg6[%dma_start3A_314, %dma_start3A_315] : memref<25x80xi32, #tpu.memory_space<vmem>> -> memref<1x80xi32, #tpu.memory_space<vmem>>
    %dma_start3A_317 = tpu.memref_squeeze %dma_start3A_316 : memref<1x80xi32, #tpu.memory_space<vmem>> -> memref<80xi32, #tpu.memory_space<vmem>>
    %dma_start3A_318 = arith.constant 0 : i32
    %dma_start3A_319 = arith.constant 0 : i32
    %dma_start3A_320 = tpu.memref_slice %arg2[%dma_start3A_318, %dma_start3A_319] : memref<10000x128xf32, #tpu.memory_space<hbm>> -> memref<10000x128xf32, #tpu.memory_space<hbm>>
    tpu.enqueue_indirect_dma source(%dma_start3A_320 : memref<10000x128xf32, #tpu.memory_space<hbm>>) target(%arg9 : memref<80x128xf32, #tpu.memory_space<vmem>>) offsets(%dma_start3A_317 : memref<80xi32, #tpu.memory_space<vmem>>) semaphore(%arg13 : memref<!tpu.dma_semaphore, #tpu.memory_space<semaphore_mem>>)
    %dma_start3A_321 = arith.constant 1 : i32
    %dma_start3A_322 = arith.constant 0 : i32
    %dma_start3A_323 = tpu.memref_slice %arg6[%dma_start3A_321, %dma_start3A_322] : memref<25x80xi32, #tpu.memory_space<vmem>> -> memref<1x80xi32, #tpu.memory_space<vmem>>
    %dma_start3A_324 = tpu.memref_squeeze %dma_start3A_323 : memref<1x80xi32, #tpu.memory_space<vmem>> -> memref<80xi32, #tpu.memory_space<vmem>>
    %dma_start3A_325 = arith.constant 0 : i32
    %dma_start3A_326 = arith.constant 0 : i32
    %dma_start3A_327 = tpu.memref_slice %arg2[%dma_start3A_325, %dma_start3A_326] : memref<10000x128xf32, #tpu.memory_space<hbm>> -> memref<10000x128xf32, #tpu.memory_space<hbm>>
    tpu.enqueue_indirect_dma source(%dma_start3A_327 : memref<10000x128xf32, #tpu.memory_space<hbm>>) target(%arg10 : memref<80x128xf32, #tpu.memory_space<vmem>>) offsets(%dma_start3A_324 : memref<80xi32, #tpu.memory_space<vmem>>) semaphore(%arg14 : memref<!tpu.dma_semaphore, #tpu.memory_space<semaphore_mem>>)
    %dma_wait3A_328 = arith.constant 0 : i32
    %dma_wait3A_329 = arith.constant 0 : i32
    %dma_wait3A_330 = tpu.memref_slice %arg6[%dma_wait3A_328, %dma_wait3A_329] : memref<25x80xi32, #tpu.memory_space<vmem>> -> memref<1x80xi32, #tpu.memory_space<vmem>>
    %dma_wait3A_331 = tpu.memref_squeeze %dma_wait3A_330 : memref<1x80xi32, #tpu.memory_space<vmem>> -> memref<80xi32, #tpu.memory_space<vmem>>
    %dma_wait3A_332 = arith.constant 0 : i32
    %dma_wait3A_333 = arith.constant 0 : i32
    %dma_wait3A_334 = tpu.memref_slice %arg2[%dma_wait3A_332, %dma_wait3A_333] : memref<10000x128xf32, #tpu.memory_space<hbm>> -> memref<10000x128xf32, #tpu.memory_space<hbm>>
    tpu.wait_indirect_dma semaphore(%arg13 : memref<!tpu.dma_semaphore, #tpu.memory_space<semaphore_mem>>) src(%dma_wait3A_334 : memref<10000x128xf32, #tpu.memory_space<hbm>>) dst(%arg9 : memref<80x128xf32, #tpu.memory_space<vmem>>)
    %dma_start3A_335 = arith.constant 0 : i32
    %dma_start3A_336 = arith.constant 0 : i32
    %dma_start3A_337 = tpu.memref_slice %arg8[%dma_start3A_335, %dma_start3A_336] : memref<25x80xi32, #tpu.memory_space<vmem>> -> memref<1x80xi32, #tpu.memory_space<vmem>>
    %dma_start3A_338 = tpu.memref_squeeze %dma_start3A_337 : memref<1x80xi32, #tpu.memory_space<vmem>> -> memref<80xi32, #tpu.memory_space<vmem>>
    %dma_start3A_339 = arith.constant 0 : i32
    %dma_start3A_340 = arith.constant 0 : i32
    %dma_start3A_341 = tpu.memref_slice %arg12[%dma_start3A_339, %dma_start3A_340] : memref<10240x128xf32, #tpu.memory_space<vmem_shared>> -> memref<10240x128xf32, #tpu.memory_space<vmem_shared>>
    tpu.enqueue_indirect_dma source(%arg9 : memref<80x128xf32, #tpu.memory_space<vmem>>) target(%dma_start3A_341 : memref<10240x128xf32, #tpu.memory_space<vmem_shared>>) offsets(%dma_start3A_338 : memref<80xi32, #tpu.memory_space<vmem>>) semaphore(%arg16 : memref<!tpu.dma_semaphore, #tpu.memory_space<semaphore_mem>>) {add = true}
    %dma_start3A_342 = arith.constant 2 : i32
    %dma_start3A_343 = arith.constant 0 : i32
    %dma_start3A_344 = tpu.memref_slice %arg6[%dma_start3A_342, %dma_start3A_343] : memref<25x80xi32, #tpu.memory_space<vmem>> -> memref<1x80xi32, #tpu.memory_space<vmem>>
    %dma_start3A_345 = tpu.memref_squeeze %dma_start3A_344 : memref<1x80xi32, #tpu.memory_space<vmem>> -> memref<80xi32, #tpu.memory_space<vmem>>
    %dma_start3A_346 = arith.constant 0 : i32
    %dma_start3A_347 = arith.constant 0 : i32
    %dma_start3A_348 = tpu.memref_slice %arg2[%dma_start3A_346, %dma_start3A_347] : memref<10000x128xf32, #tpu.memory_space<hbm>> -> memref<10000x128xf32, #tpu.memory_space<hbm>>
    tpu.enqueue_indirect_dma source(%dma_start3A_348 : memref<10000x128xf32, #tpu.memory_space<hbm>>) target(%arg11 : memref<80x128xf32, #tpu.memory_space<vmem>>) offsets(%dma_start3A_345 : memref<80xi32, #tpu.memory_space<vmem>>) semaphore(%arg15 : memref<!tpu.dma_semaphore, #tpu.memory_space<semaphore_mem>>)
    %dma_wait3A_349 = arith.constant 1 : i32
    %dma_wait3A_350 = arith.constant 0 : i32
    %dma_wait3A_351 = tpu.memref_slice %arg6[%dma_wait3A_349, %dma_wait3A_350] : memref<25x80xi32, #tpu.memory_space<vmem>> -> memref<1x80xi32, #tpu.memory_space<vmem>>
    %dma_wait3A_352 = tpu.memref_squeeze %dma_wait3A_351 : memref<1x80xi32, #tpu.memory_space<vmem>> -> memref<80xi32, #tpu.memory_space<vmem>>
    %dma_wait3A_353 = arith.constant 0 : i32
    %dma_wait3A_354 = arith.constant 0 : i32
    %dma_wait3A_355 = tpu.memref_slice %arg2[%dma_wait3A_353, %dma_wait3A_354] : memref<10000x128xf32, #tpu.memory_space<hbm>> -> memref<10000x128xf32, #tpu.memory_space<hbm>>
    tpu.wait_indirect_dma semaphore(%arg14 : memref<!tpu.dma_semaphore, #tpu.memory_space<semaphore_mem>>) src(%dma_wait3A_355 : memref<10000x128xf32, #tpu.memory_space<hbm>>) dst(%arg10 : memref<80x128xf32, #tpu.memory_space<vmem>>)
    %dma_start3A_356 = arith.constant 1 : i32
    %dma_start3A_357 = arith.constant 0 : i32
    %dma_start3A_358 = tpu.memref_slice %arg8[%dma_start3A_356, %dma_start3A_357] : memref<25x80xi32, #tpu.memory_space<vmem>> -> memref<1x80xi32, #tpu.memory_space<vmem>>
    %dma_start3A_359 = tpu.memref_squeeze %dma_start3A_358 : memref<1x80xi32, #tpu.memory_space<vmem>> -> memref<80xi32, #tpu.memory_space<vmem>>
    %dma_start3A_360 = arith.constant 0 : i32
    %dma_start3A_361 = arith.constant 0 : i32
    %dma_start3A_362 = tpu.memref_slice %arg12[%dma_start3A_360, %dma_start3A_361] : memref<10240x128xf32, #tpu.memory_space<vmem_shared>> -> memref<10240x128xf32, #tpu.memory_space<vmem_shared>>
    tpu.enqueue_indirect_dma source(%arg10 : memref<80x128xf32, #tpu.memory_space<vmem>>) target(%dma_start3A_362 : memref<10240x128xf32, #tpu.memory_space<vmem_shared>>) offsets(%dma_start3A_359 : memref<80xi32, #tpu.memory_space<vmem>>) semaphore(%arg17 : memref<!tpu.dma_semaphore, #tpu.memory_space<semaphore_mem>>) {add = true}
    %dma_wait3A_363 = arith.constant 0 : i32
    %dma_wait3A_364 = arith.constant 0 : i32
    %dma_wait3A_365 = tpu.memref_slice %arg8[%dma_wait3A_363, %dma_wait3A_364] : memref<25x80xi32, #tpu.memory_space<vmem>> -> memref<1x80xi32, #tpu.memory_space<vmem>>
    %dma_wait3A_366 = tpu.memref_squeeze %dma_wait3A_365 : memref<1x80xi32, #tpu.memory_space<vmem>> -> memref<80xi32, #tpu.memory_space<vmem>>
    %dma_wait3A_367 = arith.constant 0 : i32
    %dma_wait3A_368 = arith.constant 0 : i32
    %dma_wait3A_369 = tpu.memref_slice %arg12[%dma_wait3A_367, %dma_wait3A_368] : memref<10240x128xf32, #tpu.memory_space<vmem_shared>> -> memref<10240x128xf32, #tpu.memory_space<vmem_shared>>
    tpu.wait_indirect_dma semaphore(%arg16 : memref<!tpu.dma_semaphore, #tpu.memory_space<semaphore_mem>>) src(%arg9 : memref<80x128xf32, #tpu.memory_space<vmem>>) dst(%dma_wait3A_369 : memref<10240x128xf32, #tpu.memory_space<vmem_shared>>)
    %dma_start3A_370 = arith.constant 3 : i32
    %dma_start3A_371 = arith.constant 0 : i32
    %dma_start3A_372 = tpu.memref_slice %arg6[%dma_start3A_370, %dma_start3A_371] : memref<25x80xi32, #tpu.memory_space<vmem>> -> memref<1x80xi32, #tpu.memory_space<vmem>>
    %dma_start3A_373 = tpu.memref_squeeze %dma_start3A_372 : memref<1x80xi32, #tpu.memory_space<vmem>> -> memref<80xi32, #tpu.memory_space<vmem>>
    %dma_start3A_374 = arith.constant 0 : i32
    %dma_start3A_375 = arith.constant 0 : i32
    %dma_start3A_376 = tpu.memref_slice %arg2[%dma_start3A_374, %dma_start3A_375] : memref<10000x128xf32, #tpu.memory_space<hbm>> -> memref<10000x128xf32, #tpu.memory_space<hbm>>
    tpu.enqueue_indirect_dma source(%dma_start3A_376 : memref<10000x128xf32, #tpu.memory_space<hbm>>) target(%arg9 : memref<80x128xf32, #tpu.memory_space<vmem>>) offsets(%dma_start3A_373 : memref<80xi32, #tpu.memory_space<vmem>>) semaphore(%arg13 : memref<!tpu.dma_semaphore, #tpu.memory_space<semaphore_mem>>)
    %dma_wait3A_377 = arith.constant 2 : i32
    %dma_wait3A_378 = arith.constant 0 : i32
    %dma_wait3A_379 = tpu.memref_slice %arg6[%dma_wait3A_377, %dma_wait3A_378] : memref<25x80xi32, #tpu.memory_space<vmem>> -> memref<1x80xi32, #tpu.memory_space<vmem>>
    %dma_wait3A_380 = tpu.memref_squeeze %dma_wait3A_379 : memref<1x80xi32, #tpu.memory_space<vmem>> -> memref<80xi32, #tpu.memory_space<vmem>>
    %dma_wait3A_381 = arith.constant 0 : i32
    %dma_wait3A_382 = arith.constant 0 : i32
    %dma_wait3A_383 = tpu.memref_slice %arg2[%dma_wait3A_381, %dma_wait3A_382] : memref<10000x128xf32, #tpu.memory_space<hbm>> -> memref<10000x128xf32, #tpu.memory_space<hbm>>
    tpu.wait_indirect_dma semaphore(%arg15 : memref<!tpu.dma_semaphore, #tpu.memory_space<semaphore_mem>>) src(%dma_wait3A_383 : memref<10000x128xf32, #tpu.memory_space<hbm>>) dst(%arg11 : memref<80x128xf32, #tpu.memory_space<vmem>>)
    %dma_start3A_384 = arith.constant 2 : i32
    %dma_start3A_385 = arith.constant 0 : i32
    %dma_start3A_386 = tpu.memref_slice %arg8[%dma_start3A_384, %dma_start3A_385] : memref<25x80xi32, #tpu.memory_space<vmem>> -> memref<1x80xi32, #tpu.memory_space<vmem>>
    %dma_start3A_387 = tpu.memref_squeeze %dma_start3A_386 : memref<1x80xi32, #tpu.memory_space<vmem>> -> memref<80xi32, #tpu.memory_space<vmem>>
    %dma_start3A_388 = arith.constant 0 : i32
    %dma_start3A_389 = arith.constant 0 : i32
    %dma_start3A_390 = tpu.memref_slice %arg12[%dma_start3A_388, %dma_start3A_389] : memref<10240x128xf32, #tpu.memory_space<vmem_shared>> -> memref<10240x128xf32, #tpu.memory_space<vmem_shared>>
    tpu.enqueue_indirect_dma source(%arg11 : memref<80x128xf32, #tpu.memory_space<vmem>>) target(%dma_start3A_390 : memref<10240x128xf32, #tpu.memory_space<vmem_shared>>) offsets(%dma_start3A_387 : memref<80xi32, #tpu.memory_space<vmem>>) semaphore(%arg18 : memref<!tpu.dma_semaphore, #tpu.memory_space<semaphore_mem>>) {add = true}
    %dma_wait3A_391 = arith.constant 1 : i32
    %dma_wait3A_392 = arith.constant 0 : i32
    %dma_wait3A_393 = tpu.memref_slice %arg8[%dma_wait3A_391, %dma_wait3A_392] : memref<25x80xi32, #tpu.memory_space<vmem>> -> memref<1x80xi32, #tpu.memory_space<vmem>>
    %dma_wait3A_394 = tpu.memref_squeeze %dma_wait3A_393 : memref<1x80xi32, #tpu.memory_space<vmem>> -> memref<80xi32, #tpu.memory_space<vmem>>
    %dma_wait3A_395 = arith.constant 0 : i32
    %dma_wait3A_396 = arith.constant 0 : i32
    %dma_wait3A_397 = tpu.memref_slice %arg12[%dma_wait3A_395, %dma_wait3A_396] : memref<10240x128xf32, #tpu.memory_space<vmem_shared>> -> memref<10240x128xf32, #tpu.memory_space<vmem_shared>>
    tpu.wait_indirect_dma semaphore(%arg17 : memref<!tpu.dma_semaphore, #tpu.memory_space<semaphore_mem>>) src(%arg10 : memref<80x128xf32, #tpu.memory_space<vmem>>) dst(%dma_wait3A_397 : memref<10240x128xf32, #tpu.memory_space<vmem_shared>>)
    %dma_start3A_398 = arith.constant 4 : i32
    %dma_start3A_399 = arith.constant 0 : i32
    %dma_start3A_400 = tpu.memref_slice %arg6[%dma_start3A_398, %dma_start3A_399] : memref<25x80xi32, #tpu.memory_space<vmem>> -> memref<1x80xi32, #tpu.memory_space<vmem>>
    %dma_start3A_401 = tpu.memref_squeeze %dma_start3A_400 : memref<1x80xi32, #tpu.memory_space<vmem>> -> memref<80xi32, #tpu.memory_space<vmem>>
    %dma_start3A_402 = arith.constant 0 : i32
    %dma_start3A_403 = arith.constant 0 : i32
    %dma_start3A_404 = tpu.memref_slice %arg2[%dma_start3A_402, %dma_start3A_403] : memref<10000x128xf32, #tpu.memory_space<hbm>> -> memref<10000x128xf32, #tpu.memory_space<hbm>>
    tpu.enqueue_indirect_dma source(%dma_start3A_404 : memref<10000x128xf32, #tpu.memory_space<hbm>>) target(%arg10 : memref<80x128xf32, #tpu.memory_space<vmem>>) offsets(%dma_start3A_401 : memref<80xi32, #tpu.memory_space<vmem>>) semaphore(%arg14 : memref<!tpu.dma_semaphore, #tpu.memory_space<semaphore_mem>>)
    %scan3A_405 = arith.constant 0 : i32
    %scan3A_406 = arith.constant 0 : i32
    %scan3A_407 = arith.constant 7 : i32
    %scan3A_408 = arith.addi %scan3A_406, %scan3A_407 : i32
    %scan3A_409 = arith.constant 1 : i32
    %scan3A_410 = scf.for %scan3A_919 = %scan3A_406 to %scan3A_408 step %scan3A_409 iter_args(%scan3A_920 = %scan3A_405) -> (i32)  : i32 {
      %mul3A_921 = arith.constant 3 : i32
      %mul3A_922 = arith.muli %mul3A_921, %scan3A_919 : i32
      %add3A_923 = arith.constant 3 : i32
      %add3A_924 = arith.addi %add3A_923, %mul3A_922 : i32
      %dma_wait3A_925 = arith.constant 0 : i32
      %dma_wait3A_926 = tpu.memref_slice %arg6[%add3A_924, %dma_wait3A_925] : memref<25x80xi32, #tpu.memory_space<vmem>> -> memref<1x80xi32, #tpu.memory_space<vmem>>
      %dma_wait3A_927 = tpu.memref_squeeze %dma_wait3A_926 : memref<1x80xi32, #tpu.memory_space<vmem>> -> memref<80xi32, #tpu.memory_space<vmem>>
      %dma_wait3A_928 = arith.constant 0 : i32
      %dma_wait3A_929 = arith.constant 0 : i32
      %dma_wait3A_930 = tpu.memref_slice %arg2[%dma_wait3A_928, %dma_wait3A_929] : memref<10000x128xf32, #tpu.memory_space<hbm>> -> memref<10000x128xf32, #tpu.memory_space<hbm>>
      tpu.wait_indirect_dma semaphore(%arg13 : memref<!tpu.dma_semaphore, #tpu.memory_space<semaphore_mem>>) src(%dma_wait3A_930 : memref<10000x128xf32, #tpu.memory_space<hbm>>) dst(%arg9 : memref<80x128xf32, #tpu.memory_space<vmem>>)
      %dma_start3A_931 = arith.constant 0 : i32
      %dma_start3A_932 = tpu.memref_slice %arg8[%add3A_924, %dma_start3A_931] : memref<25x80xi32, #tpu.memory_space<vmem>> -> memref<1x80xi32, #tpu.memory_space<vmem>>
      %dma_start3A_933 = tpu.memref_squeeze %dma_start3A_932 : memref<1x80xi32, #tpu.memory_space<vmem>> -> memref<80xi32, #tpu.memory_space<vmem>>
      %dma_start3A_934 = arith.constant 0 : i32
      %dma_start3A_935 = arith.constant 0 : i32
      %dma_start3A_936 = tpu.memref_slice %arg12[%dma_start3A_934, %dma_start3A_935] : memref<10240x128xf32, #tpu.memory_space<vmem_shared>> -> memref<10240x128xf32, #tpu.memory_space<vmem_shared>>
      tpu.enqueue_indirect_dma source(%arg9 : memref<80x128xf32, #tpu.memory_space<vmem>>) target(%dma_start3A_936 : memref<10240x128xf32, #tpu.memory_space<vmem_shared>>) offsets(%dma_start3A_933 : memref<80xi32, #tpu.memory_space<vmem>>) semaphore(%arg16 : memref<!tpu.dma_semaphore, #tpu.memory_space<semaphore_mem>>) {add = true}
      %sub3A = arith.constant 1 : i32
      %sub3A_937 = arith.subi %add3A_924, %sub3A : i32
      %dma_wait3A_938 = arith.constant 0 : i32
      %dma_wait3A_939 = tpu.memref_slice %arg8[%sub3A_937, %dma_wait3A_938] : memref<25x80xi32, #tpu.memory_space<vmem>> -> memref<1x80xi32, #tpu.memory_space<vmem>>
      %dma_wait3A_940 = tpu.memref_squeeze %dma_wait3A_939 : memref<1x80xi32, #tpu.memory_space<vmem>> -> memref<80xi32, #tpu.memory_space<vmem>>
      %dma_wait3A_941 = arith.constant 0 : i32
      %dma_wait3A_942 = arith.constant 0 : i32
      %dma_wait3A_943 = tpu.memref_slice %arg12[%dma_wait3A_941, %dma_wait3A_942] : memref<10240x128xf32, #tpu.memory_space<vmem_shared>> -> memref<10240x128xf32, #tpu.memory_space<vmem_shared>>
      tpu.wait_indirect_dma semaphore(%arg18 : memref<!tpu.dma_semaphore, #tpu.memory_space<semaphore_mem>>) src(%arg11 : memref<80x128xf32, #tpu.memory_space<vmem>>) dst(%dma_wait3A_943 : memref<10240x128xf32, #tpu.memory_space<vmem_shared>>)
      %add3A_944 = arith.constant 2 : i32
      %add3A_945 = arith.addi %add3A_924, %add3A_944 : i32
      %dma_start3A_946 = arith.constant 0 : i32
      %dma_start3A_947 = tpu.memref_slice %arg6[%add3A_945, %dma_start3A_946] : memref<25x80xi32, #tpu.memory_space<vmem>> -> memref<1x80xi32, #tpu.memory_space<vmem>>
      %dma_start3A_948 = tpu.memref_squeeze %dma_start3A_947 : memref<1x80xi32, #tpu.memory_space<vmem>> -> memref<80xi32, #tpu.memory_space<vmem>>
      %dma_start3A_949 = arith.constant 0 : i32
      %dma_start3A_950 = arith.constant 0 : i32
      %dma_start3A_951 = tpu.memref_slice %arg2[%dma_start3A_949, %dma_start3A_950] : memref<10000x128xf32, #tpu.memory_space<hbm>> -> memref<10000x128xf32, #tpu.memory_space<hbm>>
      tpu.enqueue_indirect_dma source(%dma_start3A_951 : memref<10000x128xf32, #tpu.memory_space<hbm>>) target(%arg11 : memref<80x128xf32, #tpu.memory_space<vmem>>) offsets(%dma_start3A_948 : memref<80xi32, #tpu.memory_space<vmem>>) semaphore(%arg15 : memref<!tpu.dma_semaphore, #tpu.memory_space<semaphore_mem>>)
      %add3A_952 = arith.constant 1 : i32
      %add3A_953 = arith.addi %add3A_924, %add3A_952 : i32
      %dma_wait3A_954 = arith.constant 0 : i32
      %dma_wait3A_955 = tpu.memref_slice %arg6[%add3A_953, %dma_wait3A_954] : memref<25x80xi32, #tpu.memory_space<vmem>> -> memref<1x80xi32, #tpu.memory_space<vmem>>
      %dma_wait3A_956 = tpu.memref_squeeze %dma_wait3A_955 : memref<1x80xi32, #tpu.memory_space<vmem>> -> memref<80xi32, #tpu.memory_space<vmem>>
      %dma_wait3A_957 = arith.constant 0 : i32
      %dma_wait3A_958 = arith.constant 0 : i32
      %dma_wait3A_959 = tpu.memref_slice %arg2[%dma_wait3A_957, %dma_wait3A_958] : memref<10000x128xf32, #tpu.memory_space<hbm>> -> memref<10000x128xf32, #tpu.memory_space<hbm>>
      tpu.wait_indirect_dma semaphore(%arg14 : memref<!tpu.dma_semaphore, #tpu.memory_space<semaphore_mem>>) src(%dma_wait3A_959 : memref<10000x128xf32, #tpu.memory_space<hbm>>) dst(%arg10 : memref<80x128xf32, #tpu.memory_space<vmem>>)
      %add3A_960 = arith.constant 1 : i32
      %add3A_961 = arith.addi %add3A_924, %add3A_960 : i32
      %dma_start3A_962 = arith.constant 0 : i32
      %dma_start3A_963 = tpu.memref_slice %arg8[%add3A_961, %dma_start3A_962] : memref<25x80xi32, #tpu.memory_space<vmem>> -> memref<1x80xi32, #tpu.memory_space<vmem>>
      %dma_start3A_964 = tpu.memref_squeeze %dma_start3A_963 : memref<1x80xi32, #tpu.memory_space<vmem>> -> memref<80xi32, #tpu.memory_space<vmem>>
      %dma_start3A_965 = arith.constant 0 : i32
      %dma_start3A_966 = arith.constant 0 : i32
      %dma_start3A_967 = tpu.memref_slice %arg12[%dma_start3A_965, %dma_start3A_966] : memref<10240x128xf32, #tpu.memory_space<vmem_shared>> -> memref<10240x128xf32, #tpu.memory_space<vmem_shared>>
      tpu.enqueue_indirect_dma source(%arg10 : memref<80x128xf32, #tpu.memory_space<vmem>>) target(%dma_start3A_967 : memref<10240x128xf32, #tpu.memory_space<vmem_shared>>) offsets(%dma_start3A_964 : memref<80xi32, #tpu.memory_space<vmem>>) semaphore(%arg17 : memref<!tpu.dma_semaphore, #tpu.memory_space<semaphore_mem>>) {add = true}
      %dma_wait3A_968 = arith.constant 0 : i32
      %dma_wait3A_969 = tpu.memref_slice %arg8[%add3A_924, %dma_wait3A_968] : memref<25x80xi32, #tpu.memory_space<vmem>> -> memref<1x80xi32, #tpu.memory_space<vmem>>
      %dma_wait3A_970 = tpu.memref_squeeze %dma_wait3A_969 : memref<1x80xi32, #tpu.memory_space<vmem>> -> memref<80xi32, #tpu.memory_space<vmem>>
      %dma_wait3A_971 = arith.constant 0 : i32
      %dma_wait3A_972 = arith.constant 0 : i32
      %dma_wait3A_973 = tpu.memref_slice %arg12[%dma_wait3A_971, %dma_wait3A_972] : memref<10240x128xf32, #tpu.memory_space<vmem_shared>> -> memref<10240x128xf32, #tpu.memory_space<vmem_shared>>
      tpu.wait_indirect_dma semaphore(%arg16 : memref<!tpu.dma_semaphore, #tpu.memory_space<semaphore_mem>>) src(%arg9 : memref<80x128xf32, #tpu.memory_space<vmem>>) dst(%dma_wait3A_973 : memref<10240x128xf32, #tpu.memory_space<vmem_shared>>)
      %add3A_974 = arith.constant 3 : i32
      %add3A_975 = arith.addi %add3A_924, %add3A_974 : i32
      %dma_start3A_976 = arith.constant 0 : i32
      %dma_start3A_977 = tpu.memref_slice %arg6[%add3A_975, %dma_start3A_976] : memref<25x80xi32, #tpu.memory_space<vmem>> -> memref<1x80xi32, #tpu.memory_space<vmem>>
      %dma_start3A_978 = tpu.memref_squeeze %dma_start3A_977 : memref<1x80xi32, #tpu.memory_space<vmem>> -> memref<80xi32, #tpu.memory_space<vmem>>
      %dma_start3A_979 = arith.constant 0 : i32
      %dma_start3A_980 = arith.constant 0 : i32
      %dma_start3A_981 = tpu.memref_slice %arg2[%dma_start3A_979, %dma_start3A_980] : memref<10000x128xf32, #tpu.memory_space<hbm>> -> memref<10000x128xf32, #tpu.memory_space<hbm>>
      tpu.enqueue_indirect_dma source(%dma_start3A_981 : memref<10000x128xf32, #tpu.memory_space<hbm>>) target(%arg9 : memref<80x128xf32, #tpu.memory_space<vmem>>) offsets(%dma_start3A_978 : memref<80xi32, #tpu.memory_space<vmem>>) semaphore(%arg13 : memref<!tpu.dma_semaphore, #tpu.memory_space<semaphore_mem>>)
      %add3A_982 = arith.constant 2 : i32
      %add3A_983 = arith.addi %add3A_924, %add3A_982 : i32
      %dma_wait3A_984 = arith.constant 0 : i32
      %dma_wait3A_985 = tpu.memref_slice %arg6[%add3A_983, %dma_wait3A_984] : memref<25x80xi32, #tpu.memory_space<vmem>> -> memref<1x80xi32, #tpu.memory_space<vmem>>
      %dma_wait3A_986 = tpu.memref_squeeze %dma_wait3A_985 : memref<1x80xi32, #tpu.memory_space<vmem>> -> memref<80xi32, #tpu.memory_space<vmem>>
      %dma_wait3A_987 = arith.constant 0 : i32
      %dma_wait3A_988 = arith.constant 0 : i32
      %dma_wait3A_989 = tpu.memref_slice %arg2[%dma_wait3A_987, %dma_wait3A_988] : memref<10000x128xf32, #tpu.memory_space<hbm>> -> memref<10000x128xf32, #tpu.memory_space<hbm>>
      tpu.wait_indirect_dma semaphore(%arg15 : memref<!tpu.dma_semaphore, #tpu.memory_space<semaphore_mem>>) src(%dma_wait3A_989 : memref<10000x128xf32, #tpu.memory_space<hbm>>) dst(%arg11 : memref<80x128xf32, #tpu.memory_space<vmem>>)
      %add3A_990 = arith.constant 2 : i32
      %add3A_991 = arith.addi %add3A_924, %add3A_990 : i32
      %dma_start3A_992 = arith.constant 0 : i32
      %dma_start3A_993 = tpu.memref_slice %arg8[%add3A_991, %dma_start3A_992] : memref<25x80xi32, #tpu.memory_space<vmem>> -> memref<1x80xi32, #tpu.memory_space<vmem>>
      %dma_start3A_994 = tpu.memref_squeeze %dma_start3A_993 : memref<1x80xi32, #tpu.memory_space<vmem>> -> memref<80xi32, #tpu.memory_space<vmem>>
      %dma_start3A_995 = arith.constant 0 : i32
      %dma_start3A_996 = arith.constant 0 : i32
      %dma_start3A_997 = tpu.memref_slice %arg12[%dma_start3A_995, %dma_start3A_996] : memref<10240x128xf32, #tpu.memory_space<vmem_shared>> -> memref<10240x128xf32, #tpu.memory_space<vmem_shared>>
      tpu.enqueue_indirect_dma source(%arg11 : memref<80x128xf32, #tpu.memory_space<vmem>>) target(%dma_start3A_997 : memref<10240x128xf32, #tpu.memory_space<vmem_shared>>) offsets(%dma_start3A_994 : memref<80xi32, #tpu.memory_space<vmem>>) semaphore(%arg18 : memref<!tpu.dma_semaphore, #tpu.memory_space<semaphore_mem>>) {add = true}
      %add3A_998 = arith.constant 1 : i32
      %add3A_999 = arith.addi %add3A_924, %add3A_998 : i32
      %dma_wait3A_1000 = arith.constant 0 : i32
      %dma_wait3A_1001 = tpu.memref_slice %arg8[%add3A_999, %dma_wait3A_1000] : memref<25x80xi32, #tpu.memory_space<vmem>> -> memref<1x80xi32, #tpu.memory_space<vmem>>
      %dma_wait3A_1002 = tpu.memref_squeeze %dma_wait3A_1001 : memref<1x80xi32, #tpu.memory_space<vmem>> -> memref<80xi32, #tpu.memory_space<vmem>>
      %dma_wait3A_1003 = arith.constant 0 : i32
      %dma_wait3A_1004 = arith.constant 0 : i32
      %dma_wait3A_1005 = tpu.memref_slice %arg12[%dma_wait3A_1003, %dma_wait3A_1004] : memref<10240x128xf32, #tpu.memory_space<vmem_shared>> -> memref<10240x128xf32, #tpu.memory_space<vmem_shared>>
      tpu.wait_indirect_dma semaphore(%arg17 : memref<!tpu.dma_semaphore, #tpu.memory_space<semaphore_mem>>) src(%arg10 : memref<80x128xf32, #tpu.memory_space<vmem>>) dst(%dma_wait3A_1005 : memref<10240x128xf32, #tpu.memory_space<vmem_shared>>)
      %add3A_1006 = arith.constant 4 : i32
      %add3A_1007 = arith.addi %add3A_924, %add3A_1006 : i32
      %lt3A = arith.constant 25 : i32
      %lt3A_1008 = arith.cmpi slt, %add3A_1007, %lt3A : i32
      %convert_element_type3A = arith.extui %lt3A_1008 : i1 to i32
      %cond3A = arith.constant 0 : i32
      %cond3A_1009 = arith.cmpi ne, %convert_element_type3A, %cond3A : i32
      scf.if %cond3A_1009 {
        %add3A_1011 = arith.constant 4 : i32
        %add3A_1012 = arith.addi %add3A_924, %add3A_1011 : i32
        %dma_start3A_1013 = arith.constant 0 : i32
        %dma_start3A_1014 = tpu.memref_slice %arg6[%add3A_1012, %dma_start3A_1013] : memref<25x80xi32, #tpu.memory_space<vmem>> -> memref<1x80xi32, #tpu.memory_space<vmem>>
        %dma_start3A_1015 = tpu.memref_squeeze %dma_start3A_1014 : memref<1x80xi32, #tpu.memory_space<vmem>> -> memref<80xi32, #tpu.memory_space<vmem>>
        %dma_start3A_1016 = arith.constant 0 : i32
        %dma_start3A_1017 = arith.constant 0 : i32
        %dma_start3A_1018 = tpu.memref_slice %arg2[%dma_start3A_1016, %dma_start3A_1017] : memref<10000x128xf32, #tpu.memory_space<hbm>> -> memref<10000x128xf32, #tpu.memory_space<hbm>>
        tpu.enqueue_indirect_dma source(%dma_start3A_1018 : memref<10000x128xf32, #tpu.memory_space<hbm>>) target(%arg10 : memref<80x128xf32, #tpu.memory_space<vmem>>) offsets(%dma_start3A_1015 : memref<80xi32, #tpu.memory_space<vmem>>) semaphore(%arg14 : memref<!tpu.dma_semaphore, #tpu.memory_space<semaphore_mem>>)
      } else {
      }
      %scan3A_1010 = arith.constant 0 : i32
      scf.yield %scan3A_1010 : i32
    }
    %scan3A_411 = arith.constant 7 : i32
    %dma_wait3A_412 = arith.constant 24 : i32
    %dma_wait3A_413 = arith.constant 0 : i32
    %dma_wait3A_414 = tpu.memref_slice %arg6[%dma_wait3A_412, %dma_wait3A_413] : memref<25x80xi32, #tpu.memory_space<vmem>> -> memref<1x80xi32, #tpu.memory_space<vmem>>
    %dma_wait3A_415 = tpu.memref_squeeze %dma_wait3A_414 : memref<1x80xi32, #tpu.memory_space<vmem>> -> memref<80xi32, #tpu.memory_space<vmem>>
    %dma_wait3A_416 = arith.constant 0 : i32
    %dma_wait3A_417 = arith.constant 0 : i32
    %dma_wait3A_418 = tpu.memref_slice %arg2[%dma_wait3A_416, %dma_wait3A_417] : memref<10000x128xf32, #tpu.memory_space<hbm>> -> memref<10000x128xf32, #tpu.memory_space<hbm>>
    tpu.wait_indirect_dma semaphore(%arg13 : memref<!tpu.dma_semaphore, #tpu.memory_space<semaphore_mem>>) src(%dma_wait3A_418 : memref<10000x128xf32, #tpu.memory_space<hbm>>) dst(%arg9 : memref<80x128xf32, #tpu.memory_space<vmem>>)
    %dma_start3A_419 = arith.constant 24 : i32
    %dma_start3A_420 = arith.constant 0 : i32
    %dma_start3A_421 = tpu.memref_slice %arg8[%dma_start3A_419, %dma_start3A_420] : memref<25x80xi32, #tpu.memory_space<vmem>> -> memref<1x80xi32, #tpu.memory_space<vmem>>
    %dma_start3A_422 = tpu.memref_squeeze %dma_start3A_421 : memref<1x80xi32, #tpu.memory_space<vmem>> -> memref<80xi32, #tpu.memory_space<vmem>>
    %dma_start3A_423 = arith.constant 0 : i32
    %dma_start3A_424 = arith.constant 0 : i32
    %dma_start3A_425 = tpu.memref_slice %arg12[%dma_start3A_423, %dma_start3A_424] : memref<10240x128xf32, #tpu.memory_space<vmem_shared>> -> memref<10240x128xf32, #tpu.memory_space<vmem_shared>>
    tpu.enqueue_indirect_dma source(%arg9 : memref<80x128xf32, #tpu.memory_space<vmem>>) target(%dma_start3A_425 : memref<10240x128xf32, #tpu.memory_space<vmem_shared>>) offsets(%dma_start3A_422 : memref<80xi32, #tpu.memory_space<vmem>>) semaphore(%arg16 : memref<!tpu.dma_semaphore, #tpu.memory_space<semaphore_mem>>) {add = true}
    %dma_wait3A_426 = arith.constant 23 : i32
    %dma_wait3A_427 = arith.constant 0 : i32
    %dma_wait3A_428 = tpu.memref_slice %arg8[%dma_wait3A_426, %dma_wait3A_427] : memref<25x80xi32, #tpu.memory_space<vmem>> -> memref<1x80xi32, #tpu.memory_space<vmem>>
    %dma_wait3A_429 = tpu.memref_squeeze %dma_wait3A_428 : memref<1x80xi32, #tpu.memory_space<vmem>> -> memref<80xi32, #tpu.memory_space<vmem>>
    %dma_wait3A_430 = arith.constant 0 : i32
    %dma_wait3A_431 = arith.constant 0 : i32
    %dma_wait3A_432 = tpu.memref_slice %arg12[%dma_wait3A_430, %dma_wait3A_431] : memref<10240x128xf32, #tpu.memory_space<vmem_shared>> -> memref<10240x128xf32, #tpu.memory_space<vmem_shared>>
    tpu.wait_indirect_dma semaphore(%arg18 : memref<!tpu.dma_semaphore, #tpu.memory_space<semaphore_mem>>) src(%arg11 : memref<80x128xf32, #tpu.memory_space<vmem>>) dst(%dma_wait3A_432 : memref<10240x128xf32, #tpu.memory_space<vmem_shared>>)
    %dma_wait3A_433 = arith.constant 24 : i32
    %dma_wait3A_434 = arith.constant 0 : i32
    %dma_wait3A_435 = tpu.memref_slice %arg8[%dma_wait3A_433, %dma_wait3A_434] : memref<25x80xi32, #tpu.memory_space<vmem>> -> memref<1x80xi32, #tpu.memory_space<vmem>>
    %dma_wait3A_436 = tpu.memref_squeeze %dma_wait3A_435 : memref<1x80xi32, #tpu.memory_space<vmem>> -> memref<80xi32, #tpu.memory_space<vmem>>
    %dma_wait3A_437 = arith.constant 0 : i32
    %dma_wait3A_438 = arith.constant 0 : i32
    %dma_wait3A_439 = tpu.memref_slice %arg12[%dma_wait3A_437, %dma_wait3A_438] : memref<10240x128xf32, #tpu.memory_space<vmem_shared>> -> memref<10240x128xf32, #tpu.memory_space<vmem_shared>>
    tpu.wait_indirect_dma semaphore(%arg16 : memref<!tpu.dma_semaphore, #tpu.memory_space<semaphore_mem>>) src(%arg9 : memref<80x128xf32, #tpu.memory_space<vmem>>) dst(%dma_wait3A_439 : memref<10240x128xf32, #tpu.memory_space<vmem_shared>>)
    %dma_wait3A_440 = arith.constant 0 : i32
    %dma_wait3A_441 = arith.constant 2 : i32
    %dma_wait3A_442 = arith.constant 0 : i32
    %dma_wait3A_443 = arith.constant 0 : i32
    %dma_wait3A_444 = tpu.memref_slice %arg3[%dma_wait3A_440, %add3A, %dma_wait3A_441, %dma_wait3A_442, %dma_wait3A_443] : memref<2x32x5x25x80xi32, #tpu.memory_space<hbm>> -> memref<1x1x1x25x80xi32, #tpu.memory_space<hbm>>
    %dma_wait3A_445 = tpu.memref_squeeze %dma_wait3A_444 : memref<1x1x1x25x80xi32, #tpu.memory_space<hbm>> -> memref<25x80xi32, #tpu.memory_space<hbm>>
    %dma_wait3A_446 = arith.constant 0 : i32
    %dma_wait3A_447 = arith.constant 0 : i32
    %dma_wait3A_448 = tpu.memref_slice %arg3[%dma_wait3A_440, %add3A, %dma_wait3A_441, %dma_wait3A_446, %dma_wait3A_447] : memref<2x32x5x25x80xi32, #tpu.memory_space<hbm>> -> memref<1x1x1x25x80xi32, #tpu.memory_space<hbm>>
    %dma_wait3A_449 = tpu.memref_squeeze %dma_wait3A_448 : memref<1x1x1x25x80xi32, #tpu.memory_space<hbm>> -> memref<25x80xi32, #tpu.memory_space<hbm>>
    tpu.wait_dma2 semaphore(%arg19 : memref<!tpu.dma_semaphore, #tpu.memory_space<semaphore_mem>>) src(%dma_wait3A_449 : memref<25x80xi32, #tpu.memory_space<hbm>>) dst(%arg5 : memref<25x80xi32, #tpu.memory_space<vmem>>)
    %dma_wait3A_450 = arith.constant 1 : i32
    %dma_wait3A_451 = arith.constant 2 : i32
    %dma_wait3A_452 = arith.constant 0 : i32
    %dma_wait3A_453 = arith.constant 0 : i32
    %dma_wait3A_454 = tpu.memref_slice %arg3[%dma_wait3A_450, %add3A, %dma_wait3A_451, %dma_wait3A_452, %dma_wait3A_453] : memref<2x32x5x25x80xi32, #tpu.memory_space<hbm>> -> memref<1x1x1x25x80xi32, #tpu.memory_space<hbm>>
    %dma_wait3A_455 = tpu.memref_squeeze %dma_wait3A_454 : memref<1x1x1x25x80xi32, #tpu.memory_space<hbm>> -> memref<25x80xi32, #tpu.memory_space<hbm>>
    %dma_wait3A_456 = arith.constant 0 : i32
    %dma_wait3A_457 = arith.constant 0 : i32
    %dma_wait3A_458 = tpu.memref_slice %arg3[%dma_wait3A_450, %add3A, %dma_wait3A_451, %dma_wait3A_456, %dma_wait3A_457] : memref<2x32x5x25x80xi32, #tpu.memory_space<hbm>> -> memref<1x1x1x25x80xi32, #tpu.memory_space<hbm>>
    %dma_wait3A_459 = tpu.memref_squeeze %dma_wait3A_458 : memref<1x1x1x25x80xi32, #tpu.memory_space<hbm>> -> memref<25x80xi32, #tpu.memory_space<hbm>>
    tpu.wait_dma2 semaphore(%arg19 : memref<!tpu.dma_semaphore, #tpu.memory_space<semaphore_mem>>) src(%dma_wait3A_459 : memref<25x80xi32, #tpu.memory_space<hbm>>) dst(%arg7 : memref<25x80xi32, #tpu.memory_space<vmem>>)
    %dma_start3A_460 = arith.constant 0 : i32
    %dma_start3A_461 = arith.constant 3 : i32
    %dma_start3A_462 = arith.constant 0 : i32
    %dma_start3A_463 = arith.constant 0 : i32
    %dma_start3A_464 = tpu.memref_slice %arg3[%dma_start3A_460, %add3A, %dma_start3A_461, %dma_start3A_462, %dma_start3A_463] : memref<2x32x5x25x80xi32, #tpu.memory_space<hbm>> -> memref<1x1x1x25x80xi32, #tpu.memory_space<hbm>>
    %dma_start3A_465 = tpu.memref_squeeze %dma_start3A_464 : memref<1x1x1x25x80xi32, #tpu.memory_space<hbm>> -> memref<25x80xi32, #tpu.memory_space<hbm>>
    %dma_start3A_466 = arith.constant 0 : i32
    %dma_start3A_467 = arith.constant 0 : i32
    %dma_start3A_468 = tpu.memref_slice %arg3[%dma_start3A_460, %add3A, %dma_start3A_461, %dma_start3A_466, %dma_start3A_467] : memref<2x32x5x25x80xi32, #tpu.memory_space<hbm>> -> memref<1x1x1x25x80xi32, #tpu.memory_space<hbm>>
    %dma_start3A_469 = tpu.memref_squeeze %dma_start3A_468 : memref<1x1x1x25x80xi32, #tpu.memory_space<hbm>> -> memref<25x80xi32, #tpu.memory_space<hbm>>
    tpu.enqueue_dma source(%dma_start3A_469 : memref<25x80xi32, #tpu.memory_space<hbm>>) target(%arg6 : memref<25x80xi32, #tpu.memory_space<vmem>>) target_semaphore(%arg20 : memref<!tpu.dma_semaphore, #tpu.memory_space<semaphore_mem>>)
    %dma_start3A_470 = arith.constant 1 : i32
    %dma_start3A_471 = arith.constant 3 : i32
    %dma_start3A_472 = arith.constant 0 : i32
    %dma_start3A_473 = arith.constant 0 : i32
    %dma_start3A_474 = tpu.memref_slice %arg3[%dma_start3A_470, %add3A, %dma_start3A_471, %dma_start3A_472, %dma_start3A_473] : memref<2x32x5x25x80xi32, #tpu.memory_space<hbm>> -> memref<1x1x1x25x80xi32, #tpu.memory_space<hbm>>
    %dma_start3A_475 = tpu.memref_squeeze %dma_start3A_474 : memref<1x1x1x25x80xi32, #tpu.memory_space<hbm>> -> memref<25x80xi32, #tpu.memory_space<hbm>>
    %dma_start3A_476 = arith.constant 0 : i32
    %dma_start3A_477 = arith.constant 0 : i32
    %dma_start3A_478 = tpu.memref_slice %arg3[%dma_start3A_470, %add3A, %dma_start3A_471, %dma_start3A_476, %dma_start3A_477] : memref<2x32x5x25x80xi32, #tpu.memory_space<hbm>> -> memref<1x1x1x25x80xi32, #tpu.memory_space<hbm>>
    %dma_start3A_479 = tpu.memref_squeeze %dma_start3A_478 : memref<1x1x1x25x80xi32, #tpu.memory_space<hbm>> -> memref<25x80xi32, #tpu.memory_space<hbm>>
    tpu.enqueue_dma source(%dma_start3A_479 : memref<25x80xi32, #tpu.memory_space<hbm>>) target(%arg8 : memref<25x80xi32, #tpu.memory_space<vmem>>) target_semaphore(%arg20 : memref<!tpu.dma_semaphore, #tpu.memory_space<semaphore_mem>>)
    %dma_start3A_480 = arith.constant 0 : i32
    %dma_start3A_481 = arith.constant 0 : i32
    %dma_start3A_482 = tpu.memref_slice %arg5[%dma_start3A_480, %dma_start3A_481] : memref<25x80xi32, #tpu.memory_space<vmem>> -> memref<1x80xi32, #tpu.memory_space<vmem>>
    %dma_start3A_483 = tpu.memref_squeeze %dma_start3A_482 : memref<1x80xi32, #tpu.memory_space<vmem>> -> memref<80xi32, #tpu.memory_space<vmem>>
    %dma_start3A_484 = arith.constant 0 : i32
    %dma_start3A_485 = arith.constant 0 : i32
    %dma_start3A_486 = tpu.memref_slice %arg2[%dma_start3A_484, %dma_start3A_485] : memref<10000x128xf32, #tpu.memory_space<hbm>> -> memref<10000x128xf32, #tpu.memory_space<hbm>>
    tpu.enqueue_indirect_dma source(%dma_start3A_486 : memref<10000x128xf32, #tpu.memory_space<hbm>>) target(%arg9 : memref<80x128xf32, #tpu.memory_space<vmem>>) offsets(%dma_start3A_483 : memref<80xi32, #tpu.memory_space<vmem>>) semaphore(%arg13 : memref<!tpu.dma_semaphore, #tpu.memory_space<semaphore_mem>>)
    %dma_start3A_487 = arith.constant 1 : i32
    %dma_start3A_488 = arith.constant 0 : i32
    %dma_start3A_489 = tpu.memref_slice %arg5[%dma_start3A_487, %dma_start3A_488] : memref<25x80xi32, #tpu.memory_space<vmem>> -> memref<1x80xi32, #tpu.memory_space<vmem>>
    %dma_start3A_490 = tpu.memref_squeeze %dma_start3A_489 : memref<1x80xi32, #tpu.memory_space<vmem>> -> memref<80xi32, #tpu.memory_space<vmem>>
    %dma_start3A_491 = arith.constant 0 : i32
    %dma_start3A_492 = arith.constant 0 : i32
    %dma_start3A_493 = tpu.memref_slice %arg2[%dma_start3A_491, %dma_start3A_492] : memref<10000x128xf32, #tpu.memory_space<hbm>> -> memref<10000x128xf32, #tpu.memory_space<hbm>>
    tpu.enqueue_indirect_dma source(%dma_start3A_493 : memref<10000x128xf32, #tpu.memory_space<hbm>>) target(%arg10 : memref<80x128xf32, #tpu.memory_space<vmem>>) offsets(%dma_start3A_490 : memref<80xi32, #tpu.memory_space<vmem>>) semaphore(%arg14 : memref<!tpu.dma_semaphore, #tpu.memory_space<semaphore_mem>>)
    %dma_wait3A_494 = arith.constant 0 : i32
    %dma_wait3A_495 = arith.constant 0 : i32
    %dma_wait3A_496 = tpu.memref_slice %arg5[%dma_wait3A_494, %dma_wait3A_495] : memref<25x80xi32, #tpu.memory_space<vmem>> -> memref<1x80xi32, #tpu.memory_space<vmem>>
    %dma_wait3A_497 = tpu.memref_squeeze %dma_wait3A_496 : memref<1x80xi32, #tpu.memory_space<vmem>> -> memref<80xi32, #tpu.memory_space<vmem>>
    %dma_wait3A_498 = arith.constant 0 : i32
    %dma_wait3A_499 = arith.constant 0 : i32
    %dma_wait3A_500 = tpu.memref_slice %arg2[%dma_wait3A_498, %dma_wait3A_499] : memref<10000x128xf32, #tpu.memory_space<hbm>> -> memref<10000x128xf32, #tpu.memory_space<hbm>>
    tpu.wait_indirect_dma semaphore(%arg13 : memref<!tpu.dma_semaphore, #tpu.memory_space<semaphore_mem>>) src(%dma_wait3A_500 : memref<10000x128xf32, #tpu.memory_space<hbm>>) dst(%arg9 : memref<80x128xf32, #tpu.memory_space<vmem>>)
    %dma_start3A_501 = arith.constant 0 : i32
    %dma_start3A_502 = arith.constant 0 : i32
    %dma_start3A_503 = tpu.memref_slice %arg7[%dma_start3A_501, %dma_start3A_502] : memref<25x80xi32, #tpu.memory_space<vmem>> -> memref<1x80xi32, #tpu.memory_space<vmem>>
    %dma_start3A_504 = tpu.memref_squeeze %dma_start3A_503 : memref<1x80xi32, #tpu.memory_space<vmem>> -> memref<80xi32, #tpu.memory_space<vmem>>
    %dma_start3A_505 = arith.constant 0 : i32
    %dma_start3A_506 = arith.constant 0 : i32
    %dma_start3A_507 = tpu.memref_slice %arg12[%dma_start3A_505, %dma_start3A_506] : memref<10240x128xf32, #tpu.memory_space<vmem_shared>> -> memref<10240x128xf32, #tpu.memory_space<vmem_shared>>
    tpu.enqueue_indirect_dma source(%arg9 : memref<80x128xf32, #tpu.memory_space<vmem>>) target(%dma_start3A_507 : memref<10240x128xf32, #tpu.memory_space<vmem_shared>>) offsets(%dma_start3A_504 : memref<80xi32, #tpu.memory_space<vmem>>) semaphore(%arg16 : memref<!tpu.dma_semaphore, #tpu.memory_space<semaphore_mem>>) {add = true}
    %dma_start3A_508 = arith.constant 2 : i32
    %dma_start3A_509 = arith.constant 0 : i32
    %dma_start3A_510 = tpu.memref_slice %arg5[%dma_start3A_508, %dma_start3A_509] : memref<25x80xi32, #tpu.memory_space<vmem>> -> memref<1x80xi32, #tpu.memory_space<vmem>>
    %dma_start3A_511 = tpu.memref_squeeze %dma_start3A_510 : memref<1x80xi32, #tpu.memory_space<vmem>> -> memref<80xi32, #tpu.memory_space<vmem>>
    %dma_start3A_512 = arith.constant 0 : i32
    %dma_start3A_513 = arith.constant 0 : i32
    %dma_start3A_514 = tpu.memref_slice %arg2[%dma_start3A_512, %dma_start3A_513] : memref<10000x128xf32, #tpu.memory_space<hbm>> -> memref<10000x128xf32, #tpu.memory_space<hbm>>
    tpu.enqueue_indirect_dma source(%dma_start3A_514 : memref<10000x128xf32, #tpu.memory_space<hbm>>) target(%arg11 : memref<80x128xf32, #tpu.memory_space<vmem>>) offsets(%dma_start3A_511 : memref<80xi32, #tpu.memory_space<vmem>>) semaphore(%arg15 : memref<!tpu.dma_semaphore, #tpu.memory_space<semaphore_mem>>)
    %dma_wait3A_515 = arith.constant 1 : i32
    %dma_wait3A_516 = arith.constant 0 : i32
    %dma_wait3A_517 = tpu.memref_slice %arg5[%dma_wait3A_515, %dma_wait3A_516] : memref<25x80xi32, #tpu.memory_space<vmem>> -> memref<1x80xi32, #tpu.memory_space<vmem>>
    %dma_wait3A_518 = tpu.memref_squeeze %dma_wait3A_517 : memref<1x80xi32, #tpu.memory_space<vmem>> -> memref<80xi32, #tpu.memory_space<vmem>>
    %dma_wait3A_519 = arith.constant 0 : i32
    %dma_wait3A_520 = arith.constant 0 : i32
    %dma_wait3A_521 = tpu.memref_slice %arg2[%dma_wait3A_519, %dma_wait3A_520] : memref<10000x128xf32, #tpu.memory_space<hbm>> -> memref<10000x128xf32, #tpu.memory_space<hbm>>
    tpu.wait_indirect_dma semaphore(%arg14 : memref<!tpu.dma_semaphore, #tpu.memory_space<semaphore_mem>>) src(%dma_wait3A_521 : memref<10000x128xf32, #tpu.memory_space<hbm>>) dst(%arg10 : memref<80x128xf32, #tpu.memory_space<vmem>>)
    %dma_start3A_522 = arith.constant 1 : i32
    %dma_start3A_523 = arith.constant 0 : i32
    %dma_start3A_524 = tpu.memref_slice %arg7[%dma_start3A_522, %dma_start3A_523] : memref<25x80xi32, #tpu.memory_space<vmem>> -> memref<1x80xi32, #tpu.memory_space<vmem>>
    %dma_start3A_525 = tpu.memref_squeeze %dma_start3A_524 : memref<1x80xi32, #tpu.memory_space<vmem>> -> memref<80xi32, #tpu.memory_space<vmem>>
    %dma_start3A_526 = arith.constant 0 : i32
    %dma_start3A_527 = arith.constant 0 : i32
    %dma_start3A_528 = tpu.memref_slice %arg12[%dma_start3A_526, %dma_start3A_527] : memref<10240x128xf32, #tpu.memory_space<vmem_shared>> -> memref<10240x128xf32, #tpu.memory_space<vmem_shared>>
    tpu.enqueue_indirect_dma source(%arg10 : memref<80x128xf32, #tpu.memory_space<vmem>>) target(%dma_start3A_528 : memref<10240x128xf32, #tpu.memory_space<vmem_shared>>) offsets(%dma_start3A_525 : memref<80xi32, #tpu.memory_space<vmem>>) semaphore(%arg17 : memref<!tpu.dma_semaphore, #tpu.memory_space<semaphore_mem>>) {add = true}
    %dma_wait3A_529 = arith.constant 0 : i32
    %dma_wait3A_530 = arith.constant 0 : i32
    %dma_wait3A_531 = tpu.memref_slice %arg7[%dma_wait3A_529, %dma_wait3A_530] : memref<25x80xi32, #tpu.memory_space<vmem>> -> memref<1x80xi32, #tpu.memory_space<vmem>>
    %dma_wait3A_532 = tpu.memref_squeeze %dma_wait3A_531 : memref<1x80xi32, #tpu.memory_space<vmem>> -> memref<80xi32, #tpu.memory_space<vmem>>
    %dma_wait3A_533 = arith.constant 0 : i32
    %dma_wait3A_534 = arith.constant 0 : i32
    %dma_wait3A_535 = tpu.memref_slice %arg12[%dma_wait3A_533, %dma_wait3A_534] : memref<10240x128xf32, #tpu.memory_space<vmem_shared>> -> memref<10240x128xf32, #tpu.memory_space<vmem_shared>>
    tpu.wait_indirect_dma semaphore(%arg16 : memref<!tpu.dma_semaphore, #tpu.memory_space<semaphore_mem>>) src(%arg9 : memref<80x128xf32, #tpu.memory_space<vmem>>) dst(%dma_wait3A_535 : memref<10240x128xf32, #tpu.memory_space<vmem_shared>>)
    %dma_start3A_536 = arith.constant 3 : i32
    %dma_start3A_537 = arith.constant 0 : i32
    %dma_start3A_538 = tpu.memref_slice %arg5[%dma_start3A_536, %dma_start3A_537] : memref<25x80xi32, #tpu.memory_space<vmem>> -> memref<1x80xi32, #tpu.memory_space<vmem>>
    %dma_start3A_539 = tpu.memref_squeeze %dma_start3A_538 : memref<1x80xi32, #tpu.memory_space<vmem>> -> memref<80xi32, #tpu.memory_space<vmem>>
    %dma_start3A_540 = arith.constant 0 : i32
    %dma_start3A_541 = arith.constant 0 : i32
    %dma_start3A_542 = tpu.memref_slice %arg2[%dma_start3A_540, %dma_start3A_541] : memref<10000x128xf32, #tpu.memory_space<hbm>> -> memref<10000x128xf32, #tpu.memory_space<hbm>>
    tpu.enqueue_indirect_dma source(%dma_start3A_542 : memref<10000x128xf32, #tpu.memory_space<hbm>>) target(%arg9 : memref<80x128xf32, #tpu.memory_space<vmem>>) offsets(%dma_start3A_539 : memref<80xi32, #tpu.memory_space<vmem>>) semaphore(%arg13 : memref<!tpu.dma_semaphore, #tpu.memory_space<semaphore_mem>>)
    %dma_wait3A_543 = arith.constant 2 : i32
    %dma_wait3A_544 = arith.constant 0 : i32
    %dma_wait3A_545 = tpu.memref_slice %arg5[%dma_wait3A_543, %dma_wait3A_544] : memref<25x80xi32, #tpu.memory_space<vmem>> -> memref<1x80xi32, #tpu.memory_space<vmem>>
    %dma_wait3A_546 = tpu.memref_squeeze %dma_wait3A_545 : memref<1x80xi32, #tpu.memory_space<vmem>> -> memref<80xi32, #tpu.memory_space<vmem>>
    %dma_wait3A_547 = arith.constant 0 : i32
    %dma_wait3A_548 = arith.constant 0 : i32
    %dma_wait3A_549 = tpu.memref_slice %arg2[%dma_wait3A_547, %dma_wait3A_548] : memref<10000x128xf32, #tpu.memory_space<hbm>> -> memref<10000x128xf32, #tpu.memory_space<hbm>>
    tpu.wait_indirect_dma semaphore(%arg15 : memref<!tpu.dma_semaphore, #tpu.memory_space<semaphore_mem>>) src(%dma_wait3A_549 : memref<10000x128xf32, #tpu.memory_space<hbm>>) dst(%arg11 : memref<80x128xf32, #tpu.memory_space<vmem>>)
    %dma_start3A_550 = arith.constant 2 : i32
    %dma_start3A_551 = arith.constant 0 : i32
    %dma_start3A_552 = tpu.memref_slice %arg7[%dma_start3A_550, %dma_start3A_551] : memref<25x80xi32, #tpu.memory_space<vmem>> -> memref<1x80xi32, #tpu.memory_space<vmem>>
    %dma_start3A_553 = tpu.memref_squeeze %dma_start3A_552 : memref<1x80xi32, #tpu.memory_space<vmem>> -> memref<80xi32, #tpu.memory_space<vmem>>
    %dma_start3A_554 = arith.constant 0 : i32
    %dma_start3A_555 = arith.constant 0 : i32
    %dma_start3A_556 = tpu.memref_slice %arg12[%dma_start3A_554, %dma_start3A_555] : memref<10240x128xf32, #tpu.memory_space<vmem_shared>> -> memref<10240x128xf32, #tpu.memory_space<vmem_shared>>
    tpu.enqueue_indirect_dma source(%arg11 : memref<80x128xf32, #tpu.memory_space<vmem>>) target(%dma_start3A_556 : memref<10240x128xf32, #tpu.memory_space<vmem_shared>>) offsets(%dma_start3A_553 : memref<80xi32, #tpu.memory_space<vmem>>) semaphore(%arg18 : memref<!tpu.dma_semaphore, #tpu.memory_space<semaphore_mem>>) {add = true}
    %dma_wait3A_557 = arith.constant 1 : i32
    %dma_wait3A_558 = arith.constant 0 : i32
    %dma_wait3A_559 = tpu.memref_slice %arg7[%dma_wait3A_557, %dma_wait3A_558] : memref<25x80xi32, #tpu.memory_space<vmem>> -> memref<1x80xi32, #tpu.memory_space<vmem>>
    %dma_wait3A_560 = tpu.memref_squeeze %dma_wait3A_559 : memref<1x80xi32, #tpu.memory_space<vmem>> -> memref<80xi32, #tpu.memory_space<vmem>>
    %dma_wait3A_561 = arith.constant 0 : i32
    %dma_wait3A_562 = arith.constant 0 : i32
    %dma_wait3A_563 = tpu.memref_slice %arg12[%dma_wait3A_561, %dma_wait3A_562] : memref<10240x128xf32, #tpu.memory_space<vmem_shared>> -> memref<10240x128xf32, #tpu.memory_space<vmem_shared>>
    tpu.wait_indirect_dma semaphore(%arg17 : memref<!tpu.dma_semaphore, #tpu.memory_space<semaphore_mem>>) src(%arg10 : memref<80x128xf32, #tpu.memory_space<vmem>>) dst(%dma_wait3A_563 : memref<10240x128xf32, #tpu.memory_space<vmem_shared>>)
    %dma_start3A_564 = arith.constant 4 : i32
    %dma_start3A_565 = arith.constant 0 : i32
    %dma_start3A_566 = tpu.memref_slice %arg5[%dma_start3A_564, %dma_start3A_565] : memref<25x80xi32, #tpu.memory_space<vmem>> -> memref<1x80xi32, #tpu.memory_space<vmem>>
    %dma_start3A_567 = tpu.memref_squeeze %dma_start3A_566 : memref<1x80xi32, #tpu.memory_space<vmem>> -> memref<80xi32, #tpu.memory_space<vmem>>
    %dma_start3A_568 = arith.constant 0 : i32
    %dma_start3A_569 = arith.constant 0 : i32
    %dma_start3A_570 = tpu.memref_slice %arg2[%dma_start3A_568, %dma_start3A_569] : memref<10000x128xf32, #tpu.memory_space<hbm>> -> memref<10000x128xf32, #tpu.memory_space<hbm>>
    tpu.enqueue_indirect_dma source(%dma_start3A_570 : memref<10000x128xf32, #tpu.memory_space<hbm>>) target(%arg10 : memref<80x128xf32, #tpu.memory_space<vmem>>) offsets(%dma_start3A_567 : memref<80xi32, #tpu.memory_space<vmem>>) semaphore(%arg14 : memref<!tpu.dma_semaphore, #tpu.memory_space<semaphore_mem>>)
    %scan3A_571 = arith.constant 0 : i32
    %scan3A_572 = arith.constant 0 : i32
    %scan3A_573 = arith.constant 7 : i32
    %scan3A_574 = arith.addi %scan3A_572, %scan3A_573 : i32
    %scan3A_575 = arith.constant 1 : i32
    %scan3A_576 = scf.for %scan3A_919 = %scan3A_572 to %scan3A_574 step %scan3A_575 iter_args(%scan3A_920 = %scan3A_571) -> (i32)  : i32 {
      %mul3A_921 = arith.constant 3 : i32
      %mul3A_922 = arith.muli %mul3A_921, %scan3A_919 : i32
      %add3A_923 = arith.constant 3 : i32
      %add3A_924 = arith.addi %add3A_923, %mul3A_922 : i32
      %dma_wait3A_925 = arith.constant 0 : i32
      %dma_wait3A_926 = tpu.memref_slice %arg5[%add3A_924, %dma_wait3A_925] : memref<25x80xi32, #tpu.memory_space<vmem>> -> memref<1x80xi32, #tpu.memory_space<vmem>>
      %dma_wait3A_927 = tpu.memref_squeeze %dma_wait3A_926 : memref<1x80xi32, #tpu.memory_space<vmem>> -> memref<80xi32, #tpu.memory_space<vmem>>
      %dma_wait3A_928 = arith.constant 0 : i32
      %dma_wait3A_929 = arith.constant 0 : i32
      %dma_wait3A_930 = tpu.memref_slice %arg2[%dma_wait3A_928, %dma_wait3A_929] : memref<10000x128xf32, #tpu.memory_space<hbm>> -> memref<10000x128xf32, #tpu.memory_space<hbm>>
      tpu.wait_indirect_dma semaphore(%arg13 : memref<!tpu.dma_semaphore, #tpu.memory_space<semaphore_mem>>) src(%dma_wait3A_930 : memref<10000x128xf32, #tpu.memory_space<hbm>>) dst(%arg9 : memref<80x128xf32, #tpu.memory_space<vmem>>)
      %dma_start3A_931 = arith.constant 0 : i32
      %dma_start3A_932 = tpu.memref_slice %arg7[%add3A_924, %dma_start3A_931] : memref<25x80xi32, #tpu.memory_space<vmem>> -> memref<1x80xi32, #tpu.memory_space<vmem>>
      %dma_start3A_933 = tpu.memref_squeeze %dma_start3A_932 : memref<1x80xi32, #tpu.memory_space<vmem>> -> memref<80xi32, #tpu.memory_space<vmem>>
      %dma_start3A_934 = arith.constant 0 : i32
      %dma_start3A_935 = arith.constant 0 : i32
      %dma_start3A_936 = tpu.memref_slice %arg12[%dma_start3A_934, %dma_start3A_935] : memref<10240x128xf32, #tpu.memory_space<vmem_shared>> -> memref<10240x128xf32, #tpu.memory_space<vmem_shared>>
      tpu.enqueue_indirect_dma source(%arg9 : memref<80x128xf32, #tpu.memory_space<vmem>>) target(%dma_start3A_936 : memref<10240x128xf32, #tpu.memory_space<vmem_shared>>) offsets(%dma_start3A_933 : memref<80xi32, #tpu.memory_space<vmem>>) semaphore(%arg16 : memref<!tpu.dma_semaphore, #tpu.memory_space<semaphore_mem>>) {add = true}
      %sub3A = arith.constant 1 : i32
      %sub3A_937 = arith.subi %add3A_924, %sub3A : i32
      %dma_wait3A_938 = arith.constant 0 : i32
      %dma_wait3A_939 = tpu.memref_slice %arg7[%sub3A_937, %dma_wait3A_938] : memref<25x80xi32, #tpu.memory_space<vmem>> -> memref<1x80xi32, #tpu.memory_space<vmem>>
      %dma_wait3A_940 = tpu.memref_squeeze %dma_wait3A_939 : memref<1x80xi32, #tpu.memory_space<vmem>> -> memref<80xi32, #tpu.memory_space<vmem>>
      %dma_wait3A_941 = arith.constant 0 : i32
      %dma_wait3A_942 = arith.constant 0 : i32
      %dma_wait3A_943 = tpu.memref_slice %arg12[%dma_wait3A_941, %dma_wait3A_942] : memref<10240x128xf32, #tpu.memory_space<vmem_shared>> -> memref<10240x128xf32, #tpu.memory_space<vmem_shared>>
      tpu.wait_indirect_dma semaphore(%arg18 : memref<!tpu.dma_semaphore, #tpu.memory_space<semaphore_mem>>) src(%arg11 : memref<80x128xf32, #tpu.memory_space<vmem>>) dst(%dma_wait3A_943 : memref<10240x128xf32, #tpu.memory_space<vmem_shared>>)
      %add3A_944 = arith.constant 2 : i32
      %add3A_945 = arith.addi %add3A_924, %add3A_944 : i32
      %dma_start3A_946 = arith.constant 0 : i32
      %dma_start3A_947 = tpu.memref_slice %arg5[%add3A_945, %dma_start3A_946] : memref<25x80xi32, #tpu.memory_space<vmem>> -> memref<1x80xi32, #tpu.memory_space<vmem>>
      %dma_start3A_948 = tpu.memref_squeeze %dma_start3A_947 : memref<1x80xi32, #tpu.memory_space<vmem>> -> memref<80xi32, #tpu.memory_space<vmem>>
      %dma_start3A_949 = arith.constant 0 : i32
      %dma_start3A_950 = arith.constant 0 : i32
      %dma_start3A_951 = tpu.memref_slice %arg2[%dma_start3A_949, %dma_start3A_950] : memref<10000x128xf32, #tpu.memory_space<hbm>> -> memref<10000x128xf32, #tpu.memory_space<hbm>>
      tpu.enqueue_indirect_dma source(%dma_start3A_951 : memref<10000x128xf32, #tpu.memory_space<hbm>>) target(%arg11 : memref<80x128xf32, #tpu.memory_space<vmem>>) offsets(%dma_start3A_948 : memref<80xi32, #tpu.memory_space<vmem>>) semaphore(%arg15 : memref<!tpu.dma_semaphore, #tpu.memory_space<semaphore_mem>>)
      %add3A_952 = arith.constant 1 : i32
      %add3A_953 = arith.addi %add3A_924, %add3A_952 : i32
      %dma_wait3A_954 = arith.constant 0 : i32
      %dma_wait3A_955 = tpu.memref_slice %arg5[%add3A_953, %dma_wait3A_954] : memref<25x80xi32, #tpu.memory_space<vmem>> -> memref<1x80xi32, #tpu.memory_space<vmem>>
      %dma_wait3A_956 = tpu.memref_squeeze %dma_wait3A_955 : memref<1x80xi32, #tpu.memory_space<vmem>> -> memref<80xi32, #tpu.memory_space<vmem>>
      %dma_wait3A_957 = arith.constant 0 : i32
      %dma_wait3A_958 = arith.constant 0 : i32
      %dma_wait3A_959 = tpu.memref_slice %arg2[%dma_wait3A_957, %dma_wait3A_958] : memref<10000x128xf32, #tpu.memory_space<hbm>> -> memref<10000x128xf32, #tpu.memory_space<hbm>>
      tpu.wait_indirect_dma semaphore(%arg14 : memref<!tpu.dma_semaphore, #tpu.memory_space<semaphore_mem>>) src(%dma_wait3A_959 : memref<10000x128xf32, #tpu.memory_space<hbm>>) dst(%arg10 : memref<80x128xf32, #tpu.memory_space<vmem>>)
      %add3A_960 = arith.constant 1 : i32
      %add3A_961 = arith.addi %add3A_924, %add3A_960 : i32
      %dma_start3A_962 = arith.constant 0 : i32
      %dma_start3A_963 = tpu.memref_slice %arg7[%add3A_961, %dma_start3A_962] : memref<25x80xi32, #tpu.memory_space<vmem>> -> memref<1x80xi32, #tpu.memory_space<vmem>>
      %dma_start3A_964 = tpu.memref_squeeze %dma_start3A_963 : memref<1x80xi32, #tpu.memory_space<vmem>> -> memref<80xi32, #tpu.memory_space<vmem>>
      %dma_start3A_965 = arith.constant 0 : i32
      %dma_start3A_966 = arith.constant 0 : i32
      %dma_start3A_967 = tpu.memref_slice %arg12[%dma_start3A_965, %dma_start3A_966] : memref<10240x128xf32, #tpu.memory_space<vmem_shared>> -> memref<10240x128xf32, #tpu.memory_space<vmem_shared>>
      tpu.enqueue_indirect_dma source(%arg10 : memref<80x128xf32, #tpu.memory_space<vmem>>) target(%dma_start3A_967 : memref<10240x128xf32, #tpu.memory_space<vmem_shared>>) offsets(%dma_start3A_964 : memref<80xi32, #tpu.memory_space<vmem>>) semaphore(%arg17 : memref<!tpu.dma_semaphore, #tpu.memory_space<semaphore_mem>>) {add = true}
      %dma_wait3A_968 = arith.constant 0 : i32
      %dma_wait3A_969 = tpu.memref_slice %arg7[%add3A_924, %dma_wait3A_968] : memref<25x80xi32, #tpu.memory_space<vmem>> -> memref<1x80xi32, #tpu.memory_space<vmem>>
      %dma_wait3A_970 = tpu.memref_squeeze %dma_wait3A_969 : memref<1x80xi32, #tpu.memory_space<vmem>> -> memref<80xi32, #tpu.memory_space<vmem>>
      %dma_wait3A_971 = arith.constant 0 : i32
      %dma_wait3A_972 = arith.constant 0 : i32
      %dma_wait3A_973 = tpu.memref_slice %arg12[%dma_wait3A_971, %dma_wait3A_972] : memref<10240x128xf32, #tpu.memory_space<vmem_shared>> -> memref<10240x128xf32, #tpu.memory_space<vmem_shared>>
      tpu.wait_indirect_dma semaphore(%arg16 : memref<!tpu.dma_semaphore, #tpu.memory_space<semaphore_mem>>) src(%arg9 : memref<80x128xf32, #tpu.memory_space<vmem>>) dst(%dma_wait3A_973 : memref<10240x128xf32, #tpu.memory_space<vmem_shared>>)
      %add3A_974 = arith.constant 3 : i32
      %add3A_975 = arith.addi %add3A_924, %add3A_974 : i32
      %dma_start3A_976 = arith.constant 0 : i32
      %dma_start3A_977 = tpu.memref_slice %arg5[%add3A_975, %dma_start3A_976] : memref<25x80xi32, #tpu.memory_space<vmem>> -> memref<1x80xi32, #tpu.memory_space<vmem>>
      %dma_start3A_978 = tpu.memref_squeeze %dma_start3A_977 : memref<1x80xi32, #tpu.memory_space<vmem>> -> memref<80xi32, #tpu.memory_space<vmem>>
      %dma_start3A_979 = arith.constant 0 : i32
      %dma_start3A_980 = arith.constant 0 : i32
      %dma_start3A_981 = tpu.memref_slice %arg2[%dma_start3A_979, %dma_start3A_980] : memref<10000x128xf32, #tpu.memory_space<hbm>> -> memref<10000x128xf32, #tpu.memory_space<hbm>>
      tpu.enqueue_indirect_dma source(%dma_start3A_981 : memref<10000x128xf32, #tpu.memory_space<hbm>>) target(%arg9 : memref<80x128xf32, #tpu.memory_space<vmem>>) offsets(%dma_start3A_978 : memref<80xi32, #tpu.memory_space<vmem>>) semaphore(%arg13 : memref<!tpu.dma_semaphore, #tpu.memory_space<semaphore_mem>>)
      %add3A_982 = arith.constant 2 : i32
      %add3A_983 = arith.addi %add3A_924, %add3A_982 : i32
      %dma_wait3A_984 = arith.constant 0 : i32
      %dma_wait3A_985 = tpu.memref_slice %arg5[%add3A_983, %dma_wait3A_984] : memref<25x80xi32, #tpu.memory_space<vmem>> -> memref<1x80xi32, #tpu.memory_space<vmem>>
      %dma_wait3A_986 = tpu.memref_squeeze %dma_wait3A_985 : memref<1x80xi32, #tpu.memory_space<vmem>> -> memref<80xi32, #tpu.memory_space<vmem>>
      %dma_wait3A_987 = arith.constant 0 : i32
      %dma_wait3A_988 = arith.constant 0 : i32
      %dma_wait3A_989 = tpu.memref_slice %arg2[%dma_wait3A_987, %dma_wait3A_988] : memref<10000x128xf32, #tpu.memory_space<hbm>> -> memref<10000x128xf32, #tpu.memory_space<hbm>>
      tpu.wait_indirect_dma semaphore(%arg15 : memref<!tpu.dma_semaphore, #tpu.memory_space<semaphore_mem>>) src(%dma_wait3A_989 : memref<10000x128xf32, #tpu.memory_space<hbm>>) dst(%arg11 : memref<80x128xf32, #tpu.memory_space<vmem>>)
      %add3A_990 = arith.constant 2 : i32
      %add3A_991 = arith.addi %add3A_924, %add3A_990 : i32
      %dma_start3A_992 = arith.constant 0 : i32
      %dma_start3A_993 = tpu.memref_slice %arg7[%add3A_991, %dma_start3A_992] : memref<25x80xi32, #tpu.memory_space<vmem>> -> memref<1x80xi32, #tpu.memory_space<vmem>>
      %dma_start3A_994 = tpu.memref_squeeze %dma_start3A_993 : memref<1x80xi32, #tpu.memory_space<vmem>> -> memref<80xi32, #tpu.memory_space<vmem>>
      %dma_start3A_995 = arith.constant 0 : i32
      %dma_start3A_996 = arith.constant 0 : i32
      %dma_start3A_997 = tpu.memref_slice %arg12[%dma_start3A_995, %dma_start3A_996] : memref<10240x128xf32, #tpu.memory_space<vmem_shared>> -> memref<10240x128xf32, #tpu.memory_space<vmem_shared>>
      tpu.enqueue_indirect_dma source(%arg11 : memref<80x128xf32, #tpu.memory_space<vmem>>) target(%dma_start3A_997 : memref<10240x128xf32, #tpu.memory_space<vmem_shared>>) offsets(%dma_start3A_994 : memref<80xi32, #tpu.memory_space<vmem>>) semaphore(%arg18 : memref<!tpu.dma_semaphore, #tpu.memory_space<semaphore_mem>>) {add = true}
      %add3A_998 = arith.constant 1 : i32
      %add3A_999 = arith.addi %add3A_924, %add3A_998 : i32
      %dma_wait3A_1000 = arith.constant 0 : i32
      %dma_wait3A_1001 = tpu.memref_slice %arg7[%add3A_999, %dma_wait3A_1000] : memref<25x80xi32, #tpu.memory_space<vmem>> -> memref<1x80xi32, #tpu.memory_space<vmem>>
      %dma_wait3A_1002 = tpu.memref_squeeze %dma_wait3A_1001 : memref<1x80xi32, #tpu.memory_space<vmem>> -> memref<80xi32, #tpu.memory_space<vmem>>
      %dma_wait3A_1003 = arith.constant 0 : i32
      %dma_wait3A_1004 = arith.constant 0 : i32
      %dma_wait3A_1005 = tpu.memref_slice %arg12[%dma_wait3A_1003, %dma_wait3A_1004] : memref<10240x128xf32, #tpu.memory_space<vmem_shared>> -> memref<10240x128xf32, #tpu.memory_space<vmem_shared>>
      tpu.wait_indirect_dma semaphore(%arg17 : memref<!tpu.dma_semaphore, #tpu.memory_space<semaphore_mem>>) src(%arg10 : memref<80x128xf32, #tpu.memory_space<vmem>>) dst(%dma_wait3A_1005 : memref<10240x128xf32, #tpu.memory_space<vmem_shared>>)
      %add3A_1006 = arith.constant 4 : i32
      %add3A_1007 = arith.addi %add3A_924, %add3A_1006 : i32
      %lt3A = arith.constant 25 : i32
      %lt3A_1008 = arith.cmpi slt, %add3A_1007, %lt3A : i32
      %convert_element_type3A = arith.extui %lt3A_1008 : i1 to i32
      %cond3A = arith.constant 0 : i32
      %cond3A_1009 = arith.cmpi ne, %convert_element_type3A, %cond3A : i32
      scf.if %cond3A_1009 {
        %add3A_1011 = arith.constant 4 : i32
        %add3A_1012 = arith.addi %add3A_924, %add3A_1011 : i32
        %dma_start3A_1013 = arith.constant 0 : i32
        %dma_start3A_1014 = tpu.memref_slice %arg5[%add3A_1012, %dma_start3A_1013] : memref<25x80xi32, #tpu.memory_space<vmem>> -> memref<1x80xi32, #tpu.memory_space<vmem>>
        %dma_start3A_1015 = tpu.memref_squeeze %dma_start3A_1014 : memref<1x80xi32, #tpu.memory_space<vmem>> -> memref<80xi32, #tpu.memory_space<vmem>>
        %dma_start3A_1016 = arith.constant 0 : i32
        %dma_start3A_1017 = arith.constant 0 : i32
        %dma_start3A_1018 = tpu.memref_slice %arg2[%dma_start3A_1016, %dma_start3A_1017] : memref<10000x128xf32, #tpu.memory_space<hbm>> -> memref<10000x128xf32, #tpu.memory_space<hbm>>
        tpu.enqueue_indirect_dma source(%dma_start3A_1018 : memref<10000x128xf32, #tpu.memory_space<hbm>>) target(%arg10 : memref<80x128xf32, #tpu.memory_space<vmem>>) offsets(%dma_start3A_1015 : memref<80xi32, #tpu.memory_space<vmem>>) semaphore(%arg14 : memref<!tpu.dma_semaphore, #tpu.memory_space<semaphore_mem>>)
      } else {
      }
      %scan3A_1010 = arith.constant 0 : i32
      scf.yield %scan3A_1010 : i32
    }
    %scan3A_577 = arith.constant 7 : i32
    %dma_wait3A_578 = arith.constant 24 : i32
    %dma_wait3A_579 = arith.constant 0 : i32
    %dma_wait3A_580 = tpu.memref_slice %arg5[%dma_wait3A_578, %dma_wait3A_579] : memref<25x80xi32, #tpu.memory_space<vmem>> -> memref<1x80xi32, #tpu.memory_space<vmem>>
    %dma_wait3A_581 = tpu.memref_squeeze %dma_wait3A_580 : memref<1x80xi32, #tpu.memory_space<vmem>> -> memref<80xi32, #tpu.memory_space<vmem>>
    %dma_wait3A_582 = arith.constant 0 : i32
    %dma_wait3A_583 = arith.constant 0 : i32
    %dma_wait3A_584 = tpu.memref_slice %arg2[%dma_wait3A_582, %dma_wait3A_583] : memref<10000x128xf32, #tpu.memory_space<hbm>> -> memref<10000x128xf32, #tpu.memory_space<hbm>>
    tpu.wait_indirect_dma semaphore(%arg13 : memref<!tpu.dma_semaphore, #tpu.memory_space<semaphore_mem>>) src(%dma_wait3A_584 : memref<10000x128xf32, #tpu.memory_space<hbm>>) dst(%arg9 : memref<80x128xf32, #tpu.memory_space<vmem>>)
    %dma_start3A_585 = arith.constant 24 : i32
    %dma_start3A_586 = arith.constant 0 : i32
    %dma_start3A_587 = tpu.memref_slice %arg7[%dma_start3A_585, %dma_start3A_586] : memref<25x80xi32, #tpu.memory_space<vmem>> -> memref<1x80xi32, #tpu.memory_space<vmem>>
    %dma_start3A_588 = tpu.memref_squeeze %dma_start3A_587 : memref<1x80xi32, #tpu.memory_space<vmem>> -> memref<80xi32, #tpu.memory_space<vmem>>
    %dma_start3A_589 = arith.constant 0 : i32
    %dma_start3A_590 = arith.constant 0 : i32
    %dma_start3A_591 = tpu.memref_slice %arg12[%dma_start3A_589, %dma_start3A_590] : memref<10240x128xf32, #tpu.memory_space<vmem_shared>> -> memref<10240x128xf32, #tpu.memory_space<vmem_shared>>
    tpu.enqueue_indirect_dma source(%arg9 : memref<80x128xf32, #tpu.memory_space<vmem>>) target(%dma_start3A_591 : memref<10240x128xf32, #tpu.memory_space<vmem_shared>>) offsets(%dma_start3A_588 : memref<80xi32, #tpu.memory_space<vmem>>) semaphore(%arg16 : memref<!tpu.dma_semaphore, #tpu.memory_space<semaphore_mem>>) {add = true}
    %dma_wait3A_592 = arith.constant 23 : i32
    %dma_wait3A_593 = arith.constant 0 : i32
    %dma_wait3A_594 = tpu.memref_slice %arg7[%dma_wait3A_592, %dma_wait3A_593] : memref<25x80xi32, #tpu.memory_space<vmem>> -> memref<1x80xi32, #tpu.memory_space<vmem>>
    %dma_wait3A_595 = tpu.memref_squeeze %dma_wait3A_594 : memref<1x80xi32, #tpu.memory_space<vmem>> -> memref<80xi32, #tpu.memory_space<vmem>>
    %dma_wait3A_596 = arith.constant 0 : i32
    %dma_wait3A_597 = arith.constant 0 : i32
    %dma_wait3A_598 = tpu.memref_slice %arg12[%dma_wait3A_596, %dma_wait3A_597] : memref<10240x128xf32, #tpu.memory_space<vmem_shared>> -> memref<10240x128xf32, #tpu.memory_space<vmem_shared>>
    tpu.wait_indirect_dma semaphore(%arg18 : memref<!tpu.dma_semaphore, #tpu.memory_space<semaphore_mem>>) src(%arg11 : memref<80x128xf32, #tpu.memory_space<vmem>>) dst(%dma_wait3A_598 : memref<10240x128xf32, #tpu.memory_space<vmem_shared>>)
    %dma_wait3A_599 = arith.constant 24 : i32
    %dma_wait3A_600 = arith.constant 0 : i32
    %dma_wait3A_601 = tpu.memref_slice %arg7[%dma_wait3A_599, %dma_wait3A_600] : memref<25x80xi32, #tpu.memory_space<vmem>> -> memref<1x80xi32, #tpu.memory_space<vmem>>
    %dma_wait3A_602 = tpu.memref_squeeze %dma_wait3A_601 : memref<1x80xi32, #tpu.memory_space<vmem>> -> memref<80xi32, #tpu.memory_space<vmem>>
    %dma_wait3A_603 = arith.constant 0 : i32
    %dma_wait3A_604 = arith.constant 0 : i32
    %dma_wait3A_605 = tpu.memref_slice %arg12[%dma_wait3A_603, %dma_wait3A_604] : memref<10240x128xf32, #tpu.memory_space<vmem_shared>> -> memref<10240x128xf32, #tpu.memory_space<vmem_shared>>
    tpu.wait_indirect_dma semaphore(%arg16 : memref<!tpu.dma_semaphore, #tpu.memory_space<semaphore_mem>>) src(%arg9 : memref<80x128xf32, #tpu.memory_space<vmem>>) dst(%dma_wait3A_605 : memref<10240x128xf32, #tpu.memory_space<vmem_shared>>)
    %dma_wait3A_606 = arith.constant 0 : i32
    %dma_wait3A_607 = arith.constant 3 : i32
    %dma_wait3A_608 = arith.constant 0 : i32
    %dma_wait3A_609 = arith.constant 0 : i32
    %dma_wait3A_610 = tpu.memref_slice %arg3[%dma_wait3A_606, %add3A, %dma_wait3A_607, %dma_wait3A_608, %dma_wait3A_609] : memref<2x32x5x25x80xi32, #tpu.memory_space<hbm>> -> memref<1x1x1x25x80xi32, #tpu.memory_space<hbm>>
    %dma_wait3A_611 = tpu.memref_squeeze %dma_wait3A_610 : memref<1x1x1x25x80xi32, #tpu.memory_space<hbm>> -> memref<25x80xi32, #tpu.memory_space<hbm>>
    %dma_wait3A_612 = arith.constant 0 : i32
    %dma_wait3A_613 = arith.constant 0 : i32
    %dma_wait3A_614 = tpu.memref_slice %arg3[%dma_wait3A_606, %add3A, %dma_wait3A_607, %dma_wait3A_612, %dma_wait3A_613] : memref<2x32x5x25x80xi32, #tpu.memory_space<hbm>> -> memref<1x1x1x25x80xi32, #tpu.memory_space<hbm>>
    %dma_wait3A_615 = tpu.memref_squeeze %dma_wait3A_614 : memref<1x1x1x25x80xi32, #tpu.memory_space<hbm>> -> memref<25x80xi32, #tpu.memory_space<hbm>>
    tpu.wait_dma2 semaphore(%arg20 : memref<!tpu.dma_semaphore, #tpu.memory_space<semaphore_mem>>) src(%dma_wait3A_615 : memref<25x80xi32, #tpu.memory_space<hbm>>) dst(%arg6 : memref<25x80xi32, #tpu.memory_space<vmem>>)
    %dma_wait3A_616 = arith.constant 1 : i32
    %dma_wait3A_617 = arith.constant 3 : i32
    %dma_wait3A_618 = arith.constant 0 : i32
    %dma_wait3A_619 = arith.constant 0 : i32
    %dma_wait3A_620 = tpu.memref_slice %arg3[%dma_wait3A_616, %add3A, %dma_wait3A_617, %dma_wait3A_618, %dma_wait3A_619] : memref<2x32x5x25x80xi32, #tpu.memory_space<hbm>> -> memref<1x1x1x25x80xi32, #tpu.memory_space<hbm>>
    %dma_wait3A_621 = tpu.memref_squeeze %dma_wait3A_620 : memref<1x1x1x25x80xi32, #tpu.memory_space<hbm>> -> memref<25x80xi32, #tpu.memory_space<hbm>>
    %dma_wait3A_622 = arith.constant 0 : i32
    %dma_wait3A_623 = arith.constant 0 : i32
    %dma_wait3A_624 = tpu.memref_slice %arg3[%dma_wait3A_616, %add3A, %dma_wait3A_617, %dma_wait3A_622, %dma_wait3A_623] : memref<2x32x5x25x80xi32, #tpu.memory_space<hbm>> -> memref<1x1x1x25x80xi32, #tpu.memory_space<hbm>>
    %dma_wait3A_625 = tpu.memref_squeeze %dma_wait3A_624 : memref<1x1x1x25x80xi32, #tpu.memory_space<hbm>> -> memref<25x80xi32, #tpu.memory_space<hbm>>
    tpu.wait_dma2 semaphore(%arg20 : memref<!tpu.dma_semaphore, #tpu.memory_space<semaphore_mem>>) src(%dma_wait3A_625 : memref<25x80xi32, #tpu.memory_space<hbm>>) dst(%arg8 : memref<25x80xi32, #tpu.memory_space<vmem>>)
    %dma_start3A_626 = arith.constant 0 : i32
    %dma_start3A_627 = arith.constant 4 : i32
    %dma_start3A_628 = arith.constant 0 : i32
    %dma_start3A_629 = arith.constant 0 : i32
    %dma_start3A_630 = tpu.memref_slice %arg3[%dma_start3A_626, %add3A, %dma_start3A_627, %dma_start3A_628, %dma_start3A_629] : memref<2x32x5x25x80xi32, #tpu.memory_space<hbm>> -> memref<1x1x1x25x80xi32, #tpu.memory_space<hbm>>
    %dma_start3A_631 = tpu.memref_squeeze %dma_start3A_630 : memref<1x1x1x25x80xi32, #tpu.memory_space<hbm>> -> memref<25x80xi32, #tpu.memory_space<hbm>>
    %dma_start3A_632 = arith.constant 0 : i32
    %dma_start3A_633 = arith.constant 0 : i32
    %dma_start3A_634 = tpu.memref_slice %arg3[%dma_start3A_626, %add3A, %dma_start3A_627, %dma_start3A_632, %dma_start3A_633] : memref<2x32x5x25x80xi32, #tpu.memory_space<hbm>> -> memref<1x1x1x25x80xi32, #tpu.memory_space<hbm>>
    %dma_start3A_635 = tpu.memref_squeeze %dma_start3A_634 : memref<1x1x1x25x80xi32, #tpu.memory_space<hbm>> -> memref<25x80xi32, #tpu.memory_space<hbm>>
    tpu.enqueue_dma source(%dma_start3A_635 : memref<25x80xi32, #tpu.memory_space<hbm>>) target(%arg5 : memref<25x80xi32, #tpu.memory_space<vmem>>) target_semaphore(%arg19 : memref<!tpu.dma_semaphore, #tpu.memory_space<semaphore_mem>>)
    %dma_start3A_636 = arith.constant 1 : i32
    %dma_start3A_637 = arith.constant 4 : i32
    %dma_start3A_638 = arith.constant 0 : i32
    %dma_start3A_639 = arith.constant 0 : i32
    %dma_start3A_640 = tpu.memref_slice %arg3[%dma_start3A_636, %add3A, %dma_start3A_637, %dma_start3A_638, %dma_start3A_639] : memref<2x32x5x25x80xi32, #tpu.memory_space<hbm>> -> memref<1x1x1x25x80xi32, #tpu.memory_space<hbm>>
    %dma_start3A_641 = tpu.memref_squeeze %dma_start3A_640 : memref<1x1x1x25x80xi32, #tpu.memory_space<hbm>> -> memref<25x80xi32, #tpu.memory_space<hbm>>
    %dma_start3A_642 = arith.constant 0 : i32
    %dma_start3A_643 = arith.constant 0 : i32
    %dma_start3A_644 = tpu.memref_slice %arg3[%dma_start3A_636, %add3A, %dma_start3A_637, %dma_start3A_642, %dma_start3A_643] : memref<2x32x5x25x80xi32, #tpu.memory_space<hbm>> -> memref<1x1x1x25x80xi32, #tpu.memory_space<hbm>>
    %dma_start3A_645 = tpu.memref_squeeze %dma_start3A_644 : memref<1x1x1x25x80xi32, #tpu.memory_space<hbm>> -> memref<25x80xi32, #tpu.memory_space<hbm>>
    tpu.enqueue_dma source(%dma_start3A_645 : memref<25x80xi32, #tpu.memory_space<hbm>>) target(%arg7 : memref<25x80xi32, #tpu.memory_space<vmem>>) target_semaphore(%arg19 : memref<!tpu.dma_semaphore, #tpu.memory_space<semaphore_mem>>)
    %dma_start3A_646 = arith.constant 0 : i32
    %dma_start3A_647 = arith.constant 0 : i32
    %dma_start3A_648 = tpu.memref_slice %arg6[%dma_start3A_646, %dma_start3A_647] : memref<25x80xi32, #tpu.memory_space<vmem>> -> memref<1x80xi32, #tpu.memory_space<vmem>>
    %dma_start3A_649 = tpu.memref_squeeze %dma_start3A_648 : memref<1x80xi32, #tpu.memory_space<vmem>> -> memref<80xi32, #tpu.memory_space<vmem>>
    %dma_start3A_650 = arith.constant 0 : i32
    %dma_start3A_651 = arith.constant 0 : i32
    %dma_start3A_652 = tpu.memref_slice %arg2[%dma_start3A_650, %dma_start3A_651] : memref<10000x128xf32, #tpu.memory_space<hbm>> -> memref<10000x128xf32, #tpu.memory_space<hbm>>
    tpu.enqueue_indirect_dma source(%dma_start3A_652 : memref<10000x128xf32, #tpu.memory_space<hbm>>) target(%arg9 : memref<80x128xf32, #tpu.memory_space<vmem>>) offsets(%dma_start3A_649 : memref<80xi32, #tpu.memory_space<vmem>>) semaphore(%arg13 : memref<!tpu.dma_semaphore, #tpu.memory_space<semaphore_mem>>)
    %dma_start3A_653 = arith.constant 1 : i32
    %dma_start3A_654 = arith.constant 0 : i32
    %dma_start3A_655 = tpu.memref_slice %arg6[%dma_start3A_653, %dma_start3A_654] : memref<25x80xi32, #tpu.memory_space<vmem>> -> memref<1x80xi32, #tpu.memory_space<vmem>>
    %dma_start3A_656 = tpu.memref_squeeze %dma_start3A_655 : memref<1x80xi32, #tpu.memory_space<vmem>> -> memref<80xi32, #tpu.memory_space<vmem>>
    %dma_start3A_657 = arith.constant 0 : i32
    %dma_start3A_658 = arith.constant 0 : i32
    %dma_start3A_659 = tpu.memref_slice %arg2[%dma_start3A_657, %dma_start3A_658] : memref<10000x128xf32, #tpu.memory_space<hbm>> -> memref<10000x128xf32, #tpu.memory_space<hbm>>
    tpu.enqueue_indirect_dma source(%dma_start3A_659 : memref<10000x128xf32, #tpu.memory_space<hbm>>) target(%arg10 : memref<80x128xf32, #tpu.memory_space<vmem>>) offsets(%dma_start3A_656 : memref<80xi32, #tpu.memory_space<vmem>>) semaphore(%arg14 : memref<!tpu.dma_semaphore, #tpu.memory_space<semaphore_mem>>)
    %dma_wait3A_660 = arith.constant 0 : i32
    %dma_wait3A_661 = arith.constant 0 : i32
    %dma_wait3A_662 = tpu.memref_slice %arg6[%dma_wait3A_660, %dma_wait3A_661] : memref<25x80xi32, #tpu.memory_space<vmem>> -> memref<1x80xi32, #tpu.memory_space<vmem>>
    %dma_wait3A_663 = tpu.memref_squeeze %dma_wait3A_662 : memref<1x80xi32, #tpu.memory_space<vmem>> -> memref<80xi32, #tpu.memory_space<vmem>>
    %dma_wait3A_664 = arith.constant 0 : i32
    %dma_wait3A_665 = arith.constant 0 : i32
    %dma_wait3A_666 = tpu.memref_slice %arg2[%dma_wait3A_664, %dma_wait3A_665] : memref<10000x128xf32, #tpu.memory_space<hbm>> -> memref<10000x128xf32, #tpu.memory_space<hbm>>
    tpu.wait_indirect_dma semaphore(%arg13 : memref<!tpu.dma_semaphore, #tpu.memory_space<semaphore_mem>>) src(%dma_wait3A_666 : memref<10000x128xf32, #tpu.memory_space<hbm>>) dst(%arg9 : memref<80x128xf32, #tpu.memory_space<vmem>>)
    %dma_start3A_667 = arith.constant 0 : i32
    %dma_start3A_668 = arith.constant 0 : i32
    %dma_start3A_669 = tpu.memref_slice %arg8[%dma_start3A_667, %dma_start3A_668] : memref<25x80xi32, #tpu.memory_space<vmem>> -> memref<1x80xi32, #tpu.memory_space<vmem>>
    %dma_start3A_670 = tpu.memref_squeeze %dma_start3A_669 : memref<1x80xi32, #tpu.memory_space<vmem>> -> memref<80xi32, #tpu.memory_space<vmem>>
    %dma_start3A_671 = arith.constant 0 : i32
    %dma_start3A_672 = arith.constant 0 : i32
    %dma_start3A_673 = tpu.memref_slice %arg12[%dma_start3A_671, %dma_start3A_672] : memref<10240x128xf32, #tpu.memory_space<vmem_shared>> -> memref<10240x128xf32, #tpu.memory_space<vmem_shared>>
    tpu.enqueue_indirect_dma source(%arg9 : memref<80x128xf32, #tpu.memory_space<vmem>>) target(%dma_start3A_673 : memref<10240x128xf32, #tpu.memory_space<vmem_shared>>) offsets(%dma_start3A_670 : memref<80xi32, #tpu.memory_space<vmem>>) semaphore(%arg16 : memref<!tpu.dma_semaphore, #tpu.memory_space<semaphore_mem>>) {add = true}
    %dma_start3A_674 = arith.constant 2 : i32
    %dma_start3A_675 = arith.constant 0 : i32
    %dma_start3A_676 = tpu.memref_slice %arg6[%dma_start3A_674, %dma_start3A_675] : memref<25x80xi32, #tpu.memory_space<vmem>> -> memref<1x80xi32, #tpu.memory_space<vmem>>
    %dma_start3A_677 = tpu.memref_squeeze %dma_start3A_676 : memref<1x80xi32, #tpu.memory_space<vmem>> -> memref<80xi32, #tpu.memory_space<vmem>>
    %dma_start3A_678 = arith.constant 0 : i32
    %dma_start3A_679 = arith.constant 0 : i32
    %dma_start3A_680 = tpu.memref_slice %arg2[%dma_start3A_678, %dma_start3A_679] : memref<10000x128xf32, #tpu.memory_space<hbm>> -> memref<10000x128xf32, #tpu.memory_space<hbm>>
    tpu.enqueue_indirect_dma source(%dma_start3A_680 : memref<10000x128xf32, #tpu.memory_space<hbm>>) target(%arg11 : memref<80x128xf32, #tpu.memory_space<vmem>>) offsets(%dma_start3A_677 : memref<80xi32, #tpu.memory_space<vmem>>) semaphore(%arg15 : memref<!tpu.dma_semaphore, #tpu.memory_space<semaphore_mem>>)
    %dma_wait3A_681 = arith.constant 1 : i32
    %dma_wait3A_682 = arith.constant 0 : i32
    %dma_wait3A_683 = tpu.memref_slice %arg6[%dma_wait3A_681, %dma_wait3A_682] : memref<25x80xi32, #tpu.memory_space<vmem>> -> memref<1x80xi32, #tpu.memory_space<vmem>>
    %dma_wait3A_684 = tpu.memref_squeeze %dma_wait3A_683 : memref<1x80xi32, #tpu.memory_space<vmem>> -> memref<80xi32, #tpu.memory_space<vmem>>
    %dma_wait3A_685 = arith.constant 0 : i32
    %dma_wait3A_686 = arith.constant 0 : i32
    %dma_wait3A_687 = tpu.memref_slice %arg2[%dma_wait3A_685, %dma_wait3A_686] : memref<10000x128xf32, #tpu.memory_space<hbm>> -> memref<10000x128xf32, #tpu.memory_space<hbm>>
    tpu.wait_indirect_dma semaphore(%arg14 : memref<!tpu.dma_semaphore, #tpu.memory_space<semaphore_mem>>) src(%dma_wait3A_687 : memref<10000x128xf32, #tpu.memory_space<hbm>>) dst(%arg10 : memref<80x128xf32, #tpu.memory_space<vmem>>)
    %dma_start3A_688 = arith.constant 1 : i32
    %dma_start3A_689 = arith.constant 0 : i32
    %dma_start3A_690 = tpu.memref_slice %arg8[%dma_start3A_688, %dma_start3A_689] : memref<25x80xi32, #tpu.memory_space<vmem>> -> memref<1x80xi32, #tpu.memory_space<vmem>>
    %dma_start3A_691 = tpu.memref_squeeze %dma_start3A_690 : memref<1x80xi32, #tpu.memory_space<vmem>> -> memref<80xi32, #tpu.memory_space<vmem>>
    %dma_start3A_692 = arith.constant 0 : i32
    %dma_start3A_693 = arith.constant 0 : i32
    %dma_start3A_694 = tpu.memref_slice %arg12[%dma_start3A_692, %dma_start3A_693] : memref<10240x128xf32, #tpu.memory_space<vmem_shared>> -> memref<10240x128xf32, #tpu.memory_space<vmem_shared>>
    tpu.enqueue_indirect_dma source(%arg10 : memref<80x128xf32, #tpu.memory_space<vmem>>) target(%dma_start3A_694 : memref<10240x128xf32, #tpu.memory_space<vmem_shared>>) offsets(%dma_start3A_691 : memref<80xi32, #tpu.memory_space<vmem>>) semaphore(%arg17 : memref<!tpu.dma_semaphore, #tpu.memory_space<semaphore_mem>>) {add = true}
    %dma_wait3A_695 = arith.constant 0 : i32
    %dma_wait3A_696 = arith.constant 0 : i32
    %dma_wait3A_697 = tpu.memref_slice %arg8[%dma_wait3A_695, %dma_wait3A_696] : memref<25x80xi32, #tpu.memory_space<vmem>> -> memref<1x80xi32, #tpu.memory_space<vmem>>
    %dma_wait3A_698 = tpu.memref_squeeze %dma_wait3A_697 : memref<1x80xi32, #tpu.memory_space<vmem>> -> memref<80xi32, #tpu.memory_space<vmem>>
    %dma_wait3A_699 = arith.constant 0 : i32
    %dma_wait3A_700 = arith.constant 0 : i32
    %dma_wait3A_701 = tpu.memref_slice %arg12[%dma_wait3A_699, %dma_wait3A_700] : memref<10240x128xf32, #tpu.memory_space<vmem_shared>> -> memref<10240x128xf32, #tpu.memory_space<vmem_shared>>
    tpu.wait_indirect_dma semaphore(%arg16 : memref<!tpu.dma_semaphore, #tpu.memory_space<semaphore_mem>>) src(%arg9 : memref<80x128xf32, #tpu.memory_space<vmem>>) dst(%dma_wait3A_701 : memref<10240x128xf32, #tpu.memory_space<vmem_shared>>)
    %dma_start3A_702 = arith.constant 3 : i32
    %dma_start3A_703 = arith.constant 0 : i32
    %dma_start3A_704 = tpu.memref_slice %arg6[%dma_start3A_702, %dma_start3A_703] : memref<25x80xi32, #tpu.memory_space<vmem>> -> memref<1x80xi32, #tpu.memory_space<vmem>>
    %dma_start3A_705 = tpu.memref_squeeze %dma_start3A_704 : memref<1x80xi32, #tpu.memory_space<vmem>> -> memref<80xi32, #tpu.memory_space<vmem>>
    %dma_start3A_706 = arith.constant 0 : i32
    %dma_start3A_707 = arith.constant 0 : i32
    %dma_start3A_708 = tpu.memref_slice %arg2[%dma_start3A_706, %dma_start3A_707] : memref<10000x128xf32, #tpu.memory_space<hbm>> -> memref<10000x128xf32, #tpu.memory_space<hbm>>
    tpu.enqueue_indirect_dma source(%dma_start3A_708 : memref<10000x128xf32, #tpu.memory_space<hbm>>) target(%arg9 : memref<80x128xf32, #tpu.memory_space<vmem>>) offsets(%dma_start3A_705 : memref<80xi32, #tpu.memory_space<vmem>>) semaphore(%arg13 : memref<!tpu.dma_semaphore, #tpu.memory_space<semaphore_mem>>)
    %dma_wait3A_709 = arith.constant 2 : i32
    %dma_wait3A_710 = arith.constant 0 : i32
    %dma_wait3A_711 = tpu.memref_slice %arg6[%dma_wait3A_709, %dma_wait3A_710] : memref<25x80xi32, #tpu.memory_space<vmem>> -> memref<1x80xi32, #tpu.memory_space<vmem>>
    %dma_wait3A_712 = tpu.memref_squeeze %dma_wait3A_711 : memref<1x80xi32, #tpu.memory_space<vmem>> -> memref<80xi32, #tpu.memory_space<vmem>>
    %dma_wait3A_713 = arith.constant 0 : i32
    %dma_wait3A_714 = arith.constant 0 : i32
    %dma_wait3A_715 = tpu.memref_slice %arg2[%dma_wait3A_713, %dma_wait3A_714] : memref<10000x128xf32, #tpu.memory_space<hbm>> -> memref<10000x128xf32, #tpu.memory_space<hbm>>
    tpu.wait_indirect_dma semaphore(%arg15 : memref<!tpu.dma_semaphore, #tpu.memory_space<semaphore_mem>>) src(%dma_wait3A_715 : memref<10000x128xf32, #tpu.memory_space<hbm>>) dst(%arg11 : memref<80x128xf32, #tpu.memory_space<vmem>>)
    %dma_start3A_716 = arith.constant 2 : i32
    %dma_start3A_717 = arith.constant 0 : i32
    %dma_start3A_718 = tpu.memref_slice %arg8[%dma_start3A_716, %dma_start3A_717] : memref<25x80xi32, #tpu.memory_space<vmem>> -> memref<1x80xi32, #tpu.memory_space<vmem>>
    %dma_start3A_719 = tpu.memref_squeeze %dma_start3A_718 : memref<1x80xi32, #tpu.memory_space<vmem>> -> memref<80xi32, #tpu.memory_space<vmem>>
    %dma_start3A_720 = arith.constant 0 : i32
    %dma_start3A_721 = arith.constant 0 : i32
    %dma_start3A_722 = tpu.memref_slice %arg12[%dma_start3A_720, %dma_start3A_721] : memref<10240x128xf32, #tpu.memory_space<vmem_shared>> -> memref<10240x128xf32, #tpu.memory_space<vmem_shared>>
    tpu.enqueue_indirect_dma source(%arg11 : memref<80x128xf32, #tpu.memory_space<vmem>>) target(%dma_start3A_722 : memref<10240x128xf32, #tpu.memory_space<vmem_shared>>) offsets(%dma_start3A_719 : memref<80xi32, #tpu.memory_space<vmem>>) semaphore(%arg18 : memref<!tpu.dma_semaphore, #tpu.memory_space<semaphore_mem>>) {add = true}
    %dma_wait3A_723 = arith.constant 1 : i32
    %dma_wait3A_724 = arith.constant 0 : i32
    %dma_wait3A_725 = tpu.memref_slice %arg8[%dma_wait3A_723, %dma_wait3A_724] : memref<25x80xi32, #tpu.memory_space<vmem>> -> memref<1x80xi32, #tpu.memory_space<vmem>>
    %dma_wait3A_726 = tpu.memref_squeeze %dma_wait3A_725 : memref<1x80xi32, #tpu.memory_space<vmem>> -> memref<80xi32, #tpu.memory_space<vmem>>
    %dma_wait3A_727 = arith.constant 0 : i32
    %dma_wait3A_728 = arith.constant 0 : i32
    %dma_wait3A_729 = tpu.memref_slice %arg12[%dma_wait3A_727, %dma_wait3A_728] : memref<10240x128xf32, #tpu.memory_space<vmem_shared>> -> memref<10240x128xf32, #tpu.memory_space<vmem_shared>>
    tpu.wait_indirect_dma semaphore(%arg17 : memref<!tpu.dma_semaphore, #tpu.memory_space<semaphore_mem>>) src(%arg10 : memref<80x128xf32, #tpu.memory_space<vmem>>) dst(%dma_wait3A_729 : memref<10240x128xf32, #tpu.memory_space<vmem_shared>>)
    %dma_start3A_730 = arith.constant 4 : i32
    %dma_start3A_731 = arith.constant 0 : i32
    %dma_start3A_732 = tpu.memref_slice %arg6[%dma_start3A_730, %dma_start3A_731] : memref<25x80xi32, #tpu.memory_space<vmem>> -> memref<1x80xi32, #tpu.memory_space<vmem>>
    %dma_start3A_733 = tpu.memref_squeeze %dma_start3A_732 : memref<1x80xi32, #tpu.memory_space<vmem>> -> memref<80xi32, #tpu.memory_space<vmem>>
    %dma_start3A_734 = arith.constant 0 : i32
    %dma_start3A_735 = arith.constant 0 : i32
    %dma_start3A_736 = tpu.memref_slice %arg2[%dma_start3A_734, %dma_start3A_735] : memref<10000x128xf32, #tpu.memory_space<hbm>> -> memref<10000x128xf32, #tpu.memory_space<hbm>>
    tpu.enqueue_indirect_dma source(%dma_start3A_736 : memref<10000x128xf32, #tpu.memory_space<hbm>>) target(%arg10 : memref<80x128xf32, #tpu.memory_space<vmem>>) offsets(%dma_start3A_733 : memref<80xi32, #tpu.memory_space<vmem>>) semaphore(%arg14 : memref<!tpu.dma_semaphore, #tpu.memory_space<semaphore_mem>>)
    %scan3A_737 = arith.constant 0 : i32
    %scan3A_738 = arith.constant 0 : i32
    %scan3A_739 = arith.constant 7 : i32
    %scan3A_740 = arith.addi %scan3A_738, %scan3A_739 : i32
    %scan3A_741 = arith.constant 1 : i32
    %scan3A_742 = scf.for %scan3A_919 = %scan3A_738 to %scan3A_740 step %scan3A_741 iter_args(%scan3A_920 = %scan3A_737) -> (i32)  : i32 {
      %mul3A_921 = arith.constant 3 : i32
      %mul3A_922 = arith.muli %mul3A_921, %scan3A_919 : i32
      %add3A_923 = arith.constant 3 : i32
      %add3A_924 = arith.addi %add3A_923, %mul3A_922 : i32
      %dma_wait3A_925 = arith.constant 0 : i32
      %dma_wait3A_926 = tpu.memref_slice %arg6[%add3A_924, %dma_wait3A_925] : memref<25x80xi32, #tpu.memory_space<vmem>> -> memref<1x80xi32, #tpu.memory_space<vmem>>
      %dma_wait3A_927 = tpu.memref_squeeze %dma_wait3A_926 : memref<1x80xi32, #tpu.memory_space<vmem>> -> memref<80xi32, #tpu.memory_space<vmem>>
      %dma_wait3A_928 = arith.constant 0 : i32
      %dma_wait3A_929 = arith.constant 0 : i32
      %dma_wait3A_930 = tpu.memref_slice %arg2[%dma_wait3A_928, %dma_wait3A_929] : memref<10000x128xf32, #tpu.memory_space<hbm>> -> memref<10000x128xf32, #tpu.memory_space<hbm>>
      tpu.wait_indirect_dma semaphore(%arg13 : memref<!tpu.dma_semaphore, #tpu.memory_space<semaphore_mem>>) src(%dma_wait3A_930 : memref<10000x128xf32, #tpu.memory_space<hbm>>) dst(%arg9 : memref<80x128xf32, #tpu.memory_space<vmem>>)
      %dma_start3A_931 = arith.constant 0 : i32
      %dma_start3A_932 = tpu.memref_slice %arg8[%add3A_924, %dma_start3A_931] : memref<25x80xi32, #tpu.memory_space<vmem>> -> memref<1x80xi32, #tpu.memory_space<vmem>>
      %dma_start3A_933 = tpu.memref_squeeze %dma_start3A_932 : memref<1x80xi32, #tpu.memory_space<vmem>> -> memref<80xi32, #tpu.memory_space<vmem>>
      %dma_start3A_934 = arith.constant 0 : i32
      %dma_start3A_935 = arith.constant 0 : i32
      %dma_start3A_936 = tpu.memref_slice %arg12[%dma_start3A_934, %dma_start3A_935] : memref<10240x128xf32, #tpu.memory_space<vmem_shared>> -> memref<10240x128xf32, #tpu.memory_space<vmem_shared>>
      tpu.enqueue_indirect_dma source(%arg9 : memref<80x128xf32, #tpu.memory_space<vmem>>) target(%dma_start3A_936 : memref<10240x128xf32, #tpu.memory_space<vmem_shared>>) offsets(%dma_start3A_933 : memref<80xi32, #tpu.memory_space<vmem>>) semaphore(%arg16 : memref<!tpu.dma_semaphore, #tpu.memory_space<semaphore_mem>>) {add = true}
      %sub3A = arith.constant 1 : i32
      %sub3A_937 = arith.subi %add3A_924, %sub3A : i32
      %dma_wait3A_938 = arith.constant 0 : i32
      %dma_wait3A_939 = tpu.memref_slice %arg8[%sub3A_937, %dma_wait3A_938] : memref<25x80xi32, #tpu.memory_space<vmem>> -> memref<1x80xi32, #tpu.memory_space<vmem>>
      %dma_wait3A_940 = tpu.memref_squeeze %dma_wait3A_939 : memref<1x80xi32, #tpu.memory_space<vmem>> -> memref<80xi32, #tpu.memory_space<vmem>>
      %dma_wait3A_941 = arith.constant 0 : i32
      %dma_wait3A_942 = arith.constant 0 : i32
      %dma_wait3A_943 = tpu.memref_slice %arg12[%dma_wait3A_941, %dma_wait3A_942] : memref<10240x128xf32, #tpu.memory_space<vmem_shared>> -> memref<10240x128xf32, #tpu.memory_space<vmem_shared>>
      tpu.wait_indirect_dma semaphore(%arg18 : memref<!tpu.dma_semaphore, #tpu.memory_space<semaphore_mem>>) src(%arg11 : memref<80x128xf32, #tpu.memory_space<vmem>>) dst(%dma_wait3A_943 : memref<10240x128xf32, #tpu.memory_space<vmem_shared>>)
      %add3A_944 = arith.constant 2 : i32
      %add3A_945 = arith.addi %add3A_924, %add3A_944 : i32
      %dma_start3A_946 = arith.constant 0 : i32
      %dma_start3A_947 = tpu.memref_slice %arg6[%add3A_945, %dma_start3A_946] : memref<25x80xi32, #tpu.memory_space<vmem>> -> memref<1x80xi32, #tpu.memory_space<vmem>>
      %dma_start3A_948 = tpu.memref_squeeze %dma_start3A_947 : memref<1x80xi32, #tpu.memory_space<vmem>> -> memref<80xi32, #tpu.memory_space<vmem>>
      %dma_start3A_949 = arith.constant 0 : i32
      %dma_start3A_950 = arith.constant 0 : i32
      %dma_start3A_951 = tpu.memref_slice %arg2[%dma_start3A_949, %dma_start3A_950] : memref<10000x128xf32, #tpu.memory_space<hbm>> -> memref<10000x128xf32, #tpu.memory_space<hbm>>
      tpu.enqueue_indirect_dma source(%dma_start3A_951 : memref<10000x128xf32, #tpu.memory_space<hbm>>) target(%arg11 : memref<80x128xf32, #tpu.memory_space<vmem>>) offsets(%dma_start3A_948 : memref<80xi32, #tpu.memory_space<vmem>>) semaphore(%arg15 : memref<!tpu.dma_semaphore, #tpu.memory_space<semaphore_mem>>)
      %add3A_952 = arith.constant 1 : i32
      %add3A_953 = arith.addi %add3A_924, %add3A_952 : i32
      %dma_wait3A_954 = arith.constant 0 : i32
      %dma_wait3A_955 = tpu.memref_slice %arg6[%add3A_953, %dma_wait3A_954] : memref<25x80xi32, #tpu.memory_space<vmem>> -> memref<1x80xi32, #tpu.memory_space<vmem>>
      %dma_wait3A_956 = tpu.memref_squeeze %dma_wait3A_955 : memref<1x80xi32, #tpu.memory_space<vmem>> -> memref<80xi32, #tpu.memory_space<vmem>>
      %dma_wait3A_957 = arith.constant 0 : i32
      %dma_wait3A_958 = arith.constant 0 : i32
      %dma_wait3A_959 = tpu.memref_slice %arg2[%dma_wait3A_957, %dma_wait3A_958] : memref<10000x128xf32, #tpu.memory_space<hbm>> -> memref<10000x128xf32, #tpu.memory_space<hbm>>
      tpu.wait_indirect_dma semaphore(%arg14 : memref<!tpu.dma_semaphore, #tpu.memory_space<semaphore_mem>>) src(%dma_wait3A_959 : memref<10000x128xf32, #tpu.memory_space<hbm>>) dst(%arg10 : memref<80x128xf32, #tpu.memory_space<vmem>>)
      %add3A_960 = arith.constant 1 : i32
      %add3A_961 = arith.addi %add3A_924, %add3A_960 : i32
      %dma_start3A_962 = arith.constant 0 : i32
      %dma_start3A_963 = tpu.memref_slice %arg8[%add3A_961, %dma_start3A_962] : memref<25x80xi32, #tpu.memory_space<vmem>> -> memref<1x80xi32, #tpu.memory_space<vmem>>
      %dma_start3A_964 = tpu.memref_squeeze %dma_start3A_963 : memref<1x80xi32, #tpu.memory_space<vmem>> -> memref<80xi32, #tpu.memory_space<vmem>>
      %dma_start3A_965 = arith.constant 0 : i32
      %dma_start3A_966 = arith.constant 0 : i32
      %dma_start3A_967 = tpu.memref_slice %arg12[%dma_start3A_965, %dma_start3A_966] : memref<10240x128xf32, #tpu.memory_space<vmem_shared>> -> memref<10240x128xf32, #tpu.memory_space<vmem_shared>>
      tpu.enqueue_indirect_dma source(%arg10 : memref<80x128xf32, #tpu.memory_space<vmem>>) target(%dma_start3A_967 : memref<10240x128xf32, #tpu.memory_space<vmem_shared>>) offsets(%dma_start3A_964 : memref<80xi32, #tpu.memory_space<vmem>>) semaphore(%arg17 : memref<!tpu.dma_semaphore, #tpu.memory_space<semaphore_mem>>) {add = true}
      %dma_wait3A_968 = arith.constant 0 : i32
      %dma_wait3A_969 = tpu.memref_slice %arg8[%add3A_924, %dma_wait3A_968] : memref<25x80xi32, #tpu.memory_space<vmem>> -> memref<1x80xi32, #tpu.memory_space<vmem>>
      %dma_wait3A_970 = tpu.memref_squeeze %dma_wait3A_969 : memref<1x80xi32, #tpu.memory_space<vmem>> -> memref<80xi32, #tpu.memory_space<vmem>>
      %dma_wait3A_971 = arith.constant 0 : i32
      %dma_wait3A_972 = arith.constant 0 : i32
      %dma_wait3A_973 = tpu.memref_slice %arg12[%dma_wait3A_971, %dma_wait3A_972] : memref<10240x128xf32, #tpu.memory_space<vmem_shared>> -> memref<10240x128xf32, #tpu.memory_space<vmem_shared>>
      tpu.wait_indirect_dma semaphore(%arg16 : memref<!tpu.dma_semaphore, #tpu.memory_space<semaphore_mem>>) src(%arg9 : memref<80x128xf32, #tpu.memory_space<vmem>>) dst(%dma_wait3A_973 : memref<10240x128xf32, #tpu.memory_space<vmem_shared>>)
      %add3A_974 = arith.constant 3 : i32
      %add3A_975 = arith.addi %add3A_924, %add3A_974 : i32
      %dma_start3A_976 = arith.constant 0 : i32
      %dma_start3A_977 = tpu.memref_slice %arg6[%add3A_975, %dma_start3A_976] : memref<25x80xi32, #tpu.memory_space<vmem>> -> memref<1x80xi32, #tpu.memory_space<vmem>>
      %dma_start3A_978 = tpu.memref_squeeze %dma_start3A_977 : memref<1x80xi32, #tpu.memory_space<vmem>> -> memref<80xi32, #tpu.memory_space<vmem>>
      %dma_start3A_979 = arith.constant 0 : i32
      %dma_start3A_980 = arith.constant 0 : i32
      %dma_start3A_981 = tpu.memref_slice %arg2[%dma_start3A_979, %dma_start3A_980] : memref<10000x128xf32, #tpu.memory_space<hbm>> -> memref<10000x128xf32, #tpu.memory_space<hbm>>
      tpu.enqueue_indirect_dma source(%dma_start3A_981 : memref<10000x128xf32, #tpu.memory_space<hbm>>) target(%arg9 : memref<80x128xf32, #tpu.memory_space<vmem>>) offsets(%dma_start3A_978 : memref<80xi32, #tpu.memory_space<vmem>>) semaphore(%arg13 : memref<!tpu.dma_semaphore, #tpu.memory_space<semaphore_mem>>)
      %add3A_982 = arith.constant 2 : i32
      %add3A_983 = arith.addi %add3A_924, %add3A_982 : i32
      %dma_wait3A_984 = arith.constant 0 : i32
      %dma_wait3A_985 = tpu.memref_slice %arg6[%add3A_983, %dma_wait3A_984] : memref<25x80xi32, #tpu.memory_space<vmem>> -> memref<1x80xi32, #tpu.memory_space<vmem>>
      %dma_wait3A_986 = tpu.memref_squeeze %dma_wait3A_985 : memref<1x80xi32, #tpu.memory_space<vmem>> -> memref<80xi32, #tpu.memory_space<vmem>>
      %dma_wait3A_987 = arith.constant 0 : i32
      %dma_wait3A_988 = arith.constant 0 : i32
      %dma_wait3A_989 = tpu.memref_slice %arg2[%dma_wait3A_987, %dma_wait3A_988] : memref<10000x128xf32, #tpu.memory_space<hbm>> -> memref<10000x128xf32, #tpu.memory_space<hbm>>
      tpu.wait_indirect_dma semaphore(%arg15 : memref<!tpu.dma_semaphore, #tpu.memory_space<semaphore_mem>>) src(%dma_wait3A_989 : memref<10000x128xf32, #tpu.memory_space<hbm>>) dst(%arg11 : memref<80x128xf32, #tpu.memory_space<vmem>>)
      %add3A_990 = arith.constant 2 : i32
      %add3A_991 = arith.addi %add3A_924, %add3A_990 : i32
      %dma_start3A_992 = arith.constant 0 : i32
      %dma_start3A_993 = tpu.memref_slice %arg8[%add3A_991, %dma_start3A_992] : memref<25x80xi32, #tpu.memory_space<vmem>> -> memref<1x80xi32, #tpu.memory_space<vmem>>
      %dma_start3A_994 = tpu.memref_squeeze %dma_start3A_993 : memref<1x80xi32, #tpu.memory_space<vmem>> -> memref<80xi32, #tpu.memory_space<vmem>>
      %dma_start3A_995 = arith.constant 0 : i32
      %dma_start3A_996 = arith.constant 0 : i32
      %dma_start3A_997 = tpu.memref_slice %arg12[%dma_start3A_995, %dma_start3A_996] : memref<10240x128xf32, #tpu.memory_space<vmem_shared>> -> memref<10240x128xf32, #tpu.memory_space<vmem_shared>>
      tpu.enqueue_indirect_dma source(%arg11 : memref<80x128xf32, #tpu.memory_space<vmem>>) target(%dma_start3A_997 : memref<10240x128xf32, #tpu.memory_space<vmem_shared>>) offsets(%dma_start3A_994 : memref<80xi32, #tpu.memory_space<vmem>>) semaphore(%arg18 : memref<!tpu.dma_semaphore, #tpu.memory_space<semaphore_mem>>) {add = true}
      %add3A_998 = arith.constant 1 : i32
      %add3A_999 = arith.addi %add3A_924, %add3A_998 : i32
      %dma_wait3A_1000 = arith.constant 0 : i32
      %dma_wait3A_1001 = tpu.memref_slice %arg8[%add3A_999, %dma_wait3A_1000] : memref<25x80xi32, #tpu.memory_space<vmem>> -> memref<1x80xi32, #tpu.memory_space<vmem>>
      %dma_wait3A_1002 = tpu.memref_squeeze %dma_wait3A_1001 : memref<1x80xi32, #tpu.memory_space<vmem>> -> memref<80xi32, #tpu.memory_space<vmem>>
      %dma_wait3A_1003 = arith.constant 0 : i32
      %dma_wait3A_1004 = arith.constant 0 : i32
      %dma_wait3A_1005 = tpu.memref_slice %arg12[%dma_wait3A_1003, %dma_wait3A_1004] : memref<10240x128xf32, #tpu.memory_space<vmem_shared>> -> memref<10240x128xf32, #tpu.memory_space<vmem_shared>>
      tpu.wait_indirect_dma semaphore(%arg17 : memref<!tpu.dma_semaphore, #tpu.memory_space<semaphore_mem>>) src(%arg10 : memref<80x128xf32, #tpu.memory_space<vmem>>) dst(%dma_wait3A_1005 : memref<10240x128xf32, #tpu.memory_space<vmem_shared>>)
      %add3A_1006 = arith.constant 4 : i32
      %add3A_1007 = arith.addi %add3A_924, %add3A_1006 : i32
      %lt3A = arith.constant 25 : i32
      %lt3A_1008 = arith.cmpi slt, %add3A_1007, %lt3A : i32
      %convert_element_type3A = arith.extui %lt3A_1008 : i1 to i32
      %cond3A = arith.constant 0 : i32
      %cond3A_1009 = arith.cmpi ne, %convert_element_type3A, %cond3A : i32
      scf.if %cond3A_1009 {
        %add3A_1011 = arith.constant 4 : i32
        %add3A_1012 = arith.addi %add3A_924, %add3A_1011 : i32
        %dma_start3A_1013 = arith.constant 0 : i32
        %dma_start3A_1014 = tpu.memref_slice %arg6[%add3A_1012, %dma_start3A_1013] : memref<25x80xi32, #tpu.memory_space<vmem>> -> memref<1x80xi32, #tpu.memory_space<vmem>>
        %dma_start3A_1015 = tpu.memref_squeeze %dma_start3A_1014 : memref<1x80xi32, #tpu.memory_space<vmem>> -> memref<80xi32, #tpu.memory_space<vmem>>
        %dma_start3A_1016 = arith.constant 0 : i32
        %dma_start3A_1017 = arith.constant 0 : i32
        %dma_start3A_1018 = tpu.memref_slice %arg2[%dma_start3A_1016, %dma_start3A_1017] : memref<10000x128xf32, #tpu.memory_space<hbm>> -> memref<10000x128xf32, #tpu.memory_space<hbm>>
        tpu.enqueue_indirect_dma source(%dma_start3A_1018 : memref<10000x128xf32, #tpu.memory_space<hbm>>) target(%arg10 : memref<80x128xf32, #tpu.memory_space<vmem>>) offsets(%dma_start3A_1015 : memref<80xi32, #tpu.memory_space<vmem>>) semaphore(%arg14 : memref<!tpu.dma_semaphore, #tpu.memory_space<semaphore_mem>>)
      } else {
      }
      %scan3A_1010 = arith.constant 0 : i32
      scf.yield %scan3A_1010 : i32
    }
    %scan3A_743 = arith.constant 7 : i32
    %dma_wait3A_744 = arith.constant 24 : i32
    %dma_wait3A_745 = arith.constant 0 : i32
    %dma_wait3A_746 = tpu.memref_slice %arg6[%dma_wait3A_744, %dma_wait3A_745] : memref<25x80xi32, #tpu.memory_space<vmem>> -> memref<1x80xi32, #tpu.memory_space<vmem>>
    %dma_wait3A_747 = tpu.memref_squeeze %dma_wait3A_746 : memref<1x80xi32, #tpu.memory_space<vmem>> -> memref<80xi32, #tpu.memory_space<vmem>>
    %dma_wait3A_748 = arith.constant 0 : i32
    %dma_wait3A_749 = arith.constant 0 : i32
    %dma_wait3A_750 = tpu.memref_slice %arg2[%dma_wait3A_748, %dma_wait3A_749] : memref<10000x128xf32, #tpu.memory_space<hbm>> -> memref<10000x128xf32, #tpu.memory_space<hbm>>
    tpu.wait_indirect_dma semaphore(%arg13 : memref<!tpu.dma_semaphore, #tpu.memory_space<semaphore_mem>>) src(%dma_wait3A_750 : memref<10000x128xf32, #tpu.memory_space<hbm>>) dst(%arg9 : memref<80x128xf32, #tpu.memory_space<vmem>>)
    %dma_start3A_751 = arith.constant 24 : i32
    %dma_start3A_752 = arith.constant 0 : i32
    %dma_start3A_753 = tpu.memref_slice %arg8[%dma_start3A_751, %dma_start3A_752] : memref<25x80xi32, #tpu.memory_space<vmem>> -> memref<1x80xi32, #tpu.memory_space<vmem>>
    %dma_start3A_754 = tpu.memref_squeeze %dma_start3A_753 : memref<1x80xi32, #tpu.memory_space<vmem>> -> memref<80xi32, #tpu.memory_space<vmem>>
    %dma_start3A_755 = arith.constant 0 : i32
    %dma_start3A_756 = arith.constant 0 : i32
    %dma_start3A_757 = tpu.memref_slice %arg12[%dma_start3A_755, %dma_start3A_756] : memref<10240x128xf32, #tpu.memory_space<vmem_shared>> -> memref<10240x128xf32, #tpu.memory_space<vmem_shared>>
    tpu.enqueue_indirect_dma source(%arg9 : memref<80x128xf32, #tpu.memory_space<vmem>>) target(%dma_start3A_757 : memref<10240x128xf32, #tpu.memory_space<vmem_shared>>) offsets(%dma_start3A_754 : memref<80xi32, #tpu.memory_space<vmem>>) semaphore(%arg16 : memref<!tpu.dma_semaphore, #tpu.memory_space<semaphore_mem>>) {add = true}
    %dma_wait3A_758 = arith.constant 23 : i32
    %dma_wait3A_759 = arith.constant 0 : i32
    %dma_wait3A_760 = tpu.memref_slice %arg8[%dma_wait3A_758, %dma_wait3A_759] : memref<25x80xi32, #tpu.memory_space<vmem>> -> memref<1x80xi32, #tpu.memory_space<vmem>>
    %dma_wait3A_761 = tpu.memref_squeeze %dma_wait3A_760 : memref<1x80xi32, #tpu.memory_space<vmem>> -> memref<80xi32, #tpu.memory_space<vmem>>
    %dma_wait3A_762 = arith.constant 0 : i32
    %dma_wait3A_763 = arith.constant 0 : i32
    %dma_wait3A_764 = tpu.memref_slice %arg12[%dma_wait3A_762, %dma_wait3A_763] : memref<10240x128xf32, #tpu.memory_space<vmem_shared>> -> memref<10240x128xf32, #tpu.memory_space<vmem_shared>>
    tpu.wait_indirect_dma semaphore(%arg18 : memref<!tpu.dma_semaphore, #tpu.memory_space<semaphore_mem>>) src(%arg11 : memref<80x128xf32, #tpu.memory_space<vmem>>) dst(%dma_wait3A_764 : memref<10240x128xf32, #tpu.memory_space<vmem_shared>>)
    %dma_wait3A_765 = arith.constant 24 : i32
    %dma_wait3A_766 = arith.constant 0 : i32
    %dma_wait3A_767 = tpu.memref_slice %arg8[%dma_wait3A_765, %dma_wait3A_766] : memref<25x80xi32, #tpu.memory_space<vmem>> -> memref<1x80xi32, #tpu.memory_space<vmem>>
    %dma_wait3A_768 = tpu.memref_squeeze %dma_wait3A_767 : memref<1x80xi32, #tpu.memory_space<vmem>> -> memref<80xi32, #tpu.memory_space<vmem>>
    %dma_wait3A_769 = arith.constant 0 : i32
    %dma_wait3A_770 = arith.constant 0 : i32
    %dma_wait3A_771 = tpu.memref_slice %arg12[%dma_wait3A_769, %dma_wait3A_770] : memref<10240x128xf32, #tpu.memory_space<vmem_shared>> -> memref<10240x128xf32, #tpu.memory_space<vmem_shared>>
    tpu.wait_indirect_dma semaphore(%arg16 : memref<!tpu.dma_semaphore, #tpu.memory_space<semaphore_mem>>) src(%arg9 : memref<80x128xf32, #tpu.memory_space<vmem>>) dst(%dma_wait3A_771 : memref<10240x128xf32, #tpu.memory_space<vmem_shared>>)
    %dma_wait3A_772 = arith.constant 0 : i32
    %dma_wait3A_773 = arith.constant 4 : i32
    %dma_wait3A_774 = arith.constant 0 : i32
    %dma_wait3A_775 = arith.constant 0 : i32
    %dma_wait3A_776 = tpu.memref_slice %arg3[%dma_wait3A_772, %add3A, %dma_wait3A_773, %dma_wait3A_774, %dma_wait3A_775] : memref<2x32x5x25x80xi32, #tpu.memory_space<hbm>> -> memref<1x1x1x25x80xi32, #tpu.memory_space<hbm>>
    %dma_wait3A_777 = tpu.memref_squeeze %dma_wait3A_776 : memref<1x1x1x25x80xi32, #tpu.memory_space<hbm>> -> memref<25x80xi32, #tpu.memory_space<hbm>>
    %dma_wait3A_778 = arith.constant 0 : i32
    %dma_wait3A_779 = arith.constant 0 : i32
    %dma_wait3A_780 = tpu.memref_slice %arg3[%dma_wait3A_772, %add3A, %dma_wait3A_773, %dma_wait3A_778, %dma_wait3A_779] : memref<2x32x5x25x80xi32, #tpu.memory_space<hbm>> -> memref<1x1x1x25x80xi32, #tpu.memory_space<hbm>>
    %dma_wait3A_781 = tpu.memref_squeeze %dma_wait3A_780 : memref<1x1x1x25x80xi32, #tpu.memory_space<hbm>> -> memref<25x80xi32, #tpu.memory_space<hbm>>
    tpu.wait_dma2 semaphore(%arg19 : memref<!tpu.dma_semaphore, #tpu.memory_space<semaphore_mem>>) src(%dma_wait3A_781 : memref<25x80xi32, #tpu.memory_space<hbm>>) dst(%arg5 : memref<25x80xi32, #tpu.memory_space<vmem>>)
    %dma_wait3A_782 = arith.constant 1 : i32
    %dma_wait3A_783 = arith.constant 4 : i32
    %dma_wait3A_784 = arith.constant 0 : i32
    %dma_wait3A_785 = arith.constant 0 : i32
    %dma_wait3A_786 = tpu.memref_slice %arg3[%dma_wait3A_782, %add3A, %dma_wait3A_783, %dma_wait3A_784, %dma_wait3A_785] : memref<2x32x5x25x80xi32, #tpu.memory_space<hbm>> -> memref<1x1x1x25x80xi32, #tpu.memory_space<hbm>>
    %dma_wait3A_787 = tpu.memref_squeeze %dma_wait3A_786 : memref<1x1x1x25x80xi32, #tpu.memory_space<hbm>> -> memref<25x80xi32, #tpu.memory_space<hbm>>
    %dma_wait3A_788 = arith.constant 0 : i32
    %dma_wait3A_789 = arith.constant 0 : i32
    %dma_wait3A_790 = tpu.memref_slice %arg3[%dma_wait3A_782, %add3A, %dma_wait3A_783, %dma_wait3A_788, %dma_wait3A_789] : memref<2x32x5x25x80xi32, #tpu.memory_space<hbm>> -> memref<1x1x1x25x80xi32, #tpu.memory_space<hbm>>
    %dma_wait3A_791 = tpu.memref_squeeze %dma_wait3A_790 : memref<1x1x1x25x80xi32, #tpu.memory_space<hbm>> -> memref<25x80xi32, #tpu.memory_space<hbm>>
    tpu.wait_dma2 semaphore(%arg19 : memref<!tpu.dma_semaphore, #tpu.memory_space<semaphore_mem>>) src(%dma_wait3A_791 : memref<25x80xi32, #tpu.memory_space<hbm>>) dst(%arg7 : memref<25x80xi32, #tpu.memory_space<vmem>>)
    %dma_start3A_792 = arith.constant 0 : i32
    %dma_start3A_793 = arith.constant 0 : i32
    %dma_start3A_794 = tpu.memref_slice %arg5[%dma_start3A_792, %dma_start3A_793] : memref<25x80xi32, #tpu.memory_space<vmem>> -> memref<1x80xi32, #tpu.memory_space<vmem>>
    %dma_start3A_795 = tpu.memref_squeeze %dma_start3A_794 : memref<1x80xi32, #tpu.memory_space<vmem>> -> memref<80xi32, #tpu.memory_space<vmem>>
    %dma_start3A_796 = arith.constant 0 : i32
    %dma_start3A_797 = arith.constant 0 : i32
    %dma_start3A_798 = tpu.memref_slice %arg2[%dma_start3A_796, %dma_start3A_797] : memref<10000x128xf32, #tpu.memory_space<hbm>> -> memref<10000x128xf32, #tpu.memory_space<hbm>>
    tpu.enqueue_indirect_dma source(%dma_start3A_798 : memref<10000x128xf32, #tpu.memory_space<hbm>>) target(%arg9 : memref<80x128xf32, #tpu.memory_space<vmem>>) offsets(%dma_start3A_795 : memref<80xi32, #tpu.memory_space<vmem>>) semaphore(%arg13 : memref<!tpu.dma_semaphore, #tpu.memory_space<semaphore_mem>>)
    %dma_start3A_799 = arith.constant 1 : i32
    %dma_start3A_800 = arith.constant 0 : i32
    %dma_start3A_801 = tpu.memref_slice %arg5[%dma_start3A_799, %dma_start3A_800] : memref<25x80xi32, #tpu.memory_space<vmem>> -> memref<1x80xi32, #tpu.memory_space<vmem>>
    %dma_start3A_802 = tpu.memref_squeeze %dma_start3A_801 : memref<1x80xi32, #tpu.memory_space<vmem>> -> memref<80xi32, #tpu.memory_space<vmem>>
    %dma_start3A_803 = arith.constant 0 : i32
    %dma_start3A_804 = arith.constant 0 : i32
    %dma_start3A_805 = tpu.memref_slice %arg2[%dma_start3A_803, %dma_start3A_804] : memref<10000x128xf32, #tpu.memory_space<hbm>> -> memref<10000x128xf32, #tpu.memory_space<hbm>>
    tpu.enqueue_indirect_dma source(%dma_start3A_805 : memref<10000x128xf32, #tpu.memory_space<hbm>>) target(%arg10 : memref<80x128xf32, #tpu.memory_space<vmem>>) offsets(%dma_start3A_802 : memref<80xi32, #tpu.memory_space<vmem>>) semaphore(%arg14 : memref<!tpu.dma_semaphore, #tpu.memory_space<semaphore_mem>>)
    %dma_wait3A_806 = arith.constant 0 : i32
    %dma_wait3A_807 = arith.constant 0 : i32
    %dma_wait3A_808 = tpu.memref_slice %arg5[%dma_wait3A_806, %dma_wait3A_807] : memref<25x80xi32, #tpu.memory_space<vmem>> -> memref<1x80xi32, #tpu.memory_space<vmem>>
    %dma_wait3A_809 = tpu.memref_squeeze %dma_wait3A_808 : memref<1x80xi32, #tpu.memory_space<vmem>> -> memref<80xi32, #tpu.memory_space<vmem>>
    %dma_wait3A_810 = arith.constant 0 : i32
    %dma_wait3A_811 = arith.constant 0 : i32
    %dma_wait3A_812 = tpu.memref_slice %arg2[%dma_wait3A_810, %dma_wait3A_811] : memref<10000x128xf32, #tpu.memory_space<hbm>> -> memref<10000x128xf32, #tpu.memory_space<hbm>>
    tpu.wait_indirect_dma semaphore(%arg13 : memref<!tpu.dma_semaphore, #tpu.memory_space<semaphore_mem>>) src(%dma_wait3A_812 : memref<10000x128xf32, #tpu.memory_space<hbm>>) dst(%arg9 : memref<80x128xf32, #tpu.memory_space<vmem>>)
    %dma_start3A_813 = arith.constant 0 : i32
    %dma_start3A_814 = arith.constant 0 : i32
    %dma_start3A_815 = tpu.memref_slice %arg7[%dma_start3A_813, %dma_start3A_814] : memref<25x80xi32, #tpu.memory_space<vmem>> -> memref<1x80xi32, #tpu.memory_space<vmem>>
    %dma_start3A_816 = tpu.memref_squeeze %dma_start3A_815 : memref<1x80xi32, #tpu.memory_space<vmem>> -> memref<80xi32, #tpu.memory_space<vmem>>
    %dma_start3A_817 = arith.constant 0 : i32
    %dma_start3A_818 = arith.constant 0 : i32
    %dma_start3A_819 = tpu.memref_slice %arg12[%dma_start3A_817, %dma_start3A_818] : memref<10240x128xf32, #tpu.memory_space<vmem_shared>> -> memref<10240x128xf32, #tpu.memory_space<vmem_shared>>
    tpu.enqueue_indirect_dma source(%arg9 : memref<80x128xf32, #tpu.memory_space<vmem>>) target(%dma_start3A_819 : memref<10240x128xf32, #tpu.memory_space<vmem_shared>>) offsets(%dma_start3A_816 : memref<80xi32, #tpu.memory_space<vmem>>) semaphore(%arg16 : memref<!tpu.dma_semaphore, #tpu.memory_space<semaphore_mem>>) {add = true}
    %dma_start3A_820 = arith.constant 2 : i32
    %dma_start3A_821 = arith.constant 0 : i32
    %dma_start3A_822 = tpu.memref_slice %arg5[%dma_start3A_820, %dma_start3A_821] : memref<25x80xi32, #tpu.memory_space<vmem>> -> memref<1x80xi32, #tpu.memory_space<vmem>>
    %dma_start3A_823 = tpu.memref_squeeze %dma_start3A_822 : memref<1x80xi32, #tpu.memory_space<vmem>> -> memref<80xi32, #tpu.memory_space<vmem>>
    %dma_start3A_824 = arith.constant 0 : i32
    %dma_start3A_825 = arith.constant 0 : i32
    %dma_start3A_826 = tpu.memref_slice %arg2[%dma_start3A_824, %dma_start3A_825] : memref<10000x128xf32, #tpu.memory_space<hbm>> -> memref<10000x128xf32, #tpu.memory_space<hbm>>
    tpu.enqueue_indirect_dma source(%dma_start3A_826 : memref<10000x128xf32, #tpu.memory_space<hbm>>) target(%arg11 : memref<80x128xf32, #tpu.memory_space<vmem>>) offsets(%dma_start3A_823 : memref<80xi32, #tpu.memory_space<vmem>>) semaphore(%arg15 : memref<!tpu.dma_semaphore, #tpu.memory_space<semaphore_mem>>)
    %dma_wait3A_827 = arith.constant 1 : i32
    %dma_wait3A_828 = arith.constant 0 : i32
    %dma_wait3A_829 = tpu.memref_slice %arg5[%dma_wait3A_827, %dma_wait3A_828] : memref<25x80xi32, #tpu.memory_space<vmem>> -> memref<1x80xi32, #tpu.memory_space<vmem>>
    %dma_wait3A_830 = tpu.memref_squeeze %dma_wait3A_829 : memref<1x80xi32, #tpu.memory_space<vmem>> -> memref<80xi32, #tpu.memory_space<vmem>>
    %dma_wait3A_831 = arith.constant 0 : i32
    %dma_wait3A_832 = arith.constant 0 : i32
    %dma_wait3A_833 = tpu.memref_slice %arg2[%dma_wait3A_831, %dma_wait3A_832] : memref<10000x128xf32, #tpu.memory_space<hbm>> -> memref<10000x128xf32, #tpu.memory_space<hbm>>
    tpu.wait_indirect_dma semaphore(%arg14 : memref<!tpu.dma_semaphore, #tpu.memory_space<semaphore_mem>>) src(%dma_wait3A_833 : memref<10000x128xf32, #tpu.memory_space<hbm>>) dst(%arg10 : memref<80x128xf32, #tpu.memory_space<vmem>>)
    %dma_start3A_834 = arith.constant 1 : i32
    %dma_start3A_835 = arith.constant 0 : i32
    %dma_start3A_836 = tpu.memref_slice %arg7[%dma_start3A_834, %dma_start3A_835] : memref<25x80xi32, #tpu.memory_space<vmem>> -> memref<1x80xi32, #tpu.memory_space<vmem>>
    %dma_start3A_837 = tpu.memref_squeeze %dma_start3A_836 : memref<1x80xi32, #tpu.memory_space<vmem>> -> memref<80xi32, #tpu.memory_space<vmem>>
    %dma_start3A_838 = arith.constant 0 : i32
    %dma_start3A_839 = arith.constant 0 : i32
    %dma_start3A_840 = tpu.memref_slice %arg12[%dma_start3A_838, %dma_start3A_839] : memref<10240x128xf32, #tpu.memory_space<vmem_shared>> -> memref<10240x128xf32, #tpu.memory_space<vmem_shared>>
    tpu.enqueue_indirect_dma source(%arg10 : memref<80x128xf32, #tpu.memory_space<vmem>>) target(%dma_start3A_840 : memref<10240x128xf32, #tpu.memory_space<vmem_shared>>) offsets(%dma_start3A_837 : memref<80xi32, #tpu.memory_space<vmem>>) semaphore(%arg17 : memref<!tpu.dma_semaphore, #tpu.memory_space<semaphore_mem>>) {add = true}
    %dma_wait3A_841 = arith.constant 0 : i32
    %dma_wait3A_842 = arith.constant 0 : i32
    %dma_wait3A_843 = tpu.memref_slice %arg7[%dma_wait3A_841, %dma_wait3A_842] : memref<25x80xi32, #tpu.memory_space<vmem>> -> memref<1x80xi32, #tpu.memory_space<vmem>>
    %dma_wait3A_844 = tpu.memref_squeeze %dma_wait3A_843 : memref<1x80xi32, #tpu.memory_space<vmem>> -> memref<80xi32, #tpu.memory_space<vmem>>
    %dma_wait3A_845 = arith.constant 0 : i32
    %dma_wait3A_846 = arith.constant 0 : i32
    %dma_wait3A_847 = tpu.memref_slice %arg12[%dma_wait3A_845, %dma_wait3A_846] : memref<10240x128xf32, #tpu.memory_space<vmem_shared>> -> memref<10240x128xf32, #tpu.memory_space<vmem_shared>>
    tpu.wait_indirect_dma semaphore(%arg16 : memref<!tpu.dma_semaphore, #tpu.memory_space<semaphore_mem>>) src(%arg9 : memref<80x128xf32, #tpu.memory_space<vmem>>) dst(%dma_wait3A_847 : memref<10240x128xf32, #tpu.memory_space<vmem_shared>>)
    %dma_start3A_848 = arith.constant 3 : i32
    %dma_start3A_849 = arith.constant 0 : i32
    %dma_start3A_850 = tpu.memref_slice %arg5[%dma_start3A_848, %dma_start3A_849] : memref<25x80xi32, #tpu.memory_space<vmem>> -> memref<1x80xi32, #tpu.memory_space<vmem>>
    %dma_start3A_851 = tpu.memref_squeeze %dma_start3A_850 : memref<1x80xi32, #tpu.memory_space<vmem>> -> memref<80xi32, #tpu.memory_space<vmem>>
    %dma_start3A_852 = arith.constant 0 : i32
    %dma_start3A_853 = arith.constant 0 : i32
    %dma_start3A_854 = tpu.memref_slice %arg2[%dma_start3A_852, %dma_start3A_853] : memref<10000x128xf32, #tpu.memory_space<hbm>> -> memref<10000x128xf32, #tpu.memory_space<hbm>>
    tpu.enqueue_indirect_dma source(%dma_start3A_854 : memref<10000x128xf32, #tpu.memory_space<hbm>>) target(%arg9 : memref<80x128xf32, #tpu.memory_space<vmem>>) offsets(%dma_start3A_851 : memref<80xi32, #tpu.memory_space<vmem>>) semaphore(%arg13 : memref<!tpu.dma_semaphore, #tpu.memory_space<semaphore_mem>>)
    %dma_wait3A_855 = arith.constant 2 : i32
    %dma_wait3A_856 = arith.constant 0 : i32
    %dma_wait3A_857 = tpu.memref_slice %arg5[%dma_wait3A_855, %dma_wait3A_856] : memref<25x80xi32, #tpu.memory_space<vmem>> -> memref<1x80xi32, #tpu.memory_space<vmem>>
    %dma_wait3A_858 = tpu.memref_squeeze %dma_wait3A_857 : memref<1x80xi32, #tpu.memory_space<vmem>> -> memref<80xi32, #tpu.memory_space<vmem>>
    %dma_wait3A_859 = arith.constant 0 : i32
    %dma_wait3A_860 = arith.constant 0 : i32
    %dma_wait3A_861 = tpu.memref_slice %arg2[%dma_wait3A_859, %dma_wait3A_860] : memref<10000x128xf32, #tpu.memory_space<hbm>> -> memref<10000x128xf32, #tpu.memory_space<hbm>>
    tpu.wait_indirect_dma semaphore(%arg15 : memref<!tpu.dma_semaphore, #tpu.memory_space<semaphore_mem>>) src(%dma_wait3A_861 : memref<10000x128xf32, #tpu.memory_space<hbm>>) dst(%arg11 : memref<80x128xf32, #tpu.memory_space<vmem>>)
    %dma_start3A_862 = arith.constant 2 : i32
    %dma_start3A_863 = arith.constant 0 : i32
    %dma_start3A_864 = tpu.memref_slice %arg7[%dma_start3A_862, %dma_start3A_863] : memref<25x80xi32, #tpu.memory_space<vmem>> -> memref<1x80xi32, #tpu.memory_space<vmem>>
    %dma_start3A_865 = tpu.memref_squeeze %dma_start3A_864 : memref<1x80xi32, #tpu.memory_space<vmem>> -> memref<80xi32, #tpu.memory_space<vmem>>
    %dma_start3A_866 = arith.constant 0 : i32
    %dma_start3A_867 = arith.constant 0 : i32
    %dma_start3A_868 = tpu.memref_slice %arg12[%dma_start3A_866, %dma_start3A_867] : memref<10240x128xf32, #tpu.memory_space<vmem_shared>> -> memref<10240x128xf32, #tpu.memory_space<vmem_shared>>
    tpu.enqueue_indirect_dma source(%arg11 : memref<80x128xf32, #tpu.memory_space<vmem>>) target(%dma_start3A_868 : memref<10240x128xf32, #tpu.memory_space<vmem_shared>>) offsets(%dma_start3A_865 : memref<80xi32, #tpu.memory_space<vmem>>) semaphore(%arg18 : memref<!tpu.dma_semaphore, #tpu.memory_space<semaphore_mem>>) {add = true}
    %dma_wait3A_869 = arith.constant 1 : i32
    %dma_wait3A_870 = arith.constant 0 : i32
    %dma_wait3A_871 = tpu.memref_slice %arg7[%dma_wait3A_869, %dma_wait3A_870] : memref<25x80xi32, #tpu.memory_space<vmem>> -> memref<1x80xi32, #tpu.memory_space<vmem>>
    %dma_wait3A_872 = tpu.memref_squeeze %dma_wait3A_871 : memref<1x80xi32, #tpu.memory_space<vmem>> -> memref<80xi32, #tpu.memory_space<vmem>>
    %dma_wait3A_873 = arith.constant 0 : i32
    %dma_wait3A_874 = arith.constant 0 : i32
    %dma_wait3A_875 = tpu.memref_slice %arg12[%dma_wait3A_873, %dma_wait3A_874] : memref<10240x128xf32, #tpu.memory_space<vmem_shared>> -> memref<10240x128xf32, #tpu.memory_space<vmem_shared>>
    tpu.wait_indirect_dma semaphore(%arg17 : memref<!tpu.dma_semaphore, #tpu.memory_space<semaphore_mem>>) src(%arg10 : memref<80x128xf32, #tpu.memory_space<vmem>>) dst(%dma_wait3A_875 : memref<10240x128xf32, #tpu.memory_space<vmem_shared>>)
    %dma_start3A_876 = arith.constant 4 : i32
    %dma_start3A_877 = arith.constant 0 : i32
    %dma_start3A_878 = tpu.memref_slice %arg5[%dma_start3A_876, %dma_start3A_877] : memref<25x80xi32, #tpu.memory_space<vmem>> -> memref<1x80xi32, #tpu.memory_space<vmem>>
    %dma_start3A_879 = tpu.memref_squeeze %dma_start3A_878 : memref<1x80xi32, #tpu.memory_space<vmem>> -> memref<80xi32, #tpu.memory_space<vmem>>
    %dma_start3A_880 = arith.constant 0 : i32
    %dma_start3A_881 = arith.constant 0 : i32
    %dma_start3A_882 = tpu.memref_slice %arg2[%dma_start3A_880, %dma_start3A_881] : memref<10000x128xf32, #tpu.memory_space<hbm>> -> memref<10000x128xf32, #tpu.memory_space<hbm>>
    tpu.enqueue_indirect_dma source(%dma_start3A_882 : memref<10000x128xf32, #tpu.memory_space<hbm>>) target(%arg10 : memref<80x128xf32, #tpu.memory_space<vmem>>) offsets(%dma_start3A_879 : memref<80xi32, #tpu.memory_space<vmem>>) semaphore(%arg14 : memref<!tpu.dma_semaphore, #tpu.memory_space<semaphore_mem>>)
    %scan3A_883 = arith.constant 0 : i32
    %scan3A_884 = arith.constant 0 : i32
    %scan3A_885 = arith.constant 7 : i32
    %scan3A_886 = arith.addi %scan3A_884, %scan3A_885 : i32
    %scan3A_887 = arith.constant 1 : i32
    %scan3A_888 = scf.for %scan3A_919 = %scan3A_884 to %scan3A_886 step %scan3A_887 iter_args(%scan3A_920 = %scan3A_883) -> (i32)  : i32 {
      %mul3A_921 = arith.constant 3 : i32
      %mul3A_922 = arith.muli %mul3A_921, %scan3A_919 : i32
      %add3A_923 = arith.constant 3 : i32
      %add3A_924 = arith.addi %add3A_923, %mul3A_922 : i32
      %dma_wait3A_925 = arith.constant 0 : i32
      %dma_wait3A_926 = tpu.memref_slice %arg5[%add3A_924, %dma_wait3A_925] : memref<25x80xi32, #tpu.memory_space<vmem>> -> memref<1x80xi32, #tpu.memory_space<vmem>>
      %dma_wait3A_927 = tpu.memref_squeeze %dma_wait3A_926 : memref<1x80xi32, #tpu.memory_space<vmem>> -> memref<80xi32, #tpu.memory_space<vmem>>
      %dma_wait3A_928 = arith.constant 0 : i32
      %dma_wait3A_929 = arith.constant 0 : i32
      %dma_wait3A_930 = tpu.memref_slice %arg2[%dma_wait3A_928, %dma_wait3A_929] : memref<10000x128xf32, #tpu.memory_space<hbm>> -> memref<10000x128xf32, #tpu.memory_space<hbm>>
      tpu.wait_indirect_dma semaphore(%arg13 : memref<!tpu.dma_semaphore, #tpu.memory_space<semaphore_mem>>) src(%dma_wait3A_930 : memref<10000x128xf32, #tpu.memory_space<hbm>>) dst(%arg9 : memref<80x128xf32, #tpu.memory_space<vmem>>)
      %dma_start3A_931 = arith.constant 0 : i32
      %dma_start3A_932 = tpu.memref_slice %arg7[%add3A_924, %dma_start3A_931] : memref<25x80xi32, #tpu.memory_space<vmem>> -> memref<1x80xi32, #tpu.memory_space<vmem>>
      %dma_start3A_933 = tpu.memref_squeeze %dma_start3A_932 : memref<1x80xi32, #tpu.memory_space<vmem>> -> memref<80xi32, #tpu.memory_space<vmem>>
      %dma_start3A_934 = arith.constant 0 : i32
      %dma_start3A_935 = arith.constant 0 : i32
      %dma_start3A_936 = tpu.memref_slice %arg12[%dma_start3A_934, %dma_start3A_935] : memref<10240x128xf32, #tpu.memory_space<vmem_shared>> -> memref<10240x128xf32, #tpu.memory_space<vmem_shared>>
      tpu.enqueue_indirect_dma source(%arg9 : memref<80x128xf32, #tpu.memory_space<vmem>>) target(%dma_start3A_936 : memref<10240x128xf32, #tpu.memory_space<vmem_shared>>) offsets(%dma_start3A_933 : memref<80xi32, #tpu.memory_space<vmem>>) semaphore(%arg16 : memref<!tpu.dma_semaphore, #tpu.memory_space<semaphore_mem>>) {add = true}
      %sub3A = arith.constant 1 : i32
      %sub3A_937 = arith.subi %add3A_924, %sub3A : i32
      %dma_wait3A_938 = arith.constant 0 : i32
      %dma_wait3A_939 = tpu.memref_slice %arg7[%sub3A_937, %dma_wait3A_938] : memref<25x80xi32, #tpu.memory_space<vmem>> -> memref<1x80xi32, #tpu.memory_space<vmem>>
      %dma_wait3A_940 = tpu.memref_squeeze %dma_wait3A_939 : memref<1x80xi32, #tpu.memory_space<vmem>> -> memref<80xi32, #tpu.memory_space<vmem>>
      %dma_wait3A_941 = arith.constant 0 : i32
      %dma_wait3A_942 = arith.constant 0 : i32
      %dma_wait3A_943 = tpu.memref_slice %arg12[%dma_wait3A_941, %dma_wait3A_942] : memref<10240x128xf32, #tpu.memory_space<vmem_shared>> -> memref<10240x128xf32, #tpu.memory_space<vmem_shared>>
      tpu.wait_indirect_dma semaphore(%arg18 : memref<!tpu.dma_semaphore, #tpu.memory_space<semaphore_mem>>) src(%arg11 : memref<80x128xf32, #tpu.memory_space<vmem>>) dst(%dma_wait3A_943 : memref<10240x128xf32, #tpu.memory_space<vmem_shared>>)
      %add3A_944 = arith.constant 2 : i32
      %add3A_945 = arith.addi %add3A_924, %add3A_944 : i32
      %dma_start3A_946 = arith.constant 0 : i32
      %dma_start3A_947 = tpu.memref_slice %arg5[%add3A_945, %dma_start3A_946] : memref<25x80xi32, #tpu.memory_space<vmem>> -> memref<1x80xi32, #tpu.memory_space<vmem>>
      %dma_start3A_948 = tpu.memref_squeeze %dma_start3A_947 : memref<1x80xi32, #tpu.memory_space<vmem>> -> memref<80xi32, #tpu.memory_space<vmem>>
      %dma_start3A_949 = arith.constant 0 : i32
      %dma_start3A_950 = arith.constant 0 : i32
      %dma_start3A_951 = tpu.memref_slice %arg2[%dma_start3A_949, %dma_start3A_950] : memref<10000x128xf32, #tpu.memory_space<hbm>> -> memref<10000x128xf32, #tpu.memory_space<hbm>>
      tpu.enqueue_indirect_dma source(%dma_start3A_951 : memref<10000x128xf32, #tpu.memory_space<hbm>>) target(%arg11 : memref<80x128xf32, #tpu.memory_space<vmem>>) offsets(%dma_start3A_948 : memref<80xi32, #tpu.memory_space<vmem>>) semaphore(%arg15 : memref<!tpu.dma_semaphore, #tpu.memory_space<semaphore_mem>>)
      %add3A_952 = arith.constant 1 : i32
      %add3A_953 = arith.addi %add3A_924, %add3A_952 : i32
      %dma_wait3A_954 = arith.constant 0 : i32
      %dma_wait3A_955 = tpu.memref_slice %arg5[%add3A_953, %dma_wait3A_954] : memref<25x80xi32, #tpu.memory_space<vmem>> -> memref<1x80xi32, #tpu.memory_space<vmem>>
      %dma_wait3A_956 = tpu.memref_squeeze %dma_wait3A_955 : memref<1x80xi32, #tpu.memory_space<vmem>> -> memref<80xi32, #tpu.memory_space<vmem>>
      %dma_wait3A_957 = arith.constant 0 : i32
      %dma_wait3A_958 = arith.constant 0 : i32
      %dma_wait3A_959 = tpu.memref_slice %arg2[%dma_wait3A_957, %dma_wait3A_958] : memref<10000x128xf32, #tpu.memory_space<hbm>> -> memref<10000x128xf32, #tpu.memory_space<hbm>>
      tpu.wait_indirect_dma semaphore(%arg14 : memref<!tpu.dma_semaphore, #tpu.memory_space<semaphore_mem>>) src(%dma_wait3A_959 : memref<10000x128xf32, #tpu.memory_space<hbm>>) dst(%arg10 : memref<80x128xf32, #tpu.memory_space<vmem>>)
      %add3A_960 = arith.constant 1 : i32
      %add3A_961 = arith.addi %add3A_924, %add3A_960 : i32
      %dma_start3A_962 = arith.constant 0 : i32
      %dma_start3A_963 = tpu.memref_slice %arg7[%add3A_961, %dma_start3A_962] : memref<25x80xi32, #tpu.memory_space<vmem>> -> memref<1x80xi32, #tpu.memory_space<vmem>>
      %dma_start3A_964 = tpu.memref_squeeze %dma_start3A_963 : memref<1x80xi32, #tpu.memory_space<vmem>> -> memref<80xi32, #tpu.memory_space<vmem>>
      %dma_start3A_965 = arith.constant 0 : i32
      %dma_start3A_966 = arith.constant 0 : i32
      %dma_start3A_967 = tpu.memref_slice %arg12[%dma_start3A_965, %dma_start3A_966] : memref<10240x128xf32, #tpu.memory_space<vmem_shared>> -> memref<10240x128xf32, #tpu.memory_space<vmem_shared>>
      tpu.enqueue_indirect_dma source(%arg10 : memref<80x128xf32, #tpu.memory_space<vmem>>) target(%dma_start3A_967 : memref<10240x128xf32, #tpu.memory_space<vmem_shared>>) offsets(%dma_start3A_964 : memref<80xi32, #tpu.memory_space<vmem>>) semaphore(%arg17 : memref<!tpu.dma_semaphore, #tpu.memory_space<semaphore_mem>>) {add = true}
      %dma_wait3A_968 = arith.constant 0 : i32
      %dma_wait3A_969 = tpu.memref_slice %arg7[%add3A_924, %dma_wait3A_968] : memref<25x80xi32, #tpu.memory_space<vmem>> -> memref<1x80xi32, #tpu.memory_space<vmem>>
      %dma_wait3A_970 = tpu.memref_squeeze %dma_wait3A_969 : memref<1x80xi32, #tpu.memory_space<vmem>> -> memref<80xi32, #tpu.memory_space<vmem>>
      %dma_wait3A_971 = arith.constant 0 : i32
      %dma_wait3A_972 = arith.constant 0 : i32
      %dma_wait3A_973 = tpu.memref_slice %arg12[%dma_wait3A_971, %dma_wait3A_972] : memref<10240x128xf32, #tpu.memory_space<vmem_shared>> -> memref<10240x128xf32, #tpu.memory_space<vmem_shared>>
      tpu.wait_indirect_dma semaphore(%arg16 : memref<!tpu.dma_semaphore, #tpu.memory_space<semaphore_mem>>) src(%arg9 : memref<80x128xf32, #tpu.memory_space<vmem>>) dst(%dma_wait3A_973 : memref<10240x128xf32, #tpu.memory_space<vmem_shared>>)
      %add3A_974 = arith.constant 3 : i32
      %add3A_975 = arith.addi %add3A_924, %add3A_974 : i32
      %dma_start3A_976 = arith.constant 0 : i32
      %dma_start3A_977 = tpu.memref_slice %arg5[%add3A_975, %dma_start3A_976] : memref<25x80xi32, #tpu.memory_space<vmem>> -> memref<1x80xi32, #tpu.memory_space<vmem>>
      %dma_start3A_978 = tpu.memref_squeeze %dma_start3A_977 : memref<1x80xi32, #tpu.memory_space<vmem>> -> memref<80xi32, #tpu.memory_space<vmem>>
      %dma_start3A_979 = arith.constant 0 : i32
      %dma_start3A_980 = arith.constant 0 : i32
      %dma_start3A_981 = tpu.memref_slice %arg2[%dma_start3A_979, %dma_start3A_980] : memref<10000x128xf32, #tpu.memory_space<hbm>> -> memref<10000x128xf32, #tpu.memory_space<hbm>>
      tpu.enqueue_indirect_dma source(%dma_start3A_981 : memref<10000x128xf32, #tpu.memory_space<hbm>>) target(%arg9 : memref<80x128xf32, #tpu.memory_space<vmem>>) offsets(%dma_start3A_978 : memref<80xi32, #tpu.memory_space<vmem>>) semaphore(%arg13 : memref<!tpu.dma_semaphore, #tpu.memory_space<semaphore_mem>>)
      %add3A_982 = arith.constant 2 : i32
      %add3A_983 = arith.addi %add3A_924, %add3A_982 : i32
      %dma_wait3A_984 = arith.constant 0 : i32
      %dma_wait3A_985 = tpu.memref_slice %arg5[%add3A_983, %dma_wait3A_984] : memref<25x80xi32, #tpu.memory_space<vmem>> -> memref<1x80xi32, #tpu.memory_space<vmem>>
      %dma_wait3A_986 = tpu.memref_squeeze %dma_wait3A_985 : memref<1x80xi32, #tpu.memory_space<vmem>> -> memref<80xi32, #tpu.memory_space<vmem>>
      %dma_wait3A_987 = arith.constant 0 : i32
      %dma_wait3A_988 = arith.constant 0 : i32
      %dma_wait3A_989 = tpu.memref_slice %arg2[%dma_wait3A_987, %dma_wait3A_988] : memref<10000x128xf32, #tpu.memory_space<hbm>> -> memref<10000x128xf32, #tpu.memory_space<hbm>>
      tpu.wait_indirect_dma semaphore(%arg15 : memref<!tpu.dma_semaphore, #tpu.memory_space<semaphore_mem>>) src(%dma_wait3A_989 : memref<10000x128xf32, #tpu.memory_space<hbm>>) dst(%arg11 : memref<80x128xf32, #tpu.memory_space<vmem>>)
      %add3A_990 = arith.constant 2 : i32
      %add3A_991 = arith.addi %add3A_924, %add3A_990 : i32
      %dma_start3A_992 = arith.constant 0 : i32
      %dma_start3A_993 = tpu.memref_slice %arg7[%add3A_991, %dma_start3A_992] : memref<25x80xi32, #tpu.memory_space<vmem>> -> memref<1x80xi32, #tpu.memory_space<vmem>>
      %dma_start3A_994 = tpu.memref_squeeze %dma_start3A_993 : memref<1x80xi32, #tpu.memory_space<vmem>> -> memref<80xi32, #tpu.memory_space<vmem>>
      %dma_start3A_995 = arith.constant 0 : i32
      %dma_start3A_996 = arith.constant 0 : i32
      %dma_start3A_997 = tpu.memref_slice %arg12[%dma_start3A_995, %dma_start3A_996] : memref<10240x128xf32, #tpu.memory_space<vmem_shared>> -> memref<10240x128xf32, #tpu.memory_space<vmem_shared>>
      tpu.enqueue_indirect_dma source(%arg11 : memref<80x128xf32, #tpu.memory_space<vmem>>) target(%dma_start3A_997 : memref<10240x128xf32, #tpu.memory_space<vmem_shared>>) offsets(%dma_start3A_994 : memref<80xi32, #tpu.memory_space<vmem>>) semaphore(%arg18 : memref<!tpu.dma_semaphore, #tpu.memory_space<semaphore_mem>>) {add = true}
      %add3A_998 = arith.constant 1 : i32
      %add3A_999 = arith.addi %add3A_924, %add3A_998 : i32
      %dma_wait3A_1000 = arith.constant 0 : i32
      %dma_wait3A_1001 = tpu.memref_slice %arg7[%add3A_999, %dma_wait3A_1000] : memref<25x80xi32, #tpu.memory_space<vmem>> -> memref<1x80xi32, #tpu.memory_space<vmem>>
      %dma_wait3A_1002 = tpu.memref_squeeze %dma_wait3A_1001 : memref<1x80xi32, #tpu.memory_space<vmem>> -> memref<80xi32, #tpu.memory_space<vmem>>
      %dma_wait3A_1003 = arith.constant 0 : i32
      %dma_wait3A_1004 = arith.constant 0 : i32
      %dma_wait3A_1005 = tpu.memref_slice %arg12[%dma_wait3A_1003, %dma_wait3A_1004] : memref<10240x128xf32, #tpu.memory_space<vmem_shared>> -> memref<10240x128xf32, #tpu.memory_space<vmem_shared>>
      tpu.wait_indirect_dma semaphore(%arg17 : memref<!tpu.dma_semaphore, #tpu.memory_space<semaphore_mem>>) src(%arg10 : memref<80x128xf32, #tpu.memory_space<vmem>>) dst(%dma_wait3A_1005 : memref<10240x128xf32, #tpu.memory_space<vmem_shared>>)
      %add3A_1006 = arith.constant 4 : i32
      %add3A_1007 = arith.addi %add3A_924, %add3A_1006 : i32
      %lt3A = arith.constant 25 : i32
      %lt3A_1008 = arith.cmpi slt, %add3A_1007, %lt3A : i32
      %convert_element_type3A = arith.extui %lt3A_1008 : i1 to i32
      %cond3A = arith.constant 0 : i32
      %cond3A_1009 = arith.cmpi ne, %convert_element_type3A, %cond3A : i32
      scf.if %cond3A_1009 {
        %add3A_1011 = arith.constant 4 : i32
        %add3A_1012 = arith.addi %add3A_924, %add3A_1011 : i32
        %dma_start3A_1013 = arith.constant 0 : i32
        %dma_start3A_1014 = tpu.memref_slice %arg5[%add3A_1012, %dma_start3A_1013] : memref<25x80xi32, #tpu.memory_space<vmem>> -> memref<1x80xi32, #tpu.memory_space<vmem>>
        %dma_start3A_1015 = tpu.memref_squeeze %dma_start3A_1014 : memref<1x80xi32, #tpu.memory_space<vmem>> -> memref<80xi32, #tpu.memory_space<vmem>>
        %dma_start3A_1016 = arith.constant 0 : i32
        %dma_start3A_1017 = arith.constant 0 : i32
        %dma_start3A_1018 = tpu.memref_slice %arg2[%dma_start3A_1016, %dma_start3A_1017] : memref<10000x128xf32, #tpu.memory_space<hbm>> -> memref<10000x128xf32, #tpu.memory_space<hbm>>
        tpu.enqueue_indirect_dma source(%dma_start3A_1018 : memref<10000x128xf32, #tpu.memory_space<hbm>>) target(%arg10 : memref<80x128xf32, #tpu.memory_space<vmem>>) offsets(%dma_start3A_1015 : memref<80xi32, #tpu.memory_space<vmem>>) semaphore(%arg14 : memref<!tpu.dma_semaphore, #tpu.memory_space<semaphore_mem>>)
      } else {
      }
      %scan3A_1010 = arith.constant 0 : i32
      scf.yield %scan3A_1010 : i32
    }
    %scan3A_889 = arith.constant 7 : i32
    %dma_wait3A_890 = arith.constant 24 : i32
    %dma_wait3A_891 = arith.constant 0 : i32
    %dma_wait3A_892 = tpu.memref_slice %arg5[%dma_wait3A_890, %dma_wait3A_891] : memref<25x80xi32, #tpu.memory_space<vmem>> -> memref<1x80xi32, #tpu.memory_space<vmem>>
    %dma_wait3A_893 = tpu.memref_squeeze %dma_wait3A_892 : memref<1x80xi32, #tpu.memory_space<vmem>> -> memref<80xi32, #tpu.memory_space<vmem>>
    %dma_wait3A_894 = arith.constant 0 : i32
    %dma_wait3A_895 = arith.constant 0 : i32
    %dma_wait3A_896 = tpu.memref_slice %arg2[%dma_wait3A_894, %dma_wait3A_895] : memref<10000x128xf32, #tpu.memory_space<hbm>> -> memref<10000x128xf32, #tpu.memory_space<hbm>>
    tpu.wait_indirect_dma semaphore(%arg13 : memref<!tpu.dma_semaphore, #tpu.memory_space<semaphore_mem>>) src(%dma_wait3A_896 : memref<10000x128xf32, #tpu.memory_space<hbm>>) dst(%arg9 : memref<80x128xf32, #tpu.memory_space<vmem>>)
    %dma_start3A_897 = arith.constant 24 : i32
    %dma_start3A_898 = arith.constant 0 : i32
    %dma_start3A_899 = tpu.memref_slice %arg7[%dma_start3A_897, %dma_start3A_898] : memref<25x80xi32, #tpu.memory_space<vmem>> -> memref<1x80xi32, #tpu.memory_space<vmem>>
    %dma_start3A_900 = tpu.memref_squeeze %dma_start3A_899 : memref<1x80xi32, #tpu.memory_space<vmem>> -> memref<80xi32, #tpu.memory_space<vmem>>
    %dma_start3A_901 = arith.constant 0 : i32
    %dma_start3A_902 = arith.constant 0 : i32
    %dma_start3A_903 = tpu.memref_slice %arg12[%dma_start3A_901, %dma_start3A_902] : memref<10240x128xf32, #tpu.memory_space<vmem_shared>> -> memref<10240x128xf32, #tpu.memory_space<vmem_shared>>
    tpu.enqueue_indirect_dma source(%arg9 : memref<80x128xf32, #tpu.memory_space<vmem>>) target(%dma_start3A_903 : memref<10240x128xf32, #tpu.memory_space<vmem_shared>>) offsets(%dma_start3A_900 : memref<80xi32, #tpu.memory_space<vmem>>) semaphore(%arg16 : memref<!tpu.dma_semaphore, #tpu.memory_space<semaphore_mem>>) {add = true}
    %dma_wait3A_904 = arith.constant 23 : i32
    %dma_wait3A_905 = arith.constant 0 : i32
    %dma_wait3A_906 = tpu.memref_slice %arg7[%dma_wait3A_904, %dma_wait3A_905] : memref<25x80xi32, #tpu.memory_space<vmem>> -> memref<1x80xi32, #tpu.memory_space<vmem>>
    %dma_wait3A_907 = tpu.memref_squeeze %dma_wait3A_906 : memref<1x80xi32, #tpu.memory_space<vmem>> -> memref<80xi32, #tpu.memory_space<vmem>>
    %dma_wait3A_908 = arith.constant 0 : i32
    %dma_wait3A_909 = arith.constant 0 : i32
    %dma_wait3A_910 = tpu.memref_slice %arg12[%dma_wait3A_908, %dma_wait3A_909] : memref<10240x128xf32, #tpu.memory_space<vmem_shared>> -> memref<10240x128xf32, #tpu.memory_space<vmem_shared>>
    tpu.wait_indirect_dma semaphore(%arg18 : memref<!tpu.dma_semaphore, #tpu.memory_space<semaphore_mem>>) src(%arg11 : memref<80x128xf32, #tpu.memory_space<vmem>>) dst(%dma_wait3A_910 : memref<10240x128xf32, #tpu.memory_space<vmem_shared>>)
    %dma_wait3A_911 = arith.constant 24 : i32
    %dma_wait3A_912 = arith.constant 0 : i32
    %dma_wait3A_913 = tpu.memref_slice %arg7[%dma_wait3A_911, %dma_wait3A_912] : memref<25x80xi32, #tpu.memory_space<vmem>> -> memref<1x80xi32, #tpu.memory_space<vmem>>
    %dma_wait3A_914 = tpu.memref_squeeze %dma_wait3A_913 : memref<1x80xi32, #tpu.memory_space<vmem>> -> memref<80xi32, #tpu.memory_space<vmem>>
    %dma_wait3A_915 = arith.constant 0 : i32
    %dma_wait3A_916 = arith.constant 0 : i32
    %dma_wait3A_917 = tpu.memref_slice %arg12[%dma_wait3A_915, %dma_wait3A_916] : memref<10240x128xf32, #tpu.memory_space<vmem_shared>> -> memref<10240x128xf32, #tpu.memory_space<vmem_shared>>
    tpu.wait_indirect_dma semaphore(%arg16 : memref<!tpu.dma_semaphore, #tpu.memory_space<semaphore_mem>>) src(%arg9 : memref<80x128xf32, #tpu.memory_space<vmem>>) dst(%dma_wait3A_917 : memref<10240x128xf32, #tpu.memory_space<vmem_shared>>)
    %barrier3A_918 = arith.constant 0 : index
    tpu.barrier barrier_id(%barrier3A_918)
    "tpu.region"() ({
      %run_scoped3A = tpu.sem_alloc : memref<!tpu.dma_semaphore, #tpu.memory_space<semaphore_mem>>
      %dma_start3A_919 = arith.constant 0 : i32
      %dma_start3A_920 = tpu.memref_slice %arg4[%arg0, %mul3A_28, %dma_start3A_919] : memref<2x10240x128xf32, #tpu.memory_space<hbm>> -> memref<1x640x128xf32, #tpu.memory_space<hbm>>
      %dma_start3A_921 = tpu.memref_squeeze %dma_start3A_920 : memref<1x640x128xf32, #tpu.memory_space<hbm>> -> memref<640x128xf32, #tpu.memory_space<hbm>>
      %dma_start3A_922 = arith.constant 0 : i32
      %dma_start3A_923 = tpu.memref_slice %arg12[%mul3A_28, %dma_start3A_922] : memref<10240x128xf32, #tpu.memory_space<vmem_shared>> -> memref<640x128xf32, #tpu.memory_space<vmem_shared>>
      tpu.enqueue_dma source(%dma_start3A_923 : memref<640x128xf32, #tpu.memory_space<vmem_shared>>) target(%dma_start3A_921 : memref<640x128xf32, #tpu.memory_space<hbm>>) target_semaphore(%run_scoped3A : memref<!tpu.dma_semaphore, #tpu.memory_space<semaphore_mem>>)
      %dma_wait3A_924 = arith.constant 0 : i32
      %dma_wait3A_925 = tpu.memref_slice %arg4[%arg0, %mul3A_28, %dma_wait3A_924] : memref<2x10240x128xf32, #tpu.memory_space<hbm>> -> memref<1x640x128xf32, #tpu.memory_space<hbm>>
      %dma_wait3A_926 = tpu.memref_squeeze %dma_wait3A_925 : memref<1x640x128xf32, #tpu.memory_space<hbm>> -> memref<640x128xf32, #tpu.memory_space<hbm>>
      %dma_wait3A_927 = arith.constant 0 : i32
      %dma_wait3A_928 = tpu.memref_slice %arg12[%mul3A_28, %dma_wait3A_927] : memref<10240x128xf32, #tpu.memory_space<vmem_shared>> -> memref<640x128xf32, #tpu.memory_space<vmem_shared>>
      tpu.wait_dma2 semaphore(%run_scoped3A : memref<!tpu.dma_semaphore, #tpu.memory_space<semaphore_mem>>) src(%dma_wait3A_928 : memref<640x128xf32, #tpu.memory_space<vmem_shared>>) dst(%dma_wait3A_926 : memref<640x128xf32, #tpu.memory_space<hbm>>)
      tpu.yield
    }) : () -> ()
    return
  }
}

module attributes {stable_mosaic.version = 14 : i64} {
  func.func @body(%arg0: i32, %arg1: memref<2x2000x128xf32, #tpu.memory_space<vmem>>, %arg2: memref<2000x128xf32, #tpu.memory_space<vmem>>, %arg3: memref<128x128xf32, #tpu.memory_space<vmem>>, %arg4: memref<2000x128xf32, #tpu.memory_space<vmem>>) attributes {dimension_semantics = [#tpu.dimension_semantics<arbitrary>], iteration_bounds = array<i64: 5>, scalar_prefetch = 0 : i64, scratch_operands = 0 : i64, tpu.core_type = #tpu.core_type<tc>, window_params = [{transform_indices = @transform_0, window_bounds = array<i64: 2, 2000, 128>}, {transform_indices = @transform_1, window_bounds = array<i64: 2000, 128>}, {pipeline_mode = #tpu.pipeline_mode<synchronous>, transform_indices = @transform_2, window_bounds = array<i64: 128, 128>}, {transform_indices = @transform_3, window_bounds = array<i64: 2000, 128>}]} {
    %get3A = arith.constant 0 : index
    %get3A_0 = arith.constant 0 : index
    %get3A_1 = arith.constant 0 : index
    %get3A_2 = vector.load %arg1[%get3A, %get3A_0, %get3A_1] : memref<2x2000x128xf32, #tpu.memory_space<vmem>>, vector<1x2000x128xf32>
    %get3A_3 = vector.shape_cast %get3A_2 : vector<1x2000x128xf32> to vector<2000x128xf32>
    %get3A_4 = arith.constant 1 : index
    %get3A_5 = arith.constant 0 : index
    %get3A_6 = arith.constant 0 : index
    %get3A_7 = vector.load %arg1[%get3A_4, %get3A_5, %get3A_6] : memref<2x2000x128xf32, #tpu.memory_space<vmem>>, vector<1x2000x128xf32>
    %get3A_8 = vector.shape_cast %get3A_7 : vector<1x2000x128xf32> to vector<2000x128xf32>
    %add3A = arith.addf %get3A_3, %get3A_8 : vector<2000x128xf32>
    %get3A_9 = arith.constant 0 : index
    %get3A_10 = arith.constant 0 : index
    %get3A_11 = vector.load %arg3[%get3A_9, %get3A_10] : memref<128x128xf32, #tpu.memory_space<vmem>>, vector<128x128xf32>
    %dot_general3A = arith.constant dense<0.000000e+00> : vector<2000x128xf32>
    %dot_general3A_12 = tpu.matmul %add3A, %get3A_11, %dot_general3A {dimension_numbers = #tpu.dot_dimension_numbers<[1], [0], [0], [1], [0, 0, 1, 1], [], []>, transpose_lhs_hint = false} : vector<2000x128xf32>, vector<128x128xf32>, vector<2000x128xf32> -> vector<2000x128xf32>
    %get3A_13 = arith.constant 0 : index
    %get3A_14 = arith.constant 0 : index
    %get3A_15 = vector.load %arg2[%get3A_13, %get3A_14] : memref<2000x128xf32, #tpu.memory_space<vmem>>, vector<2000x128xf32>
    %add3A_16 = arith.addf %dot_general3A_12, %get3A_15 : vector<2000x128xf32>
    %swap3A = arith.constant 0 : index
    %swap3A_17 = arith.constant 0 : index
    %swap3A_18 = vector.load %arg4[%swap3A, %swap3A_17] : memref<2000x128xf32, #tpu.memory_space<vmem>>, vector<2000x128xf32>
    tpu.vector_store %arg4[%swap3A, %swap3A_17], %add3A_16 {strides = array<i32>} : memref<2000x128xf32, #tpu.memory_space<vmem>>, vector<2000x128xf32>,
    return
  }
  func.func @transform_0(%arg0: i32) -> (i32, i32, i32) {
    %c0_i32 = arith.constant 0 : i32
    %c0_i32_0 = arith.constant 0 : i32
    %c0_i32_1 = arith.constant 0 : i32
    return %c0_i32, %arg0, %c0_i32_0 : i32, i32, i32
  }
  func.func @transform_1(%arg0: i32) -> (i32, i32) {
    %c0_i32 = arith.constant 0 : i32
    %c0_i32_0 = arith.constant 0 : i32
    return %arg0, %c0_i32 : i32, i32
  }
  func.func @transform_2(%arg0: i32) -> (i32, i32) {
    %c0_i32 = arith.constant 0 : i32
    %c0_i32_0 = arith.constant 0 : i32
    %c0_i32_1 = arith.constant 0 : i32
    return %c0_i32, %c0_i32_0 : i32, i32
  }
  func.func @transform_3(%arg0: i32) -> (i32, i32) {
    %c0_i32 = arith.constant 0 : i32
    %c0_i32_0 = arith.constant 0 : i32
    return %arg0, %c0_i32 : i32, i32
  }
}

module attributes {stable_mosaic.version = 14 : i64} {
  func.func @body(%arg0: i32, %arg1: memref<2000x128xf32, #tpu.memory_space<vmem>>, %arg2: memref<128x128xf32, #tpu.memory_space<vmem>>, %arg3: memref<1x128xf32, #tpu.memory_space<vmem>>, %arg4: memref<2000x128xf32, #tpu.memory_space<vmem>>) attributes {dimension_semantics = [#tpu.dimension_semantics<arbitrary>], iteration_bounds = array<i64: 5>, scalar_prefetch = 0 : i64, scratch_operands = 0 : i64, tpu.core_type = #tpu.core_type<tc>, window_params = [{transform_indices = @transform_0, window_bounds = array<i64: 2000, 128>}, {pipeline_mode = #tpu.pipeline_mode<synchronous>, transform_indices = @transform_1, window_bounds = array<i64: 128, 128>}, {pipeline_mode = #tpu.pipeline_mode<synchronous>, transform_indices = @transform_2, window_bounds = array<i64: 1, 128>}, {transform_indices = @transform_3, window_bounds = array<i64: 2000, 128>}]} {
    %get3A = arith.constant 0 : index
    %get3A_0 = arith.constant 0 : index
    %get3A_1 = vector.load %arg1[%get3A, %get3A_0] : memref<2000x128xf32, #tpu.memory_space<vmem>>, vector<2000x128xf32>
    %get3A_2 = arith.constant 0 : index
    %get3A_3 = arith.constant 0 : index
    %get3A_4 = vector.load %arg2[%get3A_2, %get3A_3] : memref<128x128xf32, #tpu.memory_space<vmem>>, vector<128x128xf32>
    %dot_general3A = arith.constant dense<0.000000e+00> : vector<2000x128xf32>
    %dot_general3A_5 = tpu.matmul %get3A_1, %get3A_4, %dot_general3A {dimension_numbers = #tpu.dot_dimension_numbers<[1], [0], [0], [1], [0, 0, 1, 1], [], []>, transpose_lhs_hint = false} : vector<2000x128xf32>, vector<128x128xf32>, vector<2000x128xf32> -> vector<2000x128xf32>
    %get3A_6 = arith.constant 0 : index
    %get3A_7 = arith.constant 0 : index
    %get3A_8 = vector.load %arg3[%get3A_6, %get3A_7] : memref<1x128xf32, #tpu.memory_space<vmem>>, vector<1x128xf32>
    %add3A = vector.broadcast %get3A_8 : vector<1x128xf32> to vector<2000x128xf32>
    %add3A_9 = arith.addf %dot_general3A_5, %add3A : vector<2000x128xf32>
    %swap3A = arith.constant 0 : index
    %swap3A_10 = arith.constant 0 : index
    %swap3A_11 = vector.load %arg4[%swap3A, %swap3A_10] : memref<2000x128xf32, #tpu.memory_space<vmem>>, vector<2000x128xf32>
    tpu.vector_store %arg4[%swap3A, %swap3A_10], %add3A_9 {strides = array<i32>} : memref<2000x128xf32, #tpu.memory_space<vmem>>, vector<2000x128xf32>,
    return
  }
  func.func @transform_0(%arg0: i32) -> (i32, i32) {
    %c0_i32 = arith.constant 0 : i32
    %c0_i32_0 = arith.constant 0 : i32
    return %arg0, %c0_i32 : i32, i32
  }
  func.func @transform_1(%arg0: i32) -> (i32, i32) {
    %c0_i32 = arith.constant 0 : i32
    %c0_i32_0 = arith.constant 0 : i32
    %c0_i32_1 = arith.constant 0 : i32
    return %c0_i32, %c0_i32_0 : i32, i32
  }
  func.func @transform_2(%arg0: i32) -> (i32, i32) {
    %c0_i32 = arith.constant 0 : i32
    %c0_i32_0 = arith.constant 0 : i32
    %c0_i32_1 = arith.constant 0 : i32
    return %c0_i32, %c0_i32_0 : i32, i32
  }
  func.func @transform_3(%arg0: i32) -> (i32, i32) {
    %c0_i32 = arith.constant 0 : i32
    %c0_i32_0 = arith.constant 0 : i32
    return %arg0, %c0_i32 : i32, i32
  }
}

</mosaic_0001>

<sc_bundles>
// kernel: kernel.5.cloned.1.call-start
scs
__scs_entry_jumppad:
0x0: {  	(pc) =	sbr.rel $0x88, $3  }
0x1: {  	(tag) =	ssettag $0x0;
	lr =	simm.s32 $0x1  }
0x2: {  	[smem:$0x3F9C] =	sst lr;
	_ =	strace $0xD0000000  }
0x3: {  	_ = 	snop  }
0x4: {  	_ = 	snop  }
0x5: {  	_ = 	snop  }
0x6: {  	_ = 	snop  }
0x7: {  	_ = 	snop  }
__scs_overlays_trampoline_lowered:
0x8: {  	[smem:$0x3FAB] =	sst s0  }
0x9: {  	[smem:$0x3FAC] =	sst s1  }
0xa: {  	[smem:$0x3FAD] =	sst s2  }
0xb: {  	[smem:$0x3FAE] =	sst s3  }
0xc: {  	[smem:$0x3FAF] =	sst s4  }
0xd: {  	[smem:$0x3FB0] =	sst s5  }
0xe: {  	[smem:$0x3FB1] =	sst s6  }
0xf: {  	[smem:$0x3FB2] =	sst s7  }
0x10: {  	[smem:$0x3FB3] =	sst s8  }
0x11: {  	[smem:$0x3FB4] =	sst s9;
	s0 =	simm.s32 @!p0 $0x0  }
0x12: {  	s1 =	sld [smem:$0x3F9A];
	s0 =	simm.s32 @p0 $0x1  }
0x13: {  	[smem:$0x3FB5] =	sst s0;
	s0 =	simm.s32 @!p1 $0x0  }
0x14: {  	s2 =	sld [smem:$0x3F99];
	s0 =	simm.s32 @p1 $0x1  }
0x15: {  	[smem:$0x3FB6] =	sst s0;
	s0 =	simm.s32 @!p2 $0x0  }
0x16: {  	s3 =	sld [smem:$0x3FDB];
	s0 =	simm.s32 @p2 $0x1  }
0x17: {  	s4 =	simm.s32 $0x1BF5;
	[smem:$0x3FB8] =	sst s0  }
0x18: {  	s0 =	sld [smem:$0x3F9B];
	_ =	swait.ge [sflag:s4], $0x0  }
0x19: {  	s7 =	sld [smem:$0x3F9C]  }
0x1a: {  	s8 =	sadd.s32 $0xFFFFE003, lr  }
0x1b: {  	s9 =	sadd.s32 $0xFFFFFEF7, lr;
	s5 =	simm.s32 $0xFFFFFFFF;
	p2 =	slt.u32 s8, $0xFFFFF086  }
0x1c: {  	p1 =	slt.u32 s9, $0xF7A;
	s5 =	simm.s32 @!p2 $0x0  }
0x1d: {  	s5 =	simm.s32 @p1 $0x1;
	p0 =	seq.s32 s7, s2  }
0x1e: {  	s7 =	smul.u32 @!p0 $0xF7A, s2;
	p2 =	seq.s32 @!p0 s5, $0x0  }
0x1f: {  	s9 =	smul.u32 $0xF7A, s1;
	s8 =	simm.s32 @!p0 $0x1BF5;
	p2 =	por !p2, p0  }
0x20: {  	[sflag:s8] =	ssyncset.s32 @!p0 $0xFFFFF086;
	s6 =	sadd.s32 @!p0 s3, s7;
	s7 =	simm.s32 @!p0 $0x108  }
0x21: {  	s3 =	sadd.s32 s3, s9;
	s6 =	sadd.s32 @!p0 $0x88, s6;
	s7 =	simm.s32 @p2 $0x1082  }
0x22: {  	[simem:s7], [sflag:s8] =	dma.local @!p0 [hbm:s6], $0xF7A  }
0x23: {  	s9 =	sor.u32 $0xD0000000, s2;
	s6 =	simm.s32 $0x108;
	_ =	swait.ge @!p0 [sflag:s8], $0x0  }
0x24: {  	s3 =	sadd.s32 $0x88, s3;
	s6 =	simm.s32 @!p1 $0x1082;
	[sflag:s4] =	ssyncset.s32 $0xFFFFF086  }
0x25: {  	[simem:s6], [sflag:s4] =	dma.local [hbm:s3], $0xF7A  }
0x26: {  	[smem:$0x3F9C] =	sst s1;
	(tag) =	ssettag s2;
	_ =	strace s9  }
0x27: {  	s1 =	sld [smem:$0x3FAC]  }
0x28: {  	s2 =	sld [smem:$0x3FAD]  }
0x29: {  	s4 =	sld [smem:$0x3FAF]  }
0x2a: {  	p0 =	seq.s32 s5, $0x0;
	s5 =	sld [smem:$0x3FB0]  }
0x2b: {  	s6 =	sld [smem:$0x3FB1]  }
0x2c: {  	s7 =	sld [smem:$0x3FB2]  }
0x2d: {  	s3 =	simm.s32 $0x108;
	s8 =	sld [smem:$0x3FB3]  }
0x2e: {  	s3 =	simm.s32 @!p0 $0x1082;
	s9 =	sld [smem:$0x3FB4]  }
0x2f: {  	lr =	sadd.s32 s0, s3;
	s0 =	sld [smem:$0x3FAB]  }
0x30: {  	s3 =	sld [smem:$0x3FAE]  }
0x31: {  	[smem:$0x3FB7] =	sst s10  }
0x32: {  	s10 =	sld [smem:$0x3FB5];
	_ =	sdelay $0x3  }
0x33: {  	p0 =	seq.s32 s10, $0x1;
	s10 =	sld [smem:$0x3FB7];
	_ =	sdelay $0x3  }
0x34: {  	[smem:$0x3FB7] =	sst s10  }
0x35: {  	s10 =	sld [smem:$0x3FB6];
	_ =	sdelay $0x3  }
0x36: {  	p1 =	seq.s32 s10, $0x1;
	s10 =	sld [smem:$0x3FB7];
	_ =	sdelay $0x3  }
0x37: {  	[smem:$0x3FB7] =	sst s10  }
0x38: {  	s10 =	sld [smem:$0x3FB8]  }
0x39: {  	_ = 	snop;
	(pc) =	sbr.ind lr, $3  }
0x3a: {  	_ = 	snop  }
0x3b: {  	_ = 	snop  }
0x3c: {  	p2 =	seq.s32 s10, $0x1;
	s10 =	sld [smem:$0x3FB7]  }
0x3d: {  	_ =	shalt  }
0x3e: {  	_ =	shalt  }
0x3f: {  	_ =	shalt  }
0x40: {  	_ =	shalt  }
0x41: {  	_ =	shalt  }
0x42: {  	_ =	shalt  }
0x43: {  	_ =	shalt  }
0x44: {  	_ =	shalt  }
0x45: {  	_ =	shalt  }
0x46: {  	_ =	shalt  }
0x47: {  	_ =	shalt  }
0x48: {  	_ =	shalt  }
0x49: {  	_ =	shalt  }
0x4a: {  	_ =	shalt  }
0x4b: {  	_ =	shalt  }
0x4c: {  	_ =	shalt  }
0x4d: {  	_ =	shalt  }
0x4e: {  	_ =	shalt  }
0x4f: {  	_ =	shalt  }
0x50: {  	_ =	shalt  }
0x51: {  	_ =	shalt  }
0x52: {  	_ =	shalt  }
0x53: {  	_ =	shalt  }
0x54: {  	_ =	shalt  }
0x55: {  	_ =	shalt  }
0x56: {  	_ =	shalt  }
0x57: {  	_ =	shalt  }
0x58: {  	_ =	shalt  }
0x59: {  	_ =	shalt  }
0x5a: {  	_ =	shalt  }
0x5b: {  	_ =	shalt  }
0x5c: {  	_ =	shalt  }
0x5d: {  	_ =	shalt  }
0x5e: {  	_ =	shalt  }
0x5f: {  	_ =	shalt  }
0x60: {  	_ =	shalt  }
0x61: {  	_ =	shalt  }
0x62: {  	_ =	shalt  }
0x63: {  	_ =	shalt  }
0x64: {  	_ =	shalt  }
0x65: {  	_ =	shalt  }
0x66: {  	_ =	shalt  }
0x67: {  	_ =	shalt  }
0x68: {  	_ =	shalt  }
0x69: {  	_ =	shalt  }
0x6a: {  	_ =	shalt  }
0x6b: {  	_ =	shalt  }
0x6c: {  	_ =	shalt  }
0x6d: {  	_ =	shalt  }
0x6e: {  	_ =	shalt  }
0x6f: {  	_ =	shalt  }
0x70: {  	_ =	shalt  }
0x71: {  	_ =	shalt  }
0x72: {  	_ =	shalt  }
0x73: {  	_ =	shalt  }
0x74: {  	_ =	shalt  }
0x75: {  	_ =	shalt  }
0x76: {  	_ =	shalt  }
0x77: {  	_ =	shalt  }
0x78: {  	_ =	shalt  }
0x79: {  	_ =	shalt  }
0x7a: {  	_ =	shalt  }
0x7b: {  	_ =	shalt  }
0x7c: {  	_ =	shalt  }
0x7d: {  	_ =	shalt  }
0x7e: {  	_ =	shalt  }
0x7f: {  	_ =	shalt  }
0x80: {  	_ =	shalt  }
0x81: {  	_ =	shalt  }
0x82: {  	_ =	shalt  }
0x83: {  	_ =	shalt  }
0x84: {  	_ =	shalt  }
0x85: {  	_ =	shalt  }
0x86: {  	_ =	shalt  }
0x87: {  	_ =	shalt  }
.Lfunc_end0:
.L_simem_size_0:
called_computation_lowered:
.L_overlay_start_0:
0x88: {  	s2 =	sld [smem:$0x3FD9]  }
0x89: {  	s3 =	sld [smem:$0x3FFE];
	_ =	sdelay $0x1  }
0x8a: {  	s1 =	srdreg.scid  }
0x8b: {  	s0 =	sand.u32 $0x1, s1  }
0x8c: {  	s17 =	sshll.u32 s0, $0xA;
	s2 =	sadd.s32 s3, s2  }
0x8d: {  	s2 =	sadd.s32 s2, s17  }
0x8e: {  	[smem:$0x3FC3] =	sst s2  }
0x8f: {  	_ = 	snop  }
0x90: {  	s2 =	sld [smem:$0x3FC9];
	(tm) =	ssettm $0x1  }
0x91: {  	s18 =	sld [smem:$0x3FFB];
	_ =	sdelay $0x3  }
0x92: {  	_ =	strace s18  }
0x93: {  	s3 =	sld [smem:$0x3FFC];
	_ =	sdelay $0x3  }
0x94: {  	_ =	strace s3  }
0x95: {  	s3 =	sld [smem:$0x3FFD];
	_ =	sdelay $0x3  }
0x96: {  	_ =	strace s3  }
0x97: {  	_ =	strace $0x8FFFFFFF  }
0x98: {  	s19 =	sld [smem:$0x3FDB];
	_ =	sdelay $0x1  }
0x99: {  	s4 =	simm.s32 $_scs_section_size  }
0x9a: {  	s5 =	simm.s32 $_size__tile_overlayer_lowered;
	s6 =	simm.s32 $_tile_overlayer_lowered  }
0x9b: {  	s22 =	simm.s32 $0x1BFF;
	s21 =	sshll.u32 s6, $0x1;
	s3 =	sadd.s32 s4, s19  }
0x9c: {  	s7 =	simm.s32 $0x0;
	s20 =	sshll.u32 s5, $0x1;
	s5 =	sadd.s32 s21, s3  }
0x9d: {  	[timem:s7], [sflag:s22] =	dma.local [hbm:s5], s20  }
0x9e: {  	_ =	swait.ge [sflag:s22], s20  }
0x9f: {  	s4 =	ssub.s32 $0x0, s20;
	[sflag:s22] =	ssyncset.done $0x0  }
0xa0: {  	[sflag:s22] =	ssyncadd.s32 s4;
	_ =	sdelay $0x1  }
0xa1: {  	s23 =	simm.s32 $0x1B8B  }
0xa2: {  	_ =	swait.ge [sflag:s23], $0x1  }
0xa3: {  	[sflag:s23] =	ssyncset.done $0x0  }
0xa4: {  	s25 =	simm.s32 $0x1B8E;
	s24 =	sld [smem:$0x3FFE];
	[sflag:s23] =	ssyncadd.s32 $0xFFFFFFFF  }
0xa5: {  	s26 =	simm.s32 $execute0_lowered;
	[smem:$0x3FD2] =	sst s25  }
0xa6: {  	s5 =	sshll.u32 s26, $0x1;
	_ =	strace $0x80000046;
	[dreg:$0x1] =	wrdreg $0xFFFFFFFF  }
0xa7: {  	s28 =	simm.s32 $_size_execute0_lowered;
	s3 =	sadd.s32 s3, s5;
	[dreg:$0x0] =	wrdreg $0x0  }
0xa8: {  	s5 =	sshll.u32 s28, $0x1;
	[dreg:$0x2] =	wrdreg s3  }
0xa9: {  	[dreg:$0x3] =	wrdreg s5  }
0xaa: {  	[dreg:$0x4] =	wrdreg $0xC0  }
0xab: {  	_ =	task [dreg:s7], $0x5FFFF  }
0xac: {  	[dreg:$0x1] =	wrdreg $0xFFFFFFFF  }
0xad: {  	[dreg:$0x0] =	wrdreg $0x60  }
0xae: {  	[dreg:$0x2] =	wrdreg s2  }
0xaf: {  	[dreg:$0x3] =	wrdreg s24  }
0xb0: {  	[dreg:$0x4] =	wrdreg $0xB8000  }
0xb1: {  	[dreg:$0x5] =	wrdreg $0x9  }
0xb2: {  	_ =	task.clear_ibuf [dreg:s7], $0x6FFFF;
	_ =	strace $0x90000046  }
0xb3: {  	s29 =	simm.s32 $0x9;
	_ =	strace $0x80000048  }
0xb4: {  	_ =	swait.ge [sflag:s29], $0x1  }
0xb5: {  	[sflag:s29] =	ssyncadd.s32 $0xFFFFFFFF  }
0xb6: {  	_ =	strace $0x90000048  }
0xb7: {  	_ =	sfence  }
0xb8: {  	s30 =	sld [smem:$0x0];
	_ =	sdelay $0x2  }
0xb9: {  	s31 =	sshll.u32 s1, $0xD;
	s1 =	sshrl.u32 s1, $0x2  }
0xba: {  	s3 =	sand.u32 $0x4000, s31;
	s1 =	sadd.s32 s1, s30  }
0xbb: {  	s0 =	sor.u32 s3, s0;
	s1 =	sshll.u32 s1, $0x11  }
0xbc: {  	s0 =	sor.u32 s1, s0  }
0xbd: {  	s0 =	sadd.s32 $0x8F2B, s0  }
0xbe: {  	[sflag:s0] =	ssyncadd.remote.s32 $0x1  }
0xbf: {  	_ =	sfence.sel $0xFFFF  }
0xc0: {  	[dreg:$0x0] =	wrdreg $0xFFFFFFFF;
	(pc) =	sbr.abs _section_cstart, $3  }
0xc1: {  	[dreg:$0x1] =	wrdreg $0xFFFFFFFF  }
0xc2: {  	_ =	task.clear_ibuf [dreg:s7], $0x2FFFF;
	_ =	strace $0x9FFFFFFF  }
0xc3: {  	(tm) =	ssettm $0x7FFFFFFF  }
tec
execute0_lowered:
.L_overlay_start_1:
0x0: {  	(tag) =	ssettag $0x1  }
0x1: {  	s0 =	srdreg.scid;
	s8 =	stileid.u32  }
0x2: {  	s1 =	rddreg [dreg:$0x0];
	s7 =	smul.u32 $0x14000, s8  }
0x3: {  	s5 =	rddreg [dreg:$0x1];
	s0 =	sand.u32 $0x1, s0;
	s26 =	smul.u32 $0x50000, s8  }
0x4: {  	s3 =	rddreg [dreg:$0x2];
	s2 =	sshll.u32 s0, $0x4;
	s6 =	smul.u32 $0x140000, s0  }
0x5: {  	s4 =	simm.s32 $0x0;
	s0 =	ssub.s32 $0x2, s0;
	s2 =	sor.u32 s8, s2  }
0x6: {  	s8 =	sshrl.u32 s0, $0x1;
	s6 =	sadd.s32 s7, s6;
	s7 =	sshrl.u32 s26, $0x2  }
0x7: {  	[smem:$0x7FF] =	sst s4;
	s0 =	ssub.s32 s0, s8;
	s10 =	sadd.s32 s7, s3  }
0x8: {  	_ =	strace $0x80000047;
	s0 =	smax.u32 s0, $0x1;
	[dreg:$0x17] =	wrdreg s10  }
0x9: {  	s12 =	sadd.s32 $0x2800, s10;
	[dreg:$0x16] =	wrdreg s0  }
0xa: {  	s28 =	simm.s32 $0x9;
	s13 =	sadd.s32 $0x5000, s10;
	[dreg:$0x6] =	wrdreg s12  }
0xb: {  	s29 =	simm.s32 $0x7;
	s14 =	sadd.s32 $0x7800, s10;
	[dreg:$0x7] =	wrdreg s13  }
0xc: {  	s2 =	smul.u32 $0x5000, s2;
	s15 =	sadd.s32 $0xA000, s10;
	[dreg:$0x8] =	wrdreg s14  }
0xd: {  	s31 =	simm.s32 $0x1000;
	s16 =	sadd.s32 $0xC800, s10;
	[dreg:$0x9] =	wrdreg s15  }
0xe: {  	s2 =	sshrl.u32 s2, $0x3;
	s17 =	sadd.s32 $0xF000, s10;
	[dreg:$0xa] =	wrdreg s16  }
0xf: {  	s18 =	sadd.s32 $0x11800, s10;
	s2 =	sadd.s32 s2, s5;
	[dreg:$0xb] =	wrdreg s17  }
0x10: {  	s30 =	simm.s32 $0x1280;
	[dreg:$0xc] =	wrdreg s18;
	s9 =	sadd.s32 $0x1400, s2  }
0x11: {  	s6 =	sshrl.u32 s6, $0x3;
	s11 =	sadd.s32 $0x15400, s2;
	[dreg:$0x4] =	wrdreg s9  }
0x12: {  	s7 =	simm.s32 $0x1;
	s19 =	sadd.s32 $0x1600, s2;
	[dreg:$0x5] =	wrdreg s11  }
0x13: {  	s10 =	simm.s32 $0x2;
	s20 =	sadd.s32 $0x15600, s2;
	[dreg:$0xd] =	wrdreg s19  }
0x14: {  	s0 =	simm.s32 $0x8;
	s21 =	sadd.s32 $0x1800, s2;
	[dreg:$0xe] =	wrdreg s20  }
0x15: {  	s5 =	sadd.s32 s6, s5;
	s22 =	sadd.s32 $0x15800, s2;
	[dreg:$0xf] =	wrdreg s21  }
0x16: {  	s18 =	simm.s32 $0x2000;
	s23 =	sadd.s32 $0x1A00, s2;
	[dreg:$0x10] =	wrdreg s22  }
0x17: {  	s12 =	simm.s32 $0x4;
	s24 =	sadd.s32 $0x15A00, s2;
	[dreg:$0x11] =	wrdreg s23  }
0x18: {  	s14 =	simm.s32 $0x3;
	s25 =	sadd.s32 $0x1C00, s2;
	[dreg:$0x12] =	wrdreg s24  }
0x19: {  	s16 =	simm.s32 $0x5;
	s2 =	sadd.s32 $0x15C00, s2;
	[dreg:$0x13] =	wrdreg s25  }
0x1a: {  	s26 =	sadd.s32 $0x29400, s5;
	s5 =	simm.s32 $0x6800;
	[dreg:$0x14] =	wrdreg s2  }
0x1b: {  	[dreg:$0x15] =	wrdreg s26;
	s26 =	simm.s32 $0x4000;
	s2 =	simm.s32 $0x50  }
0x1c: {  	s9 =	simm.s32 $0x9000;
	s19 =	simm.s32 $0x6;
	s11 =	simm.s32 $0x0  }
0x1d: {  	s25 =	simm.s32 $0x1080;
	s20 =	simm.s32 $0x3080;
	s21 =	simm.s32 $0x1180  }
0x1e: {  	v0 =	vimm.f32 $0.0e+00;
	s22 =	simm.s32 $0x3100;
	s23 =	simm.s32 $0x1200;
	s24 =	simm.s32 $0x3180  }
.LBB2_1:
0x1f: {  	s13 =	rddreg [dreg:$0x4]  }
0x20: {  	[tilespmem:s4], [sflag:$0x7] =	stream.linear.gather [hbm4b:s13+s4], $0xC80, $0x38;
	[tilespmem:$0x1F800] =	vst v63  }
0x21: {  	s17 =	rddreg [dreg:$0x5];
	s15 =	simm.s32 $0x200;
	s13 =	simm.s32 $0x0  }
0x22: {  	[tilespmem:s18], [sflag:$0x7] =	stream.linear.gather [hbm4b:s17+s4], $0xC80, $0x38;
	[tilespmem:$0x1F800] =	vst v63  }
.LBB2_2:
0x23: {  	p0 =	sne.s32 s15, $0x9E00;
	[tilespmem:s13+$0x4070] =	vst v0  }
0x24: {  	[tilespmem:s13+$0x4000] =	vst v0  }
0x25: {  	[tilespmem:s13+$0x4010] =	vst v0  }
.Ltmp0:
0x26: {  	[tilespmem:s13+$0x4020] =	vst v0;
	(pc) =	sbr.rel @p0 .LBB2_2-.Ltmp0, $4  }
0x27: {  	[tilespmem:s13+$0x4030] =	vst v0  }
0x28: {  	[tilespmem:s13+$0x4040] =	vst v0  }
0x29: {  	[tilespmem:s13+$0x4050] =	vst v0  }
0x2a: {  	[tilespmem:s13+$0x4060] =	vst v0;
	s13 =	sshra.s32 s15, $0x2;
	s15 =	sadd.s32 $0x200, s15  }
0x2b: {  	[tilespmem:s13+$0x4070] =	vst v0  }
0x2c: {  	[tilespmem:s13+$0x4000] =	vst v0  }
0x2d: {  	[tilespmem:s13+$0x4010] =	vst v0  }
0x2e: {  	[tilespmem:s13+$0x4020] =	vst v0  }
0x2f: {  	[tilespmem:s13+$0x4030] =	vst v0  }
0x30: {  	[tilespmem:s13+$0x4040] =	vst v0  }
0x31: {  	[tilespmem:s13+$0x4050] =	vst v0  }
0x32: {  	[tilespmem:s13+$0x4060] =	vst v0;
	s6 =	rddreg [dreg:$0x17]  }
0x33: {  	[spmem:s6] =	stream.linear.scatter [tilespmem:s26], [sflag:$0x9], $0x2800, $0x38;
	[tilespmem:$0x1F800] =	vst v63  }
0x34: {  	s15 =	rddreg [dreg:$0x6]  }
0x35: {  	[spmem:s15] =	stream.linear.scatter [tilespmem:s26], [sflag:$0x9], $0x2800, $0x38;
	[tilespmem:$0x1F800] =	vst v63  }
0x36: {  	s17 =	rddreg [dreg:$0x7]  }
0x37: {  	[spmem:s17] =	stream.linear.scatter [tilespmem:s26], [sflag:$0x9], $0x2800, $0x38;
	[tilespmem:$0x1F800] =	vst v63  }
0x38: {  	s6 =	rddreg [dreg:$0x8]  }
0x39: {  	[spmem:s6] =	stream.linear.scatter [tilespmem:s26], [sflag:$0x9], $0x2800, $0x38;
	[tilespmem:$0x1F800] =	vst v63  }
0x3a: {  	s8 =	rddreg [dreg:$0x9]  }
0x3b: {  	[spmem:s8] =	stream.linear.scatter [tilespmem:s26], [sflag:$0x9], $0x2800, $0x38;
	[tilespmem:$0x1F800] =	vst v63  }
0x3c: {  	s15 =	rddreg [dreg:$0xa]  }
0x3d: {  	[spmem:s15] =	stream.linear.scatter [tilespmem:s26], [sflag:$0x9], $0x2800, $0x38;
	[tilespmem:$0x1F800] =	vst v63  }
0x3e: {  	s17 =	rddreg [dreg:$0xb]  }
0x3f: {  	[spmem:s17] =	stream.linear.scatter [tilespmem:s26], [sflag:$0x9], $0x2800, $0x38;
	[tilespmem:$0x1F800] =	vst v63  }
0x40: {  	s6 =	rddreg [dreg:$0xc]  }
0x41: {  	[spmem:s6] =	stream.linear.scatter [tilespmem:s26], [sflag:$0x9], $0x2800, $0x38;
	[tilespmem:$0x1F800] =	vst v63  }
0x42: {  	_ =	swait.ge [sflag:s28], $0x2800  }
0x43: {  	[sflag:s28] =	ssyncset.done $0x0  }
0x44: {  	[sflag:s28] =	ssyncadd.s32 $0xFFFFD800  }
0x45: {  	_ =	swait.ge [sflag:s28], $0x2800  }
0x46: {  	[sflag:s28] =	ssyncset.done $0x0  }
0x47: {  	[sflag:s28] =	ssyncadd.s32 $0xFFFFD800  }
0x48: {  	_ =	swait.ge [sflag:s28], $0x2800  }
0x49: {  	[sflag:s28] =	ssyncset.done $0x0  }
0x4a: {  	[sflag:s28] =	ssyncadd.s32 $0xFFFFD800  }
0x4b: {  	_ =	swait.ge [sflag:s28], $0x2800  }
0x4c: {  	[sflag:s28] =	ssyncset.done $0x0  }
0x4d: {  	[sflag:s28] =	ssyncadd.s32 $0xFFFFD800  }
0x4e: {  	_ =	swait.ge [sflag:s28], $0x2800  }
0x4f: {  	[sflag:s28] =	ssyncset.done $0x0  }
0x50: {  	[sflag:s28] =	ssyncadd.s32 $0xFFFFD800  }
0x51: {  	_ =	swait.ge [sflag:s28], $0x2800  }
0x52: {  	[sflag:s28] =	ssyncset.done $0x0  }
0x53: {  	[sflag:s28] =	ssyncadd.s32 $0xFFFFD800  }
0x54: {  	_ =	swait.ge [sflag:s28], $0x2800  }
0x55: {  	[sflag:s28] =	ssyncset.done $0x0  }
0x56: {  	[sflag:s28] =	ssyncadd.s32 $0xFFFFD800  }
0x57: {  	_ =	swait.ge [sflag:s28], $0x2800  }
0x58: {  	[sflag:s28] =	ssyncset.done $0x0  }
0x59: {  	[sflag:s28] =	ssyncadd.s32 $0xFFFFD800  }
0x5a: {  	[bflag:$0x0] =	sbarrier.arrive $0xFFFF  }
0x5b: {  	_ =	swait.ge [sflag:s29], $0xC80  }
0x5c: {  	[sflag:s29] =	ssyncset.done $0x0  }
0x5d: {  	[sflag:s29] =	ssyncadd.s32 $0xFFFFF380  }
0x5e: {  	_ =	swait.ge [sflag:s29], $0xC80  }
0x5f: {  	[sflag:s29] =	ssyncset.done $0x0  }
0x60: {  	s8 =	rddreg [dreg:$0xd];
	[sflag:s29] =	ssyncadd.s32 $0xFFFFF380  }
0x61: {  	[tilespmem:s31], [sflag:$0x8] =	stream.linear.gather [hbm4b:s8+s4], $0xC80, $0x38;
	[tilespmem:$0x1F800] =	vst v63  }
0x62: {  	s6 =	simm.s32 $0x3000;
	s15 =	rddreg [dreg:$0xe]  }
0x63: {  	[tilespmem:s6], [sflag:$0x8] =	stream.linear.gather [hbm4b:s15+s4], $0xC80, $0x38;
	[tilespmem:$0x1F800] =	vst v63  }
0x64: {  	_ = 	snop  }
0x65: {  	[tilespmem:s26], [sflag:$0x1] =	stream.indirect.gather [hbm4b:s1+s2], $0x80, s4, s2, $0xb8;
	[tilespmem:$0x1F800] =	vst v63  }
0x66: {  	s8 =	simm.s32 $0x80  }
0x67: {  	[tilespmem:s5], [sflag:$0x2] =	stream.indirect.gather [hbm4b:s1+s2], $0x80, s8, s2, $0xb8;
	[tilespmem:$0x1F800] =	vst v63  }
0x68: {  	_ =	swait.ge [sflag:s7], $0x2800  }
0x69: {  	[sflag:s7] =	ssyncset.done $0x0  }
0x6a: {  	[sflag:s7] =	ssyncadd.s32 $0xFFFFD800  }
0x6b: {  	[spmem:s3] =	stream.indirect.scatter.add.f32 [tilespmem:s26], [sflag:$0x4], $0x80, s18, s2, $0xb8;
	[tilespmem:$0x1F800] =	vst v63  }
0x6c: {  	s17 =	simm.s32 $0x100  }
0x6d: {  	[tilespmem:s9], [sflag:$0x3] =	stream.indirect.gather [hbm4b:s1+s2], $0x80, s17, s2, $0xb8;
	[tilespmem:$0x1F800] =	vst v63  }
0x6e: {  	_ =	swait.ge [sflag:s10], $0x2800  }
0x6f: {  	[sflag:s10] =	ssyncset.done $0x0  }
0x70: {  	s13 =	simm.s32 $0x2080;
	[sflag:s10] =	ssyncadd.s32 $0xFFFFD800  }
0x71: {  	[spmem:s3] =	stream.indirect.scatter.add.f32 [tilespmem:s5], [sflag:$0x5], $0x80, s13, s2, $0xb8;
	[tilespmem:$0x1F800] =	vst v63  }
0x72: {  	_ =	swait.ge [sflag:s12], $0x2800  }
0x73: {  	[sflag:s12] =	ssyncset.done $0x0  }
0x74: {  	s15 =	simm.s32 $0x180;
	[sflag:s12] =	ssyncadd.s32 $0xFFFFD800  }
0x75: {  	[tilespmem:s26], [sflag:$0x1] =	stream.indirect.gather [hbm4b:s1+s2], $0x80, s15, s2, $0xb8;
	[tilespmem:$0x1F800] =	vst v63  }
0x76: {  	_ =	swait.ge [sflag:s14], $0x2800  }
0x77: {  	[sflag:s14] =	ssyncset.done $0x0  }
0x78: {  	s17 =	simm.s32 $0x2100;
	[sflag:s14] =	ssyncadd.s32 $0xFFFFD800  }
0x79: {  	[spmem:s3] =	stream.indirect.scatter.add.f32 [tilespmem:s9], [sflag:$0x6], $0x80, s17, s2, $0xb8;
	[tilespmem:$0x1F800] =	vst v63  }
0x7a: {  	_ =	swait.ge [sflag:s16], $0x2800  }
0x7b: {  	[sflag:s16] =	ssyncset.done $0x0  }
0x7c: {  	s13 =	simm.s32 $0x200;
	[sflag:s16] =	ssyncadd.s32 $0xFFFFD800  }
0x7d: {  	[tilespmem:s5], [sflag:$0x2] =	stream.indirect.gather [hbm4b:s1+s2], $0x80, s13, s2, $0xb8;
	[tilespmem:$0x1F800] =	vst v63  }
0x7e: {  	_ =	swait.ge [sflag:s7], $0x2800  }
0x7f: {  	[sflag:s7] =	ssyncset.done $0x0  }
0x80: {  	s15 =	simm.s32 $0x2180;
	[sflag:s7] =	ssyncadd.s32 $0xFFFFD800  }
0x81: {  	[spmem:s3] =	stream.indirect.scatter.add.f32 [tilespmem:s26], [sflag:$0x4], $0x80, s15, s2, $0xb8;
	[tilespmem:$0x1F800] =	vst v63  }
0x82: {  	_ =	swait.ge [sflag:s19], $0x2800  }
0x83: {  	[sflag:s19] =	ssyncset.done $0x0  }
0x84: {  	s17 =	simm.s32 $0x280;
	[sflag:s19] =	ssyncadd.s32 $0xFFFFD800  }
0x85: {  	[tilespmem:s9], [sflag:$0x3] =	stream.indirect.gather [hbm4b:s1+s2], $0x80, s17, s2, $0xb8;
	[tilespmem:$0x1F800] =	vst v63  }
0x86: {  	_ =	swait.ge [sflag:s10], $0x2800  }
0x87: {  	[sflag:s10] =	ssyncset.done $0x0  }
0x88: {  	s13 =	simm.s32 $0x2200;
	[sflag:s10] =	ssyncadd.s32 $0xFFFFD800  }
0x89: {  	[spmem:s3] =	stream.indirect.scatter.add.f32 [tilespmem:s5], [sflag:$0x5], $0x80, s13, s2, $0xb8;
	[tilespmem:$0x1F800] =	vst v63  }
0x8a: {  	_ =	swait.ge [sflag:s12], $0x2800  }
0x8b: {  	[sflag:s12] =	ssyncset.done $0x0  }
0x8c: {  	s15 =	simm.s32 $0x300;
	[sflag:s12] =	ssyncadd.s32 $0xFFFFD800  }
0x8d: {  	[tilespmem:s26], [sflag:$0x1] =	stream.indirect.gather [hbm4b:s1+s2], $0x80, s15, s2, $0xb8;
	[tilespmem:$0x1F800] =	vst v63  }
0x8e: {  	_ =	swait.ge [sflag:s14], $0x2800  }
0x8f: {  	[sflag:s14] =	ssyncset.done $0x0  }
0x90: {  	s17 =	simm.s32 $0x2280;
	[sflag:s14] =	ssyncadd.s32 $0xFFFFD800  }
0x91: {  	[spmem:s3] =	stream.indirect.scatter.add.f32 [tilespmem:s9], [sflag:$0x6], $0x80, s17, s2, $0xb8;
	[tilespmem:$0x1F800] =	vst v63  }
0x92: {  	_ =	swait.ge [sflag:s16], $0x2800  }
0x93: {  	[sflag:s16] =	ssyncset.done $0x0  }
0x94: {  	s13 =	simm.s32 $0x380;
	[sflag:s16] =	ssyncadd.s32 $0xFFFFD800  }
0x95: {  	[tilespmem:s5], [sflag:$0x2] =	stream.indirect.gather [hbm4b:s1+s2], $0x80, s13, s2, $0xb8;
	[tilespmem:$0x1F800] =	vst v63  }
0x96: {  	_ =	swait.ge [sflag:s7], $0x2800  }
0x97: {  	[sflag:s7] =	ssyncset.done $0x0  }
0x98: {  	s15 =	simm.s32 $0x2300;
	[sflag:s7] =	ssyncadd.s32 $0xFFFFD800  }
0x99: {  	[spmem:s3] =	stream.indirect.scatter.add.f32 [tilespmem:s26], [sflag:$0x4], $0x80, s15, s2, $0xb8;
	[tilespmem:$0x1F800] =	vst v63  }
0x9a: {  	_ =	swait.ge [sflag:s19], $0x2800  }
0x9b: {  	[sflag:s19] =	ssyncset.done $0x0  }
0x9c: {  	s17 =	simm.s32 $0x400;
	[sflag:s19] =	ssyncadd.s32 $0xFFFFD800  }
0x9d: {  	[tilespmem:s9], [sflag:$0x3] =	stream.indirect.gather [hbm4b:s1+s2], $0x80, s17, s2, $0xb8;
	[tilespmem:$0x1F800] =	vst v63  }
0x9e: {  	_ =	swait.ge [sflag:s10], $0x2800  }
0x9f: {  	[sflag:s10] =	ssyncset.done $0x0  }
0xa0: {  	s13 =	simm.s32 $0x2380;
	[sflag:s10] =	ssyncadd.s32 $0xFFFFD800  }
0xa1: {  	[spmem:s3] =	stream.indirect.scatter.add.f32 [tilespmem:s5], [sflag:$0x5], $0x80, s13, s2, $0xb8;
	[tilespmem:$0x1F800] =	vst v63  }
0xa2: {  	_ =	swait.ge [sflag:s12], $0x2800  }
0xa3: {  	[sflag:s12] =	ssyncset.done $0x0  }
0xa4: {  	s15 =	simm.s32 $0x480;
	[sflag:s12] =	ssyncadd.s32 $0xFFFFD800  }
0xa5: {  	[tilespmem:s26], [sflag:$0x1] =	stream.indirect.gather [hbm4b:s1+s2], $0x80, s15, s2, $0xb8;
	[tilespmem:$0x1F800] =	vst v63  }
0xa6: {  	_ =	swait.ge [sflag:s14], $0x2800  }
0xa7: {  	[sflag:s14] =	ssyncset.done $0x0  }
0xa8: {  	s17 =	simm.s32 $0x2400;
	[sflag:s14] =	ssyncadd.s32 $0xFFFFD800  }
0xa9: {  	[spmem:s3] =	stream.indirect.scatter.add.f32 [tilespmem:s9], [sflag:$0x6], $0x80, s17, s2, $0xb8;
	[tilespmem:$0x1F800] =	vst v63  }
0xaa: {  	_ =	swait.ge [sflag:s16], $0x2800  }
0xab: {  	[sflag:s16] =	ssyncset.done $0x0  }
0xac: {  	s13 =	simm.s32 $0x500;
	[sflag:s16] =	ssyncadd.s32 $0xFFFFD800  }
0xad: {  	[tilespmem:s5], [sflag:$0x2] =	stream.indirect.gather [hbm4b:s1+s2], $0x80, s13, s2, $0xb8;
	[tilespmem:$0x1F800] =	vst v63  }
0xae: {  	_ =	swait.ge [sflag:s7], $0x2800  }
0xaf: {  	[sflag:s7] =	ssyncset.done $0x0  }
0xb0: {  	s15 =	simm.s32 $0x2480;
	[sflag:s7] =	ssyncadd.s32 $0xFFFFD800  }
0xb1: {  	[spmem:s3] =	stream.indirect.scatter.add.f32 [tilespmem:s26], [sflag:$0x4], $0x80, s15, s2, $0xb8;
	[tilespmem:$0x1F800] =	vst v63  }
0xb2: {  	_ =	swait.ge [sflag:s19], $0x2800  }
0xb3: {  	[sflag:s19] =	ssyncset.done $0x0  }
0xb4: {  	s17 =	simm.s32 $0x580;
	[sflag:s19] =	ssyncadd.s32 $0xFFFFD800  }
0xb5: {  	[tilespmem:s9], [sflag:$0x3] =	stream.indirect.gather [hbm4b:s1+s2], $0x80, s17, s2, $0xb8;
	[tilespmem:$0x1F800] =	vst v63  }
0xb6: {  	_ =	swait.ge [sflag:s10], $0x2800  }
0xb7: {  	[sflag:s10] =	ssyncset.done $0x0  }
0xb8: {  	s13 =	simm.s32 $0x2500;
	[sflag:s10] =	ssyncadd.s32 $0xFFFFD800  }
0xb9: {  	[spmem:s3] =	stream.indirect.scatter.add.f32 [tilespmem:s5], [sflag:$0x5], $0x80, s13, s2, $0xb8;
	[tilespmem:$0x1F800] =	vst v63  }
0xba: {  	_ =	swait.ge [sflag:s12], $0x2800  }
0xbb: {  	[sflag:s12] =	ssyncset.done $0x0  }
0xbc: {  	s15 =	simm.s32 $0x600;
	[sflag:s12] =	ssyncadd.s32 $0xFFFFD800  }
0xbd: {  	[tilespmem:s26], [sflag:$0x1] =	stream.indirect.gather [hbm4b:s1+s2], $0x80, s15, s2, $0xb8;
	[tilespmem:$0x1F800] =	vst v63  }
0xbe: {  	_ =	swait.ge [sflag:s14], $0x2800  }
0xbf: {  	[sflag:s14] =	ssyncset.done $0x0  }
0xc0: {  	s17 =	simm.s32 $0x2580;
	[sflag:s14] =	ssyncadd.s32 $0xFFFFD800  }
0xc1: {  	[spmem:s3] =	stream.indirect.scatter.add.f32 [tilespmem:s9], [sflag:$0x6], $0x80, s17, s2, $0xb8;
	[tilespmem:$0x1F800] =	vst v63  }
0xc2: {  	_ =	swait.ge [sflag:s16], $0x2800  }
0xc3: {  	[sflag:s16] =	ssyncset.done $0x0  }
0xc4: {  	s13 =	simm.s32 $0x680;
	[sflag:s16] =	ssyncadd.s32 $0xFFFFD800  }
0xc5: {  	[tilespmem:s5], [sflag:$0x2] =	stream.indirect.gather [hbm4b:s1+s2], $0x80, s13, s2, $0xb8;
	[tilespmem:$0x1F800] =	vst v63  }
0xc6: {  	_ =	swait.ge [sflag:s7], $0x2800  }
0xc7: {  	[sflag:s7] =	ssyncset.done $0x0  }
0xc8: {  	s15 =	simm.s32 $0x2600;
	[sflag:s7] =	ssyncadd.s32 $0xFFFFD800  }
0xc9: {  	[spmem:s3] =	stream.indirect.scatter.add.f32 [tilespmem:s26], [sflag:$0x4], $0x80, s15, s2, $0xb8;
	[tilespmem:$0x1F800] =	vst v63  }
0xca: {  	_ =	swait.ge [sflag:s19], $0x2800  }
0xcb: {  	[sflag:s19] =	ssyncset.done $0x0  }
0xcc: {  	s17 =	simm.s32 $0x700;
	[sflag:s19] =	ssyncadd.s32 $0xFFFFD800  }
0xcd: {  	[tilespmem:s9], [sflag:$0x3] =	stream.indirect.gather [hbm4b:s1+s2], $0x80, s17, s2, $0xb8;
	[tilespmem:$0x1F800] =	vst v63  }
0xce: {  	_ =	swait.ge [sflag:s10], $0x2800  }
0xcf: {  	[sflag:s10] =	ssyncset.done $0x0  }
0xd0: {  	s13 =	simm.s32 $0x2680;
	[sflag:s10] =	ssyncadd.s32 $0xFFFFD800  }
0xd1: {  	[spmem:s3] =	stream.indirect.scatter.add.f32 [tilespmem:s5], [sflag:$0x5], $0x80, s13, s2, $0xb8;
	[tilespmem:$0x1F800] =	vst v63  }
0xd2: {  	_ =	swait.ge [sflag:s12], $0x2800  }
0xd3: {  	[sflag:s12] =	ssyncset.done $0x0  }
0xd4: {  	s15 =	simm.s32 $0x780;
	[sflag:s12] =	ssyncadd.s32 $0xFFFFD800  }
0xd5: {  	[tilespmem:s26], [sflag:$0x1] =	stream.indirect.gather [hbm4b:s1+s2], $0x80, s15, s2, $0xb8;
	[tilespmem:$0x1F800] =	vst v63  }
0xd6: {  	_ =	swait.ge [sflag:s14], $0x2800  }
0xd7: {  	[sflag:s14] =	ssyncset.done $0x0  }
0xd8: {  	s17 =	simm.s32 $0x2700;
	[sflag:s14] =	ssyncadd.s32 $0xFFFFD800  }
0xd9: {  	[spmem:s3] =	stream.indirect.scatter.add.f32 [tilespmem:s9], [sflag:$0x6], $0x80, s17, s2, $0xb8;
	[tilespmem:$0x1F800] =	vst v63  }
0xda: {  	_ =	swait.ge [sflag:s16], $0x2800  }
0xdb: {  	[sflag:s16] =	ssyncset.done $0x0  }
0xdc: {  	s13 =	simm.s32 $0x800;
	[sflag:s16] =	ssyncadd.s32 $0xFFFFD800  }
0xdd: {  	[tilespmem:s5], [sflag:$0x2] =	stream.indirect.gather [hbm4b:s1+s2], $0x80, s13, s2, $0xb8;
	[tilespmem:$0x1F800] =	vst v63  }
0xde: {  	_ =	swait.ge [sflag:s7], $0x2800  }
0xdf: {  	[sflag:s7] =	ssyncset.done $0x0  }
0xe0: {  	s15 =	simm.s32 $0x2780;
	[sflag:s7] =	ssyncadd.s32 $0xFFFFD800  }
0xe1: {  	[spmem:s3] =	stream.indirect.scatter.add.f32 [tilespmem:s26], [sflag:$0x4], $0x80, s15, s2, $0xb8;
	[tilespmem:$0x1F800] =	vst v63  }
0xe2: {  	_ =	swait.ge [sflag:s19], $0x2800  }
0xe3: {  	[sflag:s19] =	ssyncset.done $0x0  }
0xe4: {  	s17 =	simm.s32 $0x880;
	[sflag:s19] =	ssyncadd.s32 $0xFFFFD800  }
0xe5: {  	[tilespmem:s9], [sflag:$0x3] =	stream.indirect.gather [hbm4b:s1+s2], $0x80, s17, s2, $0xb8;
	[tilespmem:$0x1F800] =	vst v63  }
0xe6: {  	_ =	swait.ge [sflag:s10], $0x2800  }
0xe7: {  	[sflag:s10] =	ssyncset.done $0x0  }
0xe8: {  	s13 =	simm.s32 $0x2800;
	[sflag:s10] =	ssyncadd.s32 $0xFFFFD800  }
0xe9: {  	[spmem:s3] =	stream.indirect.scatter.add.f32 [tilespmem:s5], [sflag:$0x5], $0x80, s13, s2, $0xb8;
	[tilespmem:$0x1F800] =	vst v63  }
0xea: {  	_ =	swait.ge [sflag:s12], $0x2800  }
0xeb: {  	[sflag:s12] =	ssyncset.done $0x0  }
0xec: {  	s15 =	simm.s32 $0x900;
	[sflag:s12] =	ssyncadd.s32 $0xFFFFD800  }
0xed: {  	[tilespmem:s26], [sflag:$0x1] =	stream.indirect.gather [hbm4b:s1+s2], $0x80, s15, s2, $0xb8;
	[tilespmem:$0x1F800] =	vst v63  }
0xee: {  	_ =	swait.ge [sflag:s14], $0x2800  }
0xef: {  	[sflag:s14] =	ssyncset.done $0x0  }
0xf0: {  	s17 =	simm.s32 $0x2880;
	[sflag:s14] =	ssyncadd.s32 $0xFFFFD800  }
0xf1: {  	[spmem:s3] =	stream.indirect.scatter.add.f32 [tilespmem:s9], [sflag:$0x6], $0x80, s17, s2, $0xb8;
	[tilespmem:$0x1F800] =	vst v63  }
0xf2: {  	_ =	swait.ge [sflag:s16], $0x2800  }
0xf3: {  	[sflag:s16] =	ssyncset.done $0x0  }
0xf4: {  	s13 =	simm.s32 $0x980;
	[sflag:s16] =	ssyncadd.s32 $0xFFFFD800  }
0xf5: {  	[tilespmem:s5], [sflag:$0x2] =	stream.indirect.gather [hbm4b:s1+s2], $0x80, s13, s2, $0xb8;
	[tilespmem:$0x1F800] =	vst v63  }
0xf6: {  	_ =	swait.ge [sflag:s7], $0x2800  }
0xf7: {  	[sflag:s7] =	ssyncset.done $0x0  }
0xf8: {  	s15 =	simm.s32 $0x2900;
	[sflag:s7] =	ssyncadd.s32 $0xFFFFD800  }
0xf9: {  	[spmem:s3] =	stream.indirect.scatter.add.f32 [tilespmem:s26], [sflag:$0x4], $0x80, s15, s2, $0xb8;
	[tilespmem:$0x1F800] =	vst v63  }
0xfa: {  	_ =	swait.ge [sflag:s19], $0x2800  }
0xfb: {  	[sflag:s19] =	ssyncset.done $0x0  }
0xfc: {  	s17 =	simm.s32 $0xA00;
	[sflag:s19] =	ssyncadd.s32 $0xFFFFD800  }
0xfd: {  	[tilespmem:s9], [sflag:$0x3] =	stream.indirect.gather [hbm4b:s1+s2], $0x80, s17, s2, $0xb8;
	[tilespmem:$0x1F800] =	vst v63  }
0xfe: {  	_ =	swait.ge [sflag:s10], $0x2800  }
0xff: {  	[sflag:s10] =	ssyncset.done $0x0  }
0x100: {  	s13 =	simm.s32 $0x2980;
	[sflag:s10] =	ssyncadd.s32 $0xFFFFD800  }
0x101: {  	[spmem:s3] =	stream.indirect.scatter.add.f32 [tilespmem:s5], [sflag:$0x5], $0x80, s13, s2, $0xb8;
	[tilespmem:$0x1F800] =	vst v63  }
0x102: {  	_ =	swait.ge [sflag:s12], $0x2800  }
0x103: {  	[sflag:s12] =	ssyncset.done $0x0  }
0x104: {  	s15 =	simm.s32 $0xA80;
	[sflag:s12] =	ssyncadd.s32 $0xFFFFD800  }
0x105: {  	[tilespmem:s26], [sflag:$0x1] =	stream.indirect.gather [hbm4b:s1+s2], $0x80, s15, s2, $0xb8;
	[tilespmem:$0x1F800] =	vst v63  }
0x106: {  	_ =	swait.ge [sflag:s14], $0x2800  }
0x107: {  	[sflag:s14] =	ssyncset.done $0x0  }
0x108: {  	s17 =	simm.s32 $0x2A00;
	[sflag:s14] =	ssyncadd.s32 $0xFFFFD800  }
0x109: {  	[spmem:s3] =	stream.indirect.scatter.add.f32 [tilespmem:s9], [sflag:$0x6], $0x80, s17, s2, $0xb8;
	[tilespmem:$0x1F800] =	vst v63  }
0x10a: {  	_ =	swait.ge [sflag:s16], $0x2800  }
0x10b: {  	[sflag:s16] =	ssyncset.done $0x0  }
0x10c: {  	s13 =	simm.s32 $0xB00;
	[sflag:s16] =	ssyncadd.s32 $0xFFFFD800  }
0x10d: {  	[tilespmem:s5], [sflag:$0x2] =	stream.indirect.gather [hbm4b:s1+s2], $0x80, s13, s2, $0xb8;
	[tilespmem:$0x1F800] =	vst v63  }
0x10e: {  	_ =	swait.ge [sflag:s7], $0x2800  }
0x10f: {  	[sflag:s7] =	ssyncset.done $0x0  }
0x110: {  	s15 =	simm.s32 $0x2A80;
	[sflag:s7] =	ssyncadd.s32 $0xFFFFD800  }
0x111: {  	[spmem:s3] =	stream.indirect.scatter.add.f32 [tilespmem:s26], [sflag:$0x4], $0x80, s15, s2, $0xb8;
	[tilespmem:$0x1F800] =	vst v63  }
0x112: {  	_ =	swait.ge [sflag:s19], $0x2800  }
0x113: {  	[sflag:s19] =	ssyncset.done $0x0  }
0x114: {  	s17 =	simm.s32 $0xB80;
	[sflag:s19] =	ssyncadd.s32 $0xFFFFD800  }
0x115: {  	[tilespmem:s9], [sflag:$0x3] =	stream.indirect.gather [hbm4b:s1+s2], $0x80, s17, s2, $0xb8;
	[tilespmem:$0x1F800] =	vst v63  }
0x116: {  	_ =	swait.ge [sflag:s10], $0x2800  }
0x117: {  	[sflag:s10] =	ssyncset.done $0x0  }
0x118: {  	s13 =	simm.s32 $0x2B00;
	[sflag:s10] =	ssyncadd.s32 $0xFFFFD800  }
0x119: {  	[spmem:s3] =	stream.indirect.scatter.add.f32 [tilespmem:s5], [sflag:$0x5], $0x80, s13, s2, $0xb8;
	[tilespmem:$0x1F800] =	vst v63  }
0x11a: {  	_ =	swait.ge [sflag:s12], $0x2800  }
0x11b: {  	[sflag:s12] =	ssyncset.done $0x0  }
0x11c: {  	s15 =	simm.s32 $0xC00;
	[sflag:s12] =	ssyncadd.s32 $0xFFFFD800  }
0x11d: {  	[tilespmem:s26], [sflag:$0x1] =	stream.indirect.gather [hbm4b:s1+s2], $0x80, s15, s2, $0xb8;
	[tilespmem:$0x1F800] =	vst v63  }
0x11e: {  	_ =	swait.ge [sflag:s14], $0x2800  }
0x11f: {  	[sflag:s14] =	ssyncset.done $0x0  }
0x120: {  	s17 =	simm.s32 $0x2B80;
	[sflag:s14] =	ssyncadd.s32 $0xFFFFD800  }
0x121: {  	[spmem:s3] =	stream.indirect.scatter.add.f32 [tilespmem:s9], [sflag:$0x6], $0x80, s17, s2, $0xb8;
	[tilespmem:$0x1F800] =	vst v63  }
0x122: {  	_ =	swait.ge [sflag:s16], $0x2800  }
0x123: {  	[sflag:s16] =	ssyncset.done $0x0  }
0x124: {  	[sflag:s16] =	ssyncadd.s32 $0xFFFFD800  }
0x125: {  	_ =	swait.ge [sflag:s7], $0x2800  }
0x126: {  	[sflag:s7] =	ssyncset.done $0x0  }
0x127: {  	s13 =	simm.s32 $0x2C00;
	[sflag:s7] =	ssyncadd.s32 $0xFFFFD800  }
0x128: {  	[spmem:s3] =	stream.indirect.scatter.add.f32 [tilespmem:s26], [sflag:$0x4], $0x80, s13, s2, $0xb8;
	[tilespmem:$0x1F800] =	vst v63  }
0x129: {  	_ =	swait.ge [sflag:s19], $0x2800  }
0x12a: {  	[sflag:s19] =	ssyncset.done $0x0  }
0x12b: {  	[sflag:s19] =	ssyncadd.s32 $0xFFFFD800  }
0x12c: {  	_ =	swait.ge [sflag:s12], $0x2800  }
0x12d: {  	[sflag:s12] =	ssyncset.done $0x0  }
0x12e: {  	[sflag:s12] =	ssyncadd.s32 $0xFFFFD800  }
0x12f: {  	_ =	swait.ge [sflag:s0], $0xC80  }
0x130: {  	[sflag:s0] =	ssyncset.done $0x0  }
0x131: {  	[sflag:s0] =	ssyncadd.s32 $0xFFFFF380  }
0x132: {  	_ =	swait.ge [sflag:s0], $0xC80  }
0x133: {  	[sflag:s0] =	ssyncset.done $0x0  }
0x134: {  	s15 =	rddreg [dreg:$0xf];
	[sflag:s0] =	ssyncadd.s32 $0xFFFFF380  }
0x135: {  	[tilespmem:s4], [sflag:$0x7] =	stream.linear.gather [hbm4b:s15+s4], $0xC80, $0x38;
	[tilespmem:$0x1F800] =	vst v63  }
0x136: {  	s17 =	rddreg [dreg:$0x10]  }
0x137: {  	[tilespmem:s18], [sflag:$0x7] =	stream.linear.gather [hbm4b:s17+s4], $0xC80, $0x38;
	[tilespmem:$0x1F800] =	vst v63  }
0x138: {  	_ = 	snop  }
0x139: {  	[tilespmem:s26], [sflag:$0x1] =	stream.indirect.gather [hbm4b:s1+s2], $0x80, s31, s2, $0xb8;
	[tilespmem:$0x1F800] =	vst v63  }
0x13a: {  	_ = 	snop  }
0x13b: {  	[tilespmem:s5], [sflag:$0x2] =	stream.indirect.gather [hbm4b:s1+s2], $0x80, s25, s2, $0xb8;
	[tilespmem:$0x1F800] =	vst v63  }
0x13c: {  	_ =	swait.ge [sflag:s7], $0x2800  }
0x13d: {  	[sflag:s7] =	ssyncset.done $0x0  }
0x13e: {  	[sflag:s7] =	ssyncadd.s32 $0xFFFFD800  }
0x13f: {  	[spmem:s3] =	stream.indirect.scatter.add.f32 [tilespmem:s26], [sflag:$0x4], $0x80, s6, s2, $0xb8;
	[tilespmem:$0x1F800] =	vst v63  }
0x140: {  	s18 =	simm.s32 $0x1100  }
0x141: {  	[tilespmem:s9], [sflag:$0x3] =	stream.indirect.gather [hbm4b:s1+s2], $0x80, s18, s2, $0xb8;
	[tilespmem:$0x1F800] =	vst v63  }
0x142: {  	_ =	swait.ge [sflag:s10], $0x2800  }
0x143: {  	[sflag:s10] =	ssyncset.done $0x0  }
0x144: {  	[sflag:s10] =	ssyncadd.s32 $0xFFFFD800  }
0x145: {  	[spmem:s3] =	stream.indirect.scatter.add.f32 [tilespmem:s5], [sflag:$0x5], $0x80, s20, s2, $0xb8;
	[tilespmem:$0x1F800] =	vst v63  }
0x146: {  	_ =	swait.ge [sflag:s12], $0x2800  }
0x147: {  	[sflag:s12] =	ssyncset.done $0x0  }
0x148: {  	[sflag:s12] =	ssyncadd.s32 $0xFFFFD800  }
0x149: {  	[tilespmem:s26], [sflag:$0x1] =	stream.indirect.gather [hbm4b:s1+s2], $0x80, s21, s2, $0xb8;
	[tilespmem:$0x1F800] =	vst v63  }
0x14a: {  	_ =	swait.ge [sflag:s14], $0x2800  }
0x14b: {  	[sflag:s14] =	ssyncset.done $0x0  }
0x14c: {  	[sflag:s14] =	ssyncadd.s32 $0xFFFFD800  }
0x14d: {  	[spmem:s3] =	stream.indirect.scatter.add.f32 [tilespmem:s9], [sflag:$0x6], $0x80, s22, s2, $0xb8;
	[tilespmem:$0x1F800] =	vst v63  }
0x14e: {  	_ =	swait.ge [sflag:s16], $0x2800  }
0x14f: {  	[sflag:s16] =	ssyncset.done $0x0  }
0x150: {  	[sflag:s16] =	ssyncadd.s32 $0xFFFFD800  }
0x151: {  	[tilespmem:s5], [sflag:$0x2] =	stream.indirect.gather [hbm4b:s1+s2], $0x80, s23, s2, $0xb8;
	[tilespmem:$0x1F800] =	vst v63  }
0x152: {  	_ =	swait.ge [sflag:s7], $0x2800  }
0x153: {  	[sflag:s7] =	ssyncset.done $0x0  }
0x154: {  	[sflag:s7] =	ssyncadd.s32 $0xFFFFD800  }
0x155: {  	[spmem:s3] =	stream.indirect.scatter.add.f32 [tilespmem:s26], [sflag:$0x4], $0x80, s24, s2, $0xb8;
	[tilespmem:$0x1F800] =	vst v63  }
0x156: {  	_ =	swait.ge [sflag:s19], $0x2800  }
0x157: {  	[sflag:s19] =	ssyncset.done $0x0  }
0x158: {  	[sflag:s19] =	ssyncadd.s32 $0xFFFFD800  }
0x159: {  	[tilespmem:s9], [sflag:$0x3] =	stream.indirect.gather [hbm4b:s1+s2], $0x80, s30, s2, $0xb8;
	[tilespmem:$0x1F800] =	vst v63  }
0x15a: {  	_ =	swait.ge [sflag:s10], $0x2800  }
0x15b: {  	[sflag:s10] =	ssyncset.done $0x0  }
0x15c: {  	s15 =	simm.s32 $0x3200;
	[sflag:s10] =	ssyncadd.s32 $0xFFFFD800  }
0x15d: {  	[spmem:s3] =	stream.indirect.scatter.add.f32 [tilespmem:s5], [sflag:$0x5], $0x80, s15, s2, $0xb8;
	[tilespmem:$0x1F800] =	vst v63  }
0x15e: {  	_ =	swait.ge [sflag:s12], $0x2800  }
0x15f: {  	[sflag:s12] =	ssyncset.done $0x0  }
0x160: {  	s17 =	simm.s32 $0x1300;
	[sflag:s12] =	ssyncadd.s32 $0xFFFFD800  }
0x161: {  	[tilespmem:s26], [sflag:$0x1] =	stream.indirect.gather [hbm4b:s1+s2], $0x80, s17, s2, $0xb8;
	[tilespmem:$0x1F800] =	vst v63  }
0x162: {  	_ =	swait.ge [sflag:s14], $0x2800  }
0x163: {  	[sflag:s14] =	ssyncset.done $0x0  }
0x164: {  	s13 =	simm.s32 $0x3280;
	[sflag:s14] =	ssyncadd.s32 $0xFFFFD800  }
0x165: {  	[spmem:s3] =	stream.indirect.scatter.add.f32 [tilespmem:s9], [sflag:$0x6], $0x80, s13, s2, $0xb8;
	[tilespmem:$0x1F800] =	vst v63  }
0x166: {  	_ =	swait.ge [sflag:s16], $0x2800  }
0x167: {  	[sflag:s16] =	ssyncset.done $0x0  }
0x168: {  	s13 =	simm.s32 $0x1380;
	[sflag:s16] =	ssyncadd.s32 $0xFFFFD800  }
0x169: {  	[tilespmem:s5], [sflag:$0x2] =	stream.indirect.gather [hbm4b:s1+s2], $0x80, s13, s2, $0xb8;
	[tilespmem:$0x1F800] =	vst v63  }
0x16a: {  	_ =	swait.ge [sflag:s7], $0x2800  }
0x16b: {  	[sflag:s7] =	ssyncset.done $0x0  }
0x16c: {  	s13 =	simm.s32 $0x3300;
	[sflag:s7] =	ssyncadd.s32 $0xFFFFD800  }
0x16d: {  	[spmem:s3] =	stream.indirect.scatter.add.f32 [tilespmem:s26], [sflag:$0x4], $0x80, s13, s2, $0xb8;
	[tilespmem:$0x1F800] =	vst v63  }
0x16e: {  	_ =	swait.ge [sflag:s19], $0x2800  }
0x16f: {  	[sflag:s19] =	ssyncset.done $0x0  }
0x170: {  	s13 =	simm.s32 $0x1400;
	[sflag:s19] =	ssyncadd.s32 $0xFFFFD800  }
0x171: {  	[tilespmem:s9], [sflag:$0x3] =	stream.indirect.gather [hbm4b:s1+s2], $0x80, s13, s2, $0xb8;
	[tilespmem:$0x1F800] =	vst v63  }
0x172: {  	_ =	swait.ge [sflag:s10], $0x2800  }
0x173: {  	[sflag:s10] =	ssyncset.done $0x0  }
0x174: {  	s13 =	simm.s32 $0x3380;
	[sflag:s10] =	ssyncadd.s32 $0xFFFFD800  }
0x175: {  	[spmem:s3] =	stream.indirect.scatter.add.f32 [tilespmem:s5], [sflag:$0x5], $0x80, s13, s2, $0xb8;
	[tilespmem:$0x1F800] =	vst v63  }
0x176: {  	_ =	swait.ge [sflag:s12], $0x2800  }
0x177: {  	[sflag:s12] =	ssyncset.done $0x0  }
0x178: {  	s13 =	simm.s32 $0x1480;
	[sflag:s12] =	ssyncadd.s32 $0xFFFFD800  }
0x179: {  	[tilespmem:s26], [sflag:$0x1] =	stream.indirect.gather [hbm4b:s1+s2], $0x80, s13, s2, $0xb8;
	[tilespmem:$0x1F800] =	vst v63  }
0x17a: {  	_ =	swait.ge [sflag:s14], $0x2800  }
0x17b: {  	[sflag:s14] =	ssyncset.done $0x0  }
0x17c: {  	s13 =	simm.s32 $0x3400;
	[sflag:s14] =	ssyncadd.s32 $0xFFFFD800  }
0x17d: {  	[spmem:s3] =	stream.indirect.scatter.add.f32 [tilespmem:s9], [sflag:$0x6], $0x80, s13, s2, $0xb8;
	[tilespmem:$0x1F800] =	vst v63  }
0x17e: {  	_ =	swait.ge [sflag:s16], $0x2800  }
0x17f: {  	[sflag:s16] =	ssyncset.done $0x0  }
0x180: {  	s13 =	simm.s32 $0x1500;
	[sflag:s16] =	ssyncadd.s32 $0xFFFFD800  }
0x181: {  	[tilespmem:s5], [sflag:$0x2] =	stream.indirect.gather [hbm4b:s1+s2], $0x80, s13, s2, $0xb8;
	[tilespmem:$0x1F800] =	vst v63  }
0x182: {  	_ =	swait.ge [sflag:s7], $0x2800  }
0x183: {  	[sflag:s7] =	ssyncset.done $0x0  }
0x184: {  	s13 =	simm.s32 $0x3480;
	[sflag:s7] =	ssyncadd.s32 $0xFFFFD800  }
0x185: {  	[spmem:s3] =	stream.indirect.scatter.add.f32 [tilespmem:s26], [sflag:$0x4], $0x80, s13, s2, $0xb8;
	[tilespmem:$0x1F800] =	vst v63  }
0x186: {  	_ =	swait.ge [sflag:s19], $0x2800  }
0x187: {  	[sflag:s19] =	ssyncset.done $0x0  }
0x188: {  	s13 =	simm.s32 $0x1580;
	[sflag:s19] =	ssyncadd.s32 $0xFFFFD800  }
0x189: {  	[tilespmem:s9], [sflag:$0x3] =	stream.indirect.gather [hbm4b:s1+s2], $0x80, s13, s2, $0xb8;
	[tilespmem:$0x1F800] =	vst v63  }
0x18a: {  	_ =	swait.ge [sflag:s10], $0x2800  }
0x18b: {  	[sflag:s10] =	ssyncset.done $0x0  }
0x18c: {  	s13 =	simm.s32 $0x3500;
	[sflag:s10] =	ssyncadd.s32 $0xFFFFD800  }
0x18d: {  	[spmem:s3] =	stream.indirect.scatter.add.f32 [tilespmem:s5], [sflag:$0x5], $0x80, s13, s2, $0xb8;
	[tilespmem:$0x1F800] =	vst v63  }
0x18e: {  	_ =	swait.ge [sflag:s12], $0x2800  }
0x18f: {  	[sflag:s12] =	ssyncset.done $0x0  }
0x190: {  	s13 =	simm.s32 $0x1600;
	[sflag:s12] =	ssyncadd.s32 $0xFFFFD800  }
0x191: {  	[tilespmem:s26], [sflag:$0x1] =	stream.indirect.gather [hbm4b:s1+s2], $0x80, s13, s2, $0xb8;
	[tilespmem:$0x1F800] =	vst v63  }
0x192: {  	_ =	swait.ge [sflag:s14], $0x2800  }
0x193: {  	[sflag:s14] =	ssyncset.done $0x0  }
0x194: {  	s13 =	simm.s32 $0x3580;
	[sflag:s14] =	ssyncadd.s32 $0xFFFFD800  }
0x195: {  	[spmem:s3] =	stream.indirect.scatter.add.f32 [tilespmem:s9], [sflag:$0x6], $0x80, s13, s2, $0xb8;
	[tilespmem:$0x1F800] =	vst v63  }
0x196: {  	_ =	swait.ge [sflag:s16], $0x2800  }
0x197: {  	[sflag:s16] =	ssyncset.done $0x0  }
0x198: {  	s13 =	simm.s32 $0x1680;
	[sflag:s16] =	ssyncadd.s32 $0xFFFFD800  }
0x199: {  	[tilespmem:s5], [sflag:$0x2] =	stream.indirect.gather [hbm4b:s1+s2], $0x80, s13, s2, $0xb8;
	[tilespmem:$0x1F800] =	vst v63  }
0x19a: {  	_ =	swait.ge [sflag:s7], $0x2800  }
0x19b: {  	[sflag:s7] =	ssyncset.done $0x0  }
0x19c: {  	s13 =	simm.s32 $0x3600;
	[sflag:s7] =	ssyncadd.s32 $0xFFFFD800  }
0x19d: {  	[spmem:s3] =	stream.indirect.scatter.add.f32 [tilespmem:s26], [sflag:$0x4], $0x80, s13, s2, $0xb8;
	[tilespmem:$0x1F800] =	vst v63  }
0x19e: {  	_ =	swait.ge [sflag:s19], $0x2800  }
0x19f: {  	[sflag:s19] =	ssyncset.done $0x0  }
0x1a0: {  	s13 =	simm.s32 $0x1700;
	[sflag:s19] =	ssyncadd.s32 $0xFFFFD800  }
0x1a1: {  	[tilespmem:s9], [sflag:$0x3] =	stream.indirect.gather [hbm4b:s1+s2], $0x80, s13, s2, $0xb8;
	[tilespmem:$0x1F800] =	vst v63  }
0x1a2: {  	_ =	swait.ge [sflag:s10], $0x2800  }
0x1a3: {  	[sflag:s10] =	ssyncset.done $0x0  }
0x1a4: {  	s13 =	simm.s32 $0x3680;
	[sflag:s10] =	ssyncadd.s32 $0xFFFFD800  }
0x1a5: {  	[spmem:s3] =	stream.indirect.scatter.add.f32 [tilespmem:s5], [sflag:$0x5], $0x80, s13, s2, $0xb8;
	[tilespmem:$0x1F800] =	vst v63  }
0x1a6: {  	_ =	swait.ge [sflag:s12], $0x2800  }
0x1a7: {  	[sflag:s12] =	ssyncset.done $0x0  }
0x1a8: {  	s13 =	simm.s32 $0x1780;
	[sflag:s12] =	ssyncadd.s32 $0xFFFFD800  }
0x1a9: {  	[tilespmem:s26], [sflag:$0x1] =	stream.indirect.gather [hbm4b:s1+s2], $0x80, s13, s2, $0xb8;
	[tilespmem:$0x1F800] =	vst v63  }
0x1aa: {  	_ =	swait.ge [sflag:s14], $0x2800  }
0x1ab: {  	[sflag:s14] =	ssyncset.done $0x0  }
0x1ac: {  	s13 =	simm.s32 $0x3700;
	[sflag:s14] =	ssyncadd.s32 $0xFFFFD800  }
0x1ad: {  	[spmem:s3] =	stream.indirect.scatter.add.f32 [tilespmem:s9], [sflag:$0x6], $0x80, s13, s2, $0xb8;
	[tilespmem:$0x1F800] =	vst v63  }
0x1ae: {  	_ =	swait.ge [sflag:s16], $0x2800  }
0x1af: {  	[sflag:s16] =	ssyncset.done $0x0  }
0x1b0: {  	s13 =	simm.s32 $0x1800;
	[sflag:s16] =	ssyncadd.s32 $0xFFFFD800  }
0x1b1: {  	[tilespmem:s5], [sflag:$0x2] =	stream.indirect.gather [hbm4b:s1+s2], $0x80, s13, s2, $0xb8;
	[tilespmem:$0x1F800] =	vst v63  }
0x1b2: {  	_ =	swait.ge [sflag:s7], $0x2800  }
0x1b3: {  	[sflag:s7] =	ssyncset.done $0x0  }
0x1b4: {  	s13 =	simm.s32 $0x3780;
	[sflag:s7] =	ssyncadd.s32 $0xFFFFD800  }
0x1b5: {  	[spmem:s3] =	stream.indirect.scatter.add.f32 [tilespmem:s26], [sflag:$0x4], $0x80, s13, s2, $0xb8;
	[tilespmem:$0x1F800] =	vst v63  }
0x1b6: {  	_ =	swait.ge [sflag:s19], $0x2800  }
0x1b7: {  	[sflag:s19] =	ssyncset.done $0x0  }
0x1b8: {  	s13 =	simm.s32 $0x1880;
	[sflag:s19] =	ssyncadd.s32 $0xFFFFD800  }
0x1b9: {  	[tilespmem:s9], [sflag:$0x3] =	stream.indirect.gather [hbm4b:s1+s2], $0x80, s13, s2, $0xb8;
	[tilespmem:$0x1F800] =	vst v63  }
0x1ba: {  	_ =	swait.ge [sflag:s10], $0x2800  }
0x1bb: {  	[sflag:s10] =	ssyncset.done $0x0  }
0x1bc: {  	s13 =	simm.s32 $0x3800;
	[sflag:s10] =	ssyncadd.s32 $0xFFFFD800  }
0x1bd: {  	[spmem:s3] =	stream.indirect.scatter.add.f32 [tilespmem:s5], [sflag:$0x5], $0x80, s13, s2, $0xb8;
	[tilespmem:$0x1F800] =	vst v63  }
0x1be: {  	_ =	swait.ge [sflag:s12], $0x2800  }
0x1bf: {  	[sflag:s12] =	ssyncset.done $0x0  }
0x1c0: {  	s13 =	simm.s32 $0x1900;
	[sflag:s12] =	ssyncadd.s32 $0xFFFFD800  }
0x1c1: {  	[tilespmem:s26], [sflag:$0x1] =	stream.indirect.gather [hbm4b:s1+s2], $0x80, s13, s2, $0xb8;
	[tilespmem:$0x1F800] =	vst v63  }
0x1c2: {  	_ =	swait.ge [sflag:s14], $0x2800  }
0x1c3: {  	[sflag:s14] =	ssyncset.done $0x0  }
0x1c4: {  	s13 =	simm.s32 $0x3880;
	[sflag:s14] =	ssyncadd.s32 $0xFFFFD800  }
0x1c5: {  	[spmem:s3] =	stream.indirect.scatter.add.f32 [tilespmem:s9], [sflag:$0x6], $0x80, s13, s2, $0xb8;
	[tilespmem:$0x1F800] =	vst v63  }
0x1c6: {  	_ =	swait.ge [sflag:s16], $0x2800  }
0x1c7: {  	[sflag:s16] =	ssyncset.done $0x0  }
0x1c8: {  	s13 =	simm.s32 $0x1980;
	[sflag:s16] =	ssyncadd.s32 $0xFFFFD800  }
0x1c9: {  	[tilespmem:s5], [sflag:$0x2] =	stream.indirect.gather [hbm4b:s1+s2], $0x80, s13, s2, $0xb8;
	[tilespmem:$0x1F800] =	vst v63  }
0x1ca: {  	_ =	swait.ge [sflag:s7], $0x2800  }
0x1cb: {  	[sflag:s7] =	ssyncset.done $0x0  }
0x1cc: {  	s13 =	simm.s32 $0x3900;
	[sflag:s7] =	ssyncadd.s32 $0xFFFFD800  }
0x1cd: {  	[spmem:s3] =	stream.indirect.scatter.add.f32 [tilespmem:s26], [sflag:$0x4], $0x80, s13, s2, $0xb8;
	[tilespmem:$0x1F800] =	vst v63  }
0x1ce: {  	_ =	swait.ge [sflag:s19], $0x2800  }
0x1cf: {  	[sflag:s19] =	ssyncset.done $0x0  }
0x1d0: {  	s13 =	simm.s32 $0x1A00;
	[sflag:s19] =	ssyncadd.s32 $0xFFFFD800  }
0x1d1: {  	[tilespmem:s9], [sflag:$0x3] =	stream.indirect.gather [hbm4b:s1+s2], $0x80, s13, s2, $0xb8;
	[tilespmem:$0x1F800] =	vst v63  }
0x1d2: {  	_ =	swait.ge [sflag:s10], $0x2800  }
0x1d3: {  	[sflag:s10] =	ssyncset.done $0x0  }
0x1d4: {  	s13 =	simm.s32 $0x3980;
	[sflag:s10] =	ssyncadd.s32 $0xFFFFD800  }
0x1d5: {  	[spmem:s3] =	stream.indirect.scatter.add.f32 [tilespmem:s5], [sflag:$0x5], $0x80, s13, s2, $0xb8;
	[tilespmem:$0x1F800] =	vst v63  }
0x1d6: {  	_ =	swait.ge [sflag:s12], $0x2800  }
0x1d7: {  	[sflag:s12] =	ssyncset.done $0x0  }
0x1d8: {  	s13 =	simm.s32 $0x1A80;
	[sflag:s12] =	ssyncadd.s32 $0xFFFFD800  }
0x1d9: {  	[tilespmem:s26], [sflag:$0x1] =	stream.indirect.gather [hbm4b:s1+s2], $0x80, s13, s2, $0xb8;
	[tilespmem:$0x1F800] =	vst v63  }
0x1da: {  	_ =	swait.ge [sflag:s14], $0x2800  }
0x1db: {  	[sflag:s14] =	ssyncset.done $0x0  }
0x1dc: {  	s13 =	simm.s32 $0x3A00;
	[sflag:s14] =	ssyncadd.s32 $0xFFFFD800  }
0x1dd: {  	[spmem:s3] =	stream.indirect.scatter.add.f32 [tilespmem:s9], [sflag:$0x6], $0x80, s13, s2, $0xb8;
	[tilespmem:$0x1F800] =	vst v63  }
0x1de: {  	_ =	swait.ge [sflag:s16], $0x2800  }
0x1df: {  	[sflag:s16] =	ssyncset.done $0x0  }
0x1e0: {  	s13 =	simm.s32 $0x1B00;
	[sflag:s16] =	ssyncadd.s32 $0xFFFFD800  }
0x1e1: {  	[tilespmem:s5], [sflag:$0x2] =	stream.indirect.gather [hbm4b:s1+s2], $0x80, s13, s2, $0xb8;
	[tilespmem:$0x1F800] =	vst v63  }
0x1e2: {  	_ =	swait.ge [sflag:s7], $0x2800  }
0x1e3: {  	[sflag:s7] =	ssyncset.done $0x0  }
0x1e4: {  	s13 =	simm.s32 $0x3A80;
	[sflag:s7] =	ssyncadd.s32 $0xFFFFD800  }
0x1e5: {  	[spmem:s3] =	stream.indirect.scatter.add.f32 [tilespmem:s26], [sflag:$0x4], $0x80, s13, s2, $0xb8;
	[tilespmem:$0x1F800] =	vst v63  }
0x1e6: {  	_ =	swait.ge [sflag:s19], $0x2800  }
0x1e7: {  	[sflag:s19] =	ssyncset.done $0x0  }
0x1e8: {  	s13 =	simm.s32 $0x1B80;
	[sflag:s19] =	ssyncadd.s32 $0xFFFFD800  }
0x1e9: {  	[tilespmem:s9], [sflag:$0x3] =	stream.indirect.gather [hbm4b:s1+s2], $0x80, s13, s2, $0xb8;
	[tilespmem:$0x1F800] =	vst v63  }
0x1ea: {  	_ =	swait.ge [sflag:s10], $0x2800  }
0x1eb: {  	[sflag:s10] =	ssyncset.done $0x0  }
0x1ec: {  	s13 =	simm.s32 $0x3B00;
	[sflag:s10] =	ssyncadd.s32 $0xFFFFD800  }
0x1ed: {  	[spmem:s3] =	stream.indirect.scatter.add.f32 [tilespmem:s5], [sflag:$0x5], $0x80, s13, s2, $0xb8;
	[tilespmem:$0x1F800] =	vst v63  }
0x1ee: {  	_ =	swait.ge [sflag:s12], $0x2800  }
0x1ef: {  	[sflag:s12] =	ssyncset.done $0x0  }
0x1f0: {  	s13 =	simm.s32 $0x1C00;
	[sflag:s12] =	ssyncadd.s32 $0xFFFFD800  }
0x1f1: {  	[tilespmem:s26], [sflag:$0x1] =	stream.indirect.gather [hbm4b:s1+s2], $0x80, s13, s2, $0xb8;
	[tilespmem:$0x1F800] =	vst v63  }
0x1f2: {  	_ =	swait.ge [sflag:s14], $0x2800  }
0x1f3: {  	[sflag:s14] =	ssyncset.done $0x0  }
0x1f4: {  	s13 =	simm.s32 $0x3B80;
	[sflag:s14] =	ssyncadd.s32 $0xFFFFD800  }
0x1f5: {  	[spmem:s3] =	stream.indirect.scatter.add.f32 [tilespmem:s9], [sflag:$0x6], $0x80, s13, s2, $0xb8;
	[tilespmem:$0x1F800] =	vst v63  }
0x1f6: {  	_ =	swait.ge [sflag:s16], $0x2800  }
0x1f7: {  	[sflag:s16] =	ssyncset.done $0x0  }
0x1f8: {  	[sflag:s16] =	ssyncadd.s32 $0xFFFFD800  }
0x1f9: {  	_ =	swait.ge [sflag:s7], $0x2800  }
0x1fa: {  	[sflag:s7] =	ssyncset.done $0x0  }
0x1fb: {  	s13 =	simm.s32 $0x3C00;
	[sflag:s7] =	ssyncadd.s32 $0xFFFFD800  }
0x1fc: {  	[spmem:s3] =	stream.indirect.scatter.add.f32 [tilespmem:s26], [sflag:$0x4], $0x80, s13, s2, $0xb8;
	[tilespmem:$0x1F800] =	vst v63  }
0x1fd: {  	_ =	swait.ge [sflag:s19], $0x2800  }
0x1fe: {  	[sflag:s19] =	ssyncset.done $0x0  }
0x1ff: {  	[sflag:s19] =	ssyncadd.s32 $0xFFFFD800  }
0x200: {  	_ =	swait.ge [sflag:s12], $0x2800  }
0x201: {  	[sflag:s12] =	ssyncset.done $0x0  }
0x202: {  	[sflag:s12] =	ssyncadd.s32 $0xFFFFD800  }
0x203: {  	_ =	swait.ge [sflag:s29], $0xC80  }
0x204: {  	[sflag:s29] =	ssyncset.done $0x0  }
0x205: {  	[sflag:s29] =	ssyncadd.s32 $0xFFFFF380  }
0x206: {  	_ =	swait.ge [sflag:s29], $0xC80  }
0x207: {  	[sflag:s29] =	ssyncset.done $0x0  }
0x208: {  	s13 =	rddreg [dreg:$0x11];
	[sflag:s29] =	ssyncadd.s32 $0xFFFFF380  }
0x209: {  	[tilespmem:s31], [sflag:$0x8] =	stream.linear.gather [hbm4b:s13+s4], $0xC80, $0x38;
	[tilespmem:$0x1F800] =	vst v63  }
0x20a: {  	s13 =	rddreg [dreg:$0x12]  }
0x20b: {  	[tilespmem:s6], [sflag:$0x8] =	stream.linear.gather [hbm4b:s13+s4], $0xC80, $0x38;
	[tilespmem:$0x1F800] =	vst v63  }
0x20c: {  	_ = 	snop  }
0x20d: {  	[tilespmem:s26], [sflag:$0x1] =	stream.indirect.gather [hbm4b:s1+s2], $0x80, s4, s2, $0xb8;
	[tilespmem:$0x1F800] =	vst v63  }
0x20e: {  	s13 =	simm.s32 $0x80  }
0x20f: {  	[tilespmem:s5], [sflag:$0x2] =	stream.indirect.gather [hbm4b:s1+s2], $0x80, s13, s2, $0xb8;
	[tilespmem:$0x1F800] =	vst v63  }
0x210: {  	_ =	swait.ge [sflag:s7], $0x2800  }
0x211: {  	[sflag:s7] =	ssyncset.done $0x0  }
0x212: {  	s8 =	simm.s32 $0x2000;
	[sflag:s7] =	ssyncadd.s32 $0xFFFFD800  }
0x213: {  	[spmem:s3] =	stream.indirect.scatter.add.f32 [tilespmem:s26], [sflag:$0x4], $0x80, s8, s2, $0xb8;
	[tilespmem:$0x1F800] =	vst v63  }
0x214: {  	s13 =	simm.s32 $0x100  }
0x215: {  	[tilespmem:s9], [sflag:$0x3] =	stream.indirect.gather [hbm4b:s1+s2], $0x80, s13, s2, $0xb8;
	[tilespmem:$0x1F800] =	vst v63  }
0x216: {  	_ =	swait.ge [sflag:s10], $0x2800  }
0x217: {  	[sflag:s10] =	ssyncset.done $0x0  }
0x218: {  	s13 =	simm.s32 $0x2080;
	[sflag:s10] =	ssyncadd.s32 $0xFFFFD800  }
0x219: {  	[spmem:s3] =	stream.indirect.scatter.add.f32 [tilespmem:s5], [sflag:$0x5], $0x80, s13, s2, $0xb8;
	[tilespmem:$0x1F800] =	vst v63  }
0x21a: {  	_ =	swait.ge [sflag:s12], $0x2800  }
0x21b: {  	[sflag:s12] =	ssyncset.done $0x0  }
0x21c: {  	s13 =	simm.s32 $0x180;
	[sflag:s12] =	ssyncadd.s32 $0xFFFFD800  }
0x21d: {  	[tilespmem:s26], [sflag:$0x1] =	stream.indirect.gather [hbm4b:s1+s2], $0x80, s13, s2, $0xb8;
	[tilespmem:$0x1F800] =	vst v63  }
0x21e: {  	_ =	swait.ge [sflag:s14], $0x2800  }
0x21f: {  	[sflag:s14] =	ssyncset.done $0x0  }
0x220: {  	s13 =	simm.s32 $0x2100;
	[sflag:s14] =	ssyncadd.s32 $0xFFFFD800  }
0x221: {  	[spmem:s3] =	stream.indirect.scatter.add.f32 [tilespmem:s9], [sflag:$0x6], $0x80, s13, s2, $0xb8;
	[tilespmem:$0x1F800] =	vst v63  }
0x222: {  	_ =	swait.ge [sflag:s16], $0x2800  }
0x223: {  	[sflag:s16] =	ssyncset.done $0x0  }
0x224: {  	s13 =	simm.s32 $0x200;
	[sflag:s16] =	ssyncadd.s32 $0xFFFFD800  }
0x225: {  	[tilespmem:s5], [sflag:$0x2] =	stream.indirect.gather [hbm4b:s1+s2], $0x80, s13, s2, $0xb8;
	[tilespmem:$0x1F800] =	vst v63  }
0x226: {  	_ =	swait.ge [sflag:s7], $0x2800  }
0x227: {  	[sflag:s7] =	ssyncset.done $0x0  }
0x228: {  	s13 =	simm.s32 $0x2180;
	[sflag:s7] =	ssyncadd.s32 $0xFFFFD800  }
0x229: {  	[spmem:s3] =	stream.indirect.scatter.add.f32 [tilespmem:s26], [sflag:$0x4], $0x80, s13, s2, $0xb8;
	[tilespmem:$0x1F800] =	vst v63  }
0x22a: {  	_ =	swait.ge [sflag:s19], $0x2800  }
0x22b: {  	[sflag:s19] =	ssyncset.done $0x0  }
0x22c: {  	s13 =	simm.s32 $0x280;
	[sflag:s19] =	ssyncadd.s32 $0xFFFFD800  }
0x22d: {  	[tilespmem:s9], [sflag:$0x3] =	stream.indirect.gather [hbm4b:s1+s2], $0x80, s13, s2, $0xb8;
	[tilespmem:$0x1F800] =	vst v63  }
0x22e: {  	_ =	swait.ge [sflag:s10], $0x2800  }
0x22f: {  	[sflag:s10] =	ssyncset.done $0x0  }
0x230: {  	s13 =	simm.s32 $0x2200;
	[sflag:s10] =	ssyncadd.s32 $0xFFFFD800  }
0x231: {  	[spmem:s3] =	stream.indirect.scatter.add.f32 [tilespmem:s5], [sflag:$0x5], $0x80, s13, s2, $0xb8;
	[tilespmem:$0x1F800] =	vst v63  }
0x232: {  	_ =	swait.ge [sflag:s12], $0x2800  }
0x233: {  	[sflag:s12] =	ssyncset.done $0x0  }
0x234: {  	s13 =	simm.s32 $0x300;
	[sflag:s12] =	ssyncadd.s32 $0xFFFFD800  }
0x235: {  	[tilespmem:s26], [sflag:$0x1] =	stream.indirect.gather [hbm4b:s1+s2], $0x80, s13, s2, $0xb8;
	[tilespmem:$0x1F800] =	vst v63  }
0x236: {  	_ =	swait.ge [sflag:s14], $0x2800  }
0x237: {  	[sflag:s14] =	ssyncset.done $0x0  }
0x238: {  	s13 =	simm.s32 $0x2280;
	[sflag:s14] =	ssyncadd.s32 $0xFFFFD800  }
0x239: {  	[spmem:s3] =	stream.indirect.scatter.add.f32 [tilespmem:s9], [sflag:$0x6], $0x80, s13, s2, $0xb8;
	[tilespmem:$0x1F800] =	vst v63  }
0x23a: {  	_ =	swait.ge [sflag:s16], $0x2800  }
0x23b: {  	[sflag:s16] =	ssyncset.done $0x0  }
0x23c: {  	s13 =	simm.s32 $0x380;
	[sflag:s16] =	ssyncadd.s32 $0xFFFFD800  }
0x23d: {  	[tilespmem:s5], [sflag:$0x2] =	stream.indirect.gather [hbm4b:s1+s2], $0x80, s13, s2, $0xb8;
	[tilespmem:$0x1F800] =	vst v63  }
0x23e: {  	_ =	swait.ge [sflag:s7], $0x2800  }
0x23f: {  	[sflag:s7] =	ssyncset.done $0x0  }
0x240: {  	s13 =	simm.s32 $0x2300;
	[sflag:s7] =	ssyncadd.s32 $0xFFFFD800  }
0x241: {  	[spmem:s3] =	stream.indirect.scatter.add.f32 [tilespmem:s26], [sflag:$0x4], $0x80, s13, s2, $0xb8;
	[tilespmem:$0x1F800] =	vst v63  }
0x242: {  	_ =	swait.ge [sflag:s19], $0x2800  }
0x243: {  	[sflag:s19] =	ssyncset.done $0x0  }
0x244: {  	s13 =	simm.s32 $0x400;
	[sflag:s19] =	ssyncadd.s32 $0xFFFFD800  }
0x245: {  	[tilespmem:s9], [sflag:$0x3] =	stream.indirect.gather [hbm4b:s1+s2], $0x80, s13, s2, $0xb8;
	[tilespmem:$0x1F800] =	vst v63  }
0x246: {  	_ =	swait.ge [sflag:s10], $0x2800  }
0x247: {  	[sflag:s10] =	ssyncset.done $0x0  }
0x248: {  	s13 =	simm.s32 $0x2380;
	[sflag:s10] =	ssyncadd.s32 $0xFFFFD800  }
0x249: {  	[spmem:s3] =	stream.indirect.scatter.add.f32 [tilespmem:s5], [sflag:$0x5], $0x80, s13, s2, $0xb8;
	[tilespmem:$0x1F800] =	vst v63  }
0x24a: {  	_ =	swait.ge [sflag:s12], $0x2800  }
0x24b: {  	[sflag:s12] =	ssyncset.done $0x0  }
0x24c: {  	s13 =	simm.s32 $0x480;
	[sflag:s12] =	ssyncadd.s32 $0xFFFFD800  }
0x24d: {  	[tilespmem:s26], [sflag:$0x1] =	stream.indirect.gather [hbm4b:s1+s2], $0x80, s13, s2, $0xb8;
	[tilespmem:$0x1F800] =	vst v63  }
0x24e: {  	_ =	swait.ge [sflag:s14], $0x2800  }
0x24f: {  	[sflag:s14] =	ssyncset.done $0x0  }
0x250: {  	s13 =	simm.s32 $0x2400;
	[sflag:s14] =	ssyncadd.s32 $0xFFFFD800  }
0x251: {  	[spmem:s3] =	stream.indirect.scatter.add.f32 [tilespmem:s9], [sflag:$0x6], $0x80, s13, s2, $0xb8;
	[tilespmem:$0x1F800] =	vst v63  }
0x252: {  	_ =	swait.ge [sflag:s16], $0x2800  }
0x253: {  	[sflag:s16] =	ssyncset.done $0x0  }
0x254: {  	s13 =	simm.s32 $0x500;
	[sflag:s16] =	ssyncadd.s32 $0xFFFFD800  }
0x255: {  	[tilespmem:s5], [sflag:$0x2] =	stream.indirect.gather [hbm4b:s1+s2], $0x80, s13, s2, $0xb8;
	[tilespmem:$0x1F800] =	vst v63  }
0x256: {  	_ =	swait.ge [sflag:s7], $0x2800  }
0x257: {  	[sflag:s7] =	ssyncset.done $0x0  }
0x258: {  	s13 =	simm.s32 $0x2480;
	[sflag:s7] =	ssyncadd.s32 $0xFFFFD800  }
0x259: {  	[spmem:s3] =	stream.indirect.scatter.add.f32 [tilespmem:s26], [sflag:$0x4], $0x80, s13, s2, $0xb8;
	[tilespmem:$0x1F800] =	vst v63  }
0x25a: {  	_ =	swait.ge [sflag:s19], $0x2800  }
0x25b: {  	[sflag:s19] =	ssyncset.done $0x0  }
0x25c: {  	s13 =	simm.s32 $0x580;
	[sflag:s19] =	ssyncadd.s32 $0xFFFFD800  }
0x25d: {  	[tilespmem:s9], [sflag:$0x3] =	stream.indirect.gather [hbm4b:s1+s2], $0x80, s13, s2, $0xb8;
	[tilespmem:$0x1F800] =	vst v63  }
0x25e: {  	_ =	swait.ge [sflag:s10], $0x2800  }
0x25f: {  	[sflag:s10] =	ssyncset.done $0x0  }
0x260: {  	s13 =	simm.s32 $0x2500;
	[sflag:s10] =	ssyncadd.s32 $0xFFFFD800  }
0x261: {  	[spmem:s3] =	stream.indirect.scatter.add.f32 [tilespmem:s5], [sflag:$0x5], $0x80, s13, s2, $0xb8;
	[tilespmem:$0x1F800] =	vst v63  }
0x262: {  	_ =	swait.ge [sflag:s12], $0x2800  }
0x263: {  	[sflag:s12] =	ssyncset.done $0x0  }
0x264: {  	s13 =	simm.s32 $0x600;
	[sflag:s12] =	ssyncadd.s32 $0xFFFFD800  }
0x265: {  	[tilespmem:s26], [sflag:$0x1] =	stream.indirect.gather [hbm4b:s1+s2], $0x80, s13, s2, $0xb8;
	[tilespmem:$0x1F800] =	vst v63  }
0x266: {  	_ =	swait.ge [sflag:s14], $0x2800  }
0x267: {  	[sflag:s14] =	ssyncset.done $0x0  }
0x268: {  	s13 =	simm.s32 $0x2580;
	[sflag:s14] =	ssyncadd.s32 $0xFFFFD800  }
0x269: {  	[spmem:s3] =	stream.indirect.scatter.add.f32 [tilespmem:s9], [sflag:$0x6], $0x80, s13, s2, $0xb8;
	[tilespmem:$0x1F800] =	vst v63  }
0x26a: {  	_ =	swait.ge [sflag:s16], $0x2800  }
0x26b: {  	[sflag:s16] =	ssyncset.done $0x0  }
0x26c: {  	s13 =	simm.s32 $0x680;
	[sflag:s16] =	ssyncadd.s32 $0xFFFFD800  }
0x26d: {  	[tilespmem:s5], [sflag:$0x2] =	stream.indirect.gather [hbm4b:s1+s2], $0x80, s13, s2, $0xb8;
	[tilespmem:$0x1F800] =	vst v63  }
0x26e: {  	_ =	swait.ge [sflag:s7], $0x2800  }
0x26f: {  	[sflag:s7] =	ssyncset.done $0x0  }
0x270: {  	s13 =	simm.s32 $0x2600;
	[sflag:s7] =	ssyncadd.s32 $0xFFFFD800  }
0x271: {  	[spmem:s3] =	stream.indirect.scatter.add.f32 [tilespmem:s26], [sflag:$0x4], $0x80, s13, s2, $0xb8;
	[tilespmem:$0x1F800] =	vst v63  }
0x272: {  	_ =	swait.ge [sflag:s19], $0x2800  }
0x273: {  	[sflag:s19] =	ssyncset.done $0x0  }
0x274: {  	s13 =	simm.s32 $0x700;
	[sflag:s19] =	ssyncadd.s32 $0xFFFFD800  }
0x275: {  	[tilespmem:s9], [sflag:$0x3] =	stream.indirect.gather [hbm4b:s1+s2], $0x80, s13, s2, $0xb8;
	[tilespmem:$0x1F800] =	vst v63  }
0x276: {  	_ =	swait.ge [sflag:s10], $0x2800  }
0x277: {  	[sflag:s10] =	ssyncset.done $0x0  }
0x278: {  	s13 =	simm.s32 $0x2680;
	[sflag:s10] =	ssyncadd.s32 $0xFFFFD800  }
0x279: {  	[spmem:s3] =	stream.indirect.scatter.add.f32 [tilespmem:s5], [sflag:$0x5], $0x80, s13, s2, $0xb8;
	[tilespmem:$0x1F800] =	vst v63  }
0x27a: {  	_ =	swait.ge [sflag:s12], $0x2800  }
0x27b: {  	[sflag:s12] =	ssyncset.done $0x0  }
0x27c: {  	s13 =	simm.s32 $0x780;
	[sflag:s12] =	ssyncadd.s32 $0xFFFFD800  }
0x27d: {  	[tilespmem:s26], [sflag:$0x1] =	stream.indirect.gather [hbm4b:s1+s2], $0x80, s13, s2, $0xb8;
	[tilespmem:$0x1F800] =	vst v63  }
0x27e: {  	_ =	swait.ge [sflag:s14], $0x2800  }
0x27f: {  	[sflag:s14] =	ssyncset.done $0x0  }
0x280: {  	s13 =	simm.s32 $0x2700;
	[sflag:s14] =	ssyncadd.s32 $0xFFFFD800  }
0x281: {  	[spmem:s3] =	stream.indirect.scatter.add.f32 [tilespmem:s9], [sflag:$0x6], $0x80, s13, s2, $0xb8;
	[tilespmem:$0x1F800] =	vst v63  }
0x282: {  	_ =	swait.ge [sflag:s16], $0x2800  }
0x283: {  	[sflag:s16] =	ssyncset.done $0x0  }
0x284: {  	s13 =	simm.s32 $0x800;
	[sflag:s16] =	ssyncadd.s32 $0xFFFFD800  }
0x285: {  	[tilespmem:s5], [sflag:$0x2] =	stream.indirect.gather [hbm4b:s1+s2], $0x80, s13, s2, $0xb8;
	[tilespmem:$0x1F800] =	vst v63  }
0x286: {  	_ =	swait.ge [sflag:s7], $0x2800  }
0x287: {  	[sflag:s7] =	ssyncset.done $0x0  }
0x288: {  	s13 =	simm.s32 $0x2780;
	[sflag:s7] =	ssyncadd.s32 $0xFFFFD800  }
0x289: {  	[spmem:s3] =	stream.indirect.scatter.add.f32 [tilespmem:s26], [sflag:$0x4], $0x80, s13, s2, $0xb8;
	[tilespmem:$0x1F800] =	vst v63  }
0x28a: {  	_ =	swait.ge [sflag:s19], $0x2800  }
0x28b: {  	[sflag:s19] =	ssyncset.done $0x0  }
0x28c: {  	s13 =	simm.s32 $0x880;
	[sflag:s19] =	ssyncadd.s32 $0xFFFFD800  }
0x28d: {  	[tilespmem:s9], [sflag:$0x3] =	stream.indirect.gather [hbm4b:s1+s2], $0x80, s13, s2, $0xb8;
	[tilespmem:$0x1F800] =	vst v63  }
0x28e: {  	_ =	swait.ge [sflag:s10], $0x2800  }
0x28f: {  	[sflag:s10] =	ssyncset.done $0x0  }
0x290: {  	s13 =	simm.s32 $0x2800;
	[sflag:s10] =	ssyncadd.s32 $0xFFFFD800  }
0x291: {  	[spmem:s3] =	stream.indirect.scatter.add.f32 [tilespmem:s5], [sflag:$0x5], $0x80, s13, s2, $0xb8;
	[tilespmem:$0x1F800] =	vst v63  }
0x292: {  	_ =	swait.ge [sflag:s12], $0x2800  }
0x293: {  	[sflag:s12] =	ssyncset.done $0x0  }
0x294: {  	s13 =	simm.s32 $0x900;
	[sflag:s12] =	ssyncadd.s32 $0xFFFFD800  }
0x295: {  	[tilespmem:s26], [sflag:$0x1] =	stream.indirect.gather [hbm4b:s1+s2], $0x80, s13, s2, $0xb8;
	[tilespmem:$0x1F800] =	vst v63  }
0x296: {  	_ =	swait.ge [sflag:s14], $0x2800  }
0x297: {  	[sflag:s14] =	ssyncset.done $0x0  }
0x298: {  	s13 =	simm.s32 $0x2880;
	[sflag:s14] =	ssyncadd.s32 $0xFFFFD800  }
0x299: {  	[spmem:s3] =	stream.indirect.scatter.add.f32 [tilespmem:s9], [sflag:$0x6], $0x80, s13, s2, $0xb8;
	[tilespmem:$0x1F800] =	vst v63  }
0x29a: {  	_ =	swait.ge [sflag:s16], $0x2800  }
0x29b: {  	[sflag:s16] =	ssyncset.done $0x0  }
0x29c: {  	s13 =	simm.s32 $0x980;
	[sflag:s16] =	ssyncadd.s32 $0xFFFFD800  }
0x29d: {  	[tilespmem:s5], [sflag:$0x2] =	stream.indirect.gather [hbm4b:s1+s2], $0x80, s13, s2, $0xb8;
	[tilespmem:$0x1F800] =	vst v63  }
0x29e: {  	_ =	swait.ge [sflag:s7], $0x2800  }
0x29f: {  	[sflag:s7] =	ssyncset.done $0x0  }
0x2a0: {  	s13 =	simm.s32 $0x2900;
	[sflag:s7] =	ssyncadd.s32 $0xFFFFD800  }
0x2a1: {  	[spmem:s3] =	stream.indirect.scatter.add.f32 [tilespmem:s26], [sflag:$0x4], $0x80, s13, s2, $0xb8;
	[tilespmem:$0x1F800] =	vst v63  }
0x2a2: {  	_ =	swait.ge [sflag:s19], $0x2800  }
0x2a3: {  	[sflag:s19] =	ssyncset.done $0x0  }
0x2a4: {  	s13 =	simm.s32 $0xA00;
	[sflag:s19] =	ssyncadd.s32 $0xFFFFD800  }
0x2a5: {  	[tilespmem:s9], [sflag:$0x3] =	stream.indirect.gather [hbm4b:s1+s2], $0x80, s13, s2, $0xb8;
	[tilespmem:$0x1F800] =	vst v63  }
0x2a6: {  	_ =	swait.ge [sflag:s10], $0x2800  }
0x2a7: {  	[sflag:s10] =	ssyncset.done $0x0  }
0x2a8: {  	s13 =	simm.s32 $0x2980;
	[sflag:s10] =	ssyncadd.s32 $0xFFFFD800  }
0x2a9: {  	[spmem:s3] =	stream.indirect.scatter.add.f32 [tilespmem:s5], [sflag:$0x5], $0x80, s13, s2, $0xb8;
	[tilespmem:$0x1F800] =	vst v63  }
0x2aa: {  	_ =	swait.ge [sflag:s12], $0x2800  }
0x2ab: {  	[sflag:s12] =	ssyncset.done $0x0  }
0x2ac: {  	s13 =	simm.s32 $0xA80;
	[sflag:s12] =	ssyncadd.s32 $0xFFFFD800  }
0x2ad: {  	[tilespmem:s26], [sflag:$0x1] =	stream.indirect.gather [hbm4b:s1+s2], $0x80, s13, s2, $0xb8;
	[tilespmem:$0x1F800] =	vst v63  }
0x2ae: {  	_ =	swait.ge [sflag:s14], $0x2800  }
0x2af: {  	[sflag:s14] =	ssyncset.done $0x0  }
0x2b0: {  	s13 =	simm.s32 $0x2A00;
	[sflag:s14] =	ssyncadd.s32 $0xFFFFD800  }
0x2b1: {  	[spmem:s3] =	stream.indirect.scatter.add.f32 [tilespmem:s9], [sflag:$0x6], $0x80, s13, s2, $0xb8;
	[tilespmem:$0x1F800] =	vst v63  }
0x2b2: {  	_ =	swait.ge [sflag:s16], $0x2800  }
0x2b3: {  	[sflag:s16] =	ssyncset.done $0x0  }
0x2b4: {  	s13 =	simm.s32 $0xB00;
	[sflag:s16] =	ssyncadd.s32 $0xFFFFD800  }
0x2b5: {  	[tilespmem:s5], [sflag:$0x2] =	stream.indirect.gather [hbm4b:s1+s2], $0x80, s13, s2, $0xb8;
	[tilespmem:$0x1F800] =	vst v63  }
0x2b6: {  	_ =	swait.ge [sflag:s7], $0x2800  }
0x2b7: {  	[sflag:s7] =	ssyncset.done $0x0  }
0x2b8: {  	s13 =	simm.s32 $0x2A80;
	[sflag:s7] =	ssyncadd.s32 $0xFFFFD800  }
0x2b9: {  	[spmem:s3] =	stream.indirect.scatter.add.f32 [tilespmem:s26], [sflag:$0x4], $0x80, s13, s2, $0xb8;
	[tilespmem:$0x1F800] =	vst v63  }
0x2ba: {  	_ =	swait.ge [sflag:s19], $0x2800  }
0x2bb: {  	[sflag:s19] =	ssyncset.done $0x0  }
0x2bc: {  	s13 =	simm.s32 $0xB80;
	[sflag:s19] =	ssyncadd.s32 $0xFFFFD800  }
0x2bd: {  	[tilespmem:s9], [sflag:$0x3] =	stream.indirect.gather [hbm4b:s1+s2], $0x80, s13, s2, $0xb8;
	[tilespmem:$0x1F800] =	vst v63  }
0x2be: {  	_ =	swait.ge [sflag:s10], $0x2800  }
0x2bf: {  	[sflag:s10] =	ssyncset.done $0x0  }
0x2c0: {  	s13 =	simm.s32 $0x2B00;
	[sflag:s10] =	ssyncadd.s32 $0xFFFFD800  }
0x2c1: {  	[spmem:s3] =	stream.indirect.scatter.add.f32 [tilespmem:s5], [sflag:$0x5], $0x80, s13, s2, $0xb8;
	[tilespmem:$0x1F800] =	vst v63  }
0x2c2: {  	_ =	swait.ge [sflag:s12], $0x2800  }
0x2c3: {  	[sflag:s12] =	ssyncset.done $0x0  }
0x2c4: {  	s13 =	simm.s32 $0xC00;
	[sflag:s12] =	ssyncadd.s32 $0xFFFFD800  }
0x2c5: {  	[tilespmem:s26], [sflag:$0x1] =	stream.indirect.gather [hbm4b:s1+s2], $0x80, s13, s2, $0xb8;
	[tilespmem:$0x1F800] =	vst v63  }
0x2c6: {  	_ =	swait.ge [sflag:s14], $0x2800  }
0x2c7: {  	[sflag:s14] =	ssyncset.done $0x0  }
0x2c8: {  	s13 =	simm.s32 $0x2B80;
	[sflag:s14] =	ssyncadd.s32 $0xFFFFD800  }
0x2c9: {  	[spmem:s3] =	stream.indirect.scatter.add.f32 [tilespmem:s9], [sflag:$0x6], $0x80, s13, s2, $0xb8;
	[tilespmem:$0x1F800] =	vst v63  }
0x2ca: {  	_ =	swait.ge [sflag:s16], $0x2800  }
0x2cb: {  	[sflag:s16] =	ssyncset.done $0x0  }
0x2cc: {  	[sflag:s16] =	ssyncadd.s32 $0xFFFFD800  }
0x2cd: {  	_ =	swait.ge [sflag:s7], $0x2800  }
0x2ce: {  	[sflag:s7] =	ssyncset.done $0x0  }
0x2cf: {  	s13 =	simm.s32 $0x2C00;
	[sflag:s7] =	ssyncadd.s32 $0xFFFFD800  }
0x2d0: {  	[spmem:s3] =	stream.indirect.scatter.add.f32 [tilespmem:s26], [sflag:$0x4], $0x80, s13, s2, $0xb8;
	[tilespmem:$0x1F800] =	vst v63  }
0x2d1: {  	_ =	swait.ge [sflag:s19], $0x2800  }
0x2d2: {  	[sflag:s19] =	ssyncset.done $0x0  }
0x2d3: {  	[sflag:s19] =	ssyncadd.s32 $0xFFFFD800  }
0x2d4: {  	_ =	swait.ge [sflag:s12], $0x2800  }
0x2d5: {  	[sflag:s12] =	ssyncset.done $0x0  }
0x2d6: {  	[sflag:s12] =	ssyncadd.s32 $0xFFFFD800  }
0x2d7: {  	_ =	swait.ge [sflag:s0], $0xC80  }
0x2d8: {  	[sflag:s0] =	ssyncset.done $0x0  }
0x2d9: {  	[sflag:s0] =	ssyncadd.s32 $0xFFFFF380  }
0x2da: {  	_ =	swait.ge [sflag:s0], $0xC80  }
0x2db: {  	[sflag:s0] =	ssyncset.done $0x0  }
0x2dc: {  	s13 =	rddreg [dreg:$0x13];
	[sflag:s0] =	ssyncadd.s32 $0xFFFFF380  }
0x2dd: {  	[tilespmem:s4], [sflag:$0x7] =	stream.linear.gather [hbm4b:s13+s4], $0xC80, $0x38;
	[tilespmem:$0x1F800] =	vst v63  }
0x2de: {  	s13 =	rddreg [dreg:$0x14]  }
0x2df: {  	[tilespmem:s8], [sflag:$0x7] =	stream.linear.gather [hbm4b:s13+s4], $0xC80, $0x38;
	[tilespmem:$0x1F800] =	vst v63  }
0x2e0: {  	_ = 	snop  }
0x2e1: {  	[tilespmem:s26], [sflag:$0x1] =	stream.indirect.gather [hbm4b:s1+s2], $0x80, s31, s2, $0xb8;
	[tilespmem:$0x1F800] =	vst v63  }
0x2e2: {  	_ = 	snop  }
0x2e3: {  	[tilespmem:s5], [sflag:$0x2] =	stream.indirect.gather [hbm4b:s1+s2], $0x80, s25, s2, $0xb8;
	[tilespmem:$0x1F800] =	vst v63  }
0x2e4: {  	_ =	swait.ge [sflag:s7], $0x2800  }
0x2e5: {  	[sflag:s7] =	ssyncset.done $0x0  }
0x2e6: {  	[sflag:s7] =	ssyncadd.s32 $0xFFFFD800  }
0x2e7: {  	[spmem:s3] =	stream.indirect.scatter.add.f32 [tilespmem:s26], [sflag:$0x4], $0x80, s6, s2, $0xb8;
	[tilespmem:$0x1F800] =	vst v63  }
0x2e8: {  	_ = 	snop  }
0x2e9: {  	[tilespmem:s9], [sflag:$0x3] =	stream.indirect.gather [hbm4b:s1+s2], $0x80, s18, s2, $0xb8;
	[tilespmem:$0x1F800] =	vst v63  }
0x2ea: {  	_ =	swait.ge [sflag:s10], $0x2800  }
0x2eb: {  	[sflag:s10] =	ssyncset.done $0x0  }
0x2ec: {  	[sflag:s10] =	ssyncadd.s32 $0xFFFFD800  }
0x2ed: {  	[spmem:s3] =	stream.indirect.scatter.add.f32 [tilespmem:s5], [sflag:$0x5], $0x80, s20, s2, $0xb8;
	[tilespmem:$0x1F800] =	vst v63  }
0x2ee: {  	_ =	swait.ge [sflag:s12], $0x2800  }
0x2ef: {  	[sflag:s12] =	ssyncset.done $0x0  }
0x2f0: {  	[sflag:s12] =	ssyncadd.s32 $0xFFFFD800  }
0x2f1: {  	[tilespmem:s26], [sflag:$0x1] =	stream.indirect.gather [hbm4b:s1+s2], $0x80, s21, s2, $0xb8;
	[tilespmem:$0x1F800] =	vst v63  }
0x2f2: {  	_ =	swait.ge [sflag:s14], $0x2800  }
0x2f3: {  	[sflag:s14] =	ssyncset.done $0x0  }
0x2f4: {  	[sflag:s14] =	ssyncadd.s32 $0xFFFFD800  }
0x2f5: {  	[spmem:s3] =	stream.indirect.scatter.add.f32 [tilespmem:s9], [sflag:$0x6], $0x80, s22, s2, $0xb8;
	[tilespmem:$0x1F800] =	vst v63  }
0x2f6: {  	_ =	swait.ge [sflag:s16], $0x2800  }
0x2f7: {  	[sflag:s16] =	ssyncset.done $0x0  }
0x2f8: {  	[sflag:s16] =	ssyncadd.s32 $0xFFFFD800  }
0x2f9: {  	[tilespmem:s5], [sflag:$0x2] =	stream.indirect.gather [hbm4b:s1+s2], $0x80, s23, s2, $0xb8;
	[tilespmem:$0x1F800] =	vst v63  }
0x2fa: {  	_ =	swait.ge [sflag:s7], $0x2800  }
0x2fb: {  	[sflag:s7] =	ssyncset.done $0x0  }
0x2fc: {  	[sflag:s7] =	ssyncadd.s32 $0xFFFFD800  }
0x2fd: {  	[spmem:s3] =	stream.indirect.scatter.add.f32 [tilespmem:s26], [sflag:$0x4], $0x80, s24, s2, $0xb8;
	[tilespmem:$0x1F800] =	vst v63  }
0x2fe: {  	_ =	swait.ge [sflag:s19], $0x2800  }
0x2ff: {  	[sflag:s19] =	ssyncset.done $0x0  }
0x300: {  	[sflag:s19] =	ssyncadd.s32 $0xFFFFD800  }
0x301: {  	[tilespmem:s9], [sflag:$0x3] =	stream.indirect.gather [hbm4b:s1+s2], $0x80, s30, s2, $0xb8;
	[tilespmem:$0x1F800] =	vst v63  }
0x302: {  	_ =	swait.ge [sflag:s10], $0x2800  }
0x303: {  	[sflag:s10] =	ssyncset.done $0x0  }
0x304: {  	[sflag:s10] =	ssyncadd.s32 $0xFFFFD800  }
0x305: {  	[spmem:s3] =	stream.indirect.scatter.add.f32 [tilespmem:s5], [sflag:$0x5], $0x80, s15, s2, $0xb8;
	[tilespmem:$0x1F800] =	vst v63  }
0x306: {  	_ =	swait.ge [sflag:s12], $0x2800  }
0x307: {  	[sflag:s12] =	ssyncset.done $0x0  }
0x308: {  	[sflag:s12] =	ssyncadd.s32 $0xFFFFD800  }
0x309: {  	[tilespmem:s26], [sflag:$0x1] =	stream.indirect.gather [hbm4b:s1+s2], $0x80, s17, s2, $0xb8;
	[tilespmem:$0x1F800] =	vst v63  }
0x30a: {  	_ =	swait.ge [sflag:s14], $0x2800  }
0x30b: {  	[sflag:s14] =	ssyncset.done $0x0  }
0x30c: {  	s8 =	simm.s32 $0x3280;
	[sflag:s14] =	ssyncadd.s32 $0xFFFFD800  }
0x30d: {  	[spmem:s3] =	stream.indirect.scatter.add.f32 [tilespmem:s9], [sflag:$0x6], $0x80, s8, s2, $0xb8;
	[tilespmem:$0x1F800] =	vst v63  }
0x30e: {  	_ =	swait.ge [sflag:s16], $0x2800  }
0x30f: {  	[sflag:s16] =	ssyncset.done $0x0  }
0x310: {  	s13 =	simm.s32 $0x1380;
	[sflag:s16] =	ssyncadd.s32 $0xFFFFD800  }
0x311: {  	[tilespmem:s5], [sflag:$0x2] =	stream.indirect.gather [hbm4b:s1+s2], $0x80, s13, s2, $0xb8;
	[tilespmem:$0x1F800] =	vst v63  }
0x312: {  	_ =	swait.ge [sflag:s7], $0x2800  }
0x313: {  	[sflag:s7] =	ssyncset.done $0x0  }
0x314: {  	s15 =	simm.s32 $0x3300;
	[sflag:s7] =	ssyncadd.s32 $0xFFFFD800  }
0x315: {  	[spmem:s3] =	stream.indirect.scatter.add.f32 [tilespmem:s26], [sflag:$0x4], $0x80, s15, s2, $0xb8;
	[tilespmem:$0x1F800] =	vst v63  }
0x316: {  	_ =	swait.ge [sflag:s19], $0x2800  }
0x317: {  	[sflag:s19] =	ssyncset.done $0x0  }
0x318: {  	s17 =	simm.s32 $0x1400;
	[sflag:s19] =	ssyncadd.s32 $0xFFFFD800  }
0x319: {  	[tilespmem:s9], [sflag:$0x3] =	stream.indirect.gather [hbm4b:s1+s2], $0x80, s17, s2, $0xb8;
	[tilespmem:$0x1F800] =	vst v63  }
0x31a: {  	_ =	swait.ge [sflag:s10], $0x2800  }
0x31b: {  	[sflag:s10] =	ssyncset.done $0x0  }
0x31c: {  	s8 =	simm.s32 $0x3380;
	[sflag:s10] =	ssyncadd.s32 $0xFFFFD800  }
0x31d: {  	[spmem:s3] =	stream.indirect.scatter.add.f32 [tilespmem:s5], [sflag:$0x5], $0x80, s8, s2, $0xb8;
	[tilespmem:$0x1F800] =	vst v63  }
0x31e: {  	_ =	swait.ge [sflag:s12], $0x2800  }
0x31f: {  	[sflag:s12] =	ssyncset.done $0x0  }
0x320: {  	s13 =	simm.s32 $0x1480;
	[sflag:s12] =	ssyncadd.s32 $0xFFFFD800  }
0x321: {  	[tilespmem:s26], [sflag:$0x1] =	stream.indirect.gather [hbm4b:s1+s2], $0x80, s13, s2, $0xb8;
	[tilespmem:$0x1F800] =	vst v63  }
0x322: {  	_ =	swait.ge [sflag:s14], $0x2800  }
0x323: {  	[sflag:s14] =	ssyncset.done $0x0  }
0x324: {  	s15 =	simm.s32 $0x3400;
	[sflag:s14] =	ssyncadd.s32 $0xFFFFD800  }
0x325: {  	[spmem:s3] =	stream.indirect.scatter.add.f32 [tilespmem:s9], [sflag:$0x6], $0x80, s15, s2, $0xb8;
	[tilespmem:$0x1F800] =	vst v63  }
0x326: {  	_ =	swait.ge [sflag:s16], $0x2800  }
0x327: {  	[sflag:s16] =	ssyncset.done $0x0  }
0x328: {  	s17 =	simm.s32 $0x1500;
	[sflag:s16] =	ssyncadd.s32 $0xFFFFD800  }
0x329: {  	[tilespmem:s5], [sflag:$0x2] =	stream.indirect.gather [hbm4b:s1+s2], $0x80, s17, s2, $0xb8;
	[tilespmem:$0x1F800] =	vst v63  }
0x32a: {  	_ =	swait.ge [sflag:s7], $0x2800  }
0x32b: {  	[sflag:s7] =	ssyncset.done $0x0  }
0x32c: {  	s8 =	simm.s32 $0x3480;
	[sflag:s7] =	ssyncadd.s32 $0xFFFFD800  }
0x32d: {  	[spmem:s3] =	stream.indirect.scatter.add.f32 [tilespmem:s26], [sflag:$0x4], $0x80, s8, s2, $0xb8;
	[tilespmem:$0x1F800] =	vst v63  }
0x32e: {  	_ =	swait.ge [sflag:s19], $0x2800  }
0x32f: {  	[sflag:s19] =	ssyncset.done $0x0  }
0x330: {  	s13 =	simm.s32 $0x1580;
	[sflag:s19] =	ssyncadd.s32 $0xFFFFD800  }
0x331: {  	[tilespmem:s9], [sflag:$0x3] =	stream.indirect.gather [hbm4b:s1+s2], $0x80, s13, s2, $0xb8;
	[tilespmem:$0x1F800] =	vst v63  }
0x332: {  	_ =	swait.ge [sflag:s10], $0x2800  }
0x333: {  	[sflag:s10] =	ssyncset.done $0x0  }
0x334: {  	s15 =	simm.s32 $0x3500;
	[sflag:s10] =	ssyncadd.s32 $0xFFFFD800  }
0x335: {  	[spmem:s3] =	stream.indirect.scatter.add.f32 [tilespmem:s5], [sflag:$0x5], $0x80, s15, s2, $0xb8;
	[tilespmem:$0x1F800] =	vst v63  }
0x336: {  	_ =	swait.ge [sflag:s12], $0x2800  }
0x337: {  	[sflag:s12] =	ssyncset.done $0x0  }
0x338: {  	s17 =	simm.s32 $0x1600;
	[sflag:s12] =	ssyncadd.s32 $0xFFFFD800  }
0x339: {  	[tilespmem:s26], [sflag:$0x1] =	stream.indirect.gather [hbm4b:s1+s2], $0x80, s17, s2, $0xb8;
	[tilespmem:$0x1F800] =	vst v63  }
0x33a: {  	_ =	swait.ge [sflag:s14], $0x2800  }
0x33b: {  	[sflag:s14] =	ssyncset.done $0x0  }
0x33c: {  	s8 =	simm.s32 $0x3580;
	[sflag:s14] =	ssyncadd.s32 $0xFFFFD800  }
0x33d: {  	[spmem:s3] =	stream.indirect.scatter.add.f32 [tilespmem:s9], [sflag:$0x6], $0x80, s8, s2, $0xb8;
	[tilespmem:$0x1F800] =	vst v63  }
0x33e: {  	_ =	swait.ge [sflag:s16], $0x2800  }
0x33f: {  	[sflag:s16] =	ssyncset.done $0x0  }
0x340: {  	s13 =	simm.s32 $0x1680;
	[sflag:s16] =	ssyncadd.s32 $0xFFFFD800  }
0x341: {  	[tilespmem:s5], [sflag:$0x2] =	stream.indirect.gather [hbm4b:s1+s2], $0x80, s13, s2, $0xb8;
	[tilespmem:$0x1F800] =	vst v63  }
0x342: {  	_ =	swait.ge [sflag:s7], $0x2800  }
0x343: {  	[sflag:s7] =	ssyncset.done $0x0  }
0x344: {  	s15 =	simm.s32 $0x3600;
	[sflag:s7] =	ssyncadd.s32 $0xFFFFD800  }
0x345: {  	[spmem:s3] =	stream.indirect.scatter.add.f32 [tilespmem:s26], [sflag:$0x4], $0x80, s15, s2, $0xb8;
	[tilespmem:$0x1F800] =	vst v63  }
0x346: {  	_ =	swait.ge [sflag:s19], $0x2800  }
0x347: {  	[sflag:s19] =	ssyncset.done $0x0  }
0x348: {  	s17 =	simm.s32 $0x1700;
	[sflag:s19] =	ssyncadd.s32 $0xFFFFD800  }
0x349: {  	[tilespmem:s9], [sflag:$0x3] =	stream.indirect.gather [hbm4b:s1+s2], $0x80, s17, s2, $0xb8;
	[tilespmem:$0x1F800] =	vst v63  }
0x34a: {  	_ =	swait.ge [sflag:s10], $0x2800  }
0x34b: {  	[sflag:s10] =	ssyncset.done $0x0  }
0x34c: {  	s8 =	simm.s32 $0x3680;
	[sflag:s10] =	ssyncadd.s32 $0xFFFFD800  }
0x34d: {  	[spmem:s3] =	stream.indirect.scatter.add.f32 [tilespmem:s5], [sflag:$0x5], $0x80, s8, s2, $0xb8;
	[tilespmem:$0x1F800] =	vst v63  }
0x34e: {  	_ =	swait.ge [sflag:s12], $0x2800  }
0x34f: {  	[sflag:s12] =	ssyncset.done $0x0  }
0x350: {  	s13 =	simm.s32 $0x1780;
	[sflag:s12] =	ssyncadd.s32 $0xFFFFD800  }
0x351: {  	[tilespmem:s26], [sflag:$0x1] =	stream.indirect.gather [hbm4b:s1+s2], $0x80, s13, s2, $0xb8;
	[tilespmem:$0x1F800] =	vst v63  }
0x352: {  	_ =	swait.ge [sflag:s14], $0x2800  }
0x353: {  	[sflag:s14] =	ssyncset.done $0x0  }
0x354: {  	s15 =	simm.s32 $0x3700;
	[sflag:s14] =	ssyncadd.s32 $0xFFFFD800  }
0x355: {  	[spmem:s3] =	stream.indirect.scatter.add.f32 [tilespmem:s9], [sflag:$0x6], $0x80, s15, s2, $0xb8;
	[tilespmem:$0x1F800] =	vst v63  }
0x356: {  	_ =	swait.ge [sflag:s16], $0x2800  }
0x357: {  	[sflag:s16] =	ssyncset.done $0x0  }
0x358: {  	s17 =	simm.s32 $0x1800;
	[sflag:s16] =	ssyncadd.s32 $0xFFFFD800  }
0x359: {  	[tilespmem:s5], [sflag:$0x2] =	stream.indirect.gather [hbm4b:s1+s2], $0x80, s17, s2, $0xb8;
	[tilespmem:$0x1F800] =	vst v63  }
0x35a: {  	_ =	swait.ge [sflag:s7], $0x2800  }
0x35b: {  	[sflag:s7] =	ssyncset.done $0x0  }
0x35c: {  	s8 =	simm.s32 $0x3780;
	[sflag:s7] =	ssyncadd.s32 $0xFFFFD800  }
0x35d: {  	[spmem:s3] =	stream.indirect.scatter.add.f32 [tilespmem:s26], [sflag:$0x4], $0x80, s8, s2, $0xb8;
	[tilespmem:$0x1F800] =	vst v63  }
0x35e: {  	_ =	swait.ge [sflag:s19], $0x2800  }
0x35f: {  	[sflag:s19] =	ssyncset.done $0x0  }
0x360: {  	s13 =	simm.s32 $0x1880;
	[sflag:s19] =	ssyncadd.s32 $0xFFFFD800  }
0x361: {  	[tilespmem:s9], [sflag:$0x3] =	stream.indirect.gather [hbm4b:s1+s2], $0x80, s13, s2, $0xb8;
	[tilespmem:$0x1F800] =	vst v63  }
0x362: {  	_ =	swait.ge [sflag:s10], $0x2800  }
0x363: {  	[sflag:s10] =	ssyncset.done $0x0  }
0x364: {  	s15 =	simm.s32 $0x3800;
	[sflag:s10] =	ssyncadd.s32 $0xFFFFD800  }
0x365: {  	[spmem:s3] =	stream.indirect.scatter.add.f32 [tilespmem:s5], [sflag:$0x5], $0x80, s15, s2, $0xb8;
	[tilespmem:$0x1F800] =	vst v63  }
0x366: {  	_ =	swait.ge [sflag:s12], $0x2800  }
0x367: {  	[sflag:s12] =	ssyncset.done $0x0  }
0x368: {  	s17 =	simm.s32 $0x1900;
	[sflag:s12] =	ssyncadd.s32 $0xFFFFD800  }
0x369: {  	[tilespmem:s26], [sflag:$0x1] =	stream.indirect.gather [hbm4b:s1+s2], $0x80, s17, s2, $0xb8;
	[tilespmem:$0x1F800] =	vst v63  }
0x36a: {  	_ =	swait.ge [sflag:s14], $0x2800  }
0x36b: {  	[sflag:s14] =	ssyncset.done $0x0  }
0x36c: {  	s8 =	simm.s32 $0x3880;
	[sflag:s14] =	ssyncadd.s32 $0xFFFFD800  }
0x36d: {  	[spmem:s3] =	stream.indirect.scatter.add.f32 [tilespmem:s9], [sflag:$0x6], $0x80, s8, s2, $0xb8;
	[tilespmem:$0x1F800] =	vst v63  }
0x36e: {  	_ =	swait.ge [sflag:s16], $0x2800  }
0x36f: {  	[sflag:s16] =	ssyncset.done $0x0  }
0x370: {  	s13 =	simm.s32 $0x1980;
	[sflag:s16] =	ssyncadd.s32 $0xFFFFD800  }
0x371: {  	[tilespmem:s5], [sflag:$0x2] =	stream.indirect.gather [hbm4b:s1+s2], $0x80, s13, s2, $0xb8;
	[tilespmem:$0x1F800] =	vst v63  }
0x372: {  	_ =	swait.ge [sflag:s7], $0x2800  }
0x373: {  	[sflag:s7] =	ssyncset.done $0x0  }
0x374: {  	s15 =	simm.s32 $0x3900;
	[sflag:s7] =	ssyncadd.s32 $0xFFFFD800  }
0x375: {  	[spmem:s3] =	stream.indirect.scatter.add.f32 [tilespmem:s26], [sflag:$0x4], $0x80, s15, s2, $0xb8;
	[tilespmem:$0x1F800] =	vst v63  }
0x376: {  	_ =	swait.ge [sflag:s19], $0x2800  }
0x377: {  	[sflag:s19] =	ssyncset.done $0x0  }
0x378: {  	s17 =	simm.s32 $0x1A00;
	[sflag:s19] =	ssyncadd.s32 $0xFFFFD800  }
0x379: {  	[tilespmem:s9], [sflag:$0x3] =	stream.indirect.gather [hbm4b:s1+s2], $0x80, s17, s2, $0xb8;
	[tilespmem:$0x1F800] =	vst v63  }
0x37a: {  	_ =	swait.ge [sflag:s10], $0x2800  }
0x37b: {  	[sflag:s10] =	ssyncset.done $0x0  }
0x37c: {  	s8 =	simm.s32 $0x3980;
	[sflag:s10] =	ssyncadd.s32 $0xFFFFD800  }
0x37d: {  	[spmem:s3] =	stream.indirect.scatter.add.f32 [tilespmem:s5], [sflag:$0x5], $0x80, s8, s2, $0xb8;
	[tilespmem:$0x1F800] =	vst v63  }
0x37e: {  	_ =	swait.ge [sflag:s12], $0x2800  }
0x37f: {  	[sflag:s12] =	ssyncset.done $0x0  }
0x380: {  	s13 =	simm.s32 $0x1A80;
	[sflag:s12] =	ssyncadd.s32 $0xFFFFD800  }
0x381: {  	[tilespmem:s26], [sflag:$0x1] =	stream.indirect.gather [hbm4b:s1+s2], $0x80, s13, s2, $0xb8;
	[tilespmem:$0x1F800] =	vst v63  }
0x382: {  	_ =	swait.ge [sflag:s14], $0x2800  }
0x383: {  	[sflag:s14] =	ssyncset.done $0x0  }
0x384: {  	s15 =	simm.s32 $0x3A00;
	[sflag:s14] =	ssyncadd.s32 $0xFFFFD800  }
0x385: {  	[spmem:s3] =	stream.indirect.scatter.add.f32 [tilespmem:s9], [sflag:$0x6], $0x80, s15, s2, $0xb8;
	[tilespmem:$0x1F800] =	vst v63  }
0x386: {  	_ =	swait.ge [sflag:s16], $0x2800  }
0x387: {  	[sflag:s16] =	ssyncset.done $0x0  }
0x388: {  	s17 =	simm.s32 $0x1B00;
	[sflag:s16] =	ssyncadd.s32 $0xFFFFD800  }
0x389: {  	[tilespmem:s5], [sflag:$0x2] =	stream.indirect.gather [hbm4b:s1+s2], $0x80, s17, s2, $0xb8;
	[tilespmem:$0x1F800] =	vst v63  }
0x38a: {  	_ =	swait.ge [sflag:s7], $0x2800  }
0x38b: {  	[sflag:s7] =	ssyncset.done $0x0  }
0x38c: {  	s8 =	simm.s32 $0x3A80;
	[sflag:s7] =	ssyncadd.s32 $0xFFFFD800  }
0x38d: {  	[spmem:s3] =	stream.indirect.scatter.add.f32 [tilespmem:s26], [sflag:$0x4], $0x80, s8, s2, $0xb8;
	[tilespmem:$0x1F800] =	vst v63  }
0x38e: {  	_ =	swait.ge [sflag:s19], $0x2800  }
0x38f: {  	[sflag:s19] =	ssyncset.done $0x0  }
0x390: {  	s13 =	simm.s32 $0x1B80;
	[sflag:s19] =	ssyncadd.s32 $0xFFFFD800  }
0x391: {  	[tilespmem:s9], [sflag:$0x3] =	stream.indirect.gather [hbm4b:s1+s2], $0x80, s13, s2, $0xb8;
	[tilespmem:$0x1F800] =	vst v63  }
0x392: {  	_ =	swait.ge [sflag:s10], $0x2800  }
0x393: {  	[sflag:s10] =	ssyncset.done $0x0  }
0x394: {  	s15 =	simm.s32 $0x3B00;
	[sflag:s10] =	ssyncadd.s32 $0xFFFFD800  }
0x395: {  	[spmem:s3] =	stream.indirect.scatter.add.f32 [tilespmem:s5], [sflag:$0x5], $0x80, s15, s2, $0xb8;
	[tilespmem:$0x1F800] =	vst v63  }
0x396: {  	_ =	swait.ge [sflag:s12], $0x2800  }
0x397: {  	[sflag:s12] =	ssyncset.done $0x0  }
0x398: {  	s17 =	simm.s32 $0x1C00;
	[sflag:s12] =	ssyncadd.s32 $0xFFFFD800  }
0x399: {  	[tilespmem:s26], [sflag:$0x1] =	stream.indirect.gather [hbm4b:s1+s2], $0x80, s17, s2, $0xb8;
	[tilespmem:$0x1F800] =	vst v63  }
0x39a: {  	_ =	swait.ge [sflag:s14], $0x2800  }
0x39b: {  	[sflag:s14] =	ssyncset.done $0x0  }
0x39c: {  	s8 =	simm.s32 $0x3B80;
	[sflag:s14] =	ssyncadd.s32 $0xFFFFD800  }
0x39d: {  	[spmem:s3] =	stream.indirect.scatter.add.f32 [tilespmem:s9], [sflag:$0x6], $0x80, s8, s2, $0xb8;
	[tilespmem:$0x1F800] =	vst v63  }
0x39e: {  	_ =	swait.ge [sflag:s16], $0x2800  }
0x39f: {  	[sflag:s16] =	ssyncset.done $0x0  }
0x3a0: {  	[sflag:s16] =	ssyncadd.s32 $0xFFFFD800  }
0x3a1: {  	_ =	swait.ge [sflag:s7], $0x2800  }
0x3a2: {  	[sflag:s7] =	ssyncset.done $0x0  }
0x3a3: {  	s13 =	simm.s32 $0x3C00;
	[sflag:s7] =	ssyncadd.s32 $0xFFFFD800  }
0x3a4: {  	[spmem:s3] =	stream.indirect.scatter.add.f32 [tilespmem:s26], [sflag:$0x4], $0x80, s13, s2, $0xb8;
	[tilespmem:$0x1F800] =	vst v63  }
0x3a5: {  	_ =	swait.ge [sflag:s19], $0x2800  }
0x3a6: {  	[sflag:s19] =	ssyncset.done $0x0  }
0x3a7: {  	[sflag:s19] =	ssyncadd.s32 $0xFFFFD800  }
0x3a8: {  	_ =	swait.ge [sflag:s12], $0x2800  }
0x3a9: {  	[sflag:s12] =	ssyncset.done $0x0  }
0x3aa: {  	[sflag:s12] =	ssyncadd.s32 $0xFFFFD800  }
0x3ab: {  	_ =	swait.ge [sflag:s29], $0xC80  }
0x3ac: {  	[sflag:s29] =	ssyncset.done $0x0  }
0x3ad: {  	[sflag:s29] =	ssyncadd.s32 $0xFFFFF380  }
0x3ae: {  	_ =	swait.ge [sflag:s29], $0xC80  }
0x3af: {  	[sflag:s29] =	ssyncset.done $0x0  }
0x3b0: {  	[sflag:s29] =	ssyncadd.s32 $0xFFFFF380  }
0x3b1: {  	[tilespmem:s26], [sflag:$0x1] =	stream.indirect.gather [hbm4b:s1+s2], $0x80, s4, s2, $0xb8;
	[tilespmem:$0x1F800] =	vst v63  }
0x3b2: {  	s15 =	simm.s32 $0x80  }
0x3b3: {  	[tilespmem:s5], [sflag:$0x2] =	stream.indirect.gather [hbm4b:s1+s2], $0x80, s15, s2, $0xb8;
	[tilespmem:$0x1F800] =	vst v63  }
0x3b4: {  	_ =	swait.ge [sflag:s7], $0x2800  }
0x3b5: {  	[sflag:s7] =	ssyncset.done $0x0  }
0x3b6: {  	s18 =	simm.s32 $0x2000;
	[sflag:s7] =	ssyncadd.s32 $0xFFFFD800  }
0x3b7: {  	[spmem:s3] =	stream.indirect.scatter.add.f32 [tilespmem:s26], [sflag:$0x4], $0x80, s18, s2, $0xb8;
	[tilespmem:$0x1F800] =	vst v63  }
0x3b8: {  	s17 =	simm.s32 $0x100  }
0x3b9: {  	[tilespmem:s9], [sflag:$0x3] =	stream.indirect.gather [hbm4b:s1+s2], $0x80, s17, s2, $0xb8;
	[tilespmem:$0x1F800] =	vst v63  }
0x3ba: {  	_ =	swait.ge [sflag:s10], $0x2800  }
0x3bb: {  	[sflag:s10] =	ssyncset.done $0x0  }
0x3bc: {  	s8 =	simm.s32 $0x2080;
	[sflag:s10] =	ssyncadd.s32 $0xFFFFD800  }
0x3bd: {  	[spmem:s3] =	stream.indirect.scatter.add.f32 [tilespmem:s5], [sflag:$0x5], $0x80, s8, s2, $0xb8;
	[tilespmem:$0x1F800] =	vst v63  }
0x3be: {  	_ =	swait.ge [sflag:s12], $0x2800  }
0x3bf: {  	[sflag:s12] =	ssyncset.done $0x0  }
0x3c0: {  	s13 =	simm.s32 $0x180;
	[sflag:s12] =	ssyncadd.s32 $0xFFFFD800  }
0x3c1: {  	[tilespmem:s26], [sflag:$0x1] =	stream.indirect.gather [hbm4b:s1+s2], $0x80, s13, s2, $0xb8;
	[tilespmem:$0x1F800] =	vst v63  }
0x3c2: {  	_ =	swait.ge [sflag:s14], $0x2800  }
0x3c3: {  	[sflag:s14] =	ssyncset.done $0x0  }
0x3c4: {  	s15 =	simm.s32 $0x2100;
	[sflag:s14] =	ssyncadd.s32 $0xFFFFD800  }
0x3c5: {  	[spmem:s3] =	stream.indirect.scatter.add.f32 [tilespmem:s9], [sflag:$0x6], $0x80, s15, s2, $0xb8;
	[tilespmem:$0x1F800] =	vst v63  }
0x3c6: {  	_ =	swait.ge [sflag:s16], $0x2800  }
0x3c7: {  	[sflag:s16] =	ssyncset.done $0x0  }
0x3c8: {  	s17 =	simm.s32 $0x200;
	[sflag:s16] =	ssyncadd.s32 $0xFFFFD800  }
0x3c9: {  	[tilespmem:s5], [sflag:$0x2] =	stream.indirect.gather [hbm4b:s1+s2], $0x80, s17, s2, $0xb8;
	[tilespmem:$0x1F800] =	vst v63  }
0x3ca: {  	_ =	swait.ge [sflag:s7], $0x2800  }
0x3cb: {  	[sflag:s7] =	ssyncset.done $0x0  }
0x3cc: {  	s8 =	simm.s32 $0x2180;
	[sflag:s7] =	ssyncadd.s32 $0xFFFFD800  }
0x3cd: {  	[spmem:s3] =	stream.indirect.scatter.add.f32 [tilespmem:s26], [sflag:$0x4], $0x80, s8, s2, $0xb8;
	[tilespmem:$0x1F800] =	vst v63  }
0x3ce: {  	_ =	swait.ge [sflag:s19], $0x2800  }
0x3cf: {  	[sflag:s19] =	ssyncset.done $0x0  }
0x3d0: {  	s13 =	simm.s32 $0x280;
	[sflag:s19] =	ssyncadd.s32 $0xFFFFD800  }
0x3d1: {  	[tilespmem:s9], [sflag:$0x3] =	stream.indirect.gather [hbm4b:s1+s2], $0x80, s13, s2, $0xb8;
	[tilespmem:$0x1F800] =	vst v63  }
0x3d2: {  	_ =	swait.ge [sflag:s10], $0x2800  }
0x3d3: {  	[sflag:s10] =	ssyncset.done $0x0  }
0x3d4: {  	s15 =	simm.s32 $0x2200;
	[sflag:s10] =	ssyncadd.s32 $0xFFFFD800  }
0x3d5: {  	[spmem:s3] =	stream.indirect.scatter.add.f32 [tilespmem:s5], [sflag:$0x5], $0x80, s15, s2, $0xb8;
	[tilespmem:$0x1F800] =	vst v63  }
0x3d6: {  	_ =	swait.ge [sflag:s12], $0x2800  }
0x3d7: {  	[sflag:s12] =	ssyncset.done $0x0  }
0x3d8: {  	s17 =	simm.s32 $0x300;
	[sflag:s12] =	ssyncadd.s32 $0xFFFFD800  }
0x3d9: {  	[tilespmem:s26], [sflag:$0x1] =	stream.indirect.gather [hbm4b:s1+s2], $0x80, s17, s2, $0xb8;
	[tilespmem:$0x1F800] =	vst v63  }
0x3da: {  	_ =	swait.ge [sflag:s14], $0x2800  }
0x3db: {  	[sflag:s14] =	ssyncset.done $0x0  }
0x3dc: {  	s8 =	simm.s32 $0x2280;
	[sflag:s14] =	ssyncadd.s32 $0xFFFFD800  }
0x3dd: {  	[spmem:s3] =	stream.indirect.scatter.add.f32 [tilespmem:s9], [sflag:$0x6], $0x80, s8, s2, $0xb8;
	[tilespmem:$0x1F800] =	vst v63  }
0x3de: {  	_ =	swait.ge [sflag:s16], $0x2800  }
0x3df: {  	[sflag:s16] =	ssyncset.done $0x0  }
0x3e0: {  	s13 =	simm.s32 $0x380;
	[sflag:s16] =	ssyncadd.s32 $0xFFFFD800  }
0x3e1: {  	[tilespmem:s5], [sflag:$0x2] =	stream.indirect.gather [hbm4b:s1+s2], $0x80, s13, s2, $0xb8;
	[tilespmem:$0x1F800] =	vst v63  }
0x3e2: {  	_ =	swait.ge [sflag:s7], $0x2800  }
0x3e3: {  	[sflag:s7] =	ssyncset.done $0x0  }
0x3e4: {  	s15 =	simm.s32 $0x2300;
	[sflag:s7] =	ssyncadd.s32 $0xFFFFD800  }
0x3e5: {  	[spmem:s3] =	stream.indirect.scatter.add.f32 [tilespmem:s26], [sflag:$0x4], $0x80, s15, s2, $0xb8;
	[tilespmem:$0x1F800] =	vst v63  }
0x3e6: {  	_ =	swait.ge [sflag:s19], $0x2800  }
0x3e7: {  	[sflag:s19] =	ssyncset.done $0x0  }
0x3e8: {  	s17 =	simm.s32 $0x400;
	[sflag:s19] =	ssyncadd.s32 $0xFFFFD800  }
0x3e9: {  	[tilespmem:s9], [sflag:$0x3] =	stream.indirect.gather [hbm4b:s1+s2], $0x80, s17, s2, $0xb8;
	[tilespmem:$0x1F800] =	vst v63  }
0x3ea: {  	_ =	swait.ge [sflag:s10], $0x2800  }
0x3eb: {  	[sflag:s10] =	ssyncset.done $0x0  }
0x3ec: {  	s8 =	simm.s32 $0x2380;
	[sflag:s10] =	ssyncadd.s32 $0xFFFFD800  }
0x3ed: {  	[spmem:s3] =	stream.indirect.scatter.add.f32 [tilespmem:s5], [sflag:$0x5], $0x80, s8, s2, $0xb8;
	[tilespmem:$0x1F800] =	vst v63  }
0x3ee: {  	_ =	swait.ge [sflag:s12], $0x2800  }
0x3ef: {  	[sflag:s12] =	ssyncset.done $0x0  }
0x3f0: {  	s13 =	simm.s32 $0x480;
	[sflag:s12] =	ssyncadd.s32 $0xFFFFD800  }
0x3f1: {  	[tilespmem:s26], [sflag:$0x1] =	stream.indirect.gather [hbm4b:s1+s2], $0x80, s13, s2, $0xb8;
	[tilespmem:$0x1F800] =	vst v63  }
0x3f2: {  	_ =	swait.ge [sflag:s14], $0x2800  }
0x3f3: {  	[sflag:s14] =	ssyncset.done $0x0  }
0x3f4: {  	s15 =	simm.s32 $0x2400;
	[sflag:s14] =	ssyncadd.s32 $0xFFFFD800  }
0x3f5: {  	[spmem:s3] =	stream.indirect.scatter.add.f32 [tilespmem:s9], [sflag:$0x6], $0x80, s15, s2, $0xb8;
	[tilespmem:$0x1F800] =	vst v63  }
0x3f6: {  	_ =	swait.ge [sflag:s16], $0x2800  }
0x3f7: {  	[sflag:s16] =	ssyncset.done $0x0  }
0x3f8: {  	s17 =	simm.s32 $0x500;
	[sflag:s16] =	ssyncadd.s32 $0xFFFFD800  }
0x3f9: {  	[tilespmem:s5], [sflag:$0x2] =	stream.indirect.gather [hbm4b:s1+s2], $0x80, s17, s2, $0xb8;
	[tilespmem:$0x1F800] =	vst v63  }
0x3fa: {  	_ =	swait.ge [sflag:s7], $0x2800  }
0x3fb: {  	[sflag:s7] =	ssyncset.done $0x0  }
0x3fc: {  	s8 =	simm.s32 $0x2480;
	[sflag:s7] =	ssyncadd.s32 $0xFFFFD800  }
0x3fd: {  	[spmem:s3] =	stream.indirect.scatter.add.f32 [tilespmem:s26], [sflag:$0x4], $0x80, s8, s2, $0xb8;
	[tilespmem:$0x1F800] =	vst v63  }
0x3fe: {  	_ =	swait.ge [sflag:s19], $0x2800  }
0x3ff: {  	[sflag:s19] =	ssyncset.done $0x0  }
0x400: {  	s13 =	simm.s32 $0x580;
	[sflag:s19] =	ssyncadd.s32 $0xFFFFD800  }
0x401: {  	[tilespmem:s9], [sflag:$0x3] =	stream.indirect.gather [hbm4b:s1+s2], $0x80, s13, s2, $0xb8;
	[tilespmem:$0x1F800] =	vst v63  }
0x402: {  	_ =	swait.ge [sflag:s10], $0x2800  }
0x403: {  	[sflag:s10] =	ssyncset.done $0x0  }
0x404: {  	s15 =	simm.s32 $0x2500;
	[sflag:s10] =	ssyncadd.s32 $0xFFFFD800  }
0x405: {  	[spmem:s3] =	stream.indirect.scatter.add.f32 [tilespmem:s5], [sflag:$0x5], $0x80, s15, s2, $0xb8;
	[tilespmem:$0x1F800] =	vst v63  }
0x406: {  	_ =	swait.ge [sflag:s12], $0x2800  }
0x407: {  	[sflag:s12] =	ssyncset.done $0x0  }
0x408: {  	s17 =	simm.s32 $0x600;
	[sflag:s12] =	ssyncadd.s32 $0xFFFFD800  }
0x409: {  	[tilespmem:s26], [sflag:$0x1] =	stream.indirect.gather [hbm4b:s1+s2], $0x80, s17, s2, $0xb8;
	[tilespmem:$0x1F800] =	vst v63  }
0x40a: {  	_ =	swait.ge [sflag:s14], $0x2800  }
0x40b: {  	[sflag:s14] =	ssyncset.done $0x0  }
0x40c: {  	s8 =	simm.s32 $0x2580;
	[sflag:s14] =	ssyncadd.s32 $0xFFFFD800  }
0x40d: {  	[spmem:s3] =	stream.indirect.scatter.add.f32 [tilespmem:s9], [sflag:$0x6], $0x80, s8, s2, $0xb8;
	[tilespmem:$0x1F800] =	vst v63  }
0x40e: {  	_ =	swait.ge [sflag:s16], $0x2800  }
0x40f: {  	[sflag:s16] =	ssyncset.done $0x0  }
0x410: {  	s13 =	simm.s32 $0x680;
	[sflag:s16] =	ssyncadd.s32 $0xFFFFD800  }
0x411: {  	[tilespmem:s5], [sflag:$0x2] =	stream.indirect.gather [hbm4b:s1+s2], $0x80, s13, s2, $0xb8;
	[tilespmem:$0x1F800] =	vst v63  }
0x412: {  	_ =	swait.ge [sflag:s7], $0x2800  }
0x413: {  	[sflag:s7] =	ssyncset.done $0x0  }
0x414: {  	s15 =	simm.s32 $0x2600;
	[sflag:s7] =	ssyncadd.s32 $0xFFFFD800  }
0x415: {  	[spmem:s3] =	stream.indirect.scatter.add.f32 [tilespmem:s26], [sflag:$0x4], $0x80, s15, s2, $0xb8;
	[tilespmem:$0x1F800] =	vst v63  }
0x416: {  	_ =	swait.ge [sflag:s19], $0x2800  }
0x417: {  	[sflag:s19] =	ssyncset.done $0x0  }
0x418: {  	s17 =	simm.s32 $0x700;
	[sflag:s19] =	ssyncadd.s32 $0xFFFFD800  }
0x419: {  	[tilespmem:s9], [sflag:$0x3] =	stream.indirect.gather [hbm4b:s1+s2], $0x80, s17, s2, $0xb8;
	[tilespmem:$0x1F800] =	vst v63  }
0x41a: {  	_ =	swait.ge [sflag:s10], $0x2800  }
0x41b: {  	[sflag:s10] =	ssyncset.done $0x0  }
0x41c: {  	s8 =	simm.s32 $0x2680;
	[sflag:s10] =	ssyncadd.s32 $0xFFFFD800  }
0x41d: {  	[spmem:s3] =	stream.indirect.scatter.add.f32 [tilespmem:s5], [sflag:$0x5], $0x80, s8, s2, $0xb8;
	[tilespmem:$0x1F800] =	vst v63  }
0x41e: {  	_ =	swait.ge [sflag:s12], $0x2800  }
0x41f: {  	[sflag:s12] =	ssyncset.done $0x0  }
0x420: {  	s13 =	simm.s32 $0x780;
	[sflag:s12] =	ssyncadd.s32 $0xFFFFD800  }
0x421: {  	[tilespmem:s26], [sflag:$0x1] =	stream.indirect.gather [hbm4b:s1+s2], $0x80, s13, s2, $0xb8;
	[tilespmem:$0x1F800] =	vst v63  }
0x422: {  	_ =	swait.ge [sflag:s14], $0x2800  }
0x423: {  	[sflag:s14] =	ssyncset.done $0x0  }
0x424: {  	s15 =	simm.s32 $0x2700;
	[sflag:s14] =	ssyncadd.s32 $0xFFFFD800  }
0x425: {  	[spmem:s3] =	stream.indirect.scatter.add.f32 [tilespmem:s9], [sflag:$0x6], $0x80, s15, s2, $0xb8;
	[tilespmem:$0x1F800] =	vst v63  }
0x426: {  	_ =	swait.ge [sflag:s16], $0x2800  }
0x427: {  	[sflag:s16] =	ssyncset.done $0x0  }
0x428: {  	s17 =	simm.s32 $0x800;
	[sflag:s16] =	ssyncadd.s32 $0xFFFFD800  }
0x429: {  	[tilespmem:s5], [sflag:$0x2] =	stream.indirect.gather [hbm4b:s1+s2], $0x80, s17, s2, $0xb8;
	[tilespmem:$0x1F800] =	vst v63  }
0x42a: {  	_ =	swait.ge [sflag:s7], $0x2800  }
0x42b: {  	[sflag:s7] =	ssyncset.done $0x0  }
0x42c: {  	s8 =	simm.s32 $0x2780;
	[sflag:s7] =	ssyncadd.s32 $0xFFFFD800  }
0x42d: {  	[spmem:s3] =	stream.indirect.scatter.add.f32 [tilespmem:s26], [sflag:$0x4], $0x80, s8, s2, $0xb8;
	[tilespmem:$0x1F800] =	vst v63  }
0x42e: {  	_ =	swait.ge [sflag:s19], $0x2800  }
0x42f: {  	[sflag:s19] =	ssyncset.done $0x0  }
0x430: {  	s13 =	simm.s32 $0x880;
	[sflag:s19] =	ssyncadd.s32 $0xFFFFD800  }
0x431: {  	[tilespmem:s9], [sflag:$0x3] =	stream.indirect.gather [hbm4b:s1+s2], $0x80, s13, s2, $0xb8;
	[tilespmem:$0x1F800] =	vst v63  }
0x432: {  	_ =	swait.ge [sflag:s10], $0x2800  }
0x433: {  	[sflag:s10] =	ssyncset.done $0x0  }
0x434: {  	s15 =	simm.s32 $0x2800;
	[sflag:s10] =	ssyncadd.s32 $0xFFFFD800  }
0x435: {  	[spmem:s3] =	stream.indirect.scatter.add.f32 [tilespmem:s5], [sflag:$0x5], $0x80, s15, s2, $0xb8;
	[tilespmem:$0x1F800] =	vst v63  }
0x436: {  	_ =	swait.ge [sflag:s12], $0x2800  }
0x437: {  	[sflag:s12] =	ssyncset.done $0x0  }
0x438: {  	s17 =	simm.s32 $0x900;
	[sflag:s12] =	ssyncadd.s32 $0xFFFFD800  }
0x439: {  	[tilespmem:s26], [sflag:$0x1] =	stream.indirect.gather [hbm4b:s1+s2], $0x80, s17, s2, $0xb8;
	[tilespmem:$0x1F800] =	vst v63  }
0x43a: {  	_ =	swait.ge [sflag:s14], $0x2800  }
0x43b: {  	[sflag:s14] =	ssyncset.done $0x0  }
0x43c: {  	s8 =	simm.s32 $0x2880;
	[sflag:s14] =	ssyncadd.s32 $0xFFFFD800  }
0x43d: {  	[spmem:s3] =	stream.indirect.scatter.add.f32 [tilespmem:s9], [sflag:$0x6], $0x80, s8, s2, $0xb8;
	[tilespmem:$0x1F800] =	vst v63  }
0x43e: {  	_ =	swait.ge [sflag:s16], $0x2800  }
0x43f: {  	[sflag:s16] =	ssyncset.done $0x0  }
0x440: {  	s13 =	simm.s32 $0x980;
	[sflag:s16] =	ssyncadd.s32 $0xFFFFD800  }
0x441: {  	[tilespmem:s5], [sflag:$0x2] =	stream.indirect.gather [hbm4b:s1+s2], $0x80, s13, s2, $0xb8;
	[tilespmem:$0x1F800] =	vst v63  }
0x442: {  	_ =	swait.ge [sflag:s7], $0x2800  }
0x443: {  	[sflag:s7] =	ssyncset.done $0x0  }
0x444: {  	s15 =	simm.s32 $0x2900;
	[sflag:s7] =	ssyncadd.s32 $0xFFFFD800  }
0x445: {  	[spmem:s3] =	stream.indirect.scatter.add.f32 [tilespmem:s26], [sflag:$0x4], $0x80, s15, s2, $0xb8;
	[tilespmem:$0x1F800] =	vst v63  }
0x446: {  	_ =	swait.ge [sflag:s19], $0x2800  }
0x447: {  	[sflag:s19] =	ssyncset.done $0x0  }
0x448: {  	s17 =	simm.s32 $0xA00;
	[sflag:s19] =	ssyncadd.s32 $0xFFFFD800  }
0x449: {  	[tilespmem:s9], [sflag:$0x3] =	stream.indirect.gather [hbm4b:s1+s2], $0x80, s17, s2, $0xb8;
	[tilespmem:$0x1F800] =	vst v63  }
0x44a: {  	_ =	swait.ge [sflag:s10], $0x2800  }
0x44b: {  	[sflag:s10] =	ssyncset.done $0x0  }
0x44c: {  	s8 =	simm.s32 $0x2980;
	[sflag:s10] =	ssyncadd.s32 $0xFFFFD800  }
0x44d: {  	[spmem:s3] =	stream.indirect.scatter.add.f32 [tilespmem:s5], [sflag:$0x5], $0x80, s8, s2, $0xb8;
	[tilespmem:$0x1F800] =	vst v63  }
0x44e: {  	_ =	swait.ge [sflag:s12], $0x2800  }
0x44f: {  	[sflag:s12] =	ssyncset.done $0x0  }
0x450: {  	s13 =	simm.s32 $0xA80;
	[sflag:s12] =	ssyncadd.s32 $0xFFFFD800  }
0x451: {  	[tilespmem:s26], [sflag:$0x1] =	stream.indirect.gather [hbm4b:s1+s2], $0x80, s13, s2, $0xb8;
	[tilespmem:$0x1F800] =	vst v63  }
0x452: {  	_ =	swait.ge [sflag:s14], $0x2800  }
0x453: {  	[sflag:s14] =	ssyncset.done $0x0  }
0x454: {  	s15 =	simm.s32 $0x2A00;
	[sflag:s14] =	ssyncadd.s32 $0xFFFFD800  }
0x455: {  	[spmem:s3] =	stream.indirect.scatter.add.f32 [tilespmem:s9], [sflag:$0x6], $0x80, s15, s2, $0xb8;
	[tilespmem:$0x1F800] =	vst v63  }
0x456: {  	_ =	swait.ge [sflag:s16], $0x2800  }
0x457: {  	[sflag:s16] =	ssyncset.done $0x0  }
0x458: {  	s17 =	simm.s32 $0xB00;
	[sflag:s16] =	ssyncadd.s32 $0xFFFFD800  }
0x459: {  	[tilespmem:s5], [sflag:$0x2] =	stream.indirect.gather [hbm4b:s1+s2], $0x80, s17, s2, $0xb8;
	[tilespmem:$0x1F800] =	vst v63  }
0x45a: {  	_ =	swait.ge [sflag:s7], $0x2800  }
0x45b: {  	[sflag:s7] =	ssyncset.done $0x0  }
0x45c: {  	s8 =	simm.s32 $0x2A80;
	[sflag:s7] =	ssyncadd.s32 $0xFFFFD800  }
0x45d: {  	[spmem:s3] =	stream.indirect.scatter.add.f32 [tilespmem:s26], [sflag:$0x4], $0x80, s8, s2, $0xb8;
	[tilespmem:$0x1F800] =	vst v63  }
0x45e: {  	_ =	swait.ge [sflag:s19], $0x2800  }
0x45f: {  	[sflag:s19] =	ssyncset.done $0x0  }
0x460: {  	s13 =	simm.s32 $0xB80;
	[sflag:s19] =	ssyncadd.s32 $0xFFFFD800  }
0x461: {  	[tilespmem:s9], [sflag:$0x3] =	stream.indirect.gather [hbm4b:s1+s2], $0x80, s13, s2, $0xb8;
	[tilespmem:$0x1F800] =	vst v63  }
0x462: {  	_ =	swait.ge [sflag:s10], $0x2800  }
0x463: {  	[sflag:s10] =	ssyncset.done $0x0  }
0x464: {  	s15 =	simm.s32 $0x2B00;
	[sflag:s10] =	ssyncadd.s32 $0xFFFFD800  }
0x465: {  	[spmem:s3] =	stream.indirect.scatter.add.f32 [tilespmem:s5], [sflag:$0x5], $0x80, s15, s2, $0xb8;
	[tilespmem:$0x1F800] =	vst v63  }
0x466: {  	_ =	swait.ge [sflag:s12], $0x2800  }
0x467: {  	[sflag:s12] =	ssyncset.done $0x0  }
0x468: {  	s17 =	simm.s32 $0xC00;
	[sflag:s12] =	ssyncadd.s32 $0xFFFFD800  }
0x469: {  	[tilespmem:s26], [sflag:$0x1] =	stream.indirect.gather [hbm4b:s1+s2], $0x80, s17, s2, $0xb8;
	[tilespmem:$0x1F800] =	vst v63  }
0x46a: {  	_ =	swait.ge [sflag:s14], $0x2800  }
0x46b: {  	[sflag:s14] =	ssyncset.done $0x0  }
0x46c: {  	s8 =	simm.s32 $0x2B80;
	[sflag:s14] =	ssyncadd.s32 $0xFFFFD800  }
0x46d: {  	[spmem:s3] =	stream.indirect.scatter.add.f32 [tilespmem:s9], [sflag:$0x6], $0x80, s8, s2, $0xb8;
	[tilespmem:$0x1F800] =	vst v63  }
0x46e: {  	_ =	swait.ge [sflag:s16], $0x2800  }
0x46f: {  	[sflag:s16] =	ssyncset.done $0x0  }
0x470: {  	[sflag:s16] =	ssyncadd.s32 $0xFFFFD800  }
0x471: {  	_ =	swait.ge [sflag:s7], $0x2800  }
0x472: {  	[sflag:s7] =	ssyncset.done $0x0  }
0x473: {  	s13 =	simm.s32 $0x2C00;
	[sflag:s7] =	ssyncadd.s32 $0xFFFFD800  }
0x474: {  	[spmem:s3] =	stream.indirect.scatter.add.f32 [tilespmem:s26], [sflag:$0x4], $0x80, s13, s2, $0xb8;
	[tilespmem:$0x1F800] =	vst v63  }
0x475: {  	_ =	swait.ge [sflag:s19], $0x2800  }
0x476: {  	[sflag:s19] =	ssyncset.done $0x0  }
0x477: {  	[sflag:s19] =	ssyncadd.s32 $0xFFFFD800  }
0x478: {  	_ =	swait.ge [sflag:s12], $0x2800  }
0x479: {  	[sflag:s12] =	ssyncset.done $0x0  }
0x47a: {  	[sflag:s12] =	ssyncadd.s32 $0xFFFFD800  }
0x47b: {  	s15 =	stileid.u32;
	[bflag:$0x0] =	sbarrier.arrive $0xFFFF  }
0x47c: {  	s13 =	sshll.u32 s15, $0x6;
	s15 =	simm.s32 $0xA;
	s17 =	rddreg [dreg:$0x17]  }
0x47d: {  	s13 =	sor.u32 $0x1C0A, s13;
	s8 =	rddreg [dreg:$0x15];
	s6 =	sshrl.u32 s17, $0x3  }
0x47e: {  	[hbm:s8], [sflag:s13] =	dma.local [spmem:s6], $0x2800  }
0x47f: {  	_ =	swait.ge [sflag:s15], $0x2800  }
0x480: {  	s11 =	sadd.s32 $0x1, s11;
	s17 =	rddreg [dreg:$0x16]  }
0x481: {  	p0 =	sne.s32 s11, s17  }
.Ltmp1:
0x482: {  	_ = 	snop;
	(pc) =	sbr.rel @p0 .LBB2_1-.Ltmp1, $3  }
0x483: {  	_ =	sdelay $0x1  }
0x484: {  	[sflag:s15] =	ssyncset.done $0x0  }
0x485: {  	[sflag:s15] =	ssyncadd.s32 $0xFFFFD800  }
0x486: {  	_ =	sfence.sel $0x180000  }
0x487: {  	[bflag:$0x0] =	sbarrier.arrive $0xFFFF  }
0x488: {  	_ =	strace $0x90000047  }
0x489: {  	s0 =	stileid.u32;
	[bflag:$0x2] =	sbarrier.arrive $0xFFFF  }
0x48a: {  	p0 =	sne.s32 s0, $0x0;
	s0 =	rddreg [dreg:$0x3]  }
0x48b: {  	s0 =	sadd.s32 @!p0 $0x100000, s0  }
0x48c: {  	[sflag:s0] =	ssyncadd.tile.s32 @!p0 $0x1;
	_ =	shalt  }
.Lfunc_end2:
_tile_overlayer_lowered:
.L_overlay_start_2:
0x48d: {  	(tag) =	ssettag $0x2  }
0x48e: {  	s0 =	rddreg [dreg:$0x0];
	s2 =	stileid.u32  }
0x48f: {  	s1 =	rddreg [dreg:$0x1];
	p0 =	sne.s32 s2, $0x0  }
0x490: {  	s3 =	rddreg [dreg:$0x2];
	[bflag:$0x3] =	sbarrier.arrive $0xFFFF;
	s2 =	simm.s32 @!p0 $0x1C0A  }
0x491: {  	[timem:s3], [sflag:s2] =	dma.local @!p0 [hbm:s0], s1  }
0x492: {  	s0 =	simm.s32 @!p0 $0xA  }
0x493: {  	_ =	swait.ge @!p0 [sflag:s0], s1  }
0x494: {  	s1 =	ssub.s32 @!p0 $0x0, s1;
	[sflag:s0] =	ssyncset.done @!p0 $0x0  }
0x495: {  	[sflag:s0] =	ssyncadd.s32 @!p0 s1  }
0x496: {  	[bflag:$0x3] =	sbarrier.arrive $0xFFFF  }
0x497: {  	_ =	shalt  }

</sc_bundles>
